<compile_context>
chip_gen: v7x
topology: tpu7x:2x2x1
jax: 0.10.2.dev20260603
libtpu: 0.0.44.dev20260713+nightly
codegen_flags: <defaults>
</compile_context>

<pallas_src>
import functools

import jax
import jax.numpy as jnp
from jax import lax
from jax.experimental import pallas as pl
from jax.experimental.pallas import tpu as pltpu
from jax.experimental.pallas import tpu_sc as plsc

N = 10000
C = 128
E = 320000
NC = 2
NS = 16
NW = NC * NS
NP = 10240
RPT = NP // NS
EF = E + N
EP = 330240
EPW = EP // NW
B = 80
NBLK = EPW // B
SB = NBLK // 3
VL = 16


def _sc_mesh():
    return plsc.VectorSubcoreMesh(
        core_axis_name="c", subcore_axis_name="s", num_cores=NC, num_subcores=NS
    )


_SC_PARAMS = pltpu.CompilerParams(needs_layout_passes=False)


def _sc_deg(dst3, ew3, z1d):

    @functools.partial(
        pl.kernel,
        out_type=(
            jax.ShapeDtypeStruct((NP,), jnp.float32),
            jax.ShapeDtypeStruct((NP,), jnp.float32),
        ),
        mesh=_sc_mesh(),
        compiler_params=_SC_PARAMS,
        scratch_types=[
            pltpu.VMEM((NBLK, B), jnp.int32),
            pltpu.VMEM((NBLK, B), jnp.float32),
            pltpu.VMEM_SHARED((NP,), jnp.float32),
            pltpu.SemaphoreType.DMA,
        ],
    )
    def k(dst_hbm, ew_hbm, z_hbm, out0, out1, didx_v, ew_v, deg_sh, ssem):
        cid = lax.axis_index("c")
        sid = lax.axis_index("s")
        wid = sid * NC + cid
        r0 = sid * RPT
        pltpu.sync_copy(dst_hbm.at[wid], didx_v)
        pltpu.sync_copy(ew_hbm.at[wid], ew_v)
        pltpu.sync_copy(z_hbm.at[pl.ds(r0, RPT)], deg_sh.at[pl.ds(r0, RPT)])
        plsc.subcore_barrier()

        def body(b, carry):
            pltpu.async_copy(
                ew_v.at[b], deg_sh.at[didx_v.at[b]], ssem, add=True
            )
            @pl.when(b >= 8)
            def _():
                pltpu.make_async_copy(
                    z_hbm.at[pl.ds(0, B)], ew_v.at[0], ssem
                ).wait()
            return carry

        lax.fori_loop(0, NBLK, body, 0)
        for _ in range(8):
            pltpu.make_async_copy(
                z_hbm.at[pl.ds(0, B)], ew_v.at[0], ssem
            ).wait()
        plsc.subcore_barrier()

        @pl.when(cid == 0)
        def _():
            pltpu.sync_copy(deg_sh.at[pl.ds(r0, RPT)], out0.at[pl.ds(r0, RPT)])

        @pl.when(cid == 1)
        def _():
            pltpu.sync_copy(deg_sh.at[pl.ds(r0, RPT)], out1.at[pl.ds(r0, RPT)])

    return k(dst3, ew3, z1d)


def _tc_prep(x, conv_w, deg0, deg1):
    RB = 1000
    grid = N // RB
    DB = NP // grid

    def body(x_ref, w_ref, d0_ref, d1_ref, xw_ref, dis_ref):
        xw_ref[...] = jnp.dot(
            x_ref[...], w_ref[...], preferred_element_type=jnp.float32
        )
        deg = d0_ref[...] + d1_ref[...]
        dis_ref[...] = lax.rsqrt(jnp.maximum(deg, 1e-12))

    return pl.pallas_call(
        body,
        grid=(grid,),
        in_specs=[
            pl.BlockSpec((RB, C), lambda i: (i, 0)),
            pl.BlockSpec((C, C), lambda i: (0, 0)),
            pl.BlockSpec((DB,), lambda i: (i,)),
            pl.BlockSpec((DB,), lambda i: (i,)),
        ],
        out_specs=[
            pl.BlockSpec((RB, C), lambda i: (i, 0)),
            pl.BlockSpec((DB,), lambda i: (i,)),
        ],
        out_shape=[
            jax.ShapeDtypeStruct((N, C), jnp.float32),
            jax.ShapeDtypeStruct((NP,), jnp.float32),
        ],
    )(x, conv_w, deg0, deg1)


def _sc_agg(xw, srcf, dstf, ewf, dis, z2d):

    @functools.partial(
        pl.kernel,
        out_type=jax.ShapeDtypeStruct((NC, NP, C), jnp.float32),
        mesh=_sc_mesh(),
        compiler_params=_SC_PARAMS,
        scratch_types=[
            pltpu.VMEM((NP,), jnp.float32),
            pltpu.VMEM((9 * B,), jnp.int32),
            pltpu.VMEM((9 * B,), jnp.int32),
            pltpu.VMEM((9 * B,), jnp.float32),
            pltpu.VMEM((3, B), jnp.int32),
            pltpu.VMEM((B,), jnp.float32),
            pltpu.VMEM((3, B, C), jnp.float32),
            pltpu.VMEM_SHARED((NP, C), jnp.float32),
            pltpu.SemaphoreType.DMA,
            pltpu.SemaphoreType.DMA,
            pltpu.SemaphoreType.DMA,
            pltpu.SemaphoreType.DMA,
            pltpu.SemaphoreType.DMA,
            pltpu.SemaphoreType.DMA,
            pltpu.SemaphoreType.DMA,
            pltpu.SemaphoreType.DMA,
            pltpu.SemaphoreType.DMA,
        ],
    )
    def k(xw_hbm, src_hbm, dst_hbm, ew_hbm, dis_hbm, z_hbm, out_hbm,
          dis_v, sidx_v, didx_v, ew_v, dbuf_v, norm_v, gbuf, acc_sh,
          ps0, ps1, ps2, gs0, gs1, gs2, ss0, ss1, ss2):
        psems = (ps0, ps1, ps2)
        gsems = (gs0, gs1, gs2)
        ssems = (ss0, ss1, ss2)
        cid = lax.axis_index("c")
        sid = lax.axis_index("s")
        wid = sid * NC + cid
        r0 = sid * RPT
        SBW = 3 * B
        ebase = wid * EPW

        def idx_fetch(hoff, base, copy):
            copy(src_hbm.at[pl.ds(ebase + hoff, SBW)],
                 sidx_v.at[pl.ds(base, SBW)])
            copy(dst_hbm.at[pl.ds(ebase + hoff, SBW)],
                 didx_v.at[pl.ds(base, SBW)])
            copy(ew_hbm.at[pl.ds(ebase + hoff, SBW)],
                 ew_v.at[pl.ds(base, SBW)])

        def psem_drain(sem):
            for r in (sidx_v, didx_v, ew_v):
                pltpu.make_async_copy(
                    src_hbm.at[pl.ds(0, SBW)], r.at[pl.ds(0, SBW)], sem
                ).wait()

        pltpu.sync_copy(dis_hbm, dis_v)
        idx_fetch(0, 0, pltpu.sync_copy)
        idx_fetch(SBW, SBW, lambda s_, d_: pltpu.async_copy(s_, d_, psems[1]))
        idx_fetch(2 * SBW, 2 * SBW,
                  lambda s_, d_: pltpu.async_copy(s_, d_, psems[2]))
        pltpu.sync_copy(z_hbm.at[pl.ds(r0, RPT)], acc_sh.at[pl.ds(r0, RPT)])
        for i in range(2):
            pltpu.async_copy(
                xw_hbm.at[sidx_v.at[pl.ds(i * B, B)]], gbuf.at[i], gsems[i])
        plsc.subcore_barrier()

        def step(s, carry):
            par = lax.rem(s, 3) * SBW
            npar = lax.rem(s + 1, 3) * SBW

            for i in range(3):
                b = s * 3 + i
                boff = par + i * B
                for g in range(B // VL):
                    sl = pl.ds(boff + g * VL, VL)
                    n16 = (
                        plsc.load_gather(dis_v, [sidx_v[sl]])
                        * ew_v[sl]
                        * plsc.load_gather(dis_v, [didx_v[sl]])
                    )
                    norm_v[pl.ds(g * VL, VL)] = n16
                pltpu.make_async_copy(
                    z_hbm.at[pl.ds(0, B)], gbuf.at[i], gsems[i]
                ).wait()
                for g in range(B // VL):
                    dbuf_v[i, pl.ds(g * VL, VL)] = (
                        didx_v[pl.ds(boff + g * VL, VL)])
                @plsc.parallel_loop(0, B, step=1, unroll=8)
                def _(j):
                    spl = plsc.load_gather(
                        norm_v, [jnp.full((VL,), j, jnp.int32)]
                    )
                    for cc in range(C // VL):
                        csl = pl.ds(cc * VL, VL)
                        gbuf[i, j, csl] = gbuf[i, j, csl] * spl
                @pl.when(b >= 1)
                def _():
                    pltpu.make_async_copy(
                        z_hbm.at[pl.ds(0, B)], gbuf.at[(i + 2) % 3],
                        ssems[(i + 2) % 3]
                    ).wait()

                if i == 0:
                    rem_s = lax.rem(s, 3)
                    for rr in range(3):
                        @pl.when((rem_s == rr) & (s >= 1) & (s + 2 < SB))
                        def _(rr=rr):
                            idx_fetch(
                                (s + 2) * SBW, ((rr + 2) % 3) * SBW,
                                lambda s_, d_: pltpu.async_copy(
                                    s_, d_, psems[(rr + 2) % 3]))

                if i == 1:
                    rem_s = lax.rem(s, 3)
                    for rr in range(3):
                        @pl.when((rem_s == rr) & (s + 1 < SB))
                        def _(rr=rr):
                            psem_drain(psems[(rr + 1) % 3])

                @pl.when(b + 2 < NBLK)
                def _():
                    if i == 0:
                        noff = par + 2 * B
                    else:
                        noff = npar + (i - 1) * B
                    pltpu.async_copy(
                        xw_hbm.at[sidx_v.at[pl.ds(noff, B)]],
                        gbuf.at[(i + 2) % 3], gsems[(i + 2) % 3])
                pltpu.async_copy(
                    gbuf.at[i], acc_sh.at[dbuf_v.at[i]], ssems[i],
                    add=True
                )
            return carry

        lax.fori_loop(0, SB, step, 0)
        pltpu.make_async_copy(
            z_hbm.at[pl.ds(0, B)], gbuf.at[(NBLK - 1) % 3],
            ssems[(NBLK - 1) % 3]
        ).wait()
        plsc.subcore_barrier()
        pltpu.sync_copy(
            acc_sh.at[pl.ds(r0, RPT)], out_hbm.at[cid, pl.ds(r0, RPT)]
        )

    return k(xw, srcf, dstf, ewf, dis, z2d)


def _tc_final(aggp, h, conv_b, lin1_w, lin1_b, lin2_w, lin2_b):
    RB = 1000
    grid = N // RB

    def body(a_ref, h_ref, cb_ref, w1_ref, b1_ref, w2_ref, b2_ref, out_ref):
        f = jax.nn.sigmoid(a_ref[0] + a_ref[1] + cb_ref[...])
        hh = h_ref[...]
        cat1 = jnp.concatenate([f, hh], axis=1)
        ru = jax.nn.sigmoid(
            jnp.dot(cat1, w1_ref[...], preferred_element_type=jnp.float32)
            + b1_ref[...]
        )
        r = ru[:, :C]
        u = ru[:, C:]
        cat2 = jnp.concatenate([f, r * hh], axis=1)
        cnew = jnp.tanh(
            jnp.dot(cat2, w2_ref[...], preferred_element_type=jnp.float32)
            + b2_ref[...]
        )
        out_ref[...] = u * hh + (1.0 - u) * cnew

    return pl.pallas_call(
        body,
        grid=(grid,),
        in_specs=[
            pl.BlockSpec((NC, RB, C), lambda i: (0, i, 0)),
            pl.BlockSpec((RB, C), lambda i: (i, 0)),
            pl.BlockSpec((C,), lambda i: (0,)),
            pl.BlockSpec((2 * C, 2 * C), lambda i: (0, 0)),
            pl.BlockSpec((2 * C,), lambda i: (0,)),
            pl.BlockSpec((2 * C, C), lambda i: (0, 0)),
            pl.BlockSpec((C,), lambda i: (0,)),
        ],
        out_specs=pl.BlockSpec((RB, C), lambda i: (i, 0)),
        out_shape=jax.ShapeDtypeStruct((N, C), jnp.float32),
    )(aggp, h, conv_b, lin1_w, lin1_b, lin2_w, lin2_b)


def kernel(x, edge_index, edge_weight, h, conv_w, conv_b,
           lin1_w, lin1_b, lin2_w, lin2_b):
    src = edge_index[0].astype(jnp.int32)
    dst = edge_index[1].astype(jnp.int32)
    loop = jnp.arange(N, dtype=jnp.int32)
    npad = EP - EF
    zi = jnp.zeros((npad,), jnp.int32)
    srcf = jnp.concatenate([src, loop, zi])
    dstf = jnp.concatenate([dst, loop, zi])
    ewf = jnp.concatenate([
        edge_weight.astype(jnp.float32),
        jnp.full((N,), 2.0, jnp.float32),
        jnp.zeros((npad,), jnp.float32),
    ])
    dst3 = dstf.reshape(NW, NBLK, B)
    ew3 = ewf.reshape(NW, NBLK, B)
    z1d = jnp.zeros((NP,), jnp.float32)
    z2d = jnp.zeros((NP, C), jnp.float32)

    deg0, deg1 = _sc_deg(dst3, ew3, z1d)
    xw, dis = _tc_prep(x, conv_w, deg0, deg1)
    aggp = _sc_agg(xw, srcf, dstf, ewf, dis, z2d)
    return _tc_final(aggp, h, conv_b, lin1_w, lin1_b, lin2_w, lin2_b)

# --- scband reference (transcript-rebuilt; emitter-appended) ---
"""Pipeline reference for scband-tgcncell-7215545057461 (READ-ONLY COPY).

The authoritative reference and input builder live on the scoring server;
editing this copy changes nothing except your own understanding.
"""

import jax, jax.numpy as jnp
import numpy as np

N = 10000
E = 320000
IN_C = 128
OUT_C = 128
IMPROVED_FILL = 2.0


def setup_inputs(seed: int = 0) -> dict:
    key = jax.random.key(seed)
    ks = jax.random.split(key, 10)
    x = jax.random.normal(ks[0], (N, IN_C), dtype=jnp.float32)
    edge_index = jax.random.randint(ks[1], (2, E), 0, N, dtype=jnp.int64)
    edge_weight = jax.random.uniform(ks[2], (E,), dtype=jnp.float32)
    h = jax.random.normal(ks[3], (N, OUT_C), dtype=jnp.float32)
    # GCNConv params (lin weight [in, out], bias [out])
    conv_w = jax.random.normal(ks[4], (IN_C, OUT_C), dtype=jnp.float32) * (1.0 / np.sqrt(IN_C))
    conv_b = jnp.zeros((OUT_C,), dtype=jnp.float32)
    # linear1: 2*out -> 2*out ; linear2: 2*out -> out  (stored as [in, out], y = x @ W + b)
    lin1_w = jax.random.normal(ks[5], (2 * OUT_C, 2 * OUT_C), dtype=jnp.float32) * (1.0 / np.sqrt(2 * OUT_C))
    lin1_b = jax.random.normal(ks[6], (2 * OUT_C,), dtype=jnp.float32) * 0.01
    lin2_w = jax.random.normal(ks[7], (2 * OUT_C, OUT_C), dtype=jnp.float32) * (1.0 / np.sqrt(2 * OUT_C))
    lin2_b = jax.random.normal(ks[8], (OUT_C,), dtype=jnp.float32) * 0.01
    return {
        'x': x, 'edge_index': edge_index, 'edge_weight': edge_weight, 'h': h,
        'conv_w': conv_w, 'conv_b': conv_b,
        'lin1_w': lin1_w, 'lin1_b': lin1_b,
        'lin2_w': lin2_w, 'lin2_b': lin2_b,
    }


def _gcn_conv(x, edge_index, edge_weight, W, b):
    # GCNConv (improved=True): x' = x @ W; add self-loops with weight 2.0;
    # symmetric normalization D^-1/2 A D^-1/2; scatter-add aggregation; + bias
    xw = x @ W
    src = edge_index[0]
    dst = edge_index[1]
    loop = jnp.arange(N, dtype=src.dtype)
    src_f = jnp.concatenate([src, loop])
    dst_f = jnp.concatenate([dst, loop])
    ew_f = jnp.concatenate([edge_weight, jnp.full((N,), IMPROVED_FILL, dtype=xw.dtype)])
    deg = jnp.zeros((N,), dtype=xw.dtype).at[dst_f].add(ew_f)
    deg_inv_sqrt = jnp.where(deg > 0, jax.lax.rsqrt(jnp.maximum(deg, 1e-12)), 0.0)
    norm = deg_inv_sqrt[src_f] * ew_f * deg_inv_sqrt[dst_f]
    msg = xw[src_f] * norm[:, None]
    out = jnp.zeros_like(xw).at[dst_f].add(msg)
    return out + b


def reference(x, edge_index, edge_weight, h, conv_w, conv_b, lin1_w, lin1_b, lin2_w, lin2_b):
    f = jax.nn.sigmoid(_gcn_conv(x, edge_index, edge_weight, conv_w, conv_b))
    cat1 = jnp.concatenate([f, h], axis=1)
    ru = jax.nn.sigmoid(cat1 @ lin1_w + lin1_b)
    r, u = jnp.split(ru, 2, axis=1)
    cat2 = jnp.concatenate([f, r * h], axis=1)
    c = jnp.tanh(cat2 @ lin2_w + lin2_b)
    h_new = u * h + (1.0 - u) * c
    return h_new

if __name__ == "__main__":
    import jax
    _d = setup_inputs()
    print(jax.jit(kernel)(*tuple(_d.values())))

</pallas_src>

<mosaic_0001>
#map = affine_map<(d0, d1) -> (0, 0, 0)>
#map1 = affine_map<(d0, d1) -> (0)>
module attributes {stable_mosaic.version = 14 : i64} {
  func.func @k(%arg0: i32, %arg1: i32, %arg2: memref<32x129x80xi32, #tpu.memory_space<hbm>>, %arg3: memref<32x129x80xf32, #tpu.memory_space<hbm>>, %arg4: memref<10240xf32, #tpu.memory_space<hbm>>, %arg5: memref<10240xf32, #tpu.memory_space<hbm>>, %arg6: memref<10240xf32, #tpu.memory_space<hbm>>, %arg7: memref<129x80xi32, #tpu.memory_space<vmem>>, %arg8: memref<129x80xf32, #tpu.memory_space<vmem>>, %arg9: memref<10240xf32, #tpu.memory_space<vmem_shared>>, %arg10: memref<!tpu.dma_semaphore, #tpu.memory_space<semaphore_mem>>) attributes {dimension_semantics = [#tpu.dimension_semantics<core_parallel>, #tpu.dimension_semantics<subcore_parallel>], iteration_bounds = array<i64: 2, 16>, scalar_prefetch = 0 : i64, scratch_operands = 4 : i64, tpu.core_type = #tpu.core_type<sc_vector_subcore>, window_params = [{transform_indices = #map}, {transform_indices = #map}, {transform_indices = #map1}, {transform_indices = #map1}, {transform_indices = #map1}]} {
    %mul3A = arith.constant 2 : i32
    %mul3A_0 = arith.muli %arg1, %mul3A : i32
    %add3A = arith.addi %mul3A_0, %arg0 : i32
    %mul3A_1 = arith.constant 640 : i32
    %mul3A_2 = arith.muli %arg1, %mul3A_1 : i32
    "tpu.region"() ({
      %run_scoped3A = tpu.sem_alloc : memref<!tpu.dma_semaphore, #tpu.memory_space<semaphore_mem>>
      %dma_start3A = arith.constant 0 : i32
      %dma_start3A_103 = arith.constant 0 : i32
      %dma_start3A_104 = tpu.memref_slice %arg2[%add3A, %dma_start3A, %dma_start3A_103] : memref<32x129x80xi32, #tpu.memory_space<hbm>> -> memref<1x129x80xi32, #tpu.memory_space<hbm>>
      %dma_start3A_105 = tpu.memref_squeeze %dma_start3A_104 : memref<1x129x80xi32, #tpu.memory_space<hbm>> -> memref<129x80xi32, #tpu.memory_space<hbm>>
      %dma_start3A_106 = arith.constant 0 : i32
      %dma_start3A_107 = arith.constant 0 : i32
      %dma_start3A_108 = tpu.memref_slice %arg2[%add3A, %dma_start3A_106, %dma_start3A_107] : memref<32x129x80xi32, #tpu.memory_space<hbm>> -> memref<1x129x80xi32, #tpu.memory_space<hbm>>
      %dma_start3A_109 = tpu.memref_squeeze %dma_start3A_108 : memref<1x129x80xi32, #tpu.memory_space<hbm>> -> memref<129x80xi32, #tpu.memory_space<hbm>>
      tpu.enqueue_dma source(%dma_start3A_109 : memref<129x80xi32, #tpu.memory_space<hbm>>) target(%arg7 : memref<129x80xi32, #tpu.memory_space<vmem>>) target_semaphore(%run_scoped3A : memref<!tpu.dma_semaphore, #tpu.memory_space<semaphore_mem>>)
      %dma_wait3A_110 = arith.constant 0 : i32
      %dma_wait3A_111 = arith.constant 0 : i32
      %dma_wait3A_112 = tpu.memref_slice %arg2[%add3A, %dma_wait3A_110, %dma_wait3A_111] : memref<32x129x80xi32, #tpu.memory_space<hbm>> -> memref<1x129x80xi32, #tpu.memory_space<hbm>>
      %dma_wait3A_113 = tpu.memref_squeeze %dma_wait3A_112 : memref<1x129x80xi32, #tpu.memory_space<hbm>> -> memref<129x80xi32, #tpu.memory_space<hbm>>
      %dma_wait3A_114 = arith.constant 0 : i32
      %dma_wait3A_115 = arith.constant 0 : i32
      %dma_wait3A_116 = tpu.memref_slice %arg2[%add3A, %dma_wait3A_114, %dma_wait3A_115] : memref<32x129x80xi32, #tpu.memory_space<hbm>> -> memref<1x129x80xi32, #tpu.memory_space<hbm>>
      %dma_wait3A_117 = tpu.memref_squeeze %dma_wait3A_116 : memref<1x129x80xi32, #tpu.memory_space<hbm>> -> memref<129x80xi32, #tpu.memory_space<hbm>>
      tpu.wait_dma2 semaphore(%run_scoped3A : memref<!tpu.dma_semaphore, #tpu.memory_space<semaphore_mem>>) src(%dma_wait3A_117 : memref<129x80xi32, #tpu.memory_space<hbm>>) dst(%arg7 : memref<129x80xi32, #tpu.memory_space<vmem>>)
      tpu.yield
    }) : () -> ()
    "tpu.region"() ({
      %run_scoped3A = tpu.sem_alloc : memref<!tpu.dma_semaphore, #tpu.memory_space<semaphore_mem>>
      %dma_start3A = arith.constant 0 : i32
      %dma_start3A_103 = arith.constant 0 : i32
      %dma_start3A_104 = tpu.memref_slice %arg3[%add3A, %dma_start3A, %dma_start3A_103] : memref<32x129x80xf32, #tpu.memory_space<hbm>> -> memref<1x129x80xf32, #tpu.memory_space<hbm>>
      %dma_start3A_105 = tpu.memref_squeeze %dma_start3A_104 : memref<1x129x80xf32, #tpu.memory_space<hbm>> -> memref<129x80xf32, #tpu.memory_space<hbm>>
      %dma_start3A_106 = arith.constant 0 : i32
      %dma_start3A_107 = arith.constant 0 : i32
      %dma_start3A_108 = tpu.memref_slice %arg3[%add3A, %dma_start3A_106, %dma_start3A_107] : memref<32x129x80xf32, #tpu.memory_space<hbm>> -> memref<1x129x80xf32, #tpu.memory_space<hbm>>
      %dma_start3A_109 = tpu.memref_squeeze %dma_start3A_108 : memref<1x129x80xf32, #tpu.memory_space<hbm>> -> memref<129x80xf32, #tpu.memory_space<hbm>>
      tpu.enqueue_dma source(%dma_start3A_109 : memref<129x80xf32, #tpu.memory_space<hbm>>) target(%arg8 : memref<129x80xf32, #tpu.memory_space<vmem>>) target_semaphore(%run_scoped3A : memref<!tpu.dma_semaphore, #tpu.memory_space<semaphore_mem>>)
      %dma_wait3A_110 = arith.constant 0 : i32
      %dma_wait3A_111 = arith.constant 0 : i32
      %dma_wait3A_112 = tpu.memref_slice %arg3[%add3A, %dma_wait3A_110, %dma_wait3A_111] : memref<32x129x80xf32, #tpu.memory_space<hbm>> -> memref<1x129x80xf32, #tpu.memory_space<hbm>>
      %dma_wait3A_113 = tpu.memref_squeeze %dma_wait3A_112 : memref<1x129x80xf32, #tpu.memory_space<hbm>> -> memref<129x80xf32, #tpu.memory_space<hbm>>
      %dma_wait3A_114 = arith.constant 0 : i32
      %dma_wait3A_115 = arith.constant 0 : i32
      %dma_wait3A_116 = tpu.memref_slice %arg3[%add3A, %dma_wait3A_114, %dma_wait3A_115] : memref<32x129x80xf32, #tpu.memory_space<hbm>> -> memref<1x129x80xf32, #tpu.memory_space<hbm>>
      %dma_wait3A_117 = tpu.memref_squeeze %dma_wait3A_116 : memref<1x129x80xf32, #tpu.memory_space<hbm>> -> memref<129x80xf32, #tpu.memory_space<hbm>>
      tpu.wait_dma2 semaphore(%run_scoped3A : memref<!tpu.dma_semaphore, #tpu.memory_space<semaphore_mem>>) src(%dma_wait3A_117 : memref<129x80xf32, #tpu.memory_space<hbm>>) dst(%arg8 : memref<129x80xf32, #tpu.memory_space<vmem>>)
      tpu.yield
    }) : () -> ()
    "tpu.region"() ({
      %run_scoped3A = tpu.sem_alloc : memref<!tpu.dma_semaphore, #tpu.memory_space<semaphore_mem>>
      %dma_start3A = tpu.memref_slice %arg9[%mul3A_2] : memref<10240xf32, #tpu.memory_space<vmem_shared>> -> memref<640xf32, #tpu.memory_space<vmem_shared>>
      %dma_start3A_103 = tpu.memref_slice %arg4[%mul3A_2] : memref<10240xf32, #tpu.memory_space<hbm>> -> memref<640xf32, #tpu.memory_space<hbm>>
      tpu.enqueue_dma source(%dma_start3A_103 : memref<640xf32, #tpu.memory_space<hbm>>) target(%dma_start3A : memref<640xf32, #tpu.memory_space<vmem_shared>>) target_semaphore(%run_scoped3A : memref<!tpu.dma_semaphore, #tpu.memory_space<semaphore_mem>>)
      %dma_wait3A_104 = tpu.memref_slice %arg9[%mul3A_2] : memref<10240xf32, #tpu.memory_space<vmem_shared>> -> memref<640xf32, #tpu.memory_space<vmem_shared>>
      %dma_wait3A_105 = tpu.memref_slice %arg4[%mul3A_2] : memref<10240xf32, #tpu.memory_space<hbm>> -> memref<640xf32, #tpu.memory_space<hbm>>
      tpu.wait_dma2 semaphore(%run_scoped3A : memref<!tpu.dma_semaphore, #tpu.memory_space<semaphore_mem>>) src(%dma_wait3A_105 : memref<640xf32, #tpu.memory_space<hbm>>) dst(%dma_wait3A_104 : memref<640xf32, #tpu.memory_space<vmem_shared>>)
      tpu.yield
    }) : () -> ()
    %barrier3A = arith.constant 0 : index
    tpu.barrier barrier_id(%barrier3A)
    %scan3A = arith.constant 0 : i32
    %scan3A_3 = arith.constant 0 : i32
    %scan3A_4 = arith.constant 129 : i32
    %scan3A_5 = arith.addi %scan3A_3, %scan3A_4 : i32
    %scan3A_6 = arith.constant 1 : i32
    scf.for %scan3A_103 = %scan3A_3 to %scan3A_5 step %scan3A_6  : i32 {
      %dma_start3A = arith.constant 0 : i32
      %dma_start3A_104 = tpu.memref_slice %arg8[%scan3A_103, %dma_start3A] : memref<129x80xf32, #tpu.memory_space<vmem>> -> memref<1x80xf32, #tpu.memory_space<vmem>>
      %dma_start3A_105 = tpu.memref_squeeze %dma_start3A_104 : memref<1x80xf32, #tpu.memory_space<vmem>> -> memref<80xf32, #tpu.memory_space<vmem>>
      %dma_start3A_106 = arith.constant 0 : i32
      %dma_start3A_107 = tpu.memref_slice %arg7[%scan3A_103, %dma_start3A_106] : memref<129x80xi32, #tpu.memory_space<vmem>> -> memref<1x80xi32, #tpu.memory_space<vmem>>
      %dma_start3A_108 = tpu.memref_squeeze %dma_start3A_107 : memref<1x80xi32, #tpu.memory_space<vmem>> -> memref<80xi32, #tpu.memory_space<vmem>>
      %dma_start3A_109 = arith.constant 0 : i32
      %dma_start3A_110 = tpu.memref_slice %arg9[%dma_start3A_109] : memref<10240xf32, #tpu.memory_space<vmem_shared>> -> memref<10240xf32, #tpu.memory_space<vmem_shared>>
      tpu.enqueue_indirect_dma source(%dma_start3A_105 : memref<80xf32, #tpu.memory_space<vmem>>) target(%dma_start3A_110 : memref<10240xf32, #tpu.memory_space<vmem_shared>>) offsets(%dma_start3A_108 : memref<80xi32, #tpu.memory_space<vmem>>) semaphore(%arg10 : memref<!tpu.dma_semaphore, #tpu.memory_space<semaphore_mem>>) {add = true}
      %ge3A = arith.constant 8 : i32
      %ge3A_111 = arith.cmpi sge, %scan3A_103, %ge3A : i32
      %convert_element_type3A_112 = arith.extui %ge3A_111 : i1 to i32
      %cond3A_113 = arith.constant 0 : i32
      %cond3A_114 = arith.cmpi ne, %convert_element_type3A_112, %cond3A_113 : i32
      scf.if %cond3A_114 {
        %dma_wait3A_115 = arith.constant 0 : i32
        %dma_wait3A_116 = arith.constant 0 : i32
        %dma_wait3A_117 = tpu.memref_slice %arg8[%dma_wait3A_115, %dma_wait3A_116] : memref<129x80xf32, #tpu.memory_space<vmem>> -> memref<1x80xf32, #tpu.memory_space<vmem>>
        %dma_wait3A_118 = tpu.memref_squeeze %dma_wait3A_117 : memref<1x80xf32, #tpu.memory_space<vmem>> -> memref<80xf32, #tpu.memory_space<vmem>>
        %dma_wait3A_119 = arith.constant 0 : i32
        %dma_wait3A_120 = tpu.memref_slice %arg4[%dma_wait3A_119] : memref<10240xf32, #tpu.memory_space<hbm>> -> memref<80xf32, #tpu.memory_space<hbm>>
        %dma_wait3A_121 = arith.constant 0 : i32
        %dma_wait3A_122 = tpu.memref_slice %arg8[%dma_wait3A_115, %dma_wait3A_121] : memref<129x80xf32, #tpu.memory_space<vmem>> -> memref<1x80xf32, #tpu.memory_space<vmem>>
        %dma_wait3A_123 = tpu.memref_squeeze %dma_wait3A_122 : memref<1x80xf32, #tpu.memory_space<vmem>> -> memref<80xf32, #tpu.memory_space<vmem>>
        %dma_wait3A_124 = arith.constant 0 : i32
        %dma_wait3A_125 = tpu.memref_slice %arg4[%dma_wait3A_124] : memref<10240xf32, #tpu.memory_space<hbm>> -> memref<80xf32, #tpu.memory_space<hbm>>
        tpu.wait_dma2 semaphore(%arg10 : memref<!tpu.dma_semaphore, #tpu.memory_space<semaphore_mem>>) src(%dma_wait3A_125 : memref<80xf32, #tpu.memory_space<hbm>>) dst(%dma_wait3A_123 : memref<80xf32, #tpu.memory_space<vmem>>)
      } else {
      }
    }
    %scan3A_7 = arith.constant 129 : i32
    %dma_wait3A = arith.constant 0 : i32
    %dma_wait3A_8 = arith.constant 0 : i32
    %dma_wait3A_9 = tpu.memref_slice %arg8[%dma_wait3A, %dma_wait3A_8] : memref<129x80xf32, #tpu.memory_space<vmem>> -> memref<1x80xf32, #tpu.memory_space<vmem>>
    %dma_wait3A_10 = tpu.memref_squeeze %dma_wait3A_9 : memref<1x80xf32, #tpu.memory_space<vmem>> -> memref<80xf32, #tpu.memory_space<vmem>>
    %dma_wait3A_11 = arith.constant 0 : i32
    %dma_wait3A_12 = tpu.memref_slice %arg4[%dma_wait3A_11] : memref<10240xf32, #tpu.memory_space<hbm>> -> memref<80xf32, #tpu.memory_space<hbm>>
    %dma_wait3A_13 = arith.constant 0 : i32
    %dma_wait3A_14 = tpu.memref_slice %arg8[%dma_wait3A, %dma_wait3A_13] : memref<129x80xf32, #tpu.memory_space<vmem>> -> memref<1x80xf32, #tpu.memory_space<vmem>>
    %dma_wait3A_15 = tpu.memref_squeeze %dma_wait3A_14 : memref<1x80xf32, #tpu.memory_space<vmem>> -> memref<80xf32, #tpu.memory_space<vmem>>
    %dma_wait3A_16 = arith.constant 0 : i32
    %dma_wait3A_17 = tpu.memref_slice %arg4[%dma_wait3A_16] : memref<10240xf32, #tpu.memory_space<hbm>> -> memref<80xf32, #tpu.memory_space<hbm>>
    tpu.wait_dma2 semaphore(%arg10 : memref<!tpu.dma_semaphore, #tpu.memory_space<semaphore_mem>>) src(%dma_wait3A_17 : memref<80xf32, #tpu.memory_space<hbm>>) dst(%dma_wait3A_15 : memref<80xf32, #tpu.memory_space<vmem>>)
    %dma_wait3A_18 = arith.constant 0 : i32
    %dma_wait3A_19 = arith.constant 0 : i32
    %dma_wait3A_20 = tpu.memref_slice %arg8[%dma_wait3A_18, %dma_wait3A_19] : memref<129x80xf32, #tpu.memory_space<vmem>> -> memref<1x80xf32, #tpu.memory_space<vmem>>
    %dma_wait3A_21 = tpu.memref_squeeze %dma_wait3A_20 : memref<1x80xf32, #tpu.memory_space<vmem>> -> memref<80xf32, #tpu.memory_space<vmem>>
    %dma_wait3A_22 = arith.constant 0 : i32
    %dma_wait3A_23 = tpu.memref_slice %arg4[%dma_wait3A_22] : memref<10240xf32, #tpu.memory_space<hbm>> -> memref<80xf32, #tpu.memory_space<hbm>>
    %dma_wait3A_24 = arith.constant 0 : i32
    %dma_wait3A_25 = tpu.memref_slice %arg8[%dma_wait3A_18, %dma_wait3A_24] : memref<129x80xf32, #tpu.memory_space<vmem>> -> memref<1x80xf32, #tpu.memory_space<vmem>>
    %dma_wait3A_26 = tpu.memref_squeeze %dma_wait3A_25 : memref<1x80xf32, #tpu.memory_space<vmem>> -> memref<80xf32, #tpu.memory_space<vmem>>
    %dma_wait3A_27 = arith.constant 0 : i32
    %dma_wait3A_28 = tpu.memref_slice %arg4[%dma_wait3A_27] : memref<10240xf32, #tpu.memory_space<hbm>> -> memref<80xf32, #tpu.memory_space<hbm>>
    tpu.wait_dma2 semaphore(%arg10 : memref<!tpu.dma_semaphore, #tpu.memory_space<semaphore_mem>>) src(%dma_wait3A_28 : memref<80xf32, #tpu.memory_space<hbm>>) dst(%dma_wait3A_26 : memref<80xf32, #tpu.memory_space<vmem>>)
    %dma_wait3A_29 = arith.constant 0 : i32
    %dma_wait3A_30 = arith.constant 0 : i32
    %dma_wait3A_31 = tpu.memref_slice %arg8[%dma_wait3A_29, %dma_wait3A_30] : memref<129x80xf32, #tpu.memory_space<vmem>> -> memref<1x80xf32, #tpu.memory_space<vmem>>
    %dma_wait3A_32 = tpu.memref_squeeze %dma_wait3A_31 : memref<1x80xf32, #tpu.memory_space<vmem>> -> memref<80xf32, #tpu.memory_space<vmem>>
    %dma_wait3A_33 = arith.constant 0 : i32
    %dma_wait3A_34 = tpu.memref_slice %arg4[%dma_wait3A_33] : memref<10240xf32, #tpu.memory_space<hbm>> -> memref<80xf32, #tpu.memory_space<hbm>>
    %dma_wait3A_35 = arith.constant 0 : i32
    %dma_wait3A_36 = tpu.memref_slice %arg8[%dma_wait3A_29, %dma_wait3A_35] : memref<129x80xf32, #tpu.memory_space<vmem>> -> memref<1x80xf32, #tpu.memory_space<vmem>>
    %dma_wait3A_37 = tpu.memref_squeeze %dma_wait3A_36 : memref<1x80xf32, #tpu.memory_space<vmem>> -> memref<80xf32, #tpu.memory_space<vmem>>
    %dma_wait3A_38 = arith.constant 0 : i32
    %dma_wait3A_39 = tpu.memref_slice %arg4[%dma_wait3A_38] : memref<10240xf32, #tpu.memory_space<hbm>> -> memref<80xf32, #tpu.memory_space<hbm>>
    tpu.wait_dma2 semaphore(%arg10 : memref<!tpu.dma_semaphore, #tpu.memory_space<semaphore_mem>>) src(%dma_wait3A_39 : memref<80xf32, #tpu.memory_space<hbm>>) dst(%dma_wait3A_37 : memref<80xf32, #tpu.memory_space<vmem>>)
    %dma_wait3A_40 = arith.constant 0 : i32
    %dma_wait3A_41 = arith.constant 0 : i32
    %dma_wait3A_42 = tpu.memref_slice %arg8[%dma_wait3A_40, %dma_wait3A_41] : memref<129x80xf32, #tpu.memory_space<vmem>> -> memref<1x80xf32, #tpu.memory_space<vmem>>
    %dma_wait3A_43 = tpu.memref_squeeze %dma_wait3A_42 : memref<1x80xf32, #tpu.memory_space<vmem>> -> memref<80xf32, #tpu.memory_space<vmem>>
    %dma_wait3A_44 = arith.constant 0 : i32
    %dma_wait3A_45 = tpu.memref_slice %arg4[%dma_wait3A_44] : memref<10240xf32, #tpu.memory_space<hbm>> -> memref<80xf32, #tpu.memory_space<hbm>>
    %dma_wait3A_46 = arith.constant 0 : i32
    %dma_wait3A_47 = tpu.memref_slice %arg8[%dma_wait3A_40, %dma_wait3A_46] : memref<129x80xf32, #tpu.memory_space<vmem>> -> memref<1x80xf32, #tpu.memory_space<vmem>>
    %dma_wait3A_48 = tpu.memref_squeeze %dma_wait3A_47 : memref<1x80xf32, #tpu.memory_space<vmem>> -> memref<80xf32, #tpu.memory_space<vmem>>
    %dma_wait3A_49 = arith.constant 0 : i32
    %dma_wait3A_50 = tpu.memref_slice %arg4[%dma_wait3A_49] : memref<10240xf32, #tpu.memory_space<hbm>> -> memref<80xf32, #tpu.memory_space<hbm>>
    tpu.wait_dma2 semaphore(%arg10 : memref<!tpu.dma_semaphore, #tpu.memory_space<semaphore_mem>>) src(%dma_wait3A_50 : memref<80xf32, #tpu.memory_space<hbm>>) dst(%dma_wait3A_48 : memref<80xf32, #tpu.memory_space<vmem>>)
    %dma_wait3A_51 = arith.constant 0 : i32
    %dma_wait3A_52 = arith.constant 0 : i32
    %dma_wait3A_53 = tpu.memref_slice %arg8[%dma_wait3A_51, %dma_wait3A_52] : memref<129x80xf32, #tpu.memory_space<vmem>> -> memref<1x80xf32, #tpu.memory_space<vmem>>
    %dma_wait3A_54 = tpu.memref_squeeze %dma_wait3A_53 : memref<1x80xf32, #tpu.memory_space<vmem>> -> memref<80xf32, #tpu.memory_space<vmem>>
    %dma_wait3A_55 = arith.constant 0 : i32
    %dma_wait3A_56 = tpu.memref_slice %arg4[%dma_wait3A_55] : memref<10240xf32, #tpu.memory_space<hbm>> -> memref<80xf32, #tpu.memory_space<hbm>>
    %dma_wait3A_57 = arith.constant 0 : i32
    %dma_wait3A_58 = tpu.memref_slice %arg8[%dma_wait3A_51, %dma_wait3A_57] : memref<129x80xf32, #tpu.memory_space<vmem>> -> memref<1x80xf32, #tpu.memory_space<vmem>>
    %dma_wait3A_59 = tpu.memref_squeeze %dma_wait3A_58 : memref<1x80xf32, #tpu.memory_space<vmem>> -> memref<80xf32, #tpu.memory_space<vmem>>
    %dma_wait3A_60 = arith.constant 0 : i32
    %dma_wait3A_61 = tpu.memref_slice %arg4[%dma_wait3A_60] : memref<10240xf32, #tpu.memory_space<hbm>> -> memref<80xf32, #tpu.memory_space<hbm>>
    tpu.wait_dma2 semaphore(%arg10 : memref<!tpu.dma_semaphore, #tpu.memory_space<semaphore_mem>>) src(%dma_wait3A_61 : memref<80xf32, #tpu.memory_space<hbm>>) dst(%dma_wait3A_59 : memref<80xf32, #tpu.memory_space<vmem>>)
    %dma_wait3A_62 = arith.constant 0 : i32
    %dma_wait3A_63 = arith.constant 0 : i32
    %dma_wait3A_64 = tpu.memref_slice %arg8[%dma_wait3A_62, %dma_wait3A_63] : memref<129x80xf32, #tpu.memory_space<vmem>> -> memref<1x80xf32, #tpu.memory_space<vmem>>
    %dma_wait3A_65 = tpu.memref_squeeze %dma_wait3A_64 : memref<1x80xf32, #tpu.memory_space<vmem>> -> memref<80xf32, #tpu.memory_space<vmem>>
    %dma_wait3A_66 = arith.constant 0 : i32
    %dma_wait3A_67 = tpu.memref_slice %arg4[%dma_wait3A_66] : memref<10240xf32, #tpu.memory_space<hbm>> -> memref<80xf32, #tpu.memory_space<hbm>>
    %dma_wait3A_68 = arith.constant 0 : i32
    %dma_wait3A_69 = tpu.memref_slice %arg8[%dma_wait3A_62, %dma_wait3A_68] : memref<129x80xf32, #tpu.memory_space<vmem>> -> memref<1x80xf32, #tpu.memory_space<vmem>>
    %dma_wait3A_70 = tpu.memref_squeeze %dma_wait3A_69 : memref<1x80xf32, #tpu.memory_space<vmem>> -> memref<80xf32, #tpu.memory_space<vmem>>
    %dma_wait3A_71 = arith.constant 0 : i32
    %dma_wait3A_72 = tpu.memref_slice %arg4[%dma_wait3A_71] : memref<10240xf32, #tpu.memory_space<hbm>> -> memref<80xf32, #tpu.memory_space<hbm>>
    tpu.wait_dma2 semaphore(%arg10 : memref<!tpu.dma_semaphore, #tpu.memory_space<semaphore_mem>>) src(%dma_wait3A_72 : memref<80xf32, #tpu.memory_space<hbm>>) dst(%dma_wait3A_70 : memref<80xf32, #tpu.memory_space<vmem>>)
    %dma_wait3A_73 = arith.constant 0 : i32
    %dma_wait3A_74 = arith.constant 0 : i32
    %dma_wait3A_75 = tpu.memref_slice %arg8[%dma_wait3A_73, %dma_wait3A_74] : memref<129x80xf32, #tpu.memory_space<vmem>> -> memref<1x80xf32, #tpu.memory_space<vmem>>
    %dma_wait3A_76 = tpu.memref_squeeze %dma_wait3A_75 : memref<1x80xf32, #tpu.memory_space<vmem>> -> memref<80xf32, #tpu.memory_space<vmem>>
    %dma_wait3A_77 = arith.constant 0 : i32
    %dma_wait3A_78 = tpu.memref_slice %arg4[%dma_wait3A_77] : memref<10240xf32, #tpu.memory_space<hbm>> -> memref<80xf32, #tpu.memory_space<hbm>>
    %dma_wait3A_79 = arith.constant 0 : i32
    %dma_wait3A_80 = tpu.memref_slice %arg8[%dma_wait3A_73, %dma_wait3A_79] : memref<129x80xf32, #tpu.memory_space<vmem>> -> memref<1x80xf32, #tpu.memory_space<vmem>>
    %dma_wait3A_81 = tpu.memref_squeeze %dma_wait3A_80 : memref<1x80xf32, #tpu.memory_space<vmem>> -> memref<80xf32, #tpu.memory_space<vmem>>
    %dma_wait3A_82 = arith.constant 0 : i32
    %dma_wait3A_83 = tpu.memref_slice %arg4[%dma_wait3A_82] : memref<10240xf32, #tpu.memory_space<hbm>> -> memref<80xf32, #tpu.memory_space<hbm>>
    tpu.wait_dma2 semaphore(%arg10 : memref<!tpu.dma_semaphore, #tpu.memory_space<semaphore_mem>>) src(%dma_wait3A_83 : memref<80xf32, #tpu.memory_space<hbm>>) dst(%dma_wait3A_81 : memref<80xf32, #tpu.memory_space<vmem>>)
    %dma_wait3A_84 = arith.constant 0 : i32
    %dma_wait3A_85 = arith.constant 0 : i32
    %dma_wait3A_86 = tpu.memref_slice %arg8[%dma_wait3A_84, %dma_wait3A_85] : memref<129x80xf32, #tpu.memory_space<vmem>> -> memref<1x80xf32, #tpu.memory_space<vmem>>
    %dma_wait3A_87 = tpu.memref_squeeze %dma_wait3A_86 : memref<1x80xf32, #tpu.memory_space<vmem>> -> memref<80xf32, #tpu.memory_space<vmem>>
    %dma_wait3A_88 = arith.constant 0 : i32
    %dma_wait3A_89 = tpu.memref_slice %arg4[%dma_wait3A_88] : memref<10240xf32, #tpu.memory_space<hbm>> -> memref<80xf32, #tpu.memory_space<hbm>>
    %dma_wait3A_90 = arith.constant 0 : i32
    %dma_wait3A_91 = tpu.memref_slice %arg8[%dma_wait3A_84, %dma_wait3A_90] : memref<129x80xf32, #tpu.memory_space<vmem>> -> memref<1x80xf32, #tpu.memory_space<vmem>>
    %dma_wait3A_92 = tpu.memref_squeeze %dma_wait3A_91 : memref<1x80xf32, #tpu.memory_space<vmem>> -> memref<80xf32, #tpu.memory_space<vmem>>
    %dma_wait3A_93 = arith.constant 0 : i32
    %dma_wait3A_94 = tpu.memref_slice %arg4[%dma_wait3A_93] : memref<10240xf32, #tpu.memory_space<hbm>> -> memref<80xf32, #tpu.memory_space<hbm>>
    tpu.wait_dma2 semaphore(%arg10 : memref<!tpu.dma_semaphore, #tpu.memory_space<semaphore_mem>>) src(%dma_wait3A_94 : memref<80xf32, #tpu.memory_space<hbm>>) dst(%dma_wait3A_92 : memref<80xf32, #tpu.memory_space<vmem>>)
    %barrier3A_95 = arith.constant 0 : index
    tpu.barrier barrier_id(%barrier3A_95)
    %eq3A = arith.constant 0 : i32
    %eq3A_96 = arith.cmpi eq, %arg0, %eq3A : i32
    %convert_element_type3A = arith.extui %eq3A_96 : i1 to i32
    %cond3A = arith.constant 0 : i32
    %cond3A_97 = arith.cmpi ne, %convert_element_type3A, %cond3A : i32
    scf.if %cond3A_97 {
      "tpu.region"() ({
        %run_scoped3A = tpu.sem_alloc : memref<!tpu.dma_semaphore, #tpu.memory_space<semaphore_mem>>
        %dma_start3A = tpu.memref_slice %arg5[%mul3A_2] : memref<10240xf32, #tpu.memory_space<hbm>> -> memref<640xf32, #tpu.memory_space<hbm>>
        %dma_start3A_103 = tpu.memref_slice %arg9[%mul3A_2] : memref<10240xf32, #tpu.memory_space<vmem_shared>> -> memref<640xf32, #tpu.memory_space<vmem_shared>>
        tpu.enqueue_dma source(%dma_start3A_103 : memref<640xf32, #tpu.memory_space<vmem_shared>>) target(%dma_start3A : memref<640xf32, #tpu.memory_space<hbm>>) target_semaphore(%run_scoped3A : memref<!tpu.dma_semaphore, #tpu.memory_space<semaphore_mem>>)
        %dma_wait3A_104 = tpu.memref_slice %arg5[%mul3A_2] : memref<10240xf32, #tpu.memory_space<hbm>> -> memref<640xf32, #tpu.memory_space<hbm>>
        %dma_wait3A_105 = tpu.memref_slice %arg9[%mul3A_2] : memref<10240xf32, #tpu.memory_space<vmem_shared>> -> memref<640xf32, #tpu.memory_space<vmem_shared>>
        tpu.wait_dma2 semaphore(%run_scoped3A : memref<!tpu.dma_semaphore, #tpu.memory_space<semaphore_mem>>) src(%dma_wait3A_105 : memref<640xf32, #tpu.memory_space<vmem_shared>>) dst(%dma_wait3A_104 : memref<640xf32, #tpu.memory_space<hbm>>)
        tpu.yield
      }) : () -> ()
    } else {
    }
    %eq3A_98 = arith.constant 1 : i32
    %eq3A_99 = arith.cmpi eq, %arg0, %eq3A_98 : i32
    %convert_element_type3A_100 = arith.extui %eq3A_99 : i1 to i32
    %cond3A_101 = arith.constant 0 : i32
    %cond3A_102 = arith.cmpi ne, %convert_element_type3A_100, %cond3A_101 : i32
    scf.if %cond3A_102 {
      "tpu.region"() ({
        %run_scoped3A = tpu.sem_alloc : memref<!tpu.dma_semaphore, #tpu.memory_space<semaphore_mem>>
        %dma_start3A = tpu.memref_slice %arg6[%mul3A_2] : memref<10240xf32, #tpu.memory_space<hbm>> -> memref<640xf32, #tpu.memory_space<hbm>>
        %dma_start3A_103 = tpu.memref_slice %arg9[%mul3A_2] : memref<10240xf32, #tpu.memory_space<vmem_shared>> -> memref<640xf32, #tpu.memory_space<vmem_shared>>
        tpu.enqueue_dma source(%dma_start3A_103 : memref<640xf32, #tpu.memory_space<vmem_shared>>) target(%dma_start3A : memref<640xf32, #tpu.memory_space<hbm>>) target_semaphore(%run_scoped3A : memref<!tpu.dma_semaphore, #tpu.memory_space<semaphore_mem>>)
        %dma_wait3A_104 = tpu.memref_slice %arg6[%mul3A_2] : memref<10240xf32, #tpu.memory_space<hbm>> -> memref<640xf32, #tpu.memory_space<hbm>>
        %dma_wait3A_105 = tpu.memref_slice %arg9[%mul3A_2] : memref<10240xf32, #tpu.memory_space<vmem_shared>> -> memref<640xf32, #tpu.memory_space<vmem_shared>>
        tpu.wait_dma2 semaphore(%run_scoped3A : memref<!tpu.dma_semaphore, #tpu.memory_space<semaphore_mem>>) src(%dma_wait3A_105 : memref<640xf32, #tpu.memory_space<vmem_shared>>) dst(%dma_wait3A_104 : memref<640xf32, #tpu.memory_space<hbm>>)
        tpu.yield
      }) : () -> ()
    } else {
    }
    return
  }
}

#map = affine_map<(d0, d1) -> (0, 0)>
#map1 = affine_map<(d0, d1) -> (0)>
#map2 = affine_map<(d0, d1) -> (0, 0, 0)>
module attributes {stable_mosaic.version = 14 : i64} {
  func.func @k(%arg0: i32, %arg1: i32, %arg2: memref<10000x128xf32, #tpu.memory_space<hbm>>, %arg3: memref<330240xi32, #tpu.memory_space<hbm>>, %arg4: memref<330240xi32, #tpu.memory_space<hbm>>, %arg5: memref<330240xf32, #tpu.memory_space<hbm>>, %arg6: memref<10240xf32, #tpu.memory_space<hbm>>, %arg7: memref<10240x128xf32, #tpu.memory_space<hbm>>, %arg8: memref<2x10240x128xf32, #tpu.memory_space<hbm>>, %arg9: memref<10240xf32, #tpu.memory_space<vmem>>, %arg10: memref<720xi32, #tpu.memory_space<vmem>>, %arg11: memref<720xi32, #tpu.memory_space<vmem>>, %arg12: memref<720xf32, #tpu.memory_space<vmem>>, %arg13: memref<3x80xi32, #tpu.memory_space<vmem>>, %arg14: memref<80xf32, #tpu.memory_space<vmem>>, %arg15: memref<3x80x128xf32, #tpu.memory_space<vmem>>, %arg16: memref<10240x128xf32, #tpu.memory_space<vmem_shared>>, %arg17: memref<!tpu.dma_semaphore, #tpu.memory_space<semaphore_mem>>, %arg18: memref<!tpu.dma_semaphore, #tpu.memory_space<semaphore_mem>>, %arg19: memref<!tpu.dma_semaphore, #tpu.memory_space<semaphore_mem>>, %arg20: memref<!tpu.dma_semaphore, #tpu.memory_space<semaphore_mem>>, %arg21: memref<!tpu.dma_semaphore, #tpu.memory_space<semaphore_mem>>, %arg22: memref<!tpu.dma_semaphore, #tpu.memory_space<semaphore_mem>>, %arg23: memref<!tpu.dma_semaphore, #tpu.memory_space<semaphore_mem>>, %arg24: memref<!tpu.dma_semaphore, #tpu.memory_space<semaphore_mem>>, %arg25: memref<!tpu.dma_semaphore, #tpu.memory_space<semaphore_mem>>) attributes {dimension_semantics = [#tpu.dimension_semantics<core_parallel>, #tpu.dimension_semantics<subcore_parallel>], iteration_bounds = array<i64: 2, 16>, scalar_prefetch = 0 : i64, scratch_operands = 17 : i64, tpu.core_type = #tpu.core_type<sc_vector_subcore>, window_params = [{transform_indices = #map}, {transform_indices = #map1}, {transform_indices = #map1}, {transform_indices = #map1}, {transform_indices = #map1}, {transform_indices = #map}, {transform_indices = #map2}]} {
    %mul3A = arith.constant 2 : i32
    %mul3A_0 = arith.muli %arg1, %mul3A : i32
    %add3A = arith.addi %mul3A_0, %arg0 : i32
    %mul3A_1 = arith.constant 640 : i32
    %mul3A_2 = arith.muli %arg1, %mul3A_1 : i32
    %mul3A_3 = arith.constant 10320 : i32
    %mul3A_4 = arith.muli %add3A, %mul3A_3 : i32
    "tpu.region"() ({
      %run_scoped3A = tpu.sem_alloc : memref<!tpu.dma_semaphore, #tpu.memory_space<semaphore_mem>>
      tpu.enqueue_dma source(%arg6 : memref<10240xf32, #tpu.memory_space<hbm>>) target(%arg9 : memref<10240xf32, #tpu.memory_space<vmem>>) target_semaphore(%run_scoped3A : memref<!tpu.dma_semaphore, #tpu.memory_space<semaphore_mem>>)
      tpu.wait_dma2 semaphore(%run_scoped3A : memref<!tpu.dma_semaphore, #tpu.memory_space<semaphore_mem>>) src(%arg6 : memref<10240xf32, #tpu.memory_space<hbm>>) dst(%arg9 : memref<10240xf32, #tpu.memory_space<vmem>>)
      tpu.yield
    }) : () -> ()
    %add3A_5 = arith.constant 0 : i32
    %add3A_6 = arith.addi %mul3A_4, %add3A_5 : i32
    "tpu.region"() ({
      %run_scoped3A = tpu.sem_alloc : memref<!tpu.dma_semaphore, #tpu.memory_space<semaphore_mem>>
      %dma_start3A_98 = arith.constant 0 : i32
      %dma_start3A_99 = tpu.memref_slice %arg10[%dma_start3A_98] : memref<720xi32, #tpu.memory_space<vmem>> -> memref<240xi32, #tpu.memory_space<vmem>>
      %dma_start3A_100 = tpu.memref_slice %arg3[%add3A_6] : memref<330240xi32, #tpu.memory_space<hbm>> -> memref<240xi32, #tpu.memory_space<hbm>>
      %dma_start3A_101 = arith.constant 0 : i32
      %dma_start3A_102 = tpu.memref_slice %arg10[%dma_start3A_101] : memref<720xi32, #tpu.memory_space<vmem>> -> memref<240xi32, #tpu.memory_space<vmem>>
      %dma_start3A_103 = tpu.memref_slice %arg3[%add3A_6] : memref<330240xi32, #tpu.memory_space<hbm>> -> memref<240xi32, #tpu.memory_space<hbm>>
      tpu.enqueue_dma source(%dma_start3A_103 : memref<240xi32, #tpu.memory_space<hbm>>) target(%dma_start3A_102 : memref<240xi32, #tpu.memory_space<vmem>>) target_semaphore(%run_scoped3A : memref<!tpu.dma_semaphore, #tpu.memory_space<semaphore_mem>>)
      %dma_wait3A_104 = arith.constant 0 : i32
      %dma_wait3A_105 = tpu.memref_slice %arg10[%dma_wait3A_104] : memref<720xi32, #tpu.memory_space<vmem>> -> memref<240xi32, #tpu.memory_space<vmem>>
      %dma_wait3A_106 = tpu.memref_slice %arg3[%add3A_6] : memref<330240xi32, #tpu.memory_space<hbm>> -> memref<240xi32, #tpu.memory_space<hbm>>
      %dma_wait3A_107 = arith.constant 0 : i32
      %dma_wait3A_108 = tpu.memref_slice %arg10[%dma_wait3A_107] : memref<720xi32, #tpu.memory_space<vmem>> -> memref<240xi32, #tpu.memory_space<vmem>>
      %dma_wait3A_109 = tpu.memref_slice %arg3[%add3A_6] : memref<330240xi32, #tpu.memory_space<hbm>> -> memref<240xi32, #tpu.memory_space<hbm>>
      tpu.wait_dma2 semaphore(%run_scoped3A : memref<!tpu.dma_semaphore, #tpu.memory_space<semaphore_mem>>) src(%dma_wait3A_109 : memref<240xi32, #tpu.memory_space<hbm>>) dst(%dma_wait3A_108 : memref<240xi32, #tpu.memory_space<vmem>>)
      tpu.yield
    }) : () -> ()
    %add3A_7 = arith.constant 0 : i32
    %add3A_8 = arith.addi %mul3A_4, %add3A_7 : i32
    "tpu.region"() ({
      %run_scoped3A = tpu.sem_alloc : memref<!tpu.dma_semaphore, #tpu.memory_space<semaphore_mem>>
      %dma_start3A_98 = arith.constant 0 : i32
      %dma_start3A_99 = tpu.memref_slice %arg11[%dma_start3A_98] : memref<720xi32, #tpu.memory_space<vmem>> -> memref<240xi32, #tpu.memory_space<vmem>>
      %dma_start3A_100 = tpu.memref_slice %arg4[%add3A_8] : memref<330240xi32, #tpu.memory_space<hbm>> -> memref<240xi32, #tpu.memory_space<hbm>>
      %dma_start3A_101 = arith.constant 0 : i32
      %dma_start3A_102 = tpu.memref_slice %arg11[%dma_start3A_101] : memref<720xi32, #tpu.memory_space<vmem>> -> memref<240xi32, #tpu.memory_space<vmem>>
      %dma_start3A_103 = tpu.memref_slice %arg4[%add3A_8] : memref<330240xi32, #tpu.memory_space<hbm>> -> memref<240xi32, #tpu.memory_space<hbm>>
      tpu.enqueue_dma source(%dma_start3A_103 : memref<240xi32, #tpu.memory_space<hbm>>) target(%dma_start3A_102 : memref<240xi32, #tpu.memory_space<vmem>>) target_semaphore(%run_scoped3A : memref<!tpu.dma_semaphore, #tpu.memory_space<semaphore_mem>>)
      %dma_wait3A_104 = arith.constant 0 : i32
      %dma_wait3A_105 = tpu.memref_slice %arg11[%dma_wait3A_104] : memref<720xi32, #tpu.memory_space<vmem>> -> memref<240xi32, #tpu.memory_space<vmem>>
      %dma_wait3A_106 = tpu.memref_slice %arg4[%add3A_8] : memref<330240xi32, #tpu.memory_space<hbm>> -> memref<240xi32, #tpu.memory_space<hbm>>
      %dma_wait3A_107 = arith.constant 0 : i32
      %dma_wait3A_108 = tpu.memref_slice %arg11[%dma_wait3A_107] : memref<720xi32, #tpu.memory_space<vmem>> -> memref<240xi32, #tpu.memory_space<vmem>>
      %dma_wait3A_109 = tpu.memref_slice %arg4[%add3A_8] : memref<330240xi32, #tpu.memory_space<hbm>> -> memref<240xi32, #tpu.memory_space<hbm>>
      tpu.wait_dma2 semaphore(%run_scoped3A : memref<!tpu.dma_semaphore, #tpu.memory_space<semaphore_mem>>) src(%dma_wait3A_109 : memref<240xi32, #tpu.memory_space<hbm>>) dst(%dma_wait3A_108 : memref<240xi32, #tpu.memory_space<vmem>>)
      tpu.yield
    }) : () -> ()
    %add3A_9 = arith.constant 0 : i32
    %add3A_10 = arith.addi %mul3A_4, %add3A_9 : i32
    "tpu.region"() ({
      %run_scoped3A = tpu.sem_alloc : memref<!tpu.dma_semaphore, #tpu.memory_space<semaphore_mem>>
      %dma_start3A_98 = arith.constant 0 : i32
      %dma_start3A_99 = tpu.memref_slice %arg12[%dma_start3A_98] : memref<720xf32, #tpu.memory_space<vmem>> -> memref<240xf32, #tpu.memory_space<vmem>>
      %dma_start3A_100 = tpu.memref_slice %arg5[%add3A_10] : memref<330240xf32, #tpu.memory_space<hbm>> -> memref<240xf32, #tpu.memory_space<hbm>>
      %dma_start3A_101 = arith.constant 0 : i32
      %dma_start3A_102 = tpu.memref_slice %arg12[%dma_start3A_101] : memref<720xf32, #tpu.memory_space<vmem>> -> memref<240xf32, #tpu.memory_space<vmem>>
      %dma_start3A_103 = tpu.memref_slice %arg5[%add3A_10] : memref<330240xf32, #tpu.memory_space<hbm>> -> memref<240xf32, #tpu.memory_space<hbm>>
      tpu.enqueue_dma source(%dma_start3A_103 : memref<240xf32, #tpu.memory_space<hbm>>) target(%dma_start3A_102 : memref<240xf32, #tpu.memory_space<vmem>>) target_semaphore(%run_scoped3A : memref<!tpu.dma_semaphore, #tpu.memory_space<semaphore_mem>>)
      %dma_wait3A_104 = arith.constant 0 : i32
      %dma_wait3A_105 = tpu.memref_slice %arg12[%dma_wait3A_104] : memref<720xf32, #tpu.memory_space<vmem>> -> memref<240xf32, #tpu.memory_space<vmem>>
      %dma_wait3A_106 = tpu.memref_slice %arg5[%add3A_10] : memref<330240xf32, #tpu.memory_space<hbm>> -> memref<240xf32, #tpu.memory_space<hbm>>
      %dma_wait3A_107 = arith.constant 0 : i32
      %dma_wait3A_108 = tpu.memref_slice %arg12[%dma_wait3A_107] : memref<720xf32, #tpu.memory_space<vmem>> -> memref<240xf32, #tpu.memory_space<vmem>>
      %dma_wait3A_109 = tpu.memref_slice %arg5[%add3A_10] : memref<330240xf32, #tpu.memory_space<hbm>> -> memref<240xf32, #tpu.memory_space<hbm>>
      tpu.wait_dma2 semaphore(%run_scoped3A : memref<!tpu.dma_semaphore, #tpu.memory_space<semaphore_mem>>) src(%dma_wait3A_109 : memref<240xf32, #tpu.memory_space<hbm>>) dst(%dma_wait3A_108 : memref<240xf32, #tpu.memory_space<vmem>>)
      tpu.yield
    }) : () -> ()
    %add3A_11 = arith.constant 240 : i32
    %add3A_12 = arith.addi %mul3A_4, %add3A_11 : i32
    %dma_start3A = arith.constant 240 : i32
    %dma_start3A_13 = tpu.memref_slice %arg10[%dma_start3A] : memref<720xi32, #tpu.memory_space<vmem>> -> memref<240xi32, #tpu.memory_space<vmem>>
    %dma_start3A_14 = tpu.memref_slice %arg3[%add3A_12] : memref<330240xi32, #tpu.memory_space<hbm>> -> memref<240xi32, #tpu.memory_space<hbm>>
    %dma_start3A_15 = arith.constant 240 : i32
    %dma_start3A_16 = tpu.memref_slice %arg10[%dma_start3A_15] : memref<720xi32, #tpu.memory_space<vmem>> -> memref<240xi32, #tpu.memory_space<vmem>>
    %dma_start3A_17 = tpu.memref_slice %arg3[%add3A_12] : memref<330240xi32, #tpu.memory_space<hbm>> -> memref<240xi32, #tpu.memory_space<hbm>>
    tpu.enqueue_dma source(%dma_start3A_17 : memref<240xi32, #tpu.memory_space<hbm>>) target(%dma_start3A_16 : memref<240xi32, #tpu.memory_space<vmem>>) target_semaphore(%arg18 : memref<!tpu.dma_semaphore, #tpu.memory_space<semaphore_mem>>)
    %add3A_18 = arith.constant 240 : i32
    %add3A_19 = arith.addi %mul3A_4, %add3A_18 : i32
    %dma_start3A_20 = arith.constant 240 : i32
    %dma_start3A_21 = tpu.memref_slice %arg11[%dma_start3A_20] : memref<720xi32, #tpu.memory_space<vmem>> -> memref<240xi32, #tpu.memory_space<vmem>>
    %dma_start3A_22 = tpu.memref_slice %arg4[%add3A_19] : memref<330240xi32, #tpu.memory_space<hbm>> -> memref<240xi32, #tpu.memory_space<hbm>>
    %dma_start3A_23 = arith.constant 240 : i32
    %dma_start3A_24 = tpu.memref_slice %arg11[%dma_start3A_23] : memref<720xi32, #tpu.memory_space<vmem>> -> memref<240xi32, #tpu.memory_space<vmem>>
    %dma_start3A_25 = tpu.memref_slice %arg4[%add3A_19] : memref<330240xi32, #tpu.memory_space<hbm>> -> memref<240xi32, #tpu.memory_space<hbm>>
    tpu.enqueue_dma source(%dma_start3A_25 : memref<240xi32, #tpu.memory_space<hbm>>) target(%dma_start3A_24 : memref<240xi32, #tpu.memory_space<vmem>>) target_semaphore(%arg18 : memref<!tpu.dma_semaphore, #tpu.memory_space<semaphore_mem>>)
    %add3A_26 = arith.constant 240 : i32
    %add3A_27 = arith.addi %mul3A_4, %add3A_26 : i32
    %dma_start3A_28 = arith.constant 240 : i32
    %dma_start3A_29 = tpu.memref_slice %arg12[%dma_start3A_28] : memref<720xf32, #tpu.memory_space<vmem>> -> memref<240xf32, #tpu.memory_space<vmem>>
    %dma_start3A_30 = tpu.memref_slice %arg5[%add3A_27] : memref<330240xf32, #tpu.memory_space<hbm>> -> memref<240xf32, #tpu.memory_space<hbm>>
    %dma_start3A_31 = arith.constant 240 : i32
    %dma_start3A_32 = tpu.memref_slice %arg12[%dma_start3A_31] : memref<720xf32, #tpu.memory_space<vmem>> -> memref<240xf32, #tpu.memory_space<vmem>>
    %dma_start3A_33 = tpu.memref_slice %arg5[%add3A_27] : memref<330240xf32, #tpu.memory_space<hbm>> -> memref<240xf32, #tpu.memory_space<hbm>>
    tpu.enqueue_dma source(%dma_start3A_33 : memref<240xf32, #tpu.memory_space<hbm>>) target(%dma_start3A_32 : memref<240xf32, #tpu.memory_space<vmem>>) target_semaphore(%arg18 : memref<!tpu.dma_semaphore, #tpu.memory_space<semaphore_mem>>)
    %add3A_34 = arith.constant 480 : i32
    %add3A_35 = arith.addi %mul3A_4, %add3A_34 : i32
    %dma_start3A_36 = arith.constant 480 : i32
    %dma_start3A_37 = tpu.memref_slice %arg10[%dma_start3A_36] : memref<720xi32, #tpu.memory_space<vmem>> -> memref<240xi32, #tpu.memory_space<vmem>>
    %dma_start3A_38 = tpu.memref_slice %arg3[%add3A_35] : memref<330240xi32, #tpu.memory_space<hbm>> -> memref<240xi32, #tpu.memory_space<hbm>>
    %dma_start3A_39 = arith.constant 480 : i32
    %dma_start3A_40 = tpu.memref_slice %arg10[%dma_start3A_39] : memref<720xi32, #tpu.memory_space<vmem>> -> memref<240xi32, #tpu.memory_space<vmem>>
    %dma_start3A_41 = tpu.memref_slice %arg3[%add3A_35] : memref<330240xi32, #tpu.memory_space<hbm>> -> memref<240xi32, #tpu.memory_space<hbm>>
    tpu.enqueue_dma source(%dma_start3A_41 : memref<240xi32, #tpu.memory_space<hbm>>) target(%dma_start3A_40 : memref<240xi32, #tpu.memory_space<vmem>>) target_semaphore(%arg19 : memref<!tpu.dma_semaphore, #tpu.memory_space<semaphore_mem>>)
    %add3A_42 = arith.constant 480 : i32
    %add3A_43 = arith.addi %mul3A_4, %add3A_42 : i32
    %dma_start3A_44 = arith.constant 480 : i32
    %dma_start3A_45 = tpu.memref_slice %arg11[%dma_start3A_44] : memref<720xi32, #tpu.memory_space<vmem>> -> memref<240xi32, #tpu.memory_space<vmem>>
    %dma_start3A_46 = tpu.memref_slice %arg4[%add3A_43] : memref<330240xi32, #tpu.memory_space<hbm>> -> memref<240xi32, #tpu.memory_space<hbm>>
    %dma_start3A_47 = arith.constant 480 : i32
    %dma_start3A_48 = tpu.memref_slice %arg11[%dma_start3A_47] : memref<720xi32, #tpu.memory_space<vmem>> -> memref<240xi32, #tpu.memory_space<vmem>>
    %dma_start3A_49 = tpu.memref_slice %arg4[%add3A_43] : memref<330240xi32, #tpu.memory_space<hbm>> -> memref<240xi32, #tpu.memory_space<hbm>>
    tpu.enqueue_dma source(%dma_start3A_49 : memref<240xi32, #tpu.memory_space<hbm>>) target(%dma_start3A_48 : memref<240xi32, #tpu.memory_space<vmem>>) target_semaphore(%arg19 : memref<!tpu.dma_semaphore, #tpu.memory_space<semaphore_mem>>)
    %add3A_50 = arith.constant 480 : i32
    %add3A_51 = arith.addi %mul3A_4, %add3A_50 : i32
    %dma_start3A_52 = arith.constant 480 : i32
    %dma_start3A_53 = tpu.memref_slice %arg12[%dma_start3A_52] : memref<720xf32, #tpu.memory_space<vmem>> -> memref<240xf32, #tpu.memory_space<vmem>>
    %dma_start3A_54 = tpu.memref_slice %arg5[%add3A_51] : memref<330240xf32, #tpu.memory_space<hbm>> -> memref<240xf32, #tpu.memory_space<hbm>>
    %dma_start3A_55 = arith.constant 480 : i32
    %dma_start3A_56 = tpu.memref_slice %arg12[%dma_start3A_55] : memref<720xf32, #tpu.memory_space<vmem>> -> memref<240xf32, #tpu.memory_space<vmem>>
    %dma_start3A_57 = tpu.memref_slice %arg5[%add3A_51] : memref<330240xf32, #tpu.memory_space<hbm>> -> memref<240xf32, #tpu.memory_space<hbm>>
    tpu.enqueue_dma source(%dma_start3A_57 : memref<240xf32, #tpu.memory_space<hbm>>) target(%dma_start3A_56 : memref<240xf32, #tpu.memory_space<vmem>>) target_semaphore(%arg19 : memref<!tpu.dma_semaphore, #tpu.memory_space<semaphore_mem>>)
    "tpu.region"() ({
      %run_scoped3A = tpu.sem_alloc : memref<!tpu.dma_semaphore, #tpu.memory_space<semaphore_mem>>
      %dma_start3A_98 = arith.constant 0 : i32
      %dma_start3A_99 = tpu.memref_slice %arg16[%mul3A_2, %dma_start3A_98] : memref<10240x128xf32, #tpu.memory_space<vmem_shared>> -> memref<640x128xf32, #tpu.memory_space<vmem_shared>>
      %dma_start3A_100 = arith.constant 0 : i32
      %dma_start3A_101 = tpu.memref_slice %arg7[%mul3A_2, %dma_start3A_100] : memref<10240x128xf32, #tpu.memory_space<hbm>> -> memref<640x128xf32, #tpu.memory_space<hbm>>
      tpu.enqueue_dma source(%dma_start3A_101 : memref<640x128xf32, #tpu.memory_space<hbm>>) target(%dma_start3A_99 : memref<640x128xf32, #tpu.memory_space<vmem_shared>>) target_semaphore(%run_scoped3A : memref<!tpu.dma_semaphore, #tpu.memory_space<semaphore_mem>>)
      %dma_wait3A_102 = arith.constant 0 : i32
      %dma_wait3A_103 = tpu.memref_slice %arg16[%mul3A_2, %dma_wait3A_102] : memref<10240x128xf32, #tpu.memory_space<vmem_shared>> -> memref<640x128xf32, #tpu.memory_space<vmem_shared>>
      %dma_wait3A_104 = arith.constant 0 : i32
      %dma_wait3A_105 = tpu.memref_slice %arg7[%mul3A_2, %dma_wait3A_104] : memref<10240x128xf32, #tpu.memory_space<hbm>> -> memref<640x128xf32, #tpu.memory_space<hbm>>
      tpu.wait_dma2 semaphore(%run_scoped3A : memref<!tpu.dma_semaphore, #tpu.memory_space<semaphore_mem>>) src(%dma_wait3A_105 : memref<640x128xf32, #tpu.memory_space<hbm>>) dst(%dma_wait3A_103 : memref<640x128xf32, #tpu.memory_space<vmem_shared>>)
      tpu.yield
    }) : () -> ()
    %dma_start3A_58 = arith.constant 0 : i32
    %dma_start3A_59 = arith.constant 0 : i32
    %dma_start3A_60 = arith.constant 0 : i32
    %dma_start3A_61 = tpu.memref_slice %arg15[%dma_start3A_58, %dma_start3A_59, %dma_start3A_60] : memref<3x80x128xf32, #tpu.memory_space<vmem>> -> memref<1x80x128xf32, #tpu.memory_space<vmem>>
    %dma_start3A_62 = tpu.memref_squeeze %dma_start3A_61 : memref<1x80x128xf32, #tpu.memory_space<vmem>> -> memref<80x128xf32, #tpu.memory_space<vmem>>
    %dma_start3A_63 = arith.constant 0 : i32
    %dma_start3A_64 = tpu.memref_slice %arg10[%dma_start3A_63] : memref<720xi32, #tpu.memory_space<vmem>> -> memref<80xi32, #tpu.memory_space<vmem>>
    %dma_start3A_65 = arith.constant 0 : i32
    %dma_start3A_66 = arith.constant 0 : i32
    %dma_start3A_67 = tpu.memref_slice %arg2[%dma_start3A_65, %dma_start3A_66] : memref<10000x128xf32, #tpu.memory_space<hbm>> -> memref<10000x128xf32, #tpu.memory_space<hbm>>
    tpu.enqueue_indirect_dma source(%dma_start3A_67 : memref<10000x128xf32, #tpu.memory_space<hbm>>) target(%dma_start3A_62 : memref<80x128xf32, #tpu.memory_space<vmem>>) offsets(%dma_start3A_64 : memref<80xi32, #tpu.memory_space<vmem>>) semaphore(%arg20 : memref<!tpu.dma_semaphore, #tpu.memory_space<semaphore_mem>>)
    %dma_start3A_68 = arith.constant 1 : i32
    %dma_start3A_69 = arith.constant 0 : i32
    %dma_start3A_70 = arith.constant 0 : i32
    %dma_start3A_71 = tpu.memref_slice %arg15[%dma_start3A_68, %dma_start3A_69, %dma_start3A_70] : memref<3x80x128xf32, #tpu.memory_space<vmem>> -> memref<1x80x128xf32, #tpu.memory_space<vmem>>
    %dma_start3A_72 = tpu.memref_squeeze %dma_start3A_71 : memref<1x80x128xf32, #tpu.memory_space<vmem>> -> memref<80x128xf32, #tpu.memory_space<vmem>>
    %dma_start3A_73 = arith.constant 80 : i32
    %dma_start3A_74 = tpu.memref_slice %arg10[%dma_start3A_73] : memref<720xi32, #tpu.memory_space<vmem>> -> memref<80xi32, #tpu.memory_space<vmem>>
    %dma_start3A_75 = arith.constant 0 : i32
    %dma_start3A_76 = arith.constant 0 : i32
    %dma_start3A_77 = tpu.memref_slice %arg2[%dma_start3A_75, %dma_start3A_76] : memref<10000x128xf32, #tpu.memory_space<hbm>> -> memref<10000x128xf32, #tpu.memory_space<hbm>>
    tpu.enqueue_indirect_dma source(%dma_start3A_77 : memref<10000x128xf32, #tpu.memory_space<hbm>>) target(%dma_start3A_72 : memref<80x128xf32, #tpu.memory_space<vmem>>) offsets(%dma_start3A_74 : memref<80xi32, #tpu.memory_space<vmem>>) semaphore(%arg21 : memref<!tpu.dma_semaphore, #tpu.memory_space<semaphore_mem>>)
    %barrier3A = arith.constant 0 : index
    tpu.barrier barrier_id(%barrier3A)
    %scan3A = arith.constant 0 : i32
    %scan3A_78 = arith.constant 0 : i32
    %scan3A_79 = arith.constant 43 : i32
    %scan3A_80 = arith.addi %scan3A_78, %scan3A_79 : i32
    %scan3A_81 = arith.constant 1 : i32
    scf.for %scan3A_98 = %scan3A_78 to %scan3A_80 step %scan3A_81  : i32 {
      %rem3A = arith.constant 3 : i32
      %rem3A_99 = arith.remsi %scan3A_98, %rem3A : i32
      %mul3A_100 = arith.constant 240 : i32
      %mul3A_101 = arith.muli %rem3A_99, %mul3A_100 : i32
      %add3A_102 = arith.constant 1 : i32
      %add3A_103 = arith.addi %scan3A_98, %add3A_102 : i32
      %rem3A_104 = arith.constant 3 : i32
      %rem3A_105 = arith.remsi %add3A_103, %rem3A_104 : i32
      %mul3A_106 = arith.constant 240 : i32
      %mul3A_107 = arith.muli %rem3A_105, %mul3A_106 : i32
      %mul3A_108 = arith.constant 3 : i32
      %mul3A_109 = arith.muli %scan3A_98, %mul3A_108 : i32
      %add3A_110 = arith.constant 0 : i32
      %add3A_111 = arith.addi %mul3A_109, %add3A_110 : i32
      %add3A_112 = arith.constant 0 : i32
      %add3A_113 = arith.addi %mul3A_101, %add3A_112 : i32
      %add3A_114 = arith.constant 0 : i32
      %add3A_115 = arith.addi %add3A_113, %add3A_114 : i32
      %get3A = arith.index_cast %add3A_115 : i32 to index
      %get3A_116 = tpu.vector_load %arg10[%get3A] {strides = array<i32>} : memref<720xi32, #tpu.memory_space<vmem>>, vector<16xi32>,
      %gather3A = tpu.vector_load_idx %arg9[%get3A_116] : memref<10240xf32, #tpu.memory_space<vmem>>[vector<16xi32>], vector<16xf32>,
      %get3A_117 = arith.index_cast %add3A_115 : i32 to index
      %get3A_118 = tpu.vector_load %arg12[%get3A_117] {strides = array<i32>} : memref<720xf32, #tpu.memory_space<vmem>>, vector<16xf32>,
      %mul3A_119 = arith.mulf %gather3A, %get3A_118 : vector<16xf32>
      %get3A_120 = arith.index_cast %add3A_115 : i32 to index
      %get3A_121 = tpu.vector_load %arg11[%get3A_120] {strides = array<i32>} : memref<720xi32, #tpu.memory_space<vmem>>, vector<16xi32>,
      %gather3A_122 = tpu.vector_load_idx %arg9[%get3A_121] : memref<10240xf32, #tpu.memory_space<vmem>>[vector<16xi32>], vector<16xf32>,
      %mul3A_123 = arith.mulf %mul3A_119, %gather3A_122 : vector<16xf32>
      %swap3A = arith.constant 0 : index
      %swap3A_124 = tpu.vector_load %arg14[%swap3A] {strides = array<i32>} : memref<80xf32, #tpu.memory_space<vmem>>, vector<16xf32>,
      tpu.vector_store %arg14[%swap3A], %mul3A_123 {strides = array<i32>} : memref<80xf32, #tpu.memory_space<vmem>>, vector<16xf32>,
      %add3A_125 = arith.constant 16 : i32
      %add3A_126 = arith.addi %add3A_113, %add3A_125 : i32
      %get3A_127 = arith.index_cast %add3A_126 : i32 to index
      %get3A_128 = tpu.vector_load %arg10[%get3A_127] {strides = array<i32>} : memref<720xi32, #tpu.memory_space<vmem>>, vector<16xi32>,
      %gather3A_129 = tpu.vector_load_idx %arg9[%get3A_128] : memref<10240xf32, #tpu.memory_space<vmem>>[vector<16xi32>], vector<16xf32>,
      %get3A_130 = arith.index_cast %add3A_126 : i32 to index
      %get3A_131 = tpu.vector_load %arg12[%get3A_130] {strides = array<i32>} : memref<720xf32, #tpu.memory_space<vmem>>, vector<16xf32>,
      %mul3A_132 = arith.mulf %gather3A_129, %get3A_131 : vector<16xf32>
      %get3A_133 = arith.index_cast %add3A_126 : i32 to index
      %get3A_134 = tpu.vector_load %arg11[%get3A_133] {strides = array<i32>} : memref<720xi32, #tpu.memory_space<vmem>>, vector<16xi32>,
      %gather3A_135 = tpu.vector_load_idx %arg9[%get3A_134] : memref<10240xf32, #tpu.memory_space<vmem>>[vector<16xi32>], vector<16xf32>,
      %mul3A_136 = arith.mulf %mul3A_132, %gather3A_135 : vector<16xf32>
      %swap3A_137 = arith.constant 16 : index
      %swap3A_138 = tpu.vector_load %arg14[%swap3A_137] {strides = array<i32>} : memref<80xf32, #tpu.memory_space<vmem>>, vector<16xf32>,
      tpu.vector_store %arg14[%swap3A_137], %mul3A_136 {strides = array<i32>} : memref<80xf32, #tpu.memory_space<vmem>>, vector<16xf32>,
      %add3A_139 = arith.constant 32 : i32
      %add3A_140 = arith.addi %add3A_113, %add3A_139 : i32
      %get3A_141 = arith.index_cast %add3A_140 : i32 to index
      %get3A_142 = tpu.vector_load %arg10[%get3A_141] {strides = array<i32>} : memref<720xi32, #tpu.memory_space<vmem>>, vector<16xi32>,
      %gather3A_143 = tpu.vector_load_idx %arg9[%get3A_142] : memref<10240xf32, #tpu.memory_space<vmem>>[vector<16xi32>], vector<16xf32>,
      %get3A_144 = arith.index_cast %add3A_140 : i32 to index
      %get3A_145 = tpu.vector_load %arg12[%get3A_144] {strides = array<i32>} : memref<720xf32, #tpu.memory_space<vmem>>, vector<16xf32>,
      %mul3A_146 = arith.mulf %gather3A_143, %get3A_145 : vector<16xf32>
      %get3A_147 = arith.index_cast %add3A_140 : i32 to index
      %get3A_148 = tpu.vector_load %arg11[%get3A_147] {strides = array<i32>} : memref<720xi32, #tpu.memory_space<vmem>>, vector<16xi32>,
      %gather3A_149 = tpu.vector_load_idx %arg9[%get3A_148] : memref<10240xf32, #tpu.memory_space<vmem>>[vector<16xi32>], vector<16xf32>,
      %mul3A_150 = arith.mulf %mul3A_146, %gather3A_149 : vector<16xf32>
      %swap3A_151 = arith.constant 32 : index
      %swap3A_152 = tpu.vector_load %arg14[%swap3A_151] {strides = array<i32>} : memref<80xf32, #tpu.memory_space<vmem>>, vector<16xf32>,
      tpu.vector_store %arg14[%swap3A_151], %mul3A_150 {strides = array<i32>} : memref<80xf32, #tpu.memory_space<vmem>>, vector<16xf32>,
      %add3A_153 = arith.constant 48 : i32
      %add3A_154 = arith.addi %add3A_113, %add3A_153 : i32
      %get3A_155 = arith.index_cast %add3A_154 : i32 to index
      %get3A_156 = tpu.vector_load %arg10[%get3A_155] {strides = array<i32>} : memref<720xi32, #tpu.memory_space<vmem>>, vector<16xi32>,
      %gather3A_157 = tpu.vector_load_idx %arg9[%get3A_156] : memref<10240xf32, #tpu.memory_space<vmem>>[vector<16xi32>], vector<16xf32>,
      %get3A_158 = arith.index_cast %add3A_154 : i32 to index
      %get3A_159 = tpu.vector_load %arg12[%get3A_158] {strides = array<i32>} : memref<720xf32, #tpu.memory_space<vmem>>, vector<16xf32>,
      %mul3A_160 = arith.mulf %gather3A_157, %get3A_159 : vector<16xf32>
      %get3A_161 = arith.index_cast %add3A_154 : i32 to index
      %get3A_162 = tpu.vector_load %arg11[%get3A_161] {strides = array<i32>} : memref<720xi32, #tpu.memory_space<vmem>>, vector<16xi32>,
      %gather3A_163 = tpu.vector_load_idx %arg9[%get3A_162] : memref<10240xf32, #tpu.memory_space<vmem>>[vector<16xi32>], vector<16xf32>,
      %mul3A_164 = arith.mulf %mul3A_160, %gather3A_163 : vector<16xf32>
      %swap3A_165 = arith.constant 48 : index
      %swap3A_166 = tpu.vector_load %arg14[%swap3A_165] {strides = array<i32>} : memref<80xf32, #tpu.memory_space<vmem>>, vector<16xf32>,
      tpu.vector_store %arg14[%swap3A_165], %mul3A_164 {strides = array<i32>} : memref<80xf32, #tpu.memory_space<vmem>>, vector<16xf32>,
      %add3A_167 = arith.constant 64 : i32
      %add3A_168 = arith.addi %add3A_113, %add3A_167 : i32
      %get3A_169 = arith.index_cast %add3A_168 : i32 to index
      %get3A_170 = tpu.vector_load %arg10[%get3A_169] {strides = array<i32>} : memref<720xi32, #tpu.memory_space<vmem>>, vector<16xi32>,
      %gather3A_171 = tpu.vector_load_idx %arg9[%get3A_170] : memref<10240xf32, #tpu.memory_space<vmem>>[vector<16xi32>], vector<16xf32>,
      %get3A_172 = arith.index_cast %add3A_168 : i32 to index
      %get3A_173 = tpu.vector_load %arg12[%get3A_172] {strides = array<i32>} : memref<720xf32, #tpu.memory_space<vmem>>, vector<16xf32>,
      %mul3A_174 = arith.mulf %gather3A_171, %get3A_173 : vector<16xf32>
      %get3A_175 = arith.index_cast %add3A_168 : i32 to index
      %get3A_176 = tpu.vector_load %arg11[%get3A_175] {strides = array<i32>} : memref<720xi32, #tpu.memory_space<vmem>>, vector<16xi32>,
      %gather3A_177 = tpu.vector_load_idx %arg9[%get3A_176] : memref<10240xf32, #tpu.memory_space<vmem>>[vector<16xi32>], vector<16xf32>,
      %mul3A_178 = arith.mulf %mul3A_174, %gather3A_177 : vector<16xf32>
      %swap3A_179 = arith.constant 64 : index
      %swap3A_180 = tpu.vector_load %arg14[%swap3A_179] {strides = array<i32>} : memref<80xf32, #tpu.memory_space<vmem>>, vector<16xf32>,
      tpu.vector_store %arg14[%swap3A_179], %mul3A_178 {strides = array<i32>} : memref<80xf32, #tpu.memory_space<vmem>>, vector<16xf32>,
      %dma_wait3A_181 = arith.constant 0 : i32
      %dma_wait3A_182 = arith.constant 0 : i32
      %dma_wait3A_183 = arith.constant 0 : i32
      %dma_wait3A_184 = tpu.memref_slice %arg15[%dma_wait3A_181, %dma_wait3A_182, %dma_wait3A_183] : memref<3x80x128xf32, #tpu.memory_space<vmem>> -> memref<1x80x128xf32, #tpu.memory_space<vmem>>
      %dma_wait3A_185 = tpu.memref_squeeze %dma_wait3A_184 : memref<1x80x128xf32, #tpu.memory_space<vmem>> -> memref<80x128xf32, #tpu.memory_space<vmem>>
      %dma_wait3A_186 = arith.constant 0 : i32
      %dma_wait3A_187 = arith.constant 0 : i32
      %dma_wait3A_188 = tpu.memref_slice %arg7[%dma_wait3A_186, %dma_wait3A_187] : memref<10240x128xf32, #tpu.memory_space<hbm>> -> memref<80x128xf32, #tpu.memory_space<hbm>>
      %dma_wait3A_189 = arith.constant 0 : i32
      %dma_wait3A_190 = arith.constant 0 : i32
      %dma_wait3A_191 = tpu.memref_slice %arg15[%dma_wait3A_181, %dma_wait3A_189, %dma_wait3A_190] : memref<3x80x128xf32, #tpu.memory_space<vmem>> -> memref<1x80x128xf32, #tpu.memory_space<vmem>>
      %dma_wait3A_192 = tpu.memref_squeeze %dma_wait3A_191 : memref<1x80x128xf32, #tpu.memory_space<vmem>> -> memref<80x128xf32, #tpu.memory_space<vmem>>
      %dma_wait3A_193 = arith.constant 0 : i32
      %dma_wait3A_194 = arith.constant 0 : i32
      %dma_wait3A_195 = tpu.memref_slice %arg7[%dma_wait3A_193, %dma_wait3A_194] : memref<10240x128xf32, #tpu.memory_space<hbm>> -> memref<80x128xf32, #tpu.memory_space<hbm>>
      tpu.wait_dma2 semaphore(%arg20 : memref<!tpu.dma_semaphore, #tpu.memory_space<semaphore_mem>>) src(%dma_wait3A_195 : memref<80x128xf32, #tpu.memory_space<hbm>>) dst(%dma_wait3A_192 : memref<80x128xf32, #tpu.memory_space<vmem>>)
      %add3A_196 = arith.constant 0 : i32
      %add3A_197 = arith.addi %add3A_113, %add3A_196 : i32
      %get3A_198 = arith.index_cast %add3A_197 : i32 to index
      %get3A_199 = tpu.vector_load %arg11[%get3A_198] {strides = array<i32>} : memref<720xi32, #tpu.memory_space<vmem>>, vector<16xi32>,
      %swap3A_200 = arith.constant 0 : i32
      %swap3A_201 = arith.index_cast %swap3A_200 : i32 to index
      %swap3A_202 = arith.constant 0 : index
      %swap3A_203 = tpu.vector_load %arg13[%swap3A_201, %swap3A_202] {strides = array<i32>} : memref<3x80xi32, #tpu.memory_space<vmem>>, vector<16xi32>,
      tpu.vector_store %arg13[%swap3A_201, %swap3A_202], %get3A_199 {strides = array<i32>} : memref<3x80xi32, #tpu.memory_space<vmem>>, vector<16xi32>,
      %add3A_204 = arith.constant 16 : i32
      %add3A_205 = arith.addi %add3A_113, %add3A_204 : i32
      %get3A_206 = arith.index_cast %add3A_205 : i32 to index
      %get3A_207 = tpu.vector_load %arg11[%get3A_206] {strides = array<i32>} : memref<720xi32, #tpu.memory_space<vmem>>, vector<16xi32>,
      %swap3A_208 = arith.constant 0 : i32
      %swap3A_209 = arith.index_cast %swap3A_208 : i32 to index
      %swap3A_210 = arith.constant 16 : index
      %swap3A_211 = tpu.vector_load %arg13[%swap3A_209, %swap3A_210] {strides = array<i32>} : memref<3x80xi32, #tpu.memory_space<vmem>>, vector<16xi32>,
      tpu.vector_store %arg13[%swap3A_209, %swap3A_210], %get3A_207 {strides = array<i32>} : memref<3x80xi32, #tpu.memory_space<vmem>>, vector<16xi32>,
      %add3A_212 = arith.constant 32 : i32
      %add3A_213 = arith.addi %add3A_113, %add3A_212 : i32
      %get3A_214 = arith.index_cast %add3A_213 : i32 to index
      %get3A_215 = tpu.vector_load %arg11[%get3A_214] {strides = array<i32>} : memref<720xi32, #tpu.memory_space<vmem>>, vector<16xi32>,
      %swap3A_216 = arith.constant 0 : i32
      %swap3A_217 = arith.index_cast %swap3A_216 : i32 to index
      %swap3A_218 = arith.constant 32 : index
      %swap3A_219 = tpu.vector_load %arg13[%swap3A_217, %swap3A_218] {strides = array<i32>} : memref<3x80xi32, #tpu.memory_space<vmem>>, vector<16xi32>,
      tpu.vector_store %arg13[%swap3A_217, %swap3A_218], %get3A_215 {strides = array<i32>} : memref<3x80xi32, #tpu.memory_space<vmem>>, vector<16xi32>,
      %add3A_220 = arith.constant 48 : i32
      %add3A_221 = arith.addi %add3A_113, %add3A_220 : i32
      %get3A_222 = arith.index_cast %add3A_221 : i32 to index
      %get3A_223 = tpu.vector_load %arg11[%get3A_222] {strides = array<i32>} : memref<720xi32, #tpu.memory_space<vmem>>, vector<16xi32>,
      %swap3A_224 = arith.constant 0 : i32
      %swap3A_225 = arith.index_cast %swap3A_224 : i32 to index
      %swap3A_226 = arith.constant 48 : index
      %swap3A_227 = tpu.vector_load %arg13[%swap3A_225, %swap3A_226] {strides = array<i32>} : memref<3x80xi32, #tpu.memory_space<vmem>>, vector<16xi32>,
      tpu.vector_store %arg13[%swap3A_225, %swap3A_226], %get3A_223 {strides = array<i32>} : memref<3x80xi32, #tpu.memory_space<vmem>>, vector<16xi32>,
      %add3A_228 = arith.constant 64 : i32
      %add3A_229 = arith.addi %add3A_113, %add3A_228 : i32
      %get3A_230 = arith.index_cast %add3A_229 : i32 to index
      %get3A_231 = tpu.vector_load %arg11[%get3A_230] {strides = array<i32>} : memref<720xi32, #tpu.memory_space<vmem>>, vector<16xi32>,
      %swap3A_232 = arith.constant 0 : i32
      %swap3A_233 = arith.index_cast %swap3A_232 : i32 to index
      %swap3A_234 = arith.constant 64 : index
      %swap3A_235 = tpu.vector_load %arg13[%swap3A_233, %swap3A_234] {strides = array<i32>} : memref<3x80xi32, #tpu.memory_space<vmem>>, vector<16xi32>,
      tpu.vector_store %arg13[%swap3A_233, %swap3A_234], %get3A_231 {strides = array<i32>} : memref<3x80xi32, #tpu.memory_space<vmem>>, vector<16xi32>,
      %parallel_loop3A = arith.constant 0 : i32
      %parallel_loop3A_236 = arith.constant 80 : i32
      %parallel_loop3A_237 = arith.constant 1 : i32
      scf.for %parallel_loop3A_645 = %parallel_loop3A to %parallel_loop3A_236 step %parallel_loop3A_237  : i32 {
        %parallel_loop3A_646 = vector.broadcast %parallel_loop3A_645 : i32 to vector<16xi32>
        %parallel_loop3A_647 = tpu.vector_load_idx %arg14[%parallel_loop3A_646] : memref<80xf32, #tpu.memory_space<vmem>>[vector<16xi32>], vector<16xf32>,
        %parallel_loop3A_648 = arith.constant 0 : i32
        %parallel_loop3A_649 = arith.index_cast %parallel_loop3A_648 : i32 to index
        %parallel_loop3A_650 = arith.index_cast %parallel_loop3A_645 : i32 to index
        %parallel_loop3A_651 = arith.constant 0 : index
        %parallel_loop3A_652 = tpu.vector_load %arg15[%parallel_loop3A_649, %parallel_loop3A_650, %parallel_loop3A_651] {strides = array<i32>} : memref<3x80x128xf32, #tpu.memory_space<vmem>>, vector<16xf32>,
        %parallel_loop3A_653 = arith.mulf %parallel_loop3A_652, %parallel_loop3A_647 : vector<16xf32>
        %parallel_loop3A_654 = arith.constant 0 : i32
        %parallel_loop3A_655 = arith.index_cast %parallel_loop3A_654 : i32 to index
        %parallel_loop3A_656 = arith.index_cast %parallel_loop3A_645 : i32 to index
        %parallel_loop3A_657 = arith.constant 0 : index
        %parallel_loop3A_658 = tpu.vector_load %arg15[%parallel_loop3A_655, %parallel_loop3A_656, %parallel_loop3A_657] {strides = array<i32>} : memref<3x80x128xf32, #tpu.memory_space<vmem>>, vector<16xf32>,
        tpu.vector_store %arg15[%parallel_loop3A_655, %parallel_loop3A_656, %parallel_loop3A_657], %parallel_loop3A_653 {strides = array<i32>} : memref<3x80x128xf32, #tpu.memory_space<vmem>>, vector<16xf32>,
        %parallel_loop3A_659 = arith.constant 0 : i32
        %parallel_loop3A_660 = arith.index_cast %parallel_loop3A_659 : i32 to index
        %parallel_loop3A_661 = arith.index_cast %parallel_loop3A_645 : i32 to index
        %parallel_loop3A_662 = arith.constant 16 : index
        %parallel_loop3A_663 = tpu.vector_load %arg15[%parallel_loop3A_660, %parallel_loop3A_661, %parallel_loop3A_662] {strides = array<i32>} : memref<3x80x128xf32, #tpu.memory_space<vmem>>, vector<16xf32>,
        %parallel_loop3A_664 = arith.mulf %parallel_loop3A_663, %parallel_loop3A_647 : vector<16xf32>
        %parallel_loop3A_665 = arith.constant 0 : i32
        %parallel_loop3A_666 = arith.index_cast %parallel_loop3A_665 : i32 to index
        %parallel_loop3A_667 = arith.index_cast %parallel_loop3A_645 : i32 to index
        %parallel_loop3A_668 = arith.constant 16 : index
        %parallel_loop3A_669 = tpu.vector_load %arg15[%parallel_loop3A_666, %parallel_loop3A_667, %parallel_loop3A_668] {strides = array<i32>} : memref<3x80x128xf32, #tpu.memory_space<vmem>>, vector<16xf32>,
        tpu.vector_store %arg15[%parallel_loop3A_666, %parallel_loop3A_667, %parallel_loop3A_668], %parallel_loop3A_664 {strides = array<i32>} : memref<3x80x128xf32, #tpu.memory_space<vmem>>, vector<16xf32>,
        %parallel_loop3A_670 = arith.constant 0 : i32
        %parallel_loop3A_671 = arith.index_cast %parallel_loop3A_670 : i32 to index
        %parallel_loop3A_672 = arith.index_cast %parallel_loop3A_645 : i32 to index
        %parallel_loop3A_673 = arith.constant 32 : index
        %parallel_loop3A_674 = tpu.vector_load %arg15[%parallel_loop3A_671, %parallel_loop3A_672, %parallel_loop3A_673] {strides = array<i32>} : memref<3x80x128xf32, #tpu.memory_space<vmem>>, vector<16xf32>,
        %parallel_loop3A_675 = arith.mulf %parallel_loop3A_674, %parallel_loop3A_647 : vector<16xf32>
        %parallel_loop3A_676 = arith.constant 0 : i32
        %parallel_loop3A_677 = arith.index_cast %parallel_loop3A_676 : i32 to index
        %parallel_loop3A_678 = arith.index_cast %parallel_loop3A_645 : i32 to index
        %parallel_loop3A_679 = arith.constant 32 : index
        %parallel_loop3A_680 = tpu.vector_load %arg15[%parallel_loop3A_677, %parallel_loop3A_678, %parallel_loop3A_679] {strides = array<i32>} : memref<3x80x128xf32, #tpu.memory_space<vmem>>, vector<16xf32>,
        tpu.vector_store %arg15[%parallel_loop3A_677, %parallel_loop3A_678, %parallel_loop3A_679], %parallel_loop3A_675 {strides = array<i32>} : memref<3x80x128xf32, #tpu.memory_space<vmem>>, vector<16xf32>,
        %parallel_loop3A_681 = arith.constant 0 : i32
        %parallel_loop3A_682 = arith.index_cast %parallel_loop3A_681 : i32 to index
        %parallel_loop3A_683 = arith.index_cast %parallel_loop3A_645 : i32 to index
        %parallel_loop3A_684 = arith.constant 48 : index
        %parallel_loop3A_685 = tpu.vector_load %arg15[%parallel_loop3A_682, %parallel_loop3A_683, %parallel_loop3A_684] {strides = array<i32>} : memref<3x80x128xf32, #tpu.memory_space<vmem>>, vector<16xf32>,
        %parallel_loop3A_686 = arith.mulf %parallel_loop3A_685, %parallel_loop3A_647 : vector<16xf32>
        %parallel_loop3A_687 = arith.constant 0 : i32
        %parallel_loop3A_688 = arith.index_cast %parallel_loop3A_687 : i32 to index
        %parallel_loop3A_689 = arith.index_cast %parallel_loop3A_645 : i32 to index
        %parallel_loop3A_690 = arith.constant 48 : index
        %parallel_loop3A_691 = tpu.vector_load %arg15[%parallel_loop3A_688, %parallel_loop3A_689, %parallel_loop3A_690] {strides = array<i32>} : memref<3x80x128xf32, #tpu.memory_space<vmem>>, vector<16xf32>,
        tpu.vector_store %arg15[%parallel_loop3A_688, %parallel_loop3A_689, %parallel_loop3A_690], %parallel_loop3A_686 {strides = array<i32>} : memref<3x80x128xf32, #tpu.memory_space<vmem>>, vector<16xf32>,
        %parallel_loop3A_692 = arith.constant 0 : i32
        %parallel_loop3A_693 = arith.index_cast %parallel_loop3A_692 : i32 to index
        %parallel_loop3A_694 = arith.index_cast %parallel_loop3A_645 : i32 to index
        %parallel_loop3A_695 = arith.constant 64 : index
        %parallel_loop3A_696 = tpu.vector_load %arg15[%parallel_loop3A_693, %parallel_loop3A_694, %parallel_loop3A_695] {strides = array<i32>} : memref<3x80x128xf32, #tpu.memory_space<vmem>>, vector<16xf32>,
        %parallel_loop3A_697 = arith.mulf %parallel_loop3A_696, %parallel_loop3A_647 : vector<16xf32>
        %parallel_loop3A_698 = arith.constant 0 : i32
        %parallel_loop3A_699 = arith.index_cast %parallel_loop3A_698 : i32 to index
        %parallel_loop3A_700 = arith.index_cast %parallel_loop3A_645 : i32 to index
        %parallel_loop3A_701 = arith.constant 64 : index
        %parallel_loop3A_702 = tpu.vector_load %arg15[%parallel_loop3A_699, %parallel_loop3A_700, %parallel_loop3A_701] {strides = array<i32>} : memref<3x80x128xf32, #tpu.memory_space<vmem>>, vector<16xf32>,
        tpu.vector_store %arg15[%parallel_loop3A_699, %parallel_loop3A_700, %parallel_loop3A_701], %parallel_loop3A_697 {strides = array<i32>} : memref<3x80x128xf32, #tpu.memory_space<vmem>>, vector<16xf32>,
        %parallel_loop3A_703 = arith.constant 0 : i32
        %parallel_loop3A_704 = arith.index_cast %parallel_loop3A_703 : i32 to index
        %parallel_loop3A_705 = arith.index_cast %parallel_loop3A_645 : i32 to index
        %parallel_loop3A_706 = arith.constant 80 : index
        %parallel_loop3A_707 = tpu.vector_load %arg15[%parallel_loop3A_704, %parallel_loop3A_705, %parallel_loop3A_706] {strides = array<i32>} : memref<3x80x128xf32, #tpu.memory_space<vmem>>, vector<16xf32>,
        %parallel_loop3A_708 = arith.mulf %parallel_loop3A_707, %parallel_loop3A_647 : vector<16xf32>
        %parallel_loop3A_709 = arith.constant 0 : i32
        %parallel_loop3A_710 = arith.index_cast %parallel_loop3A_709 : i32 to index
        %parallel_loop3A_711 = arith.index_cast %parallel_loop3A_645 : i32 to index
        %parallel_loop3A_712 = arith.constant 80 : index
        %parallel_loop3A_713 = tpu.vector_load %arg15[%parallel_loop3A_710, %parallel_loop3A_711, %parallel_loop3A_712] {strides = array<i32>} : memref<3x80x128xf32, #tpu.memory_space<vmem>>, vector<16xf32>,
        tpu.vector_store %arg15[%parallel_loop3A_710, %parallel_loop3A_711, %parallel_loop3A_712], %parallel_loop3A_708 {strides = array<i32>} : memref<3x80x128xf32, #tpu.memory_space<vmem>>, vector<16xf32>,
        %parallel_loop3A_714 = arith.constant 0 : i32
        %parallel_loop3A_715 = arith.index_cast %parallel_loop3A_714 : i32 to index
        %parallel_loop3A_716 = arith.index_cast %parallel_loop3A_645 : i32 to index
        %parallel_loop3A_717 = arith.constant 96 : index
        %parallel_loop3A_718 = tpu.vector_load %arg15[%parallel_loop3A_715, %parallel_loop3A_716, %parallel_loop3A_717] {strides = array<i32>} : memref<3x80x128xf32, #tpu.memory_space<vmem>>, vector<16xf32>,
        %parallel_loop3A_719 = arith.mulf %parallel_loop3A_718, %parallel_loop3A_647 : vector<16xf32>
        %parallel_loop3A_720 = arith.constant 0 : i32
        %parallel_loop3A_721 = arith.index_cast %parallel_loop3A_720 : i32 to index
        %parallel_loop3A_722 = arith.index_cast %parallel_loop3A_645 : i32 to index
        %parallel_loop3A_723 = arith.constant 96 : index
        %parallel_loop3A_724 = tpu.vector_load %arg15[%parallel_loop3A_721, %parallel_loop3A_722, %parallel_loop3A_723] {strides = array<i32>} : memref<3x80x128xf32, #tpu.memory_space<vmem>>, vector<16xf32>,
        tpu.vector_store %arg15[%parallel_loop3A_721, %parallel_loop3A_722, %parallel_loop3A_723], %parallel_loop3A_719 {strides = array<i32>} : memref<3x80x128xf32, #tpu.memory_space<vmem>>, vector<16xf32>,
        %parallel_loop3A_725 = arith.constant 0 : i32
        %parallel_loop3A_726 = arith.index_cast %parallel_loop3A_725 : i32 to index
        %parallel_loop3A_727 = arith.index_cast %parallel_loop3A_645 : i32 to index
        %parallel_loop3A_728 = arith.constant 112 : index
        %parallel_loop3A_729 = tpu.vector_load %arg15[%parallel_loop3A_726, %parallel_loop3A_727, %parallel_loop3A_728] {strides = array<i32>} : memref<3x80x128xf32, #tpu.memory_space<vmem>>, vector<16xf32>,
        %parallel_loop3A_730 = arith.mulf %parallel_loop3A_729, %parallel_loop3A_647 : vector<16xf32>
        %parallel_loop3A_731 = arith.constant 0 : i32
        %parallel_loop3A_732 = arith.index_cast %parallel_loop3A_731 : i32 to index
        %parallel_loop3A_733 = arith.index_cast %parallel_loop3A_645 : i32 to index
        %parallel_loop3A_734 = arith.constant 112 : index
        %parallel_loop3A_735 = tpu.vector_load %arg15[%parallel_loop3A_732, %parallel_loop3A_733, %parallel_loop3A_734] {strides = array<i32>} : memref<3x80x128xf32, #tpu.memory_space<vmem>>, vector<16xf32>,
        tpu.vector_store %arg15[%parallel_loop3A_732, %parallel_loop3A_733, %parallel_loop3A_734], %parallel_loop3A_730 {strides = array<i32>} : memref<3x80x128xf32, #tpu.memory_space<vmem>>, vector<16xf32>,
      } {sc.loop_unroll_factor = 8 : i64, sc.parallel_access}
      %ge3A = arith.constant 1 : i32
      %ge3A_238 = arith.cmpi sge, %add3A_111, %ge3A : i32
      %convert_element_type3A = arith.extui %ge3A_238 : i1 to i32
      %cond3A = arith.constant 0 : i32
      %cond3A_239 = arith.cmpi ne, %convert_element_type3A, %cond3A : i32
      scf.if %cond3A_239 {
        %dma_wait3A_645 = arith.constant 2 : i32
        %dma_wait3A_646 = arith.constant 0 : i32
        %dma_wait3A_647 = arith.constant 0 : i32
        %dma_wait3A_648 = tpu.memref_slice %arg15[%dma_wait3A_645, %dma_wait3A_646, %dma_wait3A_647] : memref<3x80x128xf32, #tpu.memory_space<vmem>> -> memref<1x80x128xf32, #tpu.memory_space<vmem>>
        %dma_wait3A_649 = tpu.memref_squeeze %dma_wait3A_648 : memref<1x80x128xf32, #tpu.memory_space<vmem>> -> memref<80x128xf32, #tpu.memory_space<vmem>>
        %dma_wait3A_650 = arith.constant 0 : i32
        %dma_wait3A_651 = arith.constant 0 : i32
        %dma_wait3A_652 = tpu.memref_slice %arg7[%dma_wait3A_650, %dma_wait3A_651] : memref<10240x128xf32, #tpu.memory_space<hbm>> -> memref<80x128xf32, #tpu.memory_space<hbm>>
        %dma_wait3A_653 = arith.constant 0 : i32
        %dma_wait3A_654 = arith.constant 0 : i32
        %dma_wait3A_655 = tpu.memref_slice %arg15[%dma_wait3A_645, %dma_wait3A_653, %dma_wait3A_654] : memref<3x80x128xf32, #tpu.memory_space<vmem>> -> memref<1x80x128xf32, #tpu.memory_space<vmem>>
        %dma_wait3A_656 = tpu.memref_squeeze %dma_wait3A_655 : memref<1x80x128xf32, #tpu.memory_space<vmem>> -> memref<80x128xf32, #tpu.memory_space<vmem>>
        %dma_wait3A_657 = arith.constant 0 : i32
        %dma_wait3A_658 = arith.constant 0 : i32
        %dma_wait3A_659 = tpu.memref_slice %arg7[%dma_wait3A_657, %dma_wait3A_658] : memref<10240x128xf32, #tpu.memory_space<hbm>> -> memref<80x128xf32, #tpu.memory_space<hbm>>
        tpu.wait_dma2 semaphore(%arg25 : memref<!tpu.dma_semaphore, #tpu.memory_space<semaphore_mem>>) src(%dma_wait3A_659 : memref<80x128xf32, #tpu.memory_space<hbm>>) dst(%dma_wait3A_656 : memref<80x128xf32, #tpu.memory_space<vmem>>)
      } else {
      }
      %rem3A_240 = arith.constant 3 : i32
      %rem3A_241 = arith.remsi %scan3A_98, %rem3A_240 : i32
      %eq3A = arith.constant 0 : i32
      %eq3A_242 = arith.cmpi eq, %rem3A_241, %eq3A : i32
      %ge3A_243 = arith.constant 1 : i32
      %ge3A_244 = arith.cmpi sge, %scan3A_98, %ge3A_243 : i32
      %and3A = arith.andi %eq3A_242, %ge3A_244 : i1
      %add3A_245 = arith.constant 2 : i32
      %add3A_246 = arith.addi %scan3A_98, %add3A_245 : i32
      %lt3A = arith.constant 43 : i32
      %lt3A_247 = arith.cmpi slt, %add3A_246, %lt3A : i32
      %and3A_248 = arith.andi %and3A, %lt3A_247 : i1
      %convert_element_type3A_249 = arith.extui %and3A_248 : i1 to i32
      %cond3A_250 = arith.constant 0 : i32
      %cond3A_251 = arith.cmpi ne, %convert_element_type3A_249, %cond3A_250 : i32
      scf.if %cond3A_251 {
        %add3A_645 = arith.constant 2 : i32
        %add3A_646 = arith.addi %scan3A_98, %add3A_645 : i32
        %mul3A_647 = arith.constant 240 : i32
        %mul3A_648 = arith.muli %add3A_646, %mul3A_647 : i32
        %add3A_649 = arith.addi %mul3A_4, %mul3A_648 : i32
        %dma_start3A_650 = arith.constant 480 : i32
        %dma_start3A_651 = tpu.memref_slice %arg10[%dma_start3A_650] : memref<720xi32, #tpu.memory_space<vmem>> -> memref<240xi32, #tpu.memory_space<vmem>>
        %dma_start3A_652 = tpu.memref_slice %arg3[%add3A_649] : memref<330240xi32, #tpu.memory_space<hbm>> -> memref<240xi32, #tpu.memory_space<hbm>>
        %dma_start3A_653 = arith.constant 480 : i32
        %dma_start3A_654 = tpu.memref_slice %arg10[%dma_start3A_653] : memref<720xi32, #tpu.memory_space<vmem>> -> memref<240xi32, #tpu.memory_space<vmem>>
        %dma_start3A_655 = tpu.memref_slice %arg3[%add3A_649] : memref<330240xi32, #tpu.memory_space<hbm>> -> memref<240xi32, #tpu.memory_space<hbm>>
        tpu.enqueue_dma source(%dma_start3A_655 : memref<240xi32, #tpu.memory_space<hbm>>) target(%dma_start3A_654 : memref<240xi32, #tpu.memory_space<vmem>>) target_semaphore(%arg19 : memref<!tpu.dma_semaphore, #tpu.memory_space<semaphore_mem>>)
        %add3A_656 = arith.addi %mul3A_4, %mul3A_648 : i32
        %dma_start3A_657 = arith.constant 480 : i32
        %dma_start3A_658 = tpu.memref_slice %arg11[%dma_start3A_657] : memref<720xi32, #tpu.memory_space<vmem>> -> memref<240xi32, #tpu.memory_space<vmem>>
        %dma_start3A_659 = tpu.memref_slice %arg4[%add3A_656] : memref<330240xi32, #tpu.memory_space<hbm>> -> memref<240xi32, #tpu.memory_space<hbm>>
        %dma_start3A_660 = arith.constant 480 : i32
        %dma_start3A_661 = tpu.memref_slice %arg11[%dma_start3A_660] : memref<720xi32, #tpu.memory_space<vmem>> -> memref<240xi32, #tpu.memory_space<vmem>>
        %dma_start3A_662 = tpu.memref_slice %arg4[%add3A_656] : memref<330240xi32, #tpu.memory_space<hbm>> -> memref<240xi32, #tpu.memory_space<hbm>>
        tpu.enqueue_dma source(%dma_start3A_662 : memref<240xi32, #tpu.memory_space<hbm>>) target(%dma_start3A_661 : memref<240xi32, #tpu.memory_space<vmem>>) target_semaphore(%arg19 : memref<!tpu.dma_semaphore, #tpu.memory_space<semaphore_mem>>)
        %add3A_663 = arith.addi %mul3A_4, %mul3A_648 : i32
        %dma_start3A_664 = arith.constant 480 : i32
        %dma_start3A_665 = tpu.memref_slice %arg12[%dma_start3A_664] : memref<720xf32, #tpu.memory_space<vmem>> -> memref<240xf32, #tpu.memory_space<vmem>>
        %dma_start3A_666 = tpu.memref_slice %arg5[%add3A_663] : memref<330240xf32, #tpu.memory_space<hbm>> -> memref<240xf32, #tpu.memory_space<hbm>>
        %dma_start3A_667 = arith.constant 480 : i32
        %dma_start3A_668 = tpu.memref_slice %arg12[%dma_start3A_667] : memref<720xf32, #tpu.memory_space<vmem>> -> memref<240xf32, #tpu.memory_space<vmem>>
        %dma_start3A_669 = tpu.memref_slice %arg5[%add3A_663] : memref<330240xf32, #tpu.memory_space<hbm>> -> memref<240xf32, #tpu.memory_space<hbm>>
        tpu.enqueue_dma source(%dma_start3A_669 : memref<240xf32, #tpu.memory_space<hbm>>) target(%dma_start3A_668 : memref<240xf32, #tpu.memory_space<vmem>>) target_semaphore(%arg19 : memref<!tpu.dma_semaphore, #tpu.memory_space<semaphore_mem>>)
      } else {
      }
      %eq3A_252 = arith.constant 1 : i32
      %eq3A_253 = arith.cmpi eq, %rem3A_241, %eq3A_252 : i32
      %ge3A_254 = arith.constant 1 : i32
      %ge3A_255 = arith.cmpi sge, %scan3A_98, %ge3A_254 : i32
      %and3A_256 = arith.andi %eq3A_253, %ge3A_255 : i1
      %add3A_257 = arith.constant 2 : i32
      %add3A_258 = arith.addi %scan3A_98, %add3A_257 : i32
      %lt3A_259 = arith.constant 43 : i32
      %lt3A_260 = arith.cmpi slt, %add3A_258, %lt3A_259 : i32
      %and3A_261 = arith.andi %and3A_256, %lt3A_260 : i1
      %convert_element_type3A_262 = arith.extui %and3A_261 : i1 to i32
      %cond3A_263 = arith.constant 0 : i32
      %cond3A_264 = arith.cmpi ne, %convert_element_type3A_262, %cond3A_263 : i32
      scf.if %cond3A_264 {
        %add3A_645 = arith.constant 2 : i32
        %add3A_646 = arith.addi %scan3A_98, %add3A_645 : i32
        %mul3A_647 = arith.constant 240 : i32
        %mul3A_648 = arith.muli %add3A_646, %mul3A_647 : i32
        %add3A_649 = arith.addi %mul3A_4, %mul3A_648 : i32
        %dma_start3A_650 = arith.constant 0 : i32
        %dma_start3A_651 = tpu.memref_slice %arg10[%dma_start3A_650] : memref<720xi32, #tpu.memory_space<vmem>> -> memref<240xi32, #tpu.memory_space<vmem>>
        %dma_start3A_652 = tpu.memref_slice %arg3[%add3A_649] : memref<330240xi32, #tpu.memory_space<hbm>> -> memref<240xi32, #tpu.memory_space<hbm>>
        %dma_start3A_653 = arith.constant 0 : i32
        %dma_start3A_654 = tpu.memref_slice %arg10[%dma_start3A_653] : memref<720xi32, #tpu.memory_space<vmem>> -> memref<240xi32, #tpu.memory_space<vmem>>
        %dma_start3A_655 = tpu.memref_slice %arg3[%add3A_649] : memref<330240xi32, #tpu.memory_space<hbm>> -> memref<240xi32, #tpu.memory_space<hbm>>
        tpu.enqueue_dma source(%dma_start3A_655 : memref<240xi32, #tpu.memory_space<hbm>>) target(%dma_start3A_654 : memref<240xi32, #tpu.memory_space<vmem>>) target_semaphore(%arg17 : memref<!tpu.dma_semaphore, #tpu.memory_space<semaphore_mem>>)
        %add3A_656 = arith.addi %mul3A_4, %mul3A_648 : i32
        %dma_start3A_657 = arith.constant 0 : i32
        %dma_start3A_658 = tpu.memref_slice %arg11[%dma_start3A_657] : memref<720xi32, #tpu.memory_space<vmem>> -> memref<240xi32, #tpu.memory_space<vmem>>
        %dma_start3A_659 = tpu.memref_slice %arg4[%add3A_656] : memref<330240xi32, #tpu.memory_space<hbm>> -> memref<240xi32, #tpu.memory_space<hbm>>
        %dma_start3A_660 = arith.constant 0 : i32
        %dma_start3A_661 = tpu.memref_slice %arg11[%dma_start3A_660] : memref<720xi32, #tpu.memory_space<vmem>> -> memref<240xi32, #tpu.memory_space<vmem>>
        %dma_start3A_662 = tpu.memref_slice %arg4[%add3A_656] : memref<330240xi32, #tpu.memory_space<hbm>> -> memref<240xi32, #tpu.memory_space<hbm>>
        tpu.enqueue_dma source(%dma_start3A_662 : memref<240xi32, #tpu.memory_space<hbm>>) target(%dma_start3A_661 : memref<240xi32, #tpu.memory_space<vmem>>) target_semaphore(%arg17 : memref<!tpu.dma_semaphore, #tpu.memory_space<semaphore_mem>>)
        %add3A_663 = arith.addi %mul3A_4, %mul3A_648 : i32
        %dma_start3A_664 = arith.constant 0 : i32
        %dma_start3A_665 = tpu.memref_slice %arg12[%dma_start3A_664] : memref<720xf32, #tpu.memory_space<vmem>> -> memref<240xf32, #tpu.memory_space<vmem>>
        %dma_start3A_666 = tpu.memref_slice %arg5[%add3A_663] : memref<330240xf32, #tpu.memory_space<hbm>> -> memref<240xf32, #tpu.memory_space<hbm>>
        %dma_start3A_667 = arith.constant 0 : i32
        %dma_start3A_668 = tpu.memref_slice %arg12[%dma_start3A_667] : memref<720xf32, #tpu.memory_space<vmem>> -> memref<240xf32, #tpu.memory_space<vmem>>
        %dma_start3A_669 = tpu.memref_slice %arg5[%add3A_663] : memref<330240xf32, #tpu.memory_space<hbm>> -> memref<240xf32, #tpu.memory_space<hbm>>
        tpu.enqueue_dma source(%dma_start3A_669 : memref<240xf32, #tpu.memory_space<hbm>>) target(%dma_start3A_668 : memref<240xf32, #tpu.memory_space<vmem>>) target_semaphore(%arg17 : memref<!tpu.dma_semaphore, #tpu.memory_space<semaphore_mem>>)
      } else {
      }
      %eq3A_265 = arith.constant 2 : i32
      %eq3A_266 = arith.cmpi eq, %rem3A_241, %eq3A_265 : i32
      %ge3A_267 = arith.constant 1 : i32
      %ge3A_268 = arith.cmpi sge, %scan3A_98, %ge3A_267 : i32
      %and3A_269 = arith.andi %eq3A_266, %ge3A_268 : i1
      %add3A_270 = arith.constant 2 : i32
      %add3A_271 = arith.addi %scan3A_98, %add3A_270 : i32
      %lt3A_272 = arith.constant 43 : i32
      %lt3A_273 = arith.cmpi slt, %add3A_271, %lt3A_272 : i32
      %and3A_274 = arith.andi %and3A_269, %lt3A_273 : i1
      %convert_element_type3A_275 = arith.extui %and3A_274 : i1 to i32
      %cond3A_276 = arith.constant 0 : i32
      %cond3A_277 = arith.cmpi ne, %convert_element_type3A_275, %cond3A_276 : i32
      scf.if %cond3A_277 {
        %add3A_645 = arith.constant 2 : i32
        %add3A_646 = arith.addi %scan3A_98, %add3A_645 : i32
        %mul3A_647 = arith.constant 240 : i32
        %mul3A_648 = arith.muli %add3A_646, %mul3A_647 : i32
        %add3A_649 = arith.addi %mul3A_4, %mul3A_648 : i32
        %dma_start3A_650 = arith.constant 240 : i32
        %dma_start3A_651 = tpu.memref_slice %arg10[%dma_start3A_650] : memref<720xi32, #tpu.memory_space<vmem>> -> memref<240xi32, #tpu.memory_space<vmem>>
        %dma_start3A_652 = tpu.memref_slice %arg3[%add3A_649] : memref<330240xi32, #tpu.memory_space<hbm>> -> memref<240xi32, #tpu.memory_space<hbm>>
        %dma_start3A_653 = arith.constant 240 : i32
        %dma_start3A_654 = tpu.memref_slice %arg10[%dma_start3A_653] : memref<720xi32, #tpu.memory_space<vmem>> -> memref<240xi32, #tpu.memory_space<vmem>>
        %dma_start3A_655 = tpu.memref_slice %arg3[%add3A_649] : memref<330240xi32, #tpu.memory_space<hbm>> -> memref<240xi32, #tpu.memory_space<hbm>>
        tpu.enqueue_dma source(%dma_start3A_655 : memref<240xi32, #tpu.memory_space<hbm>>) target(%dma_start3A_654 : memref<240xi32, #tpu.memory_space<vmem>>) target_semaphore(%arg18 : memref<!tpu.dma_semaphore, #tpu.memory_space<semaphore_mem>>)
        %add3A_656 = arith.addi %mul3A_4, %mul3A_648 : i32
        %dma_start3A_657 = arith.constant 240 : i32
        %dma_start3A_658 = tpu.memref_slice %arg11[%dma_start3A_657] : memref<720xi32, #tpu.memory_space<vmem>> -> memref<240xi32, #tpu.memory_space<vmem>>
        %dma_start3A_659 = tpu.memref_slice %arg4[%add3A_656] : memref<330240xi32, #tpu.memory_space<hbm>> -> memref<240xi32, #tpu.memory_space<hbm>>
        %dma_start3A_660 = arith.constant 240 : i32
        %dma_start3A_661 = tpu.memref_slice %arg11[%dma_start3A_660] : memref<720xi32, #tpu.memory_space<vmem>> -> memref<240xi32, #tpu.memory_space<vmem>>
        %dma_start3A_662 = tpu.memref_slice %arg4[%add3A_656] : memref<330240xi32, #tpu.memory_space<hbm>> -> memref<240xi32, #tpu.memory_space<hbm>>
        tpu.enqueue_dma source(%dma_start3A_662 : memref<240xi32, #tpu.memory_space<hbm>>) target(%dma_start3A_661 : memref<240xi32, #tpu.memory_space<vmem>>) target_semaphore(%arg18 : memref<!tpu.dma_semaphore, #tpu.memory_space<semaphore_mem>>)
        %add3A_663 = arith.addi %mul3A_4, %mul3A_648 : i32
        %dma_start3A_664 = arith.constant 240 : i32
        %dma_start3A_665 = tpu.memref_slice %arg12[%dma_start3A_664] : memref<720xf32, #tpu.memory_space<vmem>> -> memref<240xf32, #tpu.memory_space<vmem>>
        %dma_start3A_666 = tpu.memref_slice %arg5[%add3A_663] : memref<330240xf32, #tpu.memory_space<hbm>> -> memref<240xf32, #tpu.memory_space<hbm>>
        %dma_start3A_667 = arith.constant 240 : i32
        %dma_start3A_668 = tpu.memref_slice %arg12[%dma_start3A_667] : memref<720xf32, #tpu.memory_space<vmem>> -> memref<240xf32, #tpu.memory_space<vmem>>
        %dma_start3A_669 = tpu.memref_slice %arg5[%add3A_663] : memref<330240xf32, #tpu.memory_space<hbm>> -> memref<240xf32, #tpu.memory_space<hbm>>
        tpu.enqueue_dma source(%dma_start3A_669 : memref<240xf32, #tpu.memory_space<hbm>>) target(%dma_start3A_668 : memref<240xf32, #tpu.memory_space<vmem>>) target_semaphore(%arg18 : memref<!tpu.dma_semaphore, #tpu.memory_space<semaphore_mem>>)
      } else {
      }
      %add3A_278 = arith.constant 2 : i32
      %add3A_279 = arith.addi %add3A_111, %add3A_278 : i32
      %lt3A_280 = arith.constant 129 : i32
      %lt3A_281 = arith.cmpi slt, %add3A_279, %lt3A_280 : i32
      %convert_element_type3A_282 = arith.extui %lt3A_281 : i1 to i32
      %cond3A_283 = arith.constant 0 : i32
      %cond3A_284 = arith.cmpi ne, %convert_element_type3A_282, %cond3A_283 : i32
      scf.if %cond3A_284 {
        %add3A_645 = arith.constant 160 : i32
        %add3A_646 = arith.addi %mul3A_101, %add3A_645 : i32
        %dma_start3A_647 = arith.constant 2 : i32
        %dma_start3A_648 = arith.constant 0 : i32
        %dma_start3A_649 = arith.constant 0 : i32
        %dma_start3A_650 = tpu.memref_slice %arg15[%dma_start3A_647, %dma_start3A_648, %dma_start3A_649] : memref<3x80x128xf32, #tpu.memory_space<vmem>> -> memref<1x80x128xf32, #tpu.memory_space<vmem>>
        %dma_start3A_651 = tpu.memref_squeeze %dma_start3A_650 : memref<1x80x128xf32, #tpu.memory_space<vmem>> -> memref<80x128xf32, #tpu.memory_space<vmem>>
        %dma_start3A_652 = tpu.memref_slice %arg10[%add3A_646] : memref<720xi32, #tpu.memory_space<vmem>> -> memref<80xi32, #tpu.memory_space<vmem>>
        %dma_start3A_653 = arith.constant 0 : i32
        %dma_start3A_654 = arith.constant 0 : i32
        %dma_start3A_655 = tpu.memref_slice %arg2[%dma_start3A_653, %dma_start3A_654] : memref<10000x128xf32, #tpu.memory_space<hbm>> -> memref<10000x128xf32, #tpu.memory_space<hbm>>
        tpu.enqueue_indirect_dma source(%dma_start3A_655 : memref<10000x128xf32, #tpu.memory_space<hbm>>) target(%dma_start3A_651 : memref<80x128xf32, #tpu.memory_space<vmem>>) offsets(%dma_start3A_652 : memref<80xi32, #tpu.memory_space<vmem>>) semaphore(%arg22 : memref<!tpu.dma_semaphore, #tpu.memory_space<semaphore_mem>>)
      } else {
      }
      %dma_start3A_285 = arith.constant 0 : i32
      %dma_start3A_286 = arith.constant 0 : i32
      %dma_start3A_287 = arith.constant 0 : i32
      %dma_start3A_288 = arith.constant 0 : i32
      %dma_start3A_289 = tpu.memref_slice %arg15[%dma_start3A_285, %dma_start3A_287, %dma_start3A_288] : memref<3x80x128xf32, #tpu.memory_space<vmem>> -> memref<1x80x128xf32, #tpu.memory_space<vmem>>
      %dma_start3A_290 = tpu.memref_squeeze %dma_start3A_289 : memref<1x80x128xf32, #tpu.memory_space<vmem>> -> memref<80x128xf32, #tpu.memory_space<vmem>>
      %dma_start3A_291 = arith.constant 0 : i32
      %dma_start3A_292 = tpu.memref_slice %arg13[%dma_start3A_286, %dma_start3A_291] : memref<3x80xi32, #tpu.memory_space<vmem>> -> memref<1x80xi32, #tpu.memory_space<vmem>>
      %dma_start3A_293 = tpu.memref_squeeze %dma_start3A_292 : memref<1x80xi32, #tpu.memory_space<vmem>> -> memref<80xi32, #tpu.memory_space<vmem>>
      %dma_start3A_294 = arith.constant 0 : i32
      %dma_start3A_295 = arith.constant 0 : i32
      %dma_start3A_296 = tpu.memref_slice %arg16[%dma_start3A_294, %dma_start3A_295] : memref<10240x128xf32, #tpu.memory_space<vmem_shared>> -> memref<10240x128xf32, #tpu.memory_space<vmem_shared>>
      tpu.enqueue_indirect_dma source(%dma_start3A_290 : memref<80x128xf32, #tpu.memory_space<vmem>>) target(%dma_start3A_296 : memref<10240x128xf32, #tpu.memory_space<vmem_shared>>) offsets(%dma_start3A_293 : memref<80xi32, #tpu.memory_space<vmem>>) semaphore(%arg23 : memref<!tpu.dma_semaphore, #tpu.memory_space<semaphore_mem>>) {add = true}
      %mul3A_297 = arith.constant 3 : i32
      %mul3A_298 = arith.muli %scan3A_98, %mul3A_297 : i32
      %add3A_299 = arith.constant 1 : i32
      %add3A_300 = arith.addi %mul3A_298, %add3A_299 : i32
      %add3A_301 = arith.constant 80 : i32
      %add3A_302 = arith.addi %mul3A_101, %add3A_301 : i32
      %add3A_303 = arith.constant 0 : i32
      %add3A_304 = arith.addi %add3A_302, %add3A_303 : i32
      %get3A_305 = arith.index_cast %add3A_304 : i32 to index
      %get3A_306 = tpu.vector_load %arg10[%get3A_305] {strides = array<i32>} : memref<720xi32, #tpu.memory_space<vmem>>, vector<16xi32>,
      %gather3A_307 = tpu.vector_load_idx %arg9[%get3A_306] : memref<10240xf32, #tpu.memory_space<vmem>>[vector<16xi32>], vector<16xf32>,
      %get3A_308 = arith.index_cast %add3A_304 : i32 to index
      %get3A_309 = tpu.vector_load %arg12[%get3A_308] {strides = array<i32>} : memref<720xf32, #tpu.memory_space<vmem>>, vector<16xf32>,
      %mul3A_310 = arith.mulf %gather3A_307, %get3A_309 : vector<16xf32>
      %get3A_311 = arith.index_cast %add3A_304 : i32 to index
      %get3A_312 = tpu.vector_load %arg11[%get3A_311] {strides = array<i32>} : memref<720xi32, #tpu.memory_space<vmem>>, vector<16xi32>,
      %gather3A_313 = tpu.vector_load_idx %arg9[%get3A_312] : memref<10240xf32, #tpu.memory_space<vmem>>[vector<16xi32>], vector<16xf32>,
      %mul3A_314 = arith.mulf %mul3A_310, %gather3A_313 : vector<16xf32>
      %swap3A_315 = arith.constant 0 : index
      %swap3A_316 = tpu.vector_load %arg14[%swap3A_315] {strides = array<i32>} : memref<80xf32, #tpu.memory_space<vmem>>, vector<16xf32>,
      tpu.vector_store %arg14[%swap3A_315], %mul3A_314 {strides = array<i32>} : memref<80xf32, #tpu.memory_space<vmem>>, vector<16xf32>,
      %add3A_317 = arith.constant 16 : i32
      %add3A_318 = arith.addi %add3A_302, %add3A_317 : i32
      %get3A_319 = arith.index_cast %add3A_318 : i32 to index
      %get3A_320 = tpu.vector_load %arg10[%get3A_319] {strides = array<i32>} : memref<720xi32, #tpu.memory_space<vmem>>, vector<16xi32>,
      %gather3A_321 = tpu.vector_load_idx %arg9[%get3A_320] : memref<10240xf32, #tpu.memory_space<vmem>>[vector<16xi32>], vector<16xf32>,
      %get3A_322 = arith.index_cast %add3A_318 : i32 to index
      %get3A_323 = tpu.vector_load %arg12[%get3A_322] {strides = array<i32>} : memref<720xf32, #tpu.memory_space<vmem>>, vector<16xf32>,
      %mul3A_324 = arith.mulf %gather3A_321, %get3A_323 : vector<16xf32>
      %get3A_325 = arith.index_cast %add3A_318 : i32 to index
      %get3A_326 = tpu.vector_load %arg11[%get3A_325] {strides = array<i32>} : memref<720xi32, #tpu.memory_space<vmem>>, vector<16xi32>,
      %gather3A_327 = tpu.vector_load_idx %arg9[%get3A_326] : memref<10240xf32, #tpu.memory_space<vmem>>[vector<16xi32>], vector<16xf32>,
      %mul3A_328 = arith.mulf %mul3A_324, %gather3A_327 : vector<16xf32>
      %swap3A_329 = arith.constant 16 : index
      %swap3A_330 = tpu.vector_load %arg14[%swap3A_329] {strides = array<i32>} : memref<80xf32, #tpu.memory_space<vmem>>, vector<16xf32>,
      tpu.vector_store %arg14[%swap3A_329], %mul3A_328 {strides = array<i32>} : memref<80xf32, #tpu.memory_space<vmem>>, vector<16xf32>,
      %add3A_331 = arith.constant 32 : i32
      %add3A_332 = arith.addi %add3A_302, %add3A_331 : i32
      %get3A_333 = arith.index_cast %add3A_332 : i32 to index
      %get3A_334 = tpu.vector_load %arg10[%get3A_333] {strides = array<i32>} : memref<720xi32, #tpu.memory_space<vmem>>, vector<16xi32>,
      %gather3A_335 = tpu.vector_load_idx %arg9[%get3A_334] : memref<10240xf32, #tpu.memory_space<vmem>>[vector<16xi32>], vector<16xf32>,
      %get3A_336 = arith.index_cast %add3A_332 : i32 to index
      %get3A_337 = tpu.vector_load %arg12[%get3A_336] {strides = array<i32>} : memref<720xf32, #tpu.memory_space<vmem>>, vector<16xf32>,
      %mul3A_338 = arith.mulf %gather3A_335, %get3A_337 : vector<16xf32>
      %get3A_339 = arith.index_cast %add3A_332 : i32 to index
      %get3A_340 = tpu.vector_load %arg11[%get3A_339] {strides = array<i32>} : memref<720xi32, #tpu.memory_space<vmem>>, vector<16xi32>,
      %gather3A_341 = tpu.vector_load_idx %arg9[%get3A_340] : memref<10240xf32, #tpu.memory_space<vmem>>[vector<16xi32>], vector<16xf32>,
      %mul3A_342 = arith.mulf %mul3A_338, %gather3A_341 : vector<16xf32>
      %swap3A_343 = arith.constant 32 : index
      %swap3A_344 = tpu.vector_load %arg14[%swap3A_343] {strides = array<i32>} : memref<80xf32, #tpu.memory_space<vmem>>, vector<16xf32>,
      tpu.vector_store %arg14[%swap3A_343], %mul3A_342 {strides = array<i32>} : memref<80xf32, #tpu.memory_space<vmem>>, vector<16xf32>,
      %add3A_345 = arith.constant 48 : i32
      %add3A_346 = arith.addi %add3A_302, %add3A_345 : i32
      %get3A_347 = arith.index_cast %add3A_346 : i32 to index
      %get3A_348 = tpu.vector_load %arg10[%get3A_347] {strides = array<i32>} : memref<720xi32, #tpu.memory_space<vmem>>, vector<16xi32>,
      %gather3A_349 = tpu.vector_load_idx %arg9[%get3A_348] : memref<10240xf32, #tpu.memory_space<vmem>>[vector<16xi32>], vector<16xf32>,
      %get3A_350 = arith.index_cast %add3A_346 : i32 to index
      %get3A_351 = tpu.vector_load %arg12[%get3A_350] {strides = array<i32>} : memref<720xf32, #tpu.memory_space<vmem>>, vector<16xf32>,
      %mul3A_352 = arith.mulf %gather3A_349, %get3A_351 : vector<16xf32>
      %get3A_353 = arith.index_cast %add3A_346 : i32 to index
      %get3A_354 = tpu.vector_load %arg11[%get3A_353] {strides = array<i32>} : memref<720xi32, #tpu.memory_space<vmem>>, vector<16xi32>,
      %gather3A_355 = tpu.vector_load_idx %arg9[%get3A_354] : memref<10240xf32, #tpu.memory_space<vmem>>[vector<16xi32>], vector<16xf32>,
      %mul3A_356 = arith.mulf %mul3A_352, %gather3A_355 : vector<16xf32>
      %swap3A_357 = arith.constant 48 : index
      %swap3A_358 = tpu.vector_load %arg14[%swap3A_357] {strides = array<i32>} : memref<80xf32, #tpu.memory_space<vmem>>, vector<16xf32>,
      tpu.vector_store %arg14[%swap3A_357], %mul3A_356 {strides = array<i32>} : memref<80xf32, #tpu.memory_space<vmem>>, vector<16xf32>,
      %add3A_359 = arith.constant 64 : i32
      %add3A_360 = arith.addi %add3A_302, %add3A_359 : i32
      %get3A_361 = arith.index_cast %add3A_360 : i32 to index
      %get3A_362 = tpu.vector_load %arg10[%get3A_361] {strides = array<i32>} : memref<720xi32, #tpu.memory_space<vmem>>, vector<16xi32>,
      %gather3A_363 = tpu.vector_load_idx %arg9[%get3A_362] : memref<10240xf32, #tpu.memory_space<vmem>>[vector<16xi32>], vector<16xf32>,
      %get3A_364 = arith.index_cast %add3A_360 : i32 to index
      %get3A_365 = tpu.vector_load %arg12[%get3A_364] {strides = array<i32>} : memref<720xf32, #tpu.memory_space<vmem>>, vector<16xf32>,
      %mul3A_366 = arith.mulf %gather3A_363, %get3A_365 : vector<16xf32>
      %get3A_367 = arith.index_cast %add3A_360 : i32 to index
      %get3A_368 = tpu.vector_load %arg11[%get3A_367] {strides = array<i32>} : memref<720xi32, #tpu.memory_space<vmem>>, vector<16xi32>,
      %gather3A_369 = tpu.vector_load_idx %arg9[%get3A_368] : memref<10240xf32, #tpu.memory_space<vmem>>[vector<16xi32>], vector<16xf32>,
      %mul3A_370 = arith.mulf %mul3A_366, %gather3A_369 : vector<16xf32>
      %swap3A_371 = arith.constant 64 : index
      %swap3A_372 = tpu.vector_load %arg14[%swap3A_371] {strides = array<i32>} : memref<80xf32, #tpu.memory_space<vmem>>, vector<16xf32>,
      tpu.vector_store %arg14[%swap3A_371], %mul3A_370 {strides = array<i32>} : memref<80xf32, #tpu.memory_space<vmem>>, vector<16xf32>,
      %dma_wait3A_373 = arith.constant 1 : i32
      %dma_wait3A_374 = arith.constant 0 : i32
      %dma_wait3A_375 = arith.constant 0 : i32
      %dma_wait3A_376 = tpu.memref_slice %arg15[%dma_wait3A_373, %dma_wait3A_374, %dma_wait3A_375] : memref<3x80x128xf32, #tpu.memory_space<vmem>> -> memref<1x80x128xf32, #tpu.memory_space<vmem>>
      %dma_wait3A_377 = tpu.memref_squeeze %dma_wait3A_376 : memref<1x80x128xf32, #tpu.memory_space<vmem>> -> memref<80x128xf32, #tpu.memory_space<vmem>>
      %dma_wait3A_378 = arith.constant 0 : i32
      %dma_wait3A_379 = arith.constant 0 : i32
      %dma_wait3A_380 = tpu.memref_slice %arg7[%dma_wait3A_378, %dma_wait3A_379] : memref<10240x128xf32, #tpu.memory_space<hbm>> -> memref<80x128xf32, #tpu.memory_space<hbm>>
      %dma_wait3A_381 = arith.constant 0 : i32
      %dma_wait3A_382 = arith.constant 0 : i32
      %dma_wait3A_383 = tpu.memref_slice %arg15[%dma_wait3A_373, %dma_wait3A_381, %dma_wait3A_382] : memref<3x80x128xf32, #tpu.memory_space<vmem>> -> memref<1x80x128xf32, #tpu.memory_space<vmem>>
      %dma_wait3A_384 = tpu.memref_squeeze %dma_wait3A_383 : memref<1x80x128xf32, #tpu.memory_space<vmem>> -> memref<80x128xf32, #tpu.memory_space<vmem>>
      %dma_wait3A_385 = arith.constant 0 : i32
      %dma_wait3A_386 = arith.constant 0 : i32
      %dma_wait3A_387 = tpu.memref_slice %arg7[%dma_wait3A_385, %dma_wait3A_386] : memref<10240x128xf32, #tpu.memory_space<hbm>> -> memref<80x128xf32, #tpu.memory_space<hbm>>
      tpu.wait_dma2 semaphore(%arg21 : memref<!tpu.dma_semaphore, #tpu.memory_space<semaphore_mem>>) src(%dma_wait3A_387 : memref<80x128xf32, #tpu.memory_space<hbm>>) dst(%dma_wait3A_384 : memref<80x128xf32, #tpu.memory_space<vmem>>)
      %add3A_388 = arith.constant 0 : i32
      %add3A_389 = arith.addi %add3A_302, %add3A_388 : i32
      %get3A_390 = arith.index_cast %add3A_389 : i32 to index
      %get3A_391 = tpu.vector_load %arg11[%get3A_390] {strides = array<i32>} : memref<720xi32, #tpu.memory_space<vmem>>, vector<16xi32>,
      %swap3A_392 = arith.constant 1 : i32
      %swap3A_393 = arith.index_cast %swap3A_392 : i32 to index
      %swap3A_394 = arith.constant 0 : index
      %swap3A_395 = tpu.vector_load %arg13[%swap3A_393, %swap3A_394] {strides = array<i32>} : memref<3x80xi32, #tpu.memory_space<vmem>>, vector<16xi32>,
      tpu.vector_store %arg13[%swap3A_393, %swap3A_394], %get3A_391 {strides = array<i32>} : memref<3x80xi32, #tpu.memory_space<vmem>>, vector<16xi32>,
      %add3A_396 = arith.constant 16 : i32
      %add3A_397 = arith.addi %add3A_302, %add3A_396 : i32
      %get3A_398 = arith.index_cast %add3A_397 : i32 to index
      %get3A_399 = tpu.vector_load %arg11[%get3A_398] {strides = array<i32>} : memref<720xi32, #tpu.memory_space<vmem>>, vector<16xi32>,
      %swap3A_400 = arith.constant 1 : i32
      %swap3A_401 = arith.index_cast %swap3A_400 : i32 to index
      %swap3A_402 = arith.constant 16 : index
      %swap3A_403 = tpu.vector_load %arg13[%swap3A_401, %swap3A_402] {strides = array<i32>} : memref<3x80xi32, #tpu.memory_space<vmem>>, vector<16xi32>,
      tpu.vector_store %arg13[%swap3A_401, %swap3A_402], %get3A_399 {strides = array<i32>} : memref<3x80xi32, #tpu.memory_space<vmem>>, vector<16xi32>,
      %add3A_404 = arith.constant 32 : i32
      %add3A_405 = arith.addi %add3A_302, %add3A_404 : i32
      %get3A_406 = arith.index_cast %add3A_405 : i32 to index
      %get3A_407 = tpu.vector_load %arg11[%get3A_406] {strides = array<i32>} : memref<720xi32, #tpu.memory_space<vmem>>, vector<16xi32>,
      %swap3A_408 = arith.constant 1 : i32
      %swap3A_409 = arith.index_cast %swap3A_408 : i32 to index
      %swap3A_410 = arith.constant 32 : index
      %swap3A_411 = tpu.vector_load %arg13[%swap3A_409, %swap3A_410] {strides = array<i32>} : memref<3x80xi32, #tpu.memory_space<vmem>>, vector<16xi32>,
      tpu.vector_store %arg13[%swap3A_409, %swap3A_410], %get3A_407 {strides = array<i32>} : memref<3x80xi32, #tpu.memory_space<vmem>>, vector<16xi32>,
      %add3A_412 = arith.constant 48 : i32
      %add3A_413 = arith.addi %add3A_302, %add3A_412 : i32
      %get3A_414 = arith.index_cast %add3A_413 : i32 to index
      %get3A_415 = tpu.vector_load %arg11[%get3A_414] {strides = array<i32>} : memref<720xi32, #tpu.memory_space<vmem>>, vector<16xi32>,
      %swap3A_416 = arith.constant 1 : i32
      %swap3A_417 = arith.index_cast %swap3A_416 : i32 to index
      %swap3A_418 = arith.constant 48 : index
      %swap3A_419 = tpu.vector_load %arg13[%swap3A_417, %swap3A_418] {strides = array<i32>} : memref<3x80xi32, #tpu.memory_space<vmem>>, vector<16xi32>,
      tpu.vector_store %arg13[%swap3A_417, %swap3A_418], %get3A_415 {strides = array<i32>} : memref<3x80xi32, #tpu.memory_space<vmem>>, vector<16xi32>,
      %add3A_420 = arith.constant 64 : i32
      %add3A_421 = arith.addi %add3A_302, %add3A_420 : i32
      %get3A_422 = arith.index_cast %add3A_421 : i32 to index
      %get3A_423 = tpu.vector_load %arg11[%get3A_422] {strides = array<i32>} : memref<720xi32, #tpu.memory_space<vmem>>, vector<16xi32>,
      %swap3A_424 = arith.constant 1 : i32
      %swap3A_425 = arith.index_cast %swap3A_424 : i32 to index
      %swap3A_426 = arith.constant 64 : index
      %swap3A_427 = tpu.vector_load %arg13[%swap3A_425, %swap3A_426] {strides = array<i32>} : memref<3x80xi32, #tpu.memory_space<vmem>>, vector<16xi32>,
      tpu.vector_store %arg13[%swap3A_425, %swap3A_426], %get3A_423 {strides = array<i32>} : memref<3x80xi32, #tpu.memory_space<vmem>>, vector<16xi32>,
      %parallel_loop3A_428 = arith.constant 0 : i32
      %parallel_loop3A_429 = arith.constant 80 : i32
      %parallel_loop3A_430 = arith.constant 1 : i32
      scf.for %parallel_loop3A_645 = %parallel_loop3A_428 to %parallel_loop3A_429 step %parallel_loop3A_430  : i32 {
        %parallel_loop3A_646 = vector.broadcast %parallel_loop3A_645 : i32 to vector<16xi32>
        %parallel_loop3A_647 = tpu.vector_load_idx %arg14[%parallel_loop3A_646] : memref<80xf32, #tpu.memory_space<vmem>>[vector<16xi32>], vector<16xf32>,
        %parallel_loop3A_648 = arith.constant 1 : i32
        %parallel_loop3A_649 = arith.index_cast %parallel_loop3A_648 : i32 to index
        %parallel_loop3A_650 = arith.index_cast %parallel_loop3A_645 : i32 to index
        %parallel_loop3A_651 = arith.constant 0 : index
        %parallel_loop3A_652 = tpu.vector_load %arg15[%parallel_loop3A_649, %parallel_loop3A_650, %parallel_loop3A_651] {strides = array<i32>} : memref<3x80x128xf32, #tpu.memory_space<vmem>>, vector<16xf32>,
        %parallel_loop3A_653 = arith.mulf %parallel_loop3A_652, %parallel_loop3A_647 : vector<16xf32>
        %parallel_loop3A_654 = arith.constant 1 : i32
        %parallel_loop3A_655 = arith.index_cast %parallel_loop3A_654 : i32 to index
        %parallel_loop3A_656 = arith.index_cast %parallel_loop3A_645 : i32 to index
        %parallel_loop3A_657 = arith.constant 0 : index
        %parallel_loop3A_658 = tpu.vector_load %arg15[%parallel_loop3A_655, %parallel_loop3A_656, %parallel_loop3A_657] {strides = array<i32>} : memref<3x80x128xf32, #tpu.memory_space<vmem>>, vector<16xf32>,
        tpu.vector_store %arg15[%parallel_loop3A_655, %parallel_loop3A_656, %parallel_loop3A_657], %parallel_loop3A_653 {strides = array<i32>} : memref<3x80x128xf32, #tpu.memory_space<vmem>>, vector<16xf32>,
        %parallel_loop3A_659 = arith.constant 1 : i32
        %parallel_loop3A_660 = arith.index_cast %parallel_loop3A_659 : i32 to index
        %parallel_loop3A_661 = arith.index_cast %parallel_loop3A_645 : i32 to index
        %parallel_loop3A_662 = arith.constant 16 : index
        %parallel_loop3A_663 = tpu.vector_load %arg15[%parallel_loop3A_660, %parallel_loop3A_661, %parallel_loop3A_662] {strides = array<i32>} : memref<3x80x128xf32, #tpu.memory_space<vmem>>, vector<16xf32>,
        %parallel_loop3A_664 = arith.mulf %parallel_loop3A_663, %parallel_loop3A_647 : vector<16xf32>
        %parallel_loop3A_665 = arith.constant 1 : i32
        %parallel_loop3A_666 = arith.index_cast %parallel_loop3A_665 : i32 to index
        %parallel_loop3A_667 = arith.index_cast %parallel_loop3A_645 : i32 to index
        %parallel_loop3A_668 = arith.constant 16 : index
        %parallel_loop3A_669 = tpu.vector_load %arg15[%parallel_loop3A_666, %parallel_loop3A_667, %parallel_loop3A_668] {strides = array<i32>} : memref<3x80x128xf32, #tpu.memory_space<vmem>>, vector<16xf32>,
        tpu.vector_store %arg15[%parallel_loop3A_666, %parallel_loop3A_667, %parallel_loop3A_668], %parallel_loop3A_664 {strides = array<i32>} : memref<3x80x128xf32, #tpu.memory_space<vmem>>, vector<16xf32>,
        %parallel_loop3A_670 = arith.constant 1 : i32
        %parallel_loop3A_671 = arith.index_cast %parallel_loop3A_670 : i32 to index
        %parallel_loop3A_672 = arith.index_cast %parallel_loop3A_645 : i32 to index
        %parallel_loop3A_673 = arith.constant 32 : index
        %parallel_loop3A_674 = tpu.vector_load %arg15[%parallel_loop3A_671, %parallel_loop3A_672, %parallel_loop3A_673] {strides = array<i32>} : memref<3x80x128xf32, #tpu.memory_space<vmem>>, vector<16xf32>,
        %parallel_loop3A_675 = arith.mulf %parallel_loop3A_674, %parallel_loop3A_647 : vector<16xf32>
        %parallel_loop3A_676 = arith.constant 1 : i32
        %parallel_loop3A_677 = arith.index_cast %parallel_loop3A_676 : i32 to index
        %parallel_loop3A_678 = arith.index_cast %parallel_loop3A_645 : i32 to index
        %parallel_loop3A_679 = arith.constant 32 : index
        %parallel_loop3A_680 = tpu.vector_load %arg15[%parallel_loop3A_677, %parallel_loop3A_678, %parallel_loop3A_679] {strides = array<i32>} : memref<3x80x128xf32, #tpu.memory_space<vmem>>, vector<16xf32>,
        tpu.vector_store %arg15[%parallel_loop3A_677, %parallel_loop3A_678, %parallel_loop3A_679], %parallel_loop3A_675 {strides = array<i32>} : memref<3x80x128xf32, #tpu.memory_space<vmem>>, vector<16xf32>,
        %parallel_loop3A_681 = arith.constant 1 : i32
        %parallel_loop3A_682 = arith.index_cast %parallel_loop3A_681 : i32 to index
        %parallel_loop3A_683 = arith.index_cast %parallel_loop3A_645 : i32 to index
        %parallel_loop3A_684 = arith.constant 48 : index
        %parallel_loop3A_685 = tpu.vector_load %arg15[%parallel_loop3A_682, %parallel_loop3A_683, %parallel_loop3A_684] {strides = array<i32>} : memref<3x80x128xf32, #tpu.memory_space<vmem>>, vector<16xf32>,
        %parallel_loop3A_686 = arith.mulf %parallel_loop3A_685, %parallel_loop3A_647 : vector<16xf32>
        %parallel_loop3A_687 = arith.constant 1 : i32
        %parallel_loop3A_688 = arith.index_cast %parallel_loop3A_687 : i32 to index
        %parallel_loop3A_689 = arith.index_cast %parallel_loop3A_645 : i32 to index
        %parallel_loop3A_690 = arith.constant 48 : index
        %parallel_loop3A_691 = tpu.vector_load %arg15[%parallel_loop3A_688, %parallel_loop3A_689, %parallel_loop3A_690] {strides = array<i32>} : memref<3x80x128xf32, #tpu.memory_space<vmem>>, vector<16xf32>,
        tpu.vector_store %arg15[%parallel_loop3A_688, %parallel_loop3A_689, %parallel_loop3A_690], %parallel_loop3A_686 {strides = array<i32>} : memref<3x80x128xf32, #tpu.memory_space<vmem>>, vector<16xf32>,
        %parallel_loop3A_692 = arith.constant 1 : i32
        %parallel_loop3A_693 = arith.index_cast %parallel_loop3A_692 : i32 to index
        %parallel_loop3A_694 = arith.index_cast %parallel_loop3A_645 : i32 to index
        %parallel_loop3A_695 = arith.constant 64 : index
        %parallel_loop3A_696 = tpu.vector_load %arg15[%parallel_loop3A_693, %parallel_loop3A_694, %parallel_loop3A_695] {strides = array<i32>} : memref<3x80x128xf32, #tpu.memory_space<vmem>>, vector<16xf32>,
        %parallel_loop3A_697 = arith.mulf %parallel_loop3A_696, %parallel_loop3A_647 : vector<16xf32>
        %parallel_loop3A_698 = arith.constant 1 : i32
        %parallel_loop3A_699 = arith.index_cast %parallel_loop3A_698 : i32 to index
        %parallel_loop3A_700 = arith.index_cast %parallel_loop3A_645 : i32 to index
        %parallel_loop3A_701 = arith.constant 64 : index
        %parallel_loop3A_702 = tpu.vector_load %arg15[%parallel_loop3A_699, %parallel_loop3A_700, %parallel_loop3A_701] {strides = array<i32>} : memref<3x80x128xf32, #tpu.memory_space<vmem>>, vector<16xf32>,
        tpu.vector_store %arg15[%parallel_loop3A_699, %parallel_loop3A_700, %parallel_loop3A_701], %parallel_loop3A_697 {strides = array<i32>} : memref<3x80x128xf32, #tpu.memory_space<vmem>>, vector<16xf32>,
        %parallel_loop3A_703 = arith.constant 1 : i32
        %parallel_loop3A_704 = arith.index_cast %parallel_loop3A_703 : i32 to index
        %parallel_loop3A_705 = arith.index_cast %parallel_loop3A_645 : i32 to index
        %parallel_loop3A_706 = arith.constant 80 : index
        %parallel_loop3A_707 = tpu.vector_load %arg15[%parallel_loop3A_704, %parallel_loop3A_705, %parallel_loop3A_706] {strides = array<i32>} : memref<3x80x128xf32, #tpu.memory_space<vmem>>, vector<16xf32>,
        %parallel_loop3A_708 = arith.mulf %parallel_loop3A_707, %parallel_loop3A_647 : vector<16xf32>
        %parallel_loop3A_709 = arith.constant 1 : i32
        %parallel_loop3A_710 = arith.index_cast %parallel_loop3A_709 : i32 to index
        %parallel_loop3A_711 = arith.index_cast %parallel_loop3A_645 : i32 to index
        %parallel_loop3A_712 = arith.constant 80 : index
        %parallel_loop3A_713 = tpu.vector_load %arg15[%parallel_loop3A_710, %parallel_loop3A_711, %parallel_loop3A_712] {strides = array<i32>} : memref<3x80x128xf32, #tpu.memory_space<vmem>>, vector<16xf32>,
        tpu.vector_store %arg15[%parallel_loop3A_710, %parallel_loop3A_711, %parallel_loop3A_712], %parallel_loop3A_708 {strides = array<i32>} : memref<3x80x128xf32, #tpu.memory_space<vmem>>, vector<16xf32>,
        %parallel_loop3A_714 = arith.constant 1 : i32
        %parallel_loop3A_715 = arith.index_cast %parallel_loop3A_714 : i32 to index
        %parallel_loop3A_716 = arith.index_cast %parallel_loop3A_645 : i32 to index
        %parallel_loop3A_717 = arith.constant 96 : index
        %parallel_loop3A_718 = tpu.vector_load %arg15[%parallel_loop3A_715, %parallel_loop3A_716, %parallel_loop3A_717] {strides = array<i32>} : memref<3x80x128xf32, #tpu.memory_space<vmem>>, vector<16xf32>,
        %parallel_loop3A_719 = arith.mulf %parallel_loop3A_718, %parallel_loop3A_647 : vector<16xf32>
        %parallel_loop3A_720 = arith.constant 1 : i32
        %parallel_loop3A_721 = arith.index_cast %parallel_loop3A_720 : i32 to index
        %parallel_loop3A_722 = arith.index_cast %parallel_loop3A_645 : i32 to index
        %parallel_loop3A_723 = arith.constant 96 : index
        %parallel_loop3A_724 = tpu.vector_load %arg15[%parallel_loop3A_721, %parallel_loop3A_722, %parallel_loop3A_723] {strides = array<i32>} : memref<3x80x128xf32, #tpu.memory_space<vmem>>, vector<16xf32>,
        tpu.vector_store %arg15[%parallel_loop3A_721, %parallel_loop3A_722, %parallel_loop3A_723], %parallel_loop3A_719 {strides = array<i32>} : memref<3x80x128xf32, #tpu.memory_space<vmem>>, vector<16xf32>,
        %parallel_loop3A_725 = arith.constant 1 : i32
        %parallel_loop3A_726 = arith.index_cast %parallel_loop3A_725 : i32 to index
        %parallel_loop3A_727 = arith.index_cast %parallel_loop3A_645 : i32 to index
        %parallel_loop3A_728 = arith.constant 112 : index
        %parallel_loop3A_729 = tpu.vector_load %arg15[%parallel_loop3A_726, %parallel_loop3A_727, %parallel_loop3A_728] {strides = array<i32>} : memref<3x80x128xf32, #tpu.memory_space<vmem>>, vector<16xf32>,
        %parallel_loop3A_730 = arith.mulf %parallel_loop3A_729, %parallel_loop3A_647 : vector<16xf32>
        %parallel_loop3A_731 = arith.constant 1 : i32
        %parallel_loop3A_732 = arith.index_cast %parallel_loop3A_731 : i32 to index
        %parallel_loop3A_733 = arith.index_cast %parallel_loop3A_645 : i32 to index
        %parallel_loop3A_734 = arith.constant 112 : index
        %parallel_loop3A_735 = tpu.vector_load %arg15[%parallel_loop3A_732, %parallel_loop3A_733, %parallel_loop3A_734] {strides = array<i32>} : memref<3x80x128xf32, #tpu.memory_space<vmem>>, vector<16xf32>,
        tpu.vector_store %arg15[%parallel_loop3A_732, %parallel_loop3A_733, %parallel_loop3A_734], %parallel_loop3A_730 {strides = array<i32>} : memref<3x80x128xf32, #tpu.memory_space<vmem>>, vector<16xf32>,
      } {sc.loop_unroll_factor = 8 : i64, sc.parallel_access}
      %ge3A_431 = arith.constant 1 : i32
      %ge3A_432 = arith.cmpi sge, %add3A_300, %ge3A_431 : i32
      %convert_element_type3A_433 = arith.extui %ge3A_432 : i1 to i32
      %cond3A_434 = arith.constant 0 : i32
      %cond3A_435 = arith.cmpi ne, %convert_element_type3A_433, %cond3A_434 : i32
      scf.if %cond3A_435 {
        %dma_wait3A_645 = arith.constant 0 : i32
        %dma_wait3A_646 = arith.constant 0 : i32
        %dma_wait3A_647 = arith.constant 0 : i32
        %dma_wait3A_648 = tpu.memref_slice %arg15[%dma_wait3A_645, %dma_wait3A_646, %dma_wait3A_647] : memref<3x80x128xf32, #tpu.memory_space<vmem>> -> memref<1x80x128xf32, #tpu.memory_space<vmem>>
        %dma_wait3A_649 = tpu.memref_squeeze %dma_wait3A_648 : memref<1x80x128xf32, #tpu.memory_space<vmem>> -> memref<80x128xf32, #tpu.memory_space<vmem>>
        %dma_wait3A_650 = arith.constant 0 : i32
        %dma_wait3A_651 = arith.constant 0 : i32
        %dma_wait3A_652 = tpu.memref_slice %arg7[%dma_wait3A_650, %dma_wait3A_651] : memref<10240x128xf32, #tpu.memory_space<hbm>> -> memref<80x128xf32, #tpu.memory_space<hbm>>
        %dma_wait3A_653 = arith.constant 0 : i32
        %dma_wait3A_654 = arith.constant 0 : i32
        %dma_wait3A_655 = tpu.memref_slice %arg15[%dma_wait3A_645, %dma_wait3A_653, %dma_wait3A_654] : memref<3x80x128xf32, #tpu.memory_space<vmem>> -> memref<1x80x128xf32, #tpu.memory_space<vmem>>
        %dma_wait3A_656 = tpu.memref_squeeze %dma_wait3A_655 : memref<1x80x128xf32, #tpu.memory_space<vmem>> -> memref<80x128xf32, #tpu.memory_space<vmem>>
        %dma_wait3A_657 = arith.constant 0 : i32
        %dma_wait3A_658 = arith.constant 0 : i32
        %dma_wait3A_659 = tpu.memref_slice %arg7[%dma_wait3A_657, %dma_wait3A_658] : memref<10240x128xf32, #tpu.memory_space<hbm>> -> memref<80x128xf32, #tpu.memory_space<hbm>>
        tpu.wait_dma2 semaphore(%arg23 : memref<!tpu.dma_semaphore, #tpu.memory_space<semaphore_mem>>) src(%dma_wait3A_659 : memref<80x128xf32, #tpu.memory_space<hbm>>) dst(%dma_wait3A_656 : memref<80x128xf32, #tpu.memory_space<vmem>>)
      } else {
      }
      %rem3A_436 = arith.constant 3 : i32
      %rem3A_437 = arith.remsi %scan3A_98, %rem3A_436 : i32
      %eq3A_438 = arith.constant 0 : i32
      %eq3A_439 = arith.cmpi eq, %rem3A_437, %eq3A_438 : i32
      %add3A_440 = arith.constant 1 : i32
      %add3A_441 = arith.addi %scan3A_98, %add3A_440 : i32
      %lt3A_442 = arith.constant 43 : i32
      %lt3A_443 = arith.cmpi slt, %add3A_441, %lt3A_442 : i32
      %and3A_444 = arith.andi %eq3A_439, %lt3A_443 : i1
      %convert_element_type3A_445 = arith.extui %and3A_444 : i1 to i32
      %cond3A_446 = arith.constant 0 : i32
      %cond3A_447 = arith.cmpi ne, %convert_element_type3A_445, %cond3A_446 : i32
      scf.if %cond3A_447 {
        %dma_wait3A_645 = arith.constant 0 : i32
        %dma_wait3A_646 = tpu.memref_slice %arg10[%dma_wait3A_645] : memref<720xi32, #tpu.memory_space<vmem>> -> memref<240xi32, #tpu.memory_space<vmem>>
        %dma_wait3A_647 = arith.constant 0 : i32
        %dma_wait3A_648 = tpu.memref_slice %arg3[%dma_wait3A_647] : memref<330240xi32, #tpu.memory_space<hbm>> -> memref<240xi32, #tpu.memory_space<hbm>>
        %dma_wait3A_649 = arith.constant 0 : i32
        %dma_wait3A_650 = tpu.memref_slice %arg10[%dma_wait3A_649] : memref<720xi32, #tpu.memory_space<vmem>> -> memref<240xi32, #tpu.memory_space<vmem>>
        %dma_wait3A_651 = arith.constant 0 : i32
        %dma_wait3A_652 = tpu.memref_slice %arg3[%dma_wait3A_651] : memref<330240xi32, #tpu.memory_space<hbm>> -> memref<240xi32, #tpu.memory_space<hbm>>
        tpu.wait_dma2 semaphore(%arg18 : memref<!tpu.dma_semaphore, #tpu.memory_space<semaphore_mem>>) src(%dma_wait3A_652 : memref<240xi32, #tpu.memory_space<hbm>>) dst(%dma_wait3A_650 : memref<240xi32, #tpu.memory_space<vmem>>)
        %dma_wait3A_653 = arith.constant 0 : i32
        %dma_wait3A_654 = tpu.memref_slice %arg11[%dma_wait3A_653] : memref<720xi32, #tpu.memory_space<vmem>> -> memref<240xi32, #tpu.memory_space<vmem>>
        %dma_wait3A_655 = arith.constant 0 : i32
        %dma_wait3A_656 = tpu.memref_slice %arg3[%dma_wait3A_655] : memref<330240xi32, #tpu.memory_space<hbm>> -> memref<240xi32, #tpu.memory_space<hbm>>
        %dma_wait3A_657 = arith.constant 0 : i32
        %dma_wait3A_658 = tpu.memref_slice %arg11[%dma_wait3A_657] : memref<720xi32, #tpu.memory_space<vmem>> -> memref<240xi32, #tpu.memory_space<vmem>>
        %dma_wait3A_659 = arith.constant 0 : i32
        %dma_wait3A_660 = tpu.memref_slice %arg3[%dma_wait3A_659] : memref<330240xi32, #tpu.memory_space<hbm>> -> memref<240xi32, #tpu.memory_space<hbm>>
        tpu.wait_dma2 semaphore(%arg18 : memref<!tpu.dma_semaphore, #tpu.memory_space<semaphore_mem>>) src(%dma_wait3A_660 : memref<240xi32, #tpu.memory_space<hbm>>) dst(%dma_wait3A_658 : memref<240xi32, #tpu.memory_space<vmem>>)
        %dma_wait3A_661 = arith.constant 0 : i32
        %dma_wait3A_662 = tpu.memref_slice %arg12[%dma_wait3A_661] : memref<720xf32, #tpu.memory_space<vmem>> -> memref<240xf32, #tpu.memory_space<vmem>>
        %dma_wait3A_663 = arith.constant 0 : i32
        %dma_wait3A_664 = tpu.memref_slice %arg3[%dma_wait3A_663] : memref<330240xi32, #tpu.memory_space<hbm>> -> memref<240xi32, #tpu.memory_space<hbm>>
        %dma_wait3A_665 = arith.constant 0 : i32
        %dma_wait3A_666 = tpu.memref_slice %arg12[%dma_wait3A_665] : memref<720xf32, #tpu.memory_space<vmem>> -> memref<240xf32, #tpu.memory_space<vmem>>
        %dma_wait3A_667 = arith.constant 0 : i32
        %dma_wait3A_668 = tpu.memref_slice %arg3[%dma_wait3A_667] : memref<330240xi32, #tpu.memory_space<hbm>> -> memref<240xi32, #tpu.memory_space<hbm>>
        tpu.wait_dma2 semaphore(%arg18 : memref<!tpu.dma_semaphore, #tpu.memory_space<semaphore_mem>>) src(%dma_wait3A_668 : memref<240xi32, #tpu.memory_space<hbm>>) dst(%dma_wait3A_666 : memref<240xf32, #tpu.memory_space<vmem>>)
      } else {
      }
      %eq3A_448 = arith.constant 1 : i32
      %eq3A_449 = arith.cmpi eq, %rem3A_437, %eq3A_448 : i32
      %add3A_450 = arith.constant 1 : i32
      %add3A_451 = arith.addi %scan3A_98, %add3A_450 : i32
      %lt3A_452 = arith.constant 43 : i32
      %lt3A_453 = arith.cmpi slt, %add3A_451, %lt3A_452 : i32
      %and3A_454 = arith.andi %eq3A_449, %lt3A_453 : i1
      %convert_element_type3A_455 = arith.extui %and3A_454 : i1 to i32
      %cond3A_456 = arith.constant 0 : i32
      %cond3A_457 = arith.cmpi ne, %convert_element_type3A_455, %cond3A_456 : i32
      scf.if %cond3A_457 {
        %dma_wait3A_645 = arith.constant 0 : i32
        %dma_wait3A_646 = tpu.memref_slice %arg10[%dma_wait3A_645] : memref<720xi32, #tpu.memory_space<vmem>> -> memref<240xi32, #tpu.memory_space<vmem>>
        %dma_wait3A_647 = arith.constant 0 : i32
        %dma_wait3A_648 = tpu.memref_slice %arg3[%dma_wait3A_647] : memref<330240xi32, #tpu.memory_space<hbm>> -> memref<240xi32, #tpu.memory_space<hbm>>
        %dma_wait3A_649 = arith.constant 0 : i32
        %dma_wait3A_650 = tpu.memref_slice %arg10[%dma_wait3A_649] : memref<720xi32, #tpu.memory_space<vmem>> -> memref<240xi32, #tpu.memory_space<vmem>>
        %dma_wait3A_651 = arith.constant 0 : i32
        %dma_wait3A_652 = tpu.memref_slice %arg3[%dma_wait3A_651] : memref<330240xi32, #tpu.memory_space<hbm>> -> memref<240xi32, #tpu.memory_space<hbm>>
        tpu.wait_dma2 semaphore(%arg19 : memref<!tpu.dma_semaphore, #tpu.memory_space<semaphore_mem>>) src(%dma_wait3A_652 : memref<240xi32, #tpu.memory_space<hbm>>) dst(%dma_wait3A_650 : memref<240xi32, #tpu.memory_space<vmem>>)
        %dma_wait3A_653 = arith.constant 0 : i32
        %dma_wait3A_654 = tpu.memref_slice %arg11[%dma_wait3A_653] : memref<720xi32, #tpu.memory_space<vmem>> -> memref<240xi32, #tpu.memory_space<vmem>>
        %dma_wait3A_655 = arith.constant 0 : i32
        %dma_wait3A_656 = tpu.memref_slice %arg3[%dma_wait3A_655] : memref<330240xi32, #tpu.memory_space<hbm>> -> memref<240xi32, #tpu.memory_space<hbm>>
        %dma_wait3A_657 = arith.constant 0 : i32
        %dma_wait3A_658 = tpu.memref_slice %arg11[%dma_wait3A_657] : memref<720xi32, #tpu.memory_space<vmem>> -> memref<240xi32, #tpu.memory_space<vmem>>
        %dma_wait3A_659 = arith.constant 0 : i32
        %dma_wait3A_660 = tpu.memref_slice %arg3[%dma_wait3A_659] : memref<330240xi32, #tpu.memory_space<hbm>> -> memref<240xi32, #tpu.memory_space<hbm>>
        tpu.wait_dma2 semaphore(%arg19 : memref<!tpu.dma_semaphore, #tpu.memory_space<semaphore_mem>>) src(%dma_wait3A_660 : memref<240xi32, #tpu.memory_space<hbm>>) dst(%dma_wait3A_658 : memref<240xi32, #tpu.memory_space<vmem>>)
        %dma_wait3A_661 = arith.constant 0 : i32
        %dma_wait3A_662 = tpu.memref_slice %arg12[%dma_wait3A_661] : memref<720xf32, #tpu.memory_space<vmem>> -> memref<240xf32, #tpu.memory_space<vmem>>
        %dma_wait3A_663 = arith.constant 0 : i32
        %dma_wait3A_664 = tpu.memref_slice %arg3[%dma_wait3A_663] : memref<330240xi32, #tpu.memory_space<hbm>> -> memref<240xi32, #tpu.memory_space<hbm>>
        %dma_wait3A_665 = arith.constant 0 : i32
        %dma_wait3A_666 = tpu.memref_slice %arg12[%dma_wait3A_665] : memref<720xf32, #tpu.memory_space<vmem>> -> memref<240xf32, #tpu.memory_space<vmem>>
        %dma_wait3A_667 = arith.constant 0 : i32
        %dma_wait3A_668 = tpu.memref_slice %arg3[%dma_wait3A_667] : memref<330240xi32, #tpu.memory_space<hbm>> -> memref<240xi32, #tpu.memory_space<hbm>>
        tpu.wait_dma2 semaphore(%arg19 : memref<!tpu.dma_semaphore, #tpu.memory_space<semaphore_mem>>) src(%dma_wait3A_668 : memref<240xi32, #tpu.memory_space<hbm>>) dst(%dma_wait3A_666 : memref<240xf32, #tpu.memory_space<vmem>>)
      } else {
      }
      %eq3A_458 = arith.constant 2 : i32
      %eq3A_459 = arith.cmpi eq, %rem3A_437, %eq3A_458 : i32
      %add3A_460 = arith.constant 1 : i32
      %add3A_461 = arith.addi %scan3A_98, %add3A_460 : i32
      %lt3A_462 = arith.constant 43 : i32
      %lt3A_463 = arith.cmpi slt, %add3A_461, %lt3A_462 : i32
      %and3A_464 = arith.andi %eq3A_459, %lt3A_463 : i1
      %convert_element_type3A_465 = arith.extui %and3A_464 : i1 to i32
      %cond3A_466 = arith.constant 0 : i32
      %cond3A_467 = arith.cmpi ne, %convert_element_type3A_465, %cond3A_466 : i32
      scf.if %cond3A_467 {
        %dma_wait3A_645 = arith.constant 0 : i32
        %dma_wait3A_646 = tpu.memref_slice %arg10[%dma_wait3A_645] : memref<720xi32, #tpu.memory_space<vmem>> -> memref<240xi32, #tpu.memory_space<vmem>>
        %dma_wait3A_647 = arith.constant 0 : i32
        %dma_wait3A_648 = tpu.memref_slice %arg3[%dma_wait3A_647] : memref<330240xi32, #tpu.memory_space<hbm>> -> memref<240xi32, #tpu.memory_space<hbm>>
        %dma_wait3A_649 = arith.constant 0 : i32
        %dma_wait3A_650 = tpu.memref_slice %arg10[%dma_wait3A_649] : memref<720xi32, #tpu.memory_space<vmem>> -> memref<240xi32, #tpu.memory_space<vmem>>
        %dma_wait3A_651 = arith.constant 0 : i32
        %dma_wait3A_652 = tpu.memref_slice %arg3[%dma_wait3A_651] : memref<330240xi32, #tpu.memory_space<hbm>> -> memref<240xi32, #tpu.memory_space<hbm>>
        tpu.wait_dma2 semaphore(%arg17 : memref<!tpu.dma_semaphore, #tpu.memory_space<semaphore_mem>>) src(%dma_wait3A_652 : memref<240xi32, #tpu.memory_space<hbm>>) dst(%dma_wait3A_650 : memref<240xi32, #tpu.memory_space<vmem>>)
        %dma_wait3A_653 = arith.constant 0 : i32
        %dma_wait3A_654 = tpu.memref_slice %arg11[%dma_wait3A_653] : memref<720xi32, #tpu.memory_space<vmem>> -> memref<240xi32, #tpu.memory_space<vmem>>
        %dma_wait3A_655 = arith.constant 0 : i32
        %dma_wait3A_656 = tpu.memref_slice %arg3[%dma_wait3A_655] : memref<330240xi32, #tpu.memory_space<hbm>> -> memref<240xi32, #tpu.memory_space<hbm>>
        %dma_wait3A_657 = arith.constant 0 : i32
        %dma_wait3A_658 = tpu.memref_slice %arg11[%dma_wait3A_657] : memref<720xi32, #tpu.memory_space<vmem>> -> memref<240xi32, #tpu.memory_space<vmem>>
        %dma_wait3A_659 = arith.constant 0 : i32
        %dma_wait3A_660 = tpu.memref_slice %arg3[%dma_wait3A_659] : memref<330240xi32, #tpu.memory_space<hbm>> -> memref<240xi32, #tpu.memory_space<hbm>>
        tpu.wait_dma2 semaphore(%arg17 : memref<!tpu.dma_semaphore, #tpu.memory_space<semaphore_mem>>) src(%dma_wait3A_660 : memref<240xi32, #tpu.memory_space<hbm>>) dst(%dma_wait3A_658 : memref<240xi32, #tpu.memory_space<vmem>>)
        %dma_wait3A_661 = arith.constant 0 : i32
        %dma_wait3A_662 = tpu.memref_slice %arg12[%dma_wait3A_661] : memref<720xf32, #tpu.memory_space<vmem>> -> memref<240xf32, #tpu.memory_space<vmem>>
        %dma_wait3A_663 = arith.constant 0 : i32
        %dma_wait3A_664 = tpu.memref_slice %arg3[%dma_wait3A_663] : memref<330240xi32, #tpu.memory_space<hbm>> -> memref<240xi32, #tpu.memory_space<hbm>>
        %dma_wait3A_665 = arith.constant 0 : i32
        %dma_wait3A_666 = tpu.memref_slice %arg12[%dma_wait3A_665] : memref<720xf32, #tpu.memory_space<vmem>> -> memref<240xf32, #tpu.memory_space<vmem>>
        %dma_wait3A_667 = arith.constant 0 : i32
        %dma_wait3A_668 = tpu.memref_slice %arg3[%dma_wait3A_667] : memref<330240xi32, #tpu.memory_space<hbm>> -> memref<240xi32, #tpu.memory_space<hbm>>
        tpu.wait_dma2 semaphore(%arg17 : memref<!tpu.dma_semaphore, #tpu.memory_space<semaphore_mem>>) src(%dma_wait3A_668 : memref<240xi32, #tpu.memory_space<hbm>>) dst(%dma_wait3A_666 : memref<240xf32, #tpu.memory_space<vmem>>)
      } else {
      }
      %add3A_468 = arith.constant 2 : i32
      %add3A_469 = arith.addi %add3A_300, %add3A_468 : i32
      %lt3A_470 = arith.constant 129 : i32
      %lt3A_471 = arith.cmpi slt, %add3A_469, %lt3A_470 : i32
      %convert_element_type3A_472 = arith.extui %lt3A_471 : i1 to i32
      %cond3A_473 = arith.constant 0 : i32
      %cond3A_474 = arith.cmpi ne, %convert_element_type3A_472, %cond3A_473 : i32
      scf.if %cond3A_474 {
        %add3A_645 = arith.constant 0 : i32
        %add3A_646 = arith.addi %mul3A_107, %add3A_645 : i32
        %dma_start3A_647 = arith.constant 0 : i32
        %dma_start3A_648 = arith.constant 0 : i32
        %dma_start3A_649 = arith.constant 0 : i32
        %dma_start3A_650 = tpu.memref_slice %arg15[%dma_start3A_647, %dma_start3A_648, %dma_start3A_649] : memref<3x80x128xf32, #tpu.memory_space<vmem>> -> memref<1x80x128xf32, #tpu.memory_space<vmem>>
        %dma_start3A_651 = tpu.memref_squeeze %dma_start3A_650 : memref<1x80x128xf32, #tpu.memory_space<vmem>> -> memref<80x128xf32, #tpu.memory_space<vmem>>
        %dma_start3A_652 = tpu.memref_slice %arg10[%add3A_646] : memref<720xi32, #tpu.memory_space<vmem>> -> memref<80xi32, #tpu.memory_space<vmem>>
        %dma_start3A_653 = arith.constant 0 : i32
        %dma_start3A_654 = arith.constant 0 : i32
        %dma_start3A_655 = tpu.memref_slice %arg2[%dma_start3A_653, %dma_start3A_654] : memref<10000x128xf32, #tpu.memory_space<hbm>> -> memref<10000x128xf32, #tpu.memory_space<hbm>>
        tpu.enqueue_indirect_dma source(%dma_start3A_655 : memref<10000x128xf32, #tpu.memory_space<hbm>>) target(%dma_start3A_651 : memref<80x128xf32, #tpu.memory_space<vmem>>) offsets(%dma_start3A_652 : memref<80xi32, #tpu.memory_space<vmem>>) semaphore(%arg20 : memref<!tpu.dma_semaphore, #tpu.memory_space<semaphore_mem>>)
      } else {
      }
      %dma_start3A_475 = arith.constant 1 : i32
      %dma_start3A_476 = arith.constant 1 : i32
      %dma_start3A_477 = arith.constant 0 : i32
      %dma_start3A_478 = arith.constant 0 : i32
      %dma_start3A_479 = tpu.memref_slice %arg15[%dma_start3A_475, %dma_start3A_477, %dma_start3A_478] : memref<3x80x128xf32, #tpu.memory_space<vmem>> -> memref<1x80x128xf32, #tpu.memory_space<vmem>>
      %dma_start3A_480 = tpu.memref_squeeze %dma_start3A_479 : memref<1x80x128xf32, #tpu.memory_space<vmem>> -> memref<80x128xf32, #tpu.memory_space<vmem>>
      %dma_start3A_481 = arith.constant 0 : i32
      %dma_start3A_482 = tpu.memref_slice %arg13[%dma_start3A_476, %dma_start3A_481] : memref<3x80xi32, #tpu.memory_space<vmem>> -> memref<1x80xi32, #tpu.memory_space<vmem>>
      %dma_start3A_483 = tpu.memref_squeeze %dma_start3A_482 : memref<1x80xi32, #tpu.memory_space<vmem>> -> memref<80xi32, #tpu.memory_space<vmem>>
      %dma_start3A_484 = arith.constant 0 : i32
      %dma_start3A_485 = arith.constant 0 : i32
      %dma_start3A_486 = tpu.memref_slice %arg16[%dma_start3A_484, %dma_start3A_485] : memref<10240x128xf32, #tpu.memory_space<vmem_shared>> -> memref<10240x128xf32, #tpu.memory_space<vmem_shared>>
      tpu.enqueue_indirect_dma source(%dma_start3A_480 : memref<80x128xf32, #tpu.memory_space<vmem>>) target(%dma_start3A_486 : memref<10240x128xf32, #tpu.memory_space<vmem_shared>>) offsets(%dma_start3A_483 : memref<80xi32, #tpu.memory_space<vmem>>) semaphore(%arg24 : memref<!tpu.dma_semaphore, #tpu.memory_space<semaphore_mem>>) {add = true}
      %mul3A_487 = arith.constant 3 : i32
      %mul3A_488 = arith.muli %scan3A_98, %mul3A_487 : i32
      %add3A_489 = arith.constant 2 : i32
      %add3A_490 = arith.addi %mul3A_488, %add3A_489 : i32
      %add3A_491 = arith.constant 160 : i32
      %add3A_492 = arith.addi %mul3A_101, %add3A_491 : i32
      %add3A_493 = arith.constant 0 : i32
      %add3A_494 = arith.addi %add3A_492, %add3A_493 : i32
      %get3A_495 = arith.index_cast %add3A_494 : i32 to index
      %get3A_496 = tpu.vector_load %arg10[%get3A_495] {strides = array<i32>} : memref<720xi32, #tpu.memory_space<vmem>>, vector<16xi32>,
      %gather3A_497 = tpu.vector_load_idx %arg9[%get3A_496] : memref<10240xf32, #tpu.memory_space<vmem>>[vector<16xi32>], vector<16xf32>,
      %get3A_498 = arith.index_cast %add3A_494 : i32 to index
      %get3A_499 = tpu.vector_load %arg12[%get3A_498] {strides = array<i32>} : memref<720xf32, #tpu.memory_space<vmem>>, vector<16xf32>,
      %mul3A_500 = arith.mulf %gather3A_497, %get3A_499 : vector<16xf32>
      %get3A_501 = arith.index_cast %add3A_494 : i32 to index
      %get3A_502 = tpu.vector_load %arg11[%get3A_501] {strides = array<i32>} : memref<720xi32, #tpu.memory_space<vmem>>, vector<16xi32>,
      %gather3A_503 = tpu.vector_load_idx %arg9[%get3A_502] : memref<10240xf32, #tpu.memory_space<vmem>>[vector<16xi32>], vector<16xf32>,
      %mul3A_504 = arith.mulf %mul3A_500, %gather3A_503 : vector<16xf32>
      %swap3A_505 = arith.constant 0 : index
      %swap3A_506 = tpu.vector_load %arg14[%swap3A_505] {strides = array<i32>} : memref<80xf32, #tpu.memory_space<vmem>>, vector<16xf32>,
      tpu.vector_store %arg14[%swap3A_505], %mul3A_504 {strides = array<i32>} : memref<80xf32, #tpu.memory_space<vmem>>, vector<16xf32>,
      %add3A_507 = arith.constant 16 : i32
      %add3A_508 = arith.addi %add3A_492, %add3A_507 : i32
      %get3A_509 = arith.index_cast %add3A_508 : i32 to index
      %get3A_510 = tpu.vector_load %arg10[%get3A_509] {strides = array<i32>} : memref<720xi32, #tpu.memory_space<vmem>>, vector<16xi32>,
      %gather3A_511 = tpu.vector_load_idx %arg9[%get3A_510] : memref<10240xf32, #tpu.memory_space<vmem>>[vector<16xi32>], vector<16xf32>,
      %get3A_512 = arith.index_cast %add3A_508 : i32 to index
      %get3A_513 = tpu.vector_load %arg12[%get3A_512] {strides = array<i32>} : memref<720xf32, #tpu.memory_space<vmem>>, vector<16xf32>,
      %mul3A_514 = arith.mulf %gather3A_511, %get3A_513 : vector<16xf32>
      %get3A_515 = arith.index_cast %add3A_508 : i32 to index
      %get3A_516 = tpu.vector_load %arg11[%get3A_515] {strides = array<i32>} : memref<720xi32, #tpu.memory_space<vmem>>, vector<16xi32>,
      %gather3A_517 = tpu.vector_load_idx %arg9[%get3A_516] : memref<10240xf32, #tpu.memory_space<vmem>>[vector<16xi32>], vector<16xf32>,
      %mul3A_518 = arith.mulf %mul3A_514, %gather3A_517 : vector<16xf32>
      %swap3A_519 = arith.constant 16 : index
      %swap3A_520 = tpu.vector_load %arg14[%swap3A_519] {strides = array<i32>} : memref<80xf32, #tpu.memory_space<vmem>>, vector<16xf32>,
      tpu.vector_store %arg14[%swap3A_519], %mul3A_518 {strides = array<i32>} : memref<80xf32, #tpu.memory_space<vmem>>, vector<16xf32>,
      %add3A_521 = arith.constant 32 : i32
      %add3A_522 = arith.addi %add3A_492, %add3A_521 : i32
      %get3A_523 = arith.index_cast %add3A_522 : i32 to index
      %get3A_524 = tpu.vector_load %arg10[%get3A_523] {strides = array<i32>} : memref<720xi32, #tpu.memory_space<vmem>>, vector<16xi32>,
      %gather3A_525 = tpu.vector_load_idx %arg9[%get3A_524] : memref<10240xf32, #tpu.memory_space<vmem>>[vector<16xi32>], vector<16xf32>,
      %get3A_526 = arith.index_cast %add3A_522 : i32 to index
      %get3A_527 = tpu.vector_load %arg12[%get3A_526] {strides = array<i32>} : memref<720xf32, #tpu.memory_space<vmem>>, vector<16xf32>,
      %mul3A_528 = arith.mulf %gather3A_525, %get3A_527 : vector<16xf32>
      %get3A_529 = arith.index_cast %add3A_522 : i32 to index
      %get3A_530 = tpu.vector_load %arg11[%get3A_529] {strides = array<i32>} : memref<720xi32, #tpu.memory_space<vmem>>, vector<16xi32>,
      %gather3A_531 = tpu.vector_load_idx %arg9[%get3A_530] : memref<10240xf32, #tpu.memory_space<vmem>>[vector<16xi32>], vector<16xf32>,
      %mul3A_532 = arith.mulf %mul3A_528, %gather3A_531 : vector<16xf32>
      %swap3A_533 = arith.constant 32 : index
      %swap3A_534 = tpu.vector_load %arg14[%swap3A_533] {strides = array<i32>} : memref<80xf32, #tpu.memory_space<vmem>>, vector<16xf32>,
      tpu.vector_store %arg14[%swap3A_533], %mul3A_532 {strides = array<i32>} : memref<80xf32, #tpu.memory_space<vmem>>, vector<16xf32>,
      %add3A_535 = arith.constant 48 : i32
      %add3A_536 = arith.addi %add3A_492, %add3A_535 : i32
      %get3A_537 = arith.index_cast %add3A_536 : i32 to index
      %get3A_538 = tpu.vector_load %arg10[%get3A_537] {strides = array<i32>} : memref<720xi32, #tpu.memory_space<vmem>>, vector<16xi32>,
      %gather3A_539 = tpu.vector_load_idx %arg9[%get3A_538] : memref<10240xf32, #tpu.memory_space<vmem>>[vector<16xi32>], vector<16xf32>,
      %get3A_540 = arith.index_cast %add3A_536 : i32 to index
      %get3A_541 = tpu.vector_load %arg12[%get3A_540] {strides = array<i32>} : memref<720xf32, #tpu.memory_space<vmem>>, vector<16xf32>,
      %mul3A_542 = arith.mulf %gather3A_539, %get3A_541 : vector<16xf32>
      %get3A_543 = arith.index_cast %add3A_536 : i32 to index
      %get3A_544 = tpu.vector_load %arg11[%get3A_543] {strides = array<i32>} : memref<720xi32, #tpu.memory_space<vmem>>, vector<16xi32>,
      %gather3A_545 = tpu.vector_load_idx %arg9[%get3A_544] : memref<10240xf32, #tpu.memory_space<vmem>>[vector<16xi32>], vector<16xf32>,
      %mul3A_546 = arith.mulf %mul3A_542, %gather3A_545 : vector<16xf32>
      %swap3A_547 = arith.constant 48 : index
      %swap3A_548 = tpu.vector_load %arg14[%swap3A_547] {strides = array<i32>} : memref<80xf32, #tpu.memory_space<vmem>>, vector<16xf32>,
      tpu.vector_store %arg14[%swap3A_547], %mul3A_546 {strides = array<i32>} : memref<80xf32, #tpu.memory_space<vmem>>, vector<16xf32>,
      %add3A_549 = arith.constant 64 : i32
      %add3A_550 = arith.addi %add3A_492, %add3A_549 : i32
      %get3A_551 = arith.index_cast %add3A_550 : i32 to index
      %get3A_552 = tpu.vector_load %arg10[%get3A_551] {strides = array<i32>} : memref<720xi32, #tpu.memory_space<vmem>>, vector<16xi32>,
      %gather3A_553 = tpu.vector_load_idx %arg9[%get3A_552] : memref<10240xf32, #tpu.memory_space<vmem>>[vector<16xi32>], vector<16xf32>,
      %get3A_554 = arith.index_cast %add3A_550 : i32 to index
      %get3A_555 = tpu.vector_load %arg12[%get3A_554] {strides = array<i32>} : memref<720xf32, #tpu.memory_space<vmem>>, vector<16xf32>,
      %mul3A_556 = arith.mulf %gather3A_553, %get3A_555 : vector<16xf32>
      %get3A_557 = arith.index_cast %add3A_550 : i32 to index
      %get3A_558 = tpu.vector_load %arg11[%get3A_557] {strides = array<i32>} : memref<720xi32, #tpu.memory_space<vmem>>, vector<16xi32>,
      %gather3A_559 = tpu.vector_load_idx %arg9[%get3A_558] : memref<10240xf32, #tpu.memory_space<vmem>>[vector<16xi32>], vector<16xf32>,
      %mul3A_560 = arith.mulf %mul3A_556, %gather3A_559 : vector<16xf32>
      %swap3A_561 = arith.constant 64 : index
      %swap3A_562 = tpu.vector_load %arg14[%swap3A_561] {strides = array<i32>} : memref<80xf32, #tpu.memory_space<vmem>>, vector<16xf32>,
      tpu.vector_store %arg14[%swap3A_561], %mul3A_560 {strides = array<i32>} : memref<80xf32, #tpu.memory_space<vmem>>, vector<16xf32>,
      %dma_wait3A_563 = arith.constant 2 : i32
      %dma_wait3A_564 = arith.constant 0 : i32
      %dma_wait3A_565 = arith.constant 0 : i32
      %dma_wait3A_566 = tpu.memref_slice %arg15[%dma_wait3A_563, %dma_wait3A_564, %dma_wait3A_565] : memref<3x80x128xf32, #tpu.memory_space<vmem>> -> memref<1x80x128xf32, #tpu.memory_space<vmem>>
      %dma_wait3A_567 = tpu.memref_squeeze %dma_wait3A_566 : memref<1x80x128xf32, #tpu.memory_space<vmem>> -> memref<80x128xf32, #tpu.memory_space<vmem>>
      %dma_wait3A_568 = arith.constant 0 : i32
      %dma_wait3A_569 = arith.constant 0 : i32
      %dma_wait3A_570 = tpu.memref_slice %arg7[%dma_wait3A_568, %dma_wait3A_569] : memref<10240x128xf32, #tpu.memory_space<hbm>> -> memref<80x128xf32, #tpu.memory_space<hbm>>
      %dma_wait3A_571 = arith.constant 0 : i32
      %dma_wait3A_572 = arith.constant 0 : i32
      %dma_wait3A_573 = tpu.memref_slice %arg15[%dma_wait3A_563, %dma_wait3A_571, %dma_wait3A_572] : memref<3x80x128xf32, #tpu.memory_space<vmem>> -> memref<1x80x128xf32, #tpu.memory_space<vmem>>
      %dma_wait3A_574 = tpu.memref_squeeze %dma_wait3A_573 : memref<1x80x128xf32, #tpu.memory_space<vmem>> -> memref<80x128xf32, #tpu.memory_space<vmem>>
      %dma_wait3A_575 = arith.constant 0 : i32
      %dma_wait3A_576 = arith.constant 0 : i32
      %dma_wait3A_577 = tpu.memref_slice %arg7[%dma_wait3A_575, %dma_wait3A_576] : memref<10240x128xf32, #tpu.memory_space<hbm>> -> memref<80x128xf32, #tpu.memory_space<hbm>>
      tpu.wait_dma2 semaphore(%arg22 : memref<!tpu.dma_semaphore, #tpu.memory_space<semaphore_mem>>) src(%dma_wait3A_577 : memref<80x128xf32, #tpu.memory_space<hbm>>) dst(%dma_wait3A_574 : memref<80x128xf32, #tpu.memory_space<vmem>>)
      %add3A_578 = arith.constant 0 : i32
      %add3A_579 = arith.addi %add3A_492, %add3A_578 : i32
      %get3A_580 = arith.index_cast %add3A_579 : i32 to index
      %get3A_581 = tpu.vector_load %arg11[%get3A_580] {strides = array<i32>} : memref<720xi32, #tpu.memory_space<vmem>>, vector<16xi32>,
      %swap3A_582 = arith.constant 2 : i32
      %swap3A_583 = arith.index_cast %swap3A_582 : i32 to index
      %swap3A_584 = arith.constant 0 : index
      %swap3A_585 = tpu.vector_load %arg13[%swap3A_583, %swap3A_584] {strides = array<i32>} : memref<3x80xi32, #tpu.memory_space<vmem>>, vector<16xi32>,
      tpu.vector_store %arg13[%swap3A_583, %swap3A_584], %get3A_581 {strides = array<i32>} : memref<3x80xi32, #tpu.memory_space<vmem>>, vector<16xi32>,
      %add3A_586 = arith.constant 16 : i32
      %add3A_587 = arith.addi %add3A_492, %add3A_586 : i32
      %get3A_588 = arith.index_cast %add3A_587 : i32 to index
      %get3A_589 = tpu.vector_load %arg11[%get3A_588] {strides = array<i32>} : memref<720xi32, #tpu.memory_space<vmem>>, vector<16xi32>,
      %swap3A_590 = arith.constant 2 : i32
      %swap3A_591 = arith.index_cast %swap3A_590 : i32 to index
      %swap3A_592 = arith.constant 16 : index
      %swap3A_593 = tpu.vector_load %arg13[%swap3A_591, %swap3A_592] {strides = array<i32>} : memref<3x80xi32, #tpu.memory_space<vmem>>, vector<16xi32>,
      tpu.vector_store %arg13[%swap3A_591, %swap3A_592], %get3A_589 {strides = array<i32>} : memref<3x80xi32, #tpu.memory_space<vmem>>, vector<16xi32>,
      %add3A_594 = arith.constant 32 : i32
      %add3A_595 = arith.addi %add3A_492, %add3A_594 : i32
      %get3A_596 = arith.index_cast %add3A_595 : i32 to index
      %get3A_597 = tpu.vector_load %arg11[%get3A_596] {strides = array<i32>} : memref<720xi32, #tpu.memory_space<vmem>>, vector<16xi32>,
      %swap3A_598 = arith.constant 2 : i32
      %swap3A_599 = arith.index_cast %swap3A_598 : i32 to index
      %swap3A_600 = arith.constant 32 : index
      %swap3A_601 = tpu.vector_load %arg13[%swap3A_599, %swap3A_600] {strides = array<i32>} : memref<3x80xi32, #tpu.memory_space<vmem>>, vector<16xi32>,
      tpu.vector_store %arg13[%swap3A_599, %swap3A_600], %get3A_597 {strides = array<i32>} : memref<3x80xi32, #tpu.memory_space<vmem>>, vector<16xi32>,
      %add3A_602 = arith.constant 48 : i32
      %add3A_603 = arith.addi %add3A_492, %add3A_602 : i32
      %get3A_604 = arith.index_cast %add3A_603 : i32 to index
      %get3A_605 = tpu.vector_load %arg11[%get3A_604] {strides = array<i32>} : memref<720xi32, #tpu.memory_space<vmem>>, vector<16xi32>,
      %swap3A_606 = arith.constant 2 : i32
      %swap3A_607 = arith.index_cast %swap3A_606 : i32 to index
      %swap3A_608 = arith.constant 48 : index
      %swap3A_609 = tpu.vector_load %arg13[%swap3A_607, %swap3A_608] {strides = array<i32>} : memref<3x80xi32, #tpu.memory_space<vmem>>, vector<16xi32>,
      tpu.vector_store %arg13[%swap3A_607, %swap3A_608], %get3A_605 {strides = array<i32>} : memref<3x80xi32, #tpu.memory_space<vmem>>, vector<16xi32>,
      %add3A_610 = arith.constant 64 : i32
      %add3A_611 = arith.addi %add3A_492, %add3A_610 : i32
      %get3A_612 = arith.index_cast %add3A_611 : i32 to index
      %get3A_613 = tpu.vector_load %arg11[%get3A_612] {strides = array<i32>} : memref<720xi32, #tpu.memory_space<vmem>>, vector<16xi32>,
      %swap3A_614 = arith.constant 2 : i32
      %swap3A_615 = arith.index_cast %swap3A_614 : i32 to index
      %swap3A_616 = arith.constant 64 : index
      %swap3A_617 = tpu.vector_load %arg13[%swap3A_615, %swap3A_616] {strides = array<i32>} : memref<3x80xi32, #tpu.memory_space<vmem>>, vector<16xi32>,
      tpu.vector_store %arg13[%swap3A_615, %swap3A_616], %get3A_613 {strides = array<i32>} : memref<3x80xi32, #tpu.memory_space<vmem>>, vector<16xi32>,
      %parallel_loop3A_618 = arith.constant 0 : i32
      %parallel_loop3A_619 = arith.constant 80 : i32
      %parallel_loop3A_620 = arith.constant 1 : i32
      scf.for %parallel_loop3A_645 = %parallel_loop3A_618 to %parallel_loop3A_619 step %parallel_loop3A_620  : i32 {
        %parallel_loop3A_646 = vector.broadcast %parallel_loop3A_645 : i32 to vector<16xi32>
        %parallel_loop3A_647 = tpu.vector_load_idx %arg14[%parallel_loop3A_646] : memref<80xf32, #tpu.memory_space<vmem>>[vector<16xi32>], vector<16xf32>,
        %parallel_loop3A_648 = arith.constant 2 : i32
        %parallel_loop3A_649 = arith.index_cast %parallel_loop3A_648 : i32 to index
        %parallel_loop3A_650 = arith.index_cast %parallel_loop3A_645 : i32 to index
        %parallel_loop3A_651 = arith.constant 0 : index
        %parallel_loop3A_652 = tpu.vector_load %arg15[%parallel_loop3A_649, %parallel_loop3A_650, %parallel_loop3A_651] {strides = array<i32>} : memref<3x80x128xf32, #tpu.memory_space<vmem>>, vector<16xf32>,
        %parallel_loop3A_653 = arith.mulf %parallel_loop3A_652, %parallel_loop3A_647 : vector<16xf32>
        %parallel_loop3A_654 = arith.constant 2 : i32
        %parallel_loop3A_655 = arith.index_cast %parallel_loop3A_654 : i32 to index
        %parallel_loop3A_656 = arith.index_cast %parallel_loop3A_645 : i32 to index
        %parallel_loop3A_657 = arith.constant 0 : index
        %parallel_loop3A_658 = tpu.vector_load %arg15[%parallel_loop3A_655, %parallel_loop3A_656, %parallel_loop3A_657] {strides = array<i32>} : memref<3x80x128xf32, #tpu.memory_space<vmem>>, vector<16xf32>,
        tpu.vector_store %arg15[%parallel_loop3A_655, %parallel_loop3A_656, %parallel_loop3A_657], %parallel_loop3A_653 {strides = array<i32>} : memref<3x80x128xf32, #tpu.memory_space<vmem>>, vector<16xf32>,
        %parallel_loop3A_659 = arith.constant 2 : i32
        %parallel_loop3A_660 = arith.index_cast %parallel_loop3A_659 : i32 to index
        %parallel_loop3A_661 = arith.index_cast %parallel_loop3A_645 : i32 to index
        %parallel_loop3A_662 = arith.constant 16 : index
        %parallel_loop3A_663 = tpu.vector_load %arg15[%parallel_loop3A_660, %parallel_loop3A_661, %parallel_loop3A_662] {strides = array<i32>} : memref<3x80x128xf32, #tpu.memory_space<vmem>>, vector<16xf32>,
        %parallel_loop3A_664 = arith.mulf %parallel_loop3A_663, %parallel_loop3A_647 : vector<16xf32>
        %parallel_loop3A_665 = arith.constant 2 : i32
        %parallel_loop3A_666 = arith.index_cast %parallel_loop3A_665 : i32 to index
        %parallel_loop3A_667 = arith.index_cast %parallel_loop3A_645 : i32 to index
        %parallel_loop3A_668 = arith.constant 16 : index
        %parallel_loop3A_669 = tpu.vector_load %arg15[%parallel_loop3A_666, %parallel_loop3A_667, %parallel_loop3A_668] {strides = array<i32>} : memref<3x80x128xf32, #tpu.memory_space<vmem>>, vector<16xf32>,
        tpu.vector_store %arg15[%parallel_loop3A_666, %parallel_loop3A_667, %parallel_loop3A_668], %parallel_loop3A_664 {strides = array<i32>} : memref<3x80x128xf32, #tpu.memory_space<vmem>>, vector<16xf32>,
        %parallel_loop3A_670 = arith.constant 2 : i32
        %parallel_loop3A_671 = arith.index_cast %parallel_loop3A_670 : i32 to index
        %parallel_loop3A_672 = arith.index_cast %parallel_loop3A_645 : i32 to index
        %parallel_loop3A_673 = arith.constant 32 : index
        %parallel_loop3A_674 = tpu.vector_load %arg15[%parallel_loop3A_671, %parallel_loop3A_672, %parallel_loop3A_673] {strides = array<i32>} : memref<3x80x128xf32, #tpu.memory_space<vmem>>, vector<16xf32>,
        %parallel_loop3A_675 = arith.mulf %parallel_loop3A_674, %parallel_loop3A_647 : vector<16xf32>
        %parallel_loop3A_676 = arith.constant 2 : i32
        %parallel_loop3A_677 = arith.index_cast %parallel_loop3A_676 : i32 to index
        %parallel_loop3A_678 = arith.index_cast %parallel_loop3A_645 : i32 to index
        %parallel_loop3A_679 = arith.constant 32 : index
        %parallel_loop3A_680 = tpu.vector_load %arg15[%parallel_loop3A_677, %parallel_loop3A_678, %parallel_loop3A_679] {strides = array<i32>} : memref<3x80x128xf32, #tpu.memory_space<vmem>>, vector<16xf32>,
        tpu.vector_store %arg15[%parallel_loop3A_677, %parallel_loop3A_678, %parallel_loop3A_679], %parallel_loop3A_675 {strides = array<i32>} : memref<3x80x128xf32, #tpu.memory_space<vmem>>, vector<16xf32>,
        %parallel_loop3A_681 = arith.constant 2 : i32
        %parallel_loop3A_682 = arith.index_cast %parallel_loop3A_681 : i32 to index
        %parallel_loop3A_683 = arith.index_cast %parallel_loop3A_645 : i32 to index
        %parallel_loop3A_684 = arith.constant 48 : index
        %parallel_loop3A_685 = tpu.vector_load %arg15[%parallel_loop3A_682, %parallel_loop3A_683, %parallel_loop3A_684] {strides = array<i32>} : memref<3x80x128xf32, #tpu.memory_space<vmem>>, vector<16xf32>,
        %parallel_loop3A_686 = arith.mulf %parallel_loop3A_685, %parallel_loop3A_647 : vector<16xf32>
        %parallel_loop3A_687 = arith.constant 2 : i32
        %parallel_loop3A_688 = arith.index_cast %parallel_loop3A_687 : i32 to index
        %parallel_loop3A_689 = arith.index_cast %parallel_loop3A_645 : i32 to index
        %parallel_loop3A_690 = arith.constant 48 : index
        %parallel_loop3A_691 = tpu.vector_load %arg15[%parallel_loop3A_688, %parallel_loop3A_689, %parallel_loop3A_690] {strides = array<i32>} : memref<3x80x128xf32, #tpu.memory_space<vmem>>, vector<16xf32>,
        tpu.vector_store %arg15[%parallel_loop3A_688, %parallel_loop3A_689, %parallel_loop3A_690], %parallel_loop3A_686 {strides = array<i32>} : memref<3x80x128xf32, #tpu.memory_space<vmem>>, vector<16xf32>,
        %parallel_loop3A_692 = arith.constant 2 : i32
        %parallel_loop3A_693 = arith.index_cast %parallel_loop3A_692 : i32 to index
        %parallel_loop3A_694 = arith.index_cast %parallel_loop3A_645 : i32 to index
        %parallel_loop3A_695 = arith.constant 64 : index
        %parallel_loop3A_696 = tpu.vector_load %arg15[%parallel_loop3A_693, %parallel_loop3A_694, %parallel_loop3A_695] {strides = array<i32>} : memref<3x80x128xf32, #tpu.memory_space<vmem>>, vector<16xf32>,
        %parallel_loop3A_697 = arith.mulf %parallel_loop3A_696, %parallel_loop3A_647 : vector<16xf32>
        %parallel_loop3A_698 = arith.constant 2 : i32
        %parallel_loop3A_699 = arith.index_cast %parallel_loop3A_698 : i32 to index
        %parallel_loop3A_700 = arith.index_cast %parallel_loop3A_645 : i32 to index
        %parallel_loop3A_701 = arith.constant 64 : index
        %parallel_loop3A_702 = tpu.vector_load %arg15[%parallel_loop3A_699, %parallel_loop3A_700, %parallel_loop3A_701] {strides = array<i32>} : memref<3x80x128xf32, #tpu.memory_space<vmem>>, vector<16xf32>,
        tpu.vector_store %arg15[%parallel_loop3A_699, %parallel_loop3A_700, %parallel_loop3A_701], %parallel_loop3A_697 {strides = array<i32>} : memref<3x80x128xf32, #tpu.memory_space<vmem>>, vector<16xf32>,
        %parallel_loop3A_703 = arith.constant 2 : i32
        %parallel_loop3A_704 = arith.index_cast %parallel_loop3A_703 : i32 to index
        %parallel_loop3A_705 = arith.index_cast %parallel_loop3A_645 : i32 to index
        %parallel_loop3A_706 = arith.constant 80 : index
        %parallel_loop3A_707 = tpu.vector_load %arg15[%parallel_loop3A_704, %parallel_loop3A_705, %parallel_loop3A_706] {strides = array<i32>} : memref<3x80x128xf32, #tpu.memory_space<vmem>>, vector<16xf32>,
        %parallel_loop3A_708 = arith.mulf %parallel_loop3A_707, %parallel_loop3A_647 : vector<16xf32>
        %parallel_loop3A_709 = arith.constant 2 : i32
        %parallel_loop3A_710 = arith.index_cast %parallel_loop3A_709 : i32 to index
        %parallel_loop3A_711 = arith.index_cast %parallel_loop3A_645 : i32 to index
        %parallel_loop3A_712 = arith.constant 80 : index
        %parallel_loop3A_713 = tpu.vector_load %arg15[%parallel_loop3A_710, %parallel_loop3A_711, %parallel_loop3A_712] {strides = array<i32>} : memref<3x80x128xf32, #tpu.memory_space<vmem>>, vector<16xf32>,
        tpu.vector_store %arg15[%parallel_loop3A_710, %parallel_loop3A_711, %parallel_loop3A_712], %parallel_loop3A_708 {strides = array<i32>} : memref<3x80x128xf32, #tpu.memory_space<vmem>>, vector<16xf32>,
        %parallel_loop3A_714 = arith.constant 2 : i32
        %parallel_loop3A_715 = arith.index_cast %parallel_loop3A_714 : i32 to index
        %parallel_loop3A_716 = arith.index_cast %parallel_loop3A_645 : i32 to index
        %parallel_loop3A_717 = arith.constant 96 : index
        %parallel_loop3A_718 = tpu.vector_load %arg15[%parallel_loop3A_715, %parallel_loop3A_716, %parallel_loop3A_717] {strides = array<i32>} : memref<3x80x128xf32, #tpu.memory_space<vmem>>, vector<16xf32>,
        %parallel_loop3A_719 = arith.mulf %parallel_loop3A_718, %parallel_loop3A_647 : vector<16xf32>
        %parallel_loop3A_720 = arith.constant 2 : i32
        %parallel_loop3A_721 = arith.index_cast %parallel_loop3A_720 : i32 to index
        %parallel_loop3A_722 = arith.index_cast %parallel_loop3A_645 : i32 to index
        %parallel_loop3A_723 = arith.constant 96 : index
        %parallel_loop3A_724 = tpu.vector_load %arg15[%parallel_loop3A_721, %parallel_loop3A_722, %parallel_loop3A_723] {strides = array<i32>} : memref<3x80x128xf32, #tpu.memory_space<vmem>>, vector<16xf32>,
        tpu.vector_store %arg15[%parallel_loop3A_721, %parallel_loop3A_722, %parallel_loop3A_723], %parallel_loop3A_719 {strides = array<i32>} : memref<3x80x128xf32, #tpu.memory_space<vmem>>, vector<16xf32>,
        %parallel_loop3A_725 = arith.constant 2 : i32
        %parallel_loop3A_726 = arith.index_cast %parallel_loop3A_725 : i32 to index
        %parallel_loop3A_727 = arith.index_cast %parallel_loop3A_645 : i32 to index
        %parallel_loop3A_728 = arith.constant 112 : index
        %parallel_loop3A_729 = tpu.vector_load %arg15[%parallel_loop3A_726, %parallel_loop3A_727, %parallel_loop3A_728] {strides = array<i32>} : memref<3x80x128xf32, #tpu.memory_space<vmem>>, vector<16xf32>,
        %parallel_loop3A_730 = arith.mulf %parallel_loop3A_729, %parallel_loop3A_647 : vector<16xf32>
        %parallel_loop3A_731 = arith.constant 2 : i32
        %parallel_loop3A_732 = arith.index_cast %parallel_loop3A_731 : i32 to index
        %parallel_loop3A_733 = arith.index_cast %parallel_loop3A_645 : i32 to index
        %parallel_loop3A_734 = arith.constant 112 : index
        %parallel_loop3A_735 = tpu.vector_load %arg15[%parallel_loop3A_732, %parallel_loop3A_733, %parallel_loop3A_734] {strides = array<i32>} : memref<3x80x128xf32, #tpu.memory_space<vmem>>, vector<16xf32>,
        tpu.vector_store %arg15[%parallel_loop3A_732, %parallel_loop3A_733, %parallel_loop3A_734], %parallel_loop3A_730 {strides = array<i32>} : memref<3x80x128xf32, #tpu.memory_space<vmem>>, vector<16xf32>,
      } {sc.loop_unroll_factor = 8 : i64, sc.parallel_access}
      %ge3A_621 = arith.constant 1 : i32
      %ge3A_622 = arith.cmpi sge, %add3A_490, %ge3A_621 : i32
      %convert_element_type3A_623 = arith.extui %ge3A_622 : i1 to i32
      %cond3A_624 = arith.constant 0 : i32
      %cond3A_625 = arith.cmpi ne, %convert_element_type3A_623, %cond3A_624 : i32
      scf.if %cond3A_625 {
        %dma_wait3A_645 = arith.constant 1 : i32
        %dma_wait3A_646 = arith.constant 0 : i32
        %dma_wait3A_647 = arith.constant 0 : i32
        %dma_wait3A_648 = tpu.memref_slice %arg15[%dma_wait3A_645, %dma_wait3A_646, %dma_wait3A_647] : memref<3x80x128xf32, #tpu.memory_space<vmem>> -> memref<1x80x128xf32, #tpu.memory_space<vmem>>
        %dma_wait3A_649 = tpu.memref_squeeze %dma_wait3A_648 : memref<1x80x128xf32, #tpu.memory_space<vmem>> -> memref<80x128xf32, #tpu.memory_space<vmem>>
        %dma_wait3A_650 = arith.constant 0 : i32
        %dma_wait3A_651 = arith.constant 0 : i32
        %dma_wait3A_652 = tpu.memref_slice %arg7[%dma_wait3A_650, %dma_wait3A_651] : memref<10240x128xf32, #tpu.memory_space<hbm>> -> memref<80x128xf32, #tpu.memory_space<hbm>>
        %dma_wait3A_653 = arith.constant 0 : i32
        %dma_wait3A_654 = arith.constant 0 : i32
        %dma_wait3A_655 = tpu.memref_slice %arg15[%dma_wait3A_645, %dma_wait3A_653, %dma_wait3A_654] : memref<3x80x128xf32, #tpu.memory_space<vmem>> -> memref<1x80x128xf32, #tpu.memory_space<vmem>>
        %dma_wait3A_656 = tpu.memref_squeeze %dma_wait3A_655 : memref<1x80x128xf32, #tpu.memory_space<vmem>> -> memref<80x128xf32, #tpu.memory_space<vmem>>
        %dma_wait3A_657 = arith.constant 0 : i32
        %dma_wait3A_658 = arith.constant 0 : i32
        %dma_wait3A_659 = tpu.memref_slice %arg7[%dma_wait3A_657, %dma_wait3A_658] : memref<10240x128xf32, #tpu.memory_space<hbm>> -> memref<80x128xf32, #tpu.memory_space<hbm>>
        tpu.wait_dma2 semaphore(%arg24 : memref<!tpu.dma_semaphore, #tpu.memory_space<semaphore_mem>>) src(%dma_wait3A_659 : memref<80x128xf32, #tpu.memory_space<hbm>>) dst(%dma_wait3A_656 : memref<80x128xf32, #tpu.memory_space<vmem>>)
      } else {
      }
      %add3A_626 = arith.constant 2 : i32
      %add3A_627 = arith.addi %add3A_490, %add3A_626 : i32
      %lt3A_628 = arith.constant 129 : i32
      %lt3A_629 = arith.cmpi slt, %add3A_627, %lt3A_628 : i32
      %convert_element_type3A_630 = arith.extui %lt3A_629 : i1 to i32
      %cond3A_631 = arith.constant 0 : i32
      %cond3A_632 = arith.cmpi ne, %convert_element_type3A_630, %cond3A_631 : i32
      scf.if %cond3A_632 {
        %add3A_645 = arith.constant 80 : i32
        %add3A_646 = arith.addi %mul3A_107, %add3A_645 : i32
        %dma_start3A_647 = arith.constant 1 : i32
        %dma_start3A_648 = arith.constant 0 : i32
        %dma_start3A_649 = arith.constant 0 : i32
        %dma_start3A_650 = tpu.memref_slice %arg15[%dma_start3A_647, %dma_start3A_648, %dma_start3A_649] : memref<3x80x128xf32, #tpu.memory_space<vmem>> -> memref<1x80x128xf32, #tpu.memory_space<vmem>>
        %dma_start3A_651 = tpu.memref_squeeze %dma_start3A_650 : memref<1x80x128xf32, #tpu.memory_space<vmem>> -> memref<80x128xf32, #tpu.memory_space<vmem>>
        %dma_start3A_652 = tpu.memref_slice %arg10[%add3A_646] : memref<720xi32, #tpu.memory_space<vmem>> -> memref<80xi32, #tpu.memory_space<vmem>>
        %dma_start3A_653 = arith.constant 0 : i32
        %dma_start3A_654 = arith.constant 0 : i32
        %dma_start3A_655 = tpu.memref_slice %arg2[%dma_start3A_653, %dma_start3A_654] : memref<10000x128xf32, #tpu.memory_space<hbm>> -> memref<10000x128xf32, #tpu.memory_space<hbm>>
        tpu.enqueue_indirect_dma source(%dma_start3A_655 : memref<10000x128xf32, #tpu.memory_space<hbm>>) target(%dma_start3A_651 : memref<80x128xf32, #tpu.memory_space<vmem>>) offsets(%dma_start3A_652 : memref<80xi32, #tpu.memory_space<vmem>>) semaphore(%arg21 : memref<!tpu.dma_semaphore, #tpu.memory_space<semaphore_mem>>)
      } else {
      }
      %dma_start3A_633 = arith.constant 2 : i32
      %dma_start3A_634 = arith.constant 2 : i32
      %dma_start3A_635 = arith.constant 0 : i32
      %dma_start3A_636 = arith.constant 0 : i32
      %dma_start3A_637 = tpu.memref_slice %arg15[%dma_start3A_633, %dma_start3A_635, %dma_start3A_636] : memref<3x80x128xf32, #tpu.memory_space<vmem>> -> memref<1x80x128xf32, #tpu.memory_space<vmem>>
      %dma_start3A_638 = tpu.memref_squeeze %dma_start3A_637 : memref<1x80x128xf32, #tpu.memory_space<vmem>> -> memref<80x128xf32, #tpu.memory_space<vmem>>
      %dma_start3A_639 = arith.constant 0 : i32
      %dma_start3A_640 = tpu.memref_slice %arg13[%dma_start3A_634, %dma_start3A_639] : memref<3x80xi32, #tpu.memory_space<vmem>> -> memref<1x80xi32, #tpu.memory_space<vmem>>
      %dma_start3A_641 = tpu.memref_squeeze %dma_start3A_640 : memref<1x80xi32, #tpu.memory_space<vmem>> -> memref<80xi32, #tpu.memory_space<vmem>>
      %dma_start3A_642 = arith.constant 0 : i32
      %dma_start3A_643 = arith.constant 0 : i32
      %dma_start3A_644 = tpu.memref_slice %arg16[%dma_start3A_642, %dma_start3A_643] : memref<10240x128xf32, #tpu.memory_space<vmem_shared>> -> memref<10240x128xf32, #tpu.memory_space<vmem_shared>>
      tpu.enqueue_indirect_dma source(%dma_start3A_638 : memref<80x128xf32, #tpu.memory_space<vmem>>) target(%dma_start3A_644 : memref<10240x128xf32, #tpu.memory_space<vmem_shared>>) offsets(%dma_start3A_641 : memref<80xi32, #tpu.memory_space<vmem>>) semaphore(%arg25 : memref<!tpu.dma_semaphore, #tpu.memory_space<semaphore_mem>>) {add = true}
    }
    %scan3A_82 = arith.constant 43 : i32
    %dma_wait3A = arith.constant 2 : i32
    %dma_wait3A_83 = arith.constant 0 : i32
    %dma_wait3A_84 = arith.constant 0 : i32
    %dma_wait3A_85 = tpu.memref_slice %arg15[%dma_wait3A, %dma_wait3A_83, %dma_wait3A_84] : memref<3x80x128xf32, #tpu.memory_space<vmem>> -> memref<1x80x128xf32, #tpu.memory_space<vmem>>
    %dma_wait3A_86 = tpu.memref_squeeze %dma_wait3A_85 : memref<1x80x128xf32, #tpu.memory_space<vmem>> -> memref<80x128xf32, #tpu.memory_space<vmem>>
    %dma_wait3A_87 = arith.constant 0 : i32
    %dma_wait3A_88 = arith.constant 0 : i32
    %dma_wait3A_89 = tpu.memref_slice %arg7[%dma_wait3A_87, %dma_wait3A_88] : memref<10240x128xf32, #tpu.memory_space<hbm>> -> memref<80x128xf32, #tpu.memory_space<hbm>>
    %dma_wait3A_90 = arith.constant 0 : i32
    %dma_wait3A_91 = arith.constant 0 : i32
    %dma_wait3A_92 = tpu.memref_slice %arg15[%dma_wait3A, %dma_wait3A_90, %dma_wait3A_91] : memref<3x80x128xf32, #tpu.memory_space<vmem>> -> memref<1x80x128xf32, #tpu.memory_space<vmem>>
    %dma_wait3A_93 = tpu.memref_squeeze %dma_wait3A_92 : memref<1x80x128xf32, #tpu.memory_space<vmem>> -> memref<80x128xf32, #tpu.memory_space<vmem>>
    %dma_wait3A_94 = arith.constant 0 : i32
    %dma_wait3A_95 = arith.constant 0 : i32
    %dma_wait3A_96 = tpu.memref_slice %arg7[%dma_wait3A_94, %dma_wait3A_95] : memref<10240x128xf32, #tpu.memory_space<hbm>> -> memref<80x128xf32, #tpu.memory_space<hbm>>
    tpu.wait_dma2 semaphore(%arg25 : memref<!tpu.dma_semaphore, #tpu.memory_space<semaphore_mem>>) src(%dma_wait3A_96 : memref<80x128xf32, #tpu.memory_space<hbm>>) dst(%dma_wait3A_93 : memref<80x128xf32, #tpu.memory_space<vmem>>)
    %barrier3A_97 = arith.constant 0 : index
    tpu.barrier barrier_id(%barrier3A_97)
    "tpu.region"() ({
      %run_scoped3A = tpu.sem_alloc : memref<!tpu.dma_semaphore, #tpu.memory_space<semaphore_mem>>
      %dma_start3A_98 = arith.constant 0 : i32
      %dma_start3A_99 = tpu.memref_slice %arg8[%arg0, %mul3A_2, %dma_start3A_98] : memref<2x10240x128xf32, #tpu.memory_space<hbm>> -> memref<1x640x128xf32, #tpu.memory_space<hbm>>
      %dma_start3A_100 = tpu.memref_squeeze %dma_start3A_99 : memref<1x640x128xf32, #tpu.memory_space<hbm>> -> memref<640x128xf32, #tpu.memory_space<hbm>>
      %dma_start3A_101 = arith.constant 0 : i32
      %dma_start3A_102 = tpu.memref_slice %arg16[%mul3A_2, %dma_start3A_101] : memref<10240x128xf32, #tpu.memory_space<vmem_shared>> -> memref<640x128xf32, #tpu.memory_space<vmem_shared>>
      tpu.enqueue_dma source(%dma_start3A_102 : memref<640x128xf32, #tpu.memory_space<vmem_shared>>) target(%dma_start3A_100 : memref<640x128xf32, #tpu.memory_space<hbm>>) target_semaphore(%run_scoped3A : memref<!tpu.dma_semaphore, #tpu.memory_space<semaphore_mem>>)
      %dma_wait3A_103 = arith.constant 0 : i32
      %dma_wait3A_104 = tpu.memref_slice %arg8[%arg0, %mul3A_2, %dma_wait3A_103] : memref<2x10240x128xf32, #tpu.memory_space<hbm>> -> memref<1x640x128xf32, #tpu.memory_space<hbm>>
      %dma_wait3A_105 = tpu.memref_squeeze %dma_wait3A_104 : memref<1x640x128xf32, #tpu.memory_space<hbm>> -> memref<640x128xf32, #tpu.memory_space<hbm>>
      %dma_wait3A_106 = arith.constant 0 : i32
      %dma_wait3A_107 = tpu.memref_slice %arg16[%mul3A_2, %dma_wait3A_106] : memref<10240x128xf32, #tpu.memory_space<vmem_shared>> -> memref<640x128xf32, #tpu.memory_space<vmem_shared>>
      tpu.wait_dma2 semaphore(%run_scoped3A : memref<!tpu.dma_semaphore, #tpu.memory_space<semaphore_mem>>) src(%dma_wait3A_107 : memref<640x128xf32, #tpu.memory_space<vmem_shared>>) dst(%dma_wait3A_105 : memref<640x128xf32, #tpu.memory_space<hbm>>)
      tpu.yield
    }) : () -> ()
    return
  }
}

module attributes {stable_mosaic.version = 14 : i64} {
  func.func @body(%arg0: i32, %arg1: memref<1000x128xf32, #tpu.memory_space<vmem>>, %arg2: memref<128x128xf32, #tpu.memory_space<vmem>>, %arg3: memref<1024xf32, #tpu.memory_space<vmem>>, %arg4: memref<1024xf32, #tpu.memory_space<vmem>>, %arg5: memref<1000x128xf32, #tpu.memory_space<vmem>>, %arg6: memref<1024xf32, #tpu.memory_space<vmem>>) attributes {dimension_semantics = [#tpu.dimension_semantics<arbitrary>], iteration_bounds = array<i64: 10>, scalar_prefetch = 0 : i64, scratch_operands = 0 : i64, tpu.core_type = #tpu.core_type<tc>, window_params = [{transform_indices = @transform_0, window_bounds = array<i64: 1000, 128>}, {pipeline_mode = #tpu.pipeline_mode<synchronous>, transform_indices = @transform_1, window_bounds = array<i64: 128, 128>}, {transform_indices = @transform_2, window_bounds = array<i64: 1024>}, {transform_indices = @transform_3, window_bounds = array<i64: 1024>}, {transform_indices = @transform_4, window_bounds = array<i64: 1000, 128>}, {transform_indices = @transform_5, window_bounds = array<i64: 1024>}]} {
    %get3A = arith.constant 0 : index
    %get3A_0 = arith.constant 0 : index
    %get3A_1 = vector.load %arg1[%get3A, %get3A_0] : memref<1000x128xf32, #tpu.memory_space<vmem>>, vector<1000x128xf32>
    %get3A_2 = arith.constant 0 : index
    %get3A_3 = arith.constant 0 : index
    %get3A_4 = vector.load %arg2[%get3A_2, %get3A_3] : memref<128x128xf32, #tpu.memory_space<vmem>>, vector<128x128xf32>
    %dot_general3A = arith.constant dense<0.000000e+00> : vector<1000x128xf32>
    %dot_general3A_5 = tpu.matmul %get3A_1, %get3A_4, %dot_general3A {dimension_numbers = #tpu.dot_dimension_numbers<[1], [0], [0], [1], [0, 0, 1, 1], [], []>, transpose_lhs_hint = false} : vector<1000x128xf32>, vector<128x128xf32>, vector<1000x128xf32> -> vector<1000x128xf32>
    %swap3A = arith.constant 0 : index
    %swap3A_6 = arith.constant 0 : index
    %swap3A_7 = vector.load %arg5[%swap3A, %swap3A_6] : memref<1000x128xf32, #tpu.memory_space<vmem>>, vector<1000x128xf32>
    tpu.vector_store %arg5[%swap3A, %swap3A_6], %dot_general3A_5 {strides = array<i32>} : memref<1000x128xf32, #tpu.memory_space<vmem>>, vector<1000x128xf32>,
    %get3A_8 = arith.constant 0 : index
    %get3A_9 = vector.load %arg3[%get3A_8] : memref<1024xf32, #tpu.memory_space<vmem>>, vector<1024xf32>
    %get3A_10 = arith.constant 0 : index
    %get3A_11 = vector.load %arg4[%get3A_10] : memref<1024xf32, #tpu.memory_space<vmem>>, vector<1024xf32>
    %add3A = arith.addf %get3A_9, %get3A_11 : vector<1024xf32>
    %max3A = arith.constant 9.99999996E-13 : f32
    %max3A_12 = vector.broadcast %max3A : f32 to vector<1024xf32>
    %max3A_13 = arith.maximumf %add3A, %max3A_12 : vector<1024xf32>
    %rsqrt3A = math.rsqrt %max3A_13 : vector<1024xf32>
    %swap3A_14 = arith.constant 0 : index
    %swap3A_15 = vector.load %arg6[%swap3A_14] : memref<1024xf32, #tpu.memory_space<vmem>>, vector<1024xf32>
    tpu.vector_store %arg6[%swap3A_14], %rsqrt3A {strides = array<i32>} : memref<1024xf32, #tpu.memory_space<vmem>>, vector<1024xf32>,
    return
  }
  func.func @transform_0(%arg0: i32) -> (i32, i32) {
    %c0_i32 = arith.constant 0 : i32
    %c0_i32_0 = arith.constant 0 : i32
    return %arg0, %c0_i32 : i32, i32
  }
  func.func @transform_1(%arg0: i32) -> (i32, i32) {
    %c0_i32 = arith.constant 0 : i32
    %c0_i32_0 = arith.constant 0 : i32
    %c0_i32_1 = arith.constant 0 : i32
    return %c0_i32, %c0_i32_0 : i32, i32
  }
  func.func @transform_2(%arg0: i32) -> i32 {
    %c0_i32 = arith.constant 0 : i32
    return %arg0 : i32
  }
  func.func @transform_3(%arg0: i32) -> i32 {
    %c0_i32 = arith.constant 0 : i32
    return %arg0 : i32
  }
  func.func @transform_4(%arg0: i32) -> (i32, i32) {
    %c0_i32 = arith.constant 0 : i32
    %c0_i32_0 = arith.constant 0 : i32
    return %arg0, %c0_i32 : i32, i32
  }
  func.func @transform_5(%arg0: i32) -> i32 {
    %c0_i32 = arith.constant 0 : i32
    return %arg0 : i32
  }
}

module attributes {stable_mosaic.version = 14 : i64} {
  func.func @body(%arg0: i32, %arg1: memref<2x1000x128xf32, #tpu.memory_space<vmem>>, %arg2: memref<1000x128xf32, #tpu.memory_space<vmem>>, %arg3: memref<128xf32, #tpu.memory_space<vmem>>, %arg4: memref<256x256xf32, #tpu.memory_space<vmem>>, %arg5: memref<256xf32, #tpu.memory_space<vmem>>, %arg6: memref<256x128xf32, #tpu.memory_space<vmem>>, %arg7: memref<128xf32, #tpu.memory_space<vmem>>, %arg8: memref<1000x128xf32, #tpu.memory_space<vmem>>) attributes {dimension_semantics = [#tpu.dimension_semantics<arbitrary>], iteration_bounds = array<i64: 10>, scalar_prefetch = 0 : i64, scratch_operands = 0 : i64, tpu.core_type = #tpu.core_type<tc>, window_params = [{transform_indices = @transform_0, window_bounds = array<i64: 2, 1000, 128>}, {transform_indices = @transform_1, window_bounds = array<i64: 1000, 128>}, {pipeline_mode = #tpu.pipeline_mode<synchronous>, transform_indices = @transform_2, window_bounds = array<i64: 128>}, {pipeline_mode = #tpu.pipeline_mode<synchronous>, transform_indices = @transform_3, window_bounds = array<i64: 256, 256>}, {pipeline_mode = #tpu.pipeline_mode<synchronous>, transform_indices = @transform_4, window_bounds = array<i64: 256>}, {pipeline_mode = #tpu.pipeline_mode<synchronous>, transform_indices = @transform_5, window_bounds = array<i64: 256, 128>}, {pipeline_mode = #tpu.pipeline_mode<synchronous>, transform_indices = @transform_6, window_bounds = array<i64: 128>}, {transform_indices = @transform_7, window_bounds = array<i64: 1000, 128>}]} {
    %get3A = arith.constant 0 : index
    %get3A_0 = arith.constant 0 : index
    %get3A_1 = arith.constant 0 : index
    %get3A_2 = vector.load %arg1[%get3A, %get3A_0, %get3A_1] : memref<2x1000x128xf32, #tpu.memory_space<vmem>>, vector<1x1000x128xf32>
    %get3A_3 = vector.shape_cast %get3A_2 : vector<1x1000x128xf32> to vector<1000x128xf32>
    %get3A_4 = arith.constant 1 : index
    %get3A_5 = arith.constant 0 : index
    %get3A_6 = arith.constant 0 : index
    %get3A_7 = vector.load %arg1[%get3A_4, %get3A_5, %get3A_6] : memref<2x1000x128xf32, #tpu.memory_space<vmem>>, vector<1x1000x128xf32>
    %get3A_8 = vector.shape_cast %get3A_7 : vector<1x1000x128xf32> to vector<1000x128xf32>
    %add3A = arith.addf %get3A_3, %get3A_8 : vector<1000x128xf32>
    %get3A_9 = arith.constant 0 : index
    %get3A_10 = vector.load %arg3[%get3A_9] : memref<128xf32, #tpu.memory_space<vmem>>, vector<128xf32>
    %broadcast_in_dim3A = vector.shape_cast %get3A_10 : vector<128xf32> to vector<1x128xf32>
    %add3A_11 = vector.broadcast %broadcast_in_dim3A : vector<1x128xf32> to vector<1000x128xf32>
    %add3A_12 = arith.addf %add3A, %add3A_11 : vector<1000x128xf32>
    %logistic3A = arith.negf %add3A_12 : vector<1000x128xf32>
    %logistic3A_13 = math.exp %logistic3A : vector<1000x128xf32>
    %logistic3A_14 = arith.constant 1.000000e+00 : f32
    %logistic3A_15 = vector.broadcast %logistic3A_14 : f32 to vector<1000x128xf32>
    %logistic3A_16 = arith.addf %logistic3A_15, %logistic3A_13 : vector<1000x128xf32>
    %logistic3A_17 = arith.divf %logistic3A_15, %logistic3A_16 : vector<1000x128xf32>
    %get3A_18 = arith.constant 0 : index
    %get3A_19 = arith.constant 0 : index
    %get3A_20 = vector.load %arg2[%get3A_18, %get3A_19] : memref<1000x128xf32, #tpu.memory_space<vmem>>, vector<1000x128xf32>
    %concatenate3A = tpu.concatenate %logistic3A_17, %get3A_20 in 1 : vector<1000x128xf32>, vector<1000x128xf32> -> vector<1000x256xf32>
    %get3A_21 = arith.constant 0 : index
    %get3A_22 = arith.constant 0 : index
    %get3A_23 = vector.load %arg4[%get3A_21, %get3A_22] : memref<256x256xf32, #tpu.memory_space<vmem>>, vector<256x256xf32>
    %dot_general3A = arith.constant dense<0.000000e+00> : vector<1000x256xf32>
    %dot_general3A_24 = tpu.matmul %concatenate3A, %get3A_23, %dot_general3A {dimension_numbers = #tpu.dot_dimension_numbers<[1], [0], [0], [1], [0, 0, 1, 1], [], []>, transpose_lhs_hint = false} : vector<1000x256xf32>, vector<256x256xf32>, vector<1000x256xf32> -> vector<1000x256xf32>
    %get3A_25 = arith.constant 0 : index
    %get3A_26 = vector.load %arg5[%get3A_25] : memref<256xf32, #tpu.memory_space<vmem>>, vector<256xf32>
    %broadcast_in_dim3A_27 = vector.shape_cast %get3A_26 : vector<256xf32> to vector<1x256xf32>
    %add3A_28 = vector.broadcast %broadcast_in_dim3A_27 : vector<1x256xf32> to vector<1000x256xf32>
    %add3A_29 = arith.addf %dot_general3A_24, %add3A_28 : vector<1000x256xf32>
    %logistic3A_30 = arith.negf %add3A_29 : vector<1000x256xf32>
    %logistic3A_31 = math.exp %logistic3A_30 : vector<1000x256xf32>
    %logistic3A_32 = arith.constant 1.000000e+00 : f32
    %logistic3A_33 = vector.broadcast %logistic3A_32 : f32 to vector<1000x256xf32>
    %logistic3A_34 = arith.addf %logistic3A_33, %logistic3A_31 : vector<1000x256xf32>
    %logistic3A_35 = arith.divf %logistic3A_33, %logistic3A_34 : vector<1000x256xf32>
    %slice3A = vector.extract_strided_slice %logistic3A_35 {offsets = [0, 0], sizes = [1000, 128], strides = [1, 1]} : vector<1000x256xf32> to vector<1000x128xf32>
    %slice3A_36 = vector.extract_strided_slice %logistic3A_35 {offsets = [0, 128], sizes = [1000, 128], strides = [1, 1]} : vector<1000x256xf32> to vector<1000x128xf32>
    %mul3A = arith.mulf %slice3A, %get3A_20 : vector<1000x128xf32>
    %concatenate3A_37 = tpu.concatenate %logistic3A_17, %mul3A in 1 : vector<1000x128xf32>, vector<1000x128xf32> -> vector<1000x256xf32>
    %get3A_38 = arith.constant 0 : index
    %get3A_39 = arith.constant 0 : index
    %get3A_40 = vector.load %arg6[%get3A_38, %get3A_39] : memref<256x128xf32, #tpu.memory_space<vmem>>, vector<256x128xf32>
    %dot_general3A_41 = arith.constant dense<0.000000e+00> : vector<1000x128xf32>
    %dot_general3A_42 = tpu.matmul %concatenate3A_37, %get3A_40, %dot_general3A_41 {dimension_numbers = #tpu.dot_dimension_numbers<[1], [0], [0], [1], [0, 0, 1, 1], [], []>, transpose_lhs_hint = false} : vector<1000x256xf32>, vector<256x128xf32>, vector<1000x128xf32> -> vector<1000x128xf32>
    %get3A_43 = arith.constant 0 : index
    %get3A_44 = vector.load %arg7[%get3A_43] : memref<128xf32, #tpu.memory_space<vmem>>, vector<128xf32>
    %broadcast_in_dim3A_45 = vector.shape_cast %get3A_44 : vector<128xf32> to vector<1x128xf32>
    %add3A_46 = vector.broadcast %broadcast_in_dim3A_45 : vector<1x128xf32> to vector<1000x128xf32>
    %add3A_47 = arith.addf %dot_general3A_42, %add3A_46 : vector<1000x128xf32>
    %tanh3A = math.tanh %add3A_47 : vector<1000x128xf32>
    %mul3A_48 = arith.mulf %slice3A_36, %get3A_20 : vector<1000x128xf32>
    %sub3A = arith.constant 1.000000e+00 : f32
    %sub3A_49 = vector.broadcast %sub3A : f32 to vector<1000x128xf32>
    %sub3A_50 = arith.subf %sub3A_49, %slice3A_36 : vector<1000x128xf32>
    %mul3A_51 = arith.mulf %sub3A_50, %tanh3A : vector<1000x128xf32>
    %add3A_52 = arith.addf %mul3A_48, %mul3A_51 : vector<1000x128xf32>
    %swap3A = arith.constant 0 : index
    %swap3A_53 = arith.constant 0 : index
    %swap3A_54 = vector.load %arg8[%swap3A, %swap3A_53] : memref<1000x128xf32, #tpu.memory_space<vmem>>, vector<1000x128xf32>
    tpu.vector_store %arg8[%swap3A, %swap3A_53], %add3A_52 {strides = array<i32>} : memref<1000x128xf32, #tpu.memory_space<vmem>>, vector<1000x128xf32>,
    return
  }
  func.func @transform_0(%arg0: i32) -> (i32, i32, i32) {
    %c0_i32 = arith.constant 0 : i32
    %c0_i32_0 = arith.constant 0 : i32
    %c0_i32_1 = arith.constant 0 : i32
    return %c0_i32, %arg0, %c0_i32_0 : i32, i32, i32
  }
  func.func @transform_1(%arg0: i32) -> (i32, i32) {
    %c0_i32 = arith.constant 0 : i32
    %c0_i32_0 = arith.constant 0 : i32
    return %arg0, %c0_i32 : i32, i32
  }
  func.func @transform_2(%arg0: i32) -> i32 {
    %c0_i32 = arith.constant 0 : i32
    %c0_i32_0 = arith.constant 0 : i32
    return %c0_i32 : i32
  }
  func.func @transform_3(%arg0: i32) -> (i32, i32) {
    %c0_i32 = arith.constant 0 : i32
    %c0_i32_0 = arith.constant 0 : i32
    %c0_i32_1 = arith.constant 0 : i32
    return %c0_i32, %c0_i32_0 : i32, i32
  }
  func.func @transform_4(%arg0: i32) -> i32 {
    %c0_i32 = arith.constant 0 : i32
    %c0_i32_0 = arith.constant 0 : i32
    return %c0_i32 : i32
  }
  func.func @transform_5(%arg0: i32) -> (i32, i32) {
    %c0_i32 = arith.constant 0 : i32
    %c0_i32_0 = arith.constant 0 : i32
    %c0_i32_1 = arith.constant 0 : i32
    return %c0_i32, %c0_i32_0 : i32, i32
  }
  func.func @transform_6(%arg0: i32) -> i32 {
    %c0_i32 = arith.constant 0 : i32
    %c0_i32_0 = arith.constant 0 : i32
    return %c0_i32 : i32
  }
  func.func @transform_7(%arg0: i32) -> (i32, i32) {
    %c0_i32 = arith.constant 0 : i32
    %c0_i32_0 = arith.constant 0 : i32
    return %arg0, %c0_i32 : i32, i32
  }
}

</mosaic_0001>

<sc_bundles>
// kernel: kernel.6.cloned.1.call-start
scs
__scs_entry_jumppad:
0x0: {  	(pc) =	sbr.rel $0x88, $3  }
0x1: {  	(tag) =	ssettag $0x0;
	lr =	simm.s32 $0x1  }
0x2: {  	[smem:$0x3F97] =	sst lr;
	_ =	strace $0xD0000000  }
0x3: {  	_ = 	snop  }
0x4: {  	_ = 	snop  }
0x5: {  	_ = 	snop  }
0x6: {  	_ = 	snop  }
0x7: {  	_ = 	snop  }
__scs_overlays_trampoline_lowered:
0x8: {  	[smem:$0x3FA6] =	sst s0  }
0x9: {  	[smem:$0x3FA7] =	sst s1  }
0xa: {  	[smem:$0x3FA8] =	sst s2  }
0xb: {  	[smem:$0x3FA9] =	sst s3  }
0xc: {  	[smem:$0x3FAA] =	sst s4  }
0xd: {  	[smem:$0x3FAB] =	sst s5  }
0xe: {  	[smem:$0x3FAC] =	sst s6  }
0xf: {  	[smem:$0x3FAD] =	sst s7  }
0x10: {  	[smem:$0x3FAE] =	sst s8  }
0x11: {  	[smem:$0x3FAF] =	sst s9;
	s0 =	simm.s32 @!p0 $0x0  }
0x12: {  	s1 =	sld [smem:$0x3F95];
	s0 =	simm.s32 @p0 $0x1  }
0x13: {  	[smem:$0x3FB0] =	sst s0;
	s0 =	simm.s32 @!p1 $0x0  }
0x14: {  	s2 =	sld [smem:$0x3F94];
	s0 =	simm.s32 @p1 $0x1  }
0x15: {  	[smem:$0x3FB1] =	sst s0;
	s0 =	simm.s32 @!p2 $0x0  }
0x16: {  	s3 =	sld [smem:$0x3FDB];
	s0 =	simm.s32 @p2 $0x1  }
0x17: {  	s4 =	simm.s32 $0x1BF5;
	[smem:$0x3FB3] =	sst s0  }
0x18: {  	s0 =	sld [smem:$0x3F96];
	_ =	swait.ge [sflag:s4], $0x0  }
0x19: {  	s7 =	sld [smem:$0x3F97]  }
0x1a: {  	s8 =	sadd.s32 $0xFFFFE003, lr  }
0x1b: {  	s9 =	sadd.s32 $0xFFFFFEF7, lr;
	s5 =	simm.s32 $0xFFFFFFFF;
	p2 =	slt.u32 s8, $0xFFFFF086  }
0x1c: {  	p1 =	slt.u32 s9, $0xF7A;
	s5 =	simm.s32 @!p2 $0x0  }
0x1d: {  	s5 =	simm.s32 @p1 $0x1;
	p0 =	seq.s32 s7, s2  }
0x1e: {  	s7 =	smul.u32 @!p0 $0xF7A, s2;
	p2 =	seq.s32 @!p0 s5, $0x0  }
0x1f: {  	s9 =	smul.u32 $0xF7A, s1;
	s8 =	simm.s32 @!p0 $0x1BF5;
	p2 =	por !p2, p0  }
0x20: {  	[sflag:s8] =	ssyncset.s32 @!p0 $0xFFFFF086;
	s6 =	sadd.s32 @!p0 s3, s7;
	s7 =	simm.s32 @!p0 $0x108  }
0x21: {  	s3 =	sadd.s32 s3, s9;
	s6 =	sadd.s32 @!p0 $0x88, s6;
	s7 =	simm.s32 @p2 $0x1082  }
0x22: {  	[simem:s7], [sflag:s8] =	dma.local @!p0 [hbm:s6], $0xF7A  }
0x23: {  	s9 =	sor.u32 $0xD0000000, s2;
	s6 =	simm.s32 $0x108;
	_ =	swait.ge @!p0 [sflag:s8], $0x0  }
0x24: {  	s3 =	sadd.s32 $0x88, s3;
	s6 =	simm.s32 @!p1 $0x1082;
	[sflag:s4] =	ssyncset.s32 $0xFFFFF086  }
0x25: {  	[simem:s6], [sflag:s4] =	dma.local [hbm:s3], $0xF7A  }
0x26: {  	[smem:$0x3F97] =	sst s1;
	(tag) =	ssettag s2;
	_ =	strace s9  }
0x27: {  	s1 =	sld [smem:$0x3FA7]  }
0x28: {  	s2 =	sld [smem:$0x3FA8]  }
0x29: {  	s4 =	sld [smem:$0x3FAA]  }
0x2a: {  	p0 =	seq.s32 s5, $0x0;
	s5 =	sld [smem:$0x3FAB]  }
0x2b: {  	s6 =	sld [smem:$0x3FAC]  }
0x2c: {  	s7 =	sld [smem:$0x3FAD]  }
0x2d: {  	s3 =	simm.s32 $0x108;
	s8 =	sld [smem:$0x3FAE]  }
0x2e: {  	s3 =	simm.s32 @!p0 $0x1082;
	s9 =	sld [smem:$0x3FAF]  }
0x2f: {  	lr =	sadd.s32 s0, s3;
	s0 =	sld [smem:$0x3FA6]  }
0x30: {  	s3 =	sld [smem:$0x3FA9]  }
0x31: {  	[smem:$0x3FB2] =	sst s10  }
0x32: {  	s10 =	sld [smem:$0x3FB0];
	_ =	sdelay $0x3  }
0x33: {  	p0 =	seq.s32 s10, $0x1;
	s10 =	sld [smem:$0x3FB2];
	_ =	sdelay $0x3  }
0x34: {  	[smem:$0x3FB2] =	sst s10  }
0x35: {  	s10 =	sld [smem:$0x3FB1];
	_ =	sdelay $0x3  }
0x36: {  	p1 =	seq.s32 s10, $0x1;
	s10 =	sld [smem:$0x3FB2];
	_ =	sdelay $0x3  }
0x37: {  	[smem:$0x3FB2] =	sst s10  }
0x38: {  	s10 =	sld [smem:$0x3FB3]  }
0x39: {  	_ = 	snop;
	(pc) =	sbr.ind lr, $3  }
0x3a: {  	_ = 	snop  }
0x3b: {  	_ = 	snop  }
0x3c: {  	p2 =	seq.s32 s10, $0x1;
	s10 =	sld [smem:$0x3FB2]  }
0x3d: {  	_ =	shalt  }
0x3e: {  	_ =	shalt  }
0x3f: {  	_ =	shalt  }
0x40: {  	_ =	shalt  }
0x41: {  	_ =	shalt  }
0x42: {  	_ =	shalt  }
0x43: {  	_ =	shalt  }
0x44: {  	_ =	shalt  }
0x45: {  	_ =	shalt  }
0x46: {  	_ =	shalt  }
0x47: {  	_ =	shalt  }
0x48: {  	_ =	shalt  }
0x49: {  	_ =	shalt  }
0x4a: {  	_ =	shalt  }
0x4b: {  	_ =	shalt  }
0x4c: {  	_ =	shalt  }
0x4d: {  	_ =	shalt  }
0x4e: {  	_ =	shalt  }
0x4f: {  	_ =	shalt  }
0x50: {  	_ =	shalt  }
0x51: {  	_ =	shalt  }
0x52: {  	_ =	shalt  }
0x53: {  	_ =	shalt  }
0x54: {  	_ =	shalt  }
0x55: {  	_ =	shalt  }
0x56: {  	_ =	shalt  }
0x57: {  	_ =	shalt  }
0x58: {  	_ =	shalt  }
0x59: {  	_ =	shalt  }
0x5a: {  	_ =	shalt  }
0x5b: {  	_ =	shalt  }
0x5c: {  	_ =	shalt  }
0x5d: {  	_ =	shalt  }
0x5e: {  	_ =	shalt  }
0x5f: {  	_ =	shalt  }
0x60: {  	_ =	shalt  }
0x61: {  	_ =	shalt  }
0x62: {  	_ =	shalt  }
0x63: {  	_ =	shalt  }
0x64: {  	_ =	shalt  }
0x65: {  	_ =	shalt  }
0x66: {  	_ =	shalt  }
0x67: {  	_ =	shalt  }
0x68: {  	_ =	shalt  }
0x69: {  	_ =	shalt  }
0x6a: {  	_ =	shalt  }
0x6b: {  	_ =	shalt  }
0x6c: {  	_ =	shalt  }
0x6d: {  	_ =	shalt  }
0x6e: {  	_ =	shalt  }
0x6f: {  	_ =	shalt  }
0x70: {  	_ =	shalt  }
0x71: {  	_ =	shalt  }
0x72: {  	_ =	shalt  }
0x73: {  	_ =	shalt  }
0x74: {  	_ =	shalt  }
0x75: {  	_ =	shalt  }
0x76: {  	_ =	shalt  }
0x77: {  	_ =	shalt  }
0x78: {  	_ =	shalt  }
0x79: {  	_ =	shalt  }
0x7a: {  	_ =	shalt  }
0x7b: {  	_ =	shalt  }
0x7c: {  	_ =	shalt  }
0x7d: {  	_ =	shalt  }
0x7e: {  	_ =	shalt  }
0x7f: {  	_ =	shalt  }
0x80: {  	_ =	shalt  }
0x81: {  	_ =	shalt  }
0x82: {  	_ =	shalt  }
0x83: {  	_ =	shalt  }
0x84: {  	_ =	shalt  }
0x85: {  	_ =	shalt  }
0x86: {  	_ =	shalt  }
0x87: {  	_ =	shalt  }
.Lfunc_end0:
.L_simem_size_0:
called_computation_lowered:
.L_overlay_start_0:
0x88: {  	s2 =	sld [smem:$0x3FD9]  }
0x89: {  	s3 =	sld [smem:$0x3FFE];
	_ =	sdelay $0x1  }
0x8a: {  	s1 =	srdreg.scid  }
0x8b: {  	s0 =	sand.u32 $0x1, s1  }
0x8c: {  	s17 =	sshll.u32 s0, $0xA;
	s2 =	sadd.s32 s3, s2  }
0x8d: {  	s2 =	sadd.s32 s2, s17  }
0x8e: {  	[smem:$0x3FBE] =	sst s2  }
0x8f: {  	_ = 	snop  }
0x90: {  	s2 =	sld [smem:$0x3FD0];
	(tm) =	ssettm $0x1  }
0x91: {  	s18 =	sld [smem:$0x3FFB];
	_ =	sdelay $0x3  }
0x92: {  	_ =	strace s18  }
0x93: {  	s3 =	sld [smem:$0x3FFC];
	_ =	sdelay $0x3  }
0x94: {  	_ =	strace s3  }
0x95: {  	s3 =	sld [smem:$0x3FFD];
	_ =	sdelay $0x3  }
0x96: {  	_ =	strace s3  }
0x97: {  	_ =	strace $0x8FFFFFFF  }
0x98: {  	s19 =	sld [smem:$0x3FDB];
	_ =	sdelay $0x1  }
0x99: {  	s4 =	simm.s32 $_scs_section_size  }
0x9a: {  	s5 =	simm.s32 $_size__tile_overlayer_lowered;
	s6 =	simm.s32 $_tile_overlayer_lowered  }
0x9b: {  	s22 =	simm.s32 $0x1BFF;
	s21 =	sshll.u32 s6, $0x1;
	s3 =	sadd.s32 s4, s19  }
0x9c: {  	s7 =	simm.s32 $0x0;
	s20 =	sshll.u32 s5, $0x1;
	s5 =	sadd.s32 s21, s3  }
0x9d: {  	[timem:s7], [sflag:s22] =	dma.local [hbm:s5], s20  }
0x9e: {  	_ =	swait.ge [sflag:s22], s20  }
0x9f: {  	s4 =	ssub.s32 $0x0, s20;
	[sflag:s22] =	ssyncset.done $0x0  }
0xa0: {  	[sflag:s22] =	ssyncadd.s32 s4;
	_ =	sdelay $0x1  }
0xa1: {  	s23 =	simm.s32 $0x1B8B  }
0xa2: {  	_ =	swait.ge [sflag:s23], $0x1  }
0xa3: {  	[sflag:s23] =	ssyncset.done $0x0  }
0xa4: {  	s25 =	simm.s32 $0x1B8E;
	s24 =	sld [smem:$0x3FFE];
	[sflag:s23] =	ssyncadd.s32 $0xFFFFFFFF  }
0xa5: {  	s26 =	simm.s32 $execute0_lowered;
	[smem:$0x3FD2] =	sst s25  }
0xa6: {  	s5 =	sshll.u32 s26, $0x1;
	_ =	strace $0x80000046;
	[dreg:$0x1] =	wrdreg $0xFFFFFFFF  }
0xa7: {  	s28 =	simm.s32 $_size_execute0_lowered;
	s3 =	sadd.s32 s3, s5;
	[dreg:$0x0] =	wrdreg $0x0  }
0xa8: {  	s5 =	sshll.u32 s28, $0x1;
	[dreg:$0x2] =	wrdreg s3  }
0xa9: {  	[dreg:$0x3] =	wrdreg s5  }
0xaa: {  	[dreg:$0x4] =	wrdreg $0xC0  }
0xab: {  	_ =	task [dreg:s7], $0x5FFFF  }
0xac: {  	[dreg:$0x1] =	wrdreg $0xFFFFFFFF  }
0xad: {  	[dreg:$0x0] =	wrdreg $0x60  }
0xae: {  	[dreg:$0x2] =	wrdreg s2  }
0xaf: {  	[dreg:$0x3] =	wrdreg s24  }
0xb0: {  	[dreg:$0x4] =	wrdreg $0x88000  }
0xb1: {  	[dreg:$0x5] =	wrdreg $0x9  }
0xb2: {  	_ =	task.clear_ibuf [dreg:s7], $0x6FFFF;
	_ =	strace $0x90000046  }
0xb3: {  	s29 =	simm.s32 $0x9;
	_ =	strace $0x80000048  }
0xb4: {  	_ =	swait.ge [sflag:s29], $0x1  }
0xb5: {  	[sflag:s29] =	ssyncadd.s32 $0xFFFFFFFF  }
0xb6: {  	_ =	strace $0x90000048  }
0xb7: {  	_ =	sfence  }
0xb8: {  	s30 =	sld [smem:$0x0];
	_ =	sdelay $0x2  }
0xb9: {  	s31 =	sshll.u32 s1, $0xD;
	s1 =	sshrl.u32 s1, $0x2  }
0xba: {  	s3 =	sand.u32 $0x4000, s31;
	s1 =	sadd.s32 s1, s30  }
0xbb: {  	s0 =	sor.u32 s3, s0;
	s1 =	sshll.u32 s1, $0x11  }
0xbc: {  	s0 =	sor.u32 s1, s0  }
0xbd: {  	s0 =	sadd.s32 $0x8F2B, s0  }
0xbe: {  	[sflag:s0] =	ssyncadd.remote.s32 $0x1  }
0xbf: {  	_ =	sfence.sel $0xFFFF  }
0xc0: {  	[dreg:$0x0] =	wrdreg $0xFFFFFFFF;
	(pc) =	sbr.abs _section_cstart, $3  }
0xc1: {  	[dreg:$0x1] =	wrdreg $0xFFFFFFFF  }
0xc2: {  	_ =	task.clear_ibuf [dreg:s7], $0x2FFFF;
	_ =	strace $0x9FFFFFFF  }
0xc3: {  	(tm) =	ssettm $0x7FFFFFFF  }
tec
execute0_lowered:
.L_overlay_start_1:
0x0: {  	(tag) =	ssettag $0x1  }
0x1: {  	s4 =	rddreg [dreg:$0x0]  }
0x2: {  	s1 =	srdreg.scid;
	s5 =	rddreg [dreg:$0x1]  }
0x3: {  	s0 =	stileid.u32;
	s2 =	rddreg [dreg:$0x2];
	s3 =	simm.s32 $0x0  }
0x4: {  	s13 =	simm.s32 $0x1;
	s6 =	sand.u32 $0x1, s1;
	s1 =	rddreg [dreg:$0x3]  }
0x5: {  	s14 =	simm.s32 $0x0;
	s29 =	sshll.u32 s0, $0x1;
	[smem:$0x7FF] =	sst s3  }
0x6: {  	s8 =	smul.u32 $0x280, s0;
	s31 =	sshll.u32 s0, $0x6;
	s7 =	sor.u32 s6, s29  }
0x7: {  	_ =	strace $0x80000047;
	s9 =	ssub.s32 $0x2, s6;
	p0 =	seq.s32 s6, $0x1  }
0x8: {  	s7 =	smul.u32 $0x880, s7;
	s11 =	sshrl.u32 s8, $0x3;
	s12 =	sshrl.u32 s9, $0x1  }
0x9: {  	s30 =	sadd.s32 s8, s2;
	s11 =	sadd.s32 s11, s5;
	s9 =	ssub.s32 s9, s12  }
0xa: {  	s12 =	simm.s32 $0x50;
	s10 =	sadd.s32 s7, s5;
	s4 =	sadd.s32 s4, s7  }
0xb: {  	s6 =	sadd.s32 $0x28600, s11;
	s5 =	sadd.s32 $0xD400, s10;
	s10 =	simm.s32 $0x29200  }
0xc: {  	s7 =	smax.u32 s9, $0x1;
	s9 =	simm.s32 $0x2;
	s10 =	simm.s32 @!p0 $0x28C00  }
0xd: {  	s8 =	sadd.s32 s10, s11;
	s10 =	sor.u32 $0x1C02, s31;
	s11 =	sshrl.u32 s30, $0x3  }
.LBB2_1:
0xe: {  	[tilespmem:s3], [sflag:$0x2] =	stream.linear.gather [hbm4b:s4+s3], $0x4080, $0x38;
	[tilespmem:$0x8A80] =	vst v63  }
0xf: {  	_ =	swait.ge [sflag:s9], $0x4080  }
0x10: {  	[sflag:s9] =	ssyncset.done $0x0  }
0x11: {  	s15 =	simm.s32 $0x4400;
	[sflag:s9] =	ssyncadd.s32 $0xFFFFBF80  }
0x12: {  	[tilespmem:s15], [sflag:$0x2] =	stream.linear.gather [hbm4b:s5+s3], $0x4080, $0x38;
	[tilespmem:$0x8A80] =	vst v63  }
0x13: {  	_ =	swait.ge [sflag:s9], $0x4080  }
0x14: {  	[sflag:s9] =	ssyncset.done $0x0  }
0x15: {  	[sflag:s9] =	ssyncadd.s32 $0xFFFFBF80  }
0x16: {  	[spmem:s11], [sflag:s10] =	dma.local [hbm:s6], $0x50  }
0x17: {  	_ =	swait.ge [sflag:s9], $0x50  }
0x18: {  	[sflag:s9] =	ssyncset.done $0x0  }
0x19: {  	p0 =	por $0x1, $0x1;
	[sflag:s9] =	ssyncadd.s32 $0xFFFFFFB0  }
0x1a: {  	s18 =	simm.s32 @!p0 $0x1;
	[bflag:$0x0] =	sbarrier.arrive $0xFFFF  }
0x1b: {  	[spmem:s2] =	stream.indirect.scatter.add.f32 [tilespmem:s15], [sflag:$0x1], $0x1, s3, s12, $0xb8;
	[tilespmem:$0x8A80] =	vst v63  }
0x1c: {  	_ =	swait.ge @!p0 [sflag:s18], $0x50  }
0x1d: {  	s16 =	simm.s32 $0x1;
	s17 =	simm.s32 $0x80;
	[sflag:s18] =	ssyncset.done @!p0 $0x0  }
.LBB2_2:
0x1e: {  	[sflag:s18] =	ssyncadd.s32 @!p0 $0xFFFFFFB0  }
0x1f: {  	s15 =	sadd.s32 $0x80, s15;
	s18 =	smov.u32 s16;
	s16 =	sadd.s32 $0x1, s16  }
0x20: {  	p1 =	sne.s32 s16, $0x81  }
0x21: {  	[spmem:s2] =	stream.indirect.scatter.add.f32 [tilespmem:s15], [sflag:$0x1], $0x1, s17, s12, $0xb8;
	[tilespmem:$0x8A80] =	vst v63  }
.Ltmp0:
0x22: {  	_ = 	snop;
	(pc) =	sbr.rel @p1 .LBB2_2-.Ltmp0, $4  }
0x23: {  	p0 =	slt.u32 s18, $0x8  }
0x24: {  	s18 =	simm.s32 @!p0 $0x1  }
0x25: {  	_ =	swait.ge @!p0 [sflag:s18], $0x50  }
0x26: {  	s17 =	sadd.s32 $0x80, s17;
	[sflag:s18] =	ssyncset.done @!p0 $0x0  }
0x27: {  	[sflag:s18] =	ssyncadd.s32 @!p0 $0xFFFFFFB0  }
0x28: {  	_ =	swait.ge [sflag:s13], $0x50  }
0x29: {  	[sflag:s13] =	ssyncset.done $0x0  }
0x2a: {  	[sflag:s13] =	ssyncadd.s32 $0xFFFFFFB0  }
0x2b: {  	_ =	swait.ge [sflag:s13], $0x50  }
0x2c: {  	[sflag:s13] =	ssyncset.done $0x0  }
0x2d: {  	[sflag:s13] =	ssyncadd.s32 $0xFFFFFFB0  }
0x2e: {  	_ =	swait.ge [sflag:s13], $0x50  }
0x2f: {  	[sflag:s13] =	ssyncset.done $0x0  }
0x30: {  	[sflag:s13] =	ssyncadd.s32 $0xFFFFFFB0  }
0x31: {  	_ =	swait.ge [sflag:s13], $0x50  }
0x32: {  	[sflag:s13] =	ssyncset.done $0x0  }
0x33: {  	[sflag:s13] =	ssyncadd.s32 $0xFFFFFFB0  }
0x34: {  	_ =	swait.ge [sflag:s13], $0x50  }
0x35: {  	[sflag:s13] =	ssyncset.done $0x0  }
0x36: {  	[sflag:s13] =	ssyncadd.s32 $0xFFFFFFB0  }
0x37: {  	_ =	swait.ge [sflag:s13], $0x50  }
0x38: {  	[sflag:s13] =	ssyncset.done $0x0  }
0x39: {  	[sflag:s13] =	ssyncadd.s32 $0xFFFFFFB0  }
0x3a: {  	_ =	swait.ge [sflag:s13], $0x50  }
0x3b: {  	[sflag:s13] =	ssyncset.done $0x0  }
0x3c: {  	[sflag:s13] =	ssyncadd.s32 $0xFFFFFFB0  }
0x3d: {  	_ =	swait.ge [sflag:s13], $0x50  }
0x3e: {  	s14 =	sadd.s32 $0x1, s14;
	[sflag:s13] =	ssyncset.done $0x0  }
0x3f: {  	p0 =	sne.s32 s14, s7;
	[sflag:s13] =	ssyncadd.s32 $0xFFFFFFB0  }
.Ltmp1:
0x40: {  	[bflag:$0x0] =	sbarrier.arrive $0xFFFF;
	(pc) =	sbr.rel @p0 .LBB2_1-.Ltmp1, $4  }
0x41: {  	[hbm:s8], [sflag:s10] =	dma.local [spmem:s11], $0x50  }
0x42: {  	_ =	swait.ge [sflag:s9], $0x50  }
0x43: {  	[sflag:s9] =	ssyncset.done $0x0  }
0x44: {  	[sflag:s9] =	ssyncadd.s32 $0xFFFFFFB0  }
0x45: {  	_ =	sfence.sel $0x180000  }
0x46: {  	[bflag:$0x0] =	sbarrier.arrive $0xFFFF  }
0x47: {  	p0 =	sne.s32 s0, $0x0;
	_ =	strace $0x90000047  }
0x48: {  	s0 =	sadd.s32 @!p0 $0x100000, s1;
	[bflag:$0x2] =	sbarrier.arrive $0xFFFF  }
0x49: {  	[sflag:s0] =	ssyncadd.tile.s32 @!p0 $0x1;
	_ =	shalt  }
.Lfunc_end2:
_tile_overlayer_lowered:
.L_overlay_start_2:
0x4a: {  	(tag) =	ssettag $0x2  }
0x4b: {  	s0 =	rddreg [dreg:$0x0];
	s2 =	stileid.u32  }
0x4c: {  	s1 =	rddreg [dreg:$0x1];
	p0 =	sne.s32 s2, $0x0  }
0x4d: {  	s3 =	rddreg [dreg:$0x2];
	[bflag:$0x3] =	sbarrier.arrive $0xFFFF;
	s2 =	simm.s32 @!p0 $0x1C02  }
0x4e: {  	[timem:s3], [sflag:s2] =	dma.local @!p0 [hbm:s0], s1  }
0x4f: {  	s0 =	simm.s32 @!p0 $0x2  }
0x50: {  	_ =	swait.ge @!p0 [sflag:s0], s1  }
0x51: {  	s1 =	ssub.s32 @!p0 $0x0, s1;
	[sflag:s0] =	ssyncset.done @!p0 $0x0  }
0x52: {  	[sflag:s0] =	ssyncadd.s32 @!p0 s1  }
0x53: {  	[bflag:$0x3] =	sbarrier.arrive $0xFFFF  }
0x54: {  	_ =	shalt  }

// kernel: kernel.9.cloned.1.call-start
scs
__scs_entry_jumppad:
0x0: {  	(pc) =	sbr.rel $0x88, $3  }
0x1: {  	(tag) =	ssettag $0x0;
	lr =	simm.s32 $0x1  }
0x2: {  	[smem:$0x3F97] =	sst lr;
	_ =	strace $0xD0000000  }
0x3: {  	_ = 	snop  }
0x4: {  	_ = 	snop  }
0x5: {  	_ = 	snop  }
0x6: {  	_ = 	snop  }
0x7: {  	_ = 	snop  }
__scs_overlays_trampoline_lowered:
0x8: {  	[smem:$0x3FA6] =	sst s0  }
0x9: {  	[smem:$0x3FA7] =	sst s1  }
0xa: {  	[smem:$0x3FA8] =	sst s2  }
0xb: {  	[smem:$0x3FA9] =	sst s3  }
0xc: {  	[smem:$0x3FAA] =	sst s4  }
0xd: {  	[smem:$0x3FAB] =	sst s5  }
0xe: {  	[smem:$0x3FAC] =	sst s6  }
0xf: {  	[smem:$0x3FAD] =	sst s7  }
0x10: {  	[smem:$0x3FAE] =	sst s8  }
0x11: {  	[smem:$0x3FAF] =	sst s9;
	s0 =	simm.s32 @!p0 $0x0  }
0x12: {  	s1 =	sld [smem:$0x3F95];
	s0 =	simm.s32 @p0 $0x1  }
0x13: {  	[smem:$0x3FB0] =	sst s0;
	s0 =	simm.s32 @!p1 $0x0  }
0x14: {  	s2 =	sld [smem:$0x3F94];
	s0 =	simm.s32 @p1 $0x1  }
0x15: {  	[smem:$0x3FB1] =	sst s0;
	s0 =	simm.s32 @!p2 $0x0  }
0x16: {  	s3 =	sld [smem:$0x3FDB];
	s0 =	simm.s32 @p2 $0x1  }
0x17: {  	s4 =	simm.s32 $0x1BF5;
	[smem:$0x3FB3] =	sst s0  }
0x18: {  	s0 =	sld [smem:$0x3F96];
	_ =	swait.ge [sflag:s4], $0x0  }
0x19: {  	s7 =	sld [smem:$0x3F97]  }
0x1a: {  	s8 =	sadd.s32 $0xFFFFE003, lr  }
0x1b: {  	s9 =	sadd.s32 $0xFFFFFEF7, lr;
	s5 =	simm.s32 $0xFFFFFFFF;
	p2 =	slt.u32 s8, $0xFFFFF086  }
0x1c: {  	p1 =	slt.u32 s9, $0xF7A;
	s5 =	simm.s32 @!p2 $0x0  }
0x1d: {  	s5 =	simm.s32 @p1 $0x1;
	p0 =	seq.s32 s7, s2  }
0x1e: {  	s7 =	smul.u32 @!p0 $0xF7A, s2;
	p2 =	seq.s32 @!p0 s5, $0x0  }
0x1f: {  	s9 =	smul.u32 $0xF7A, s1;
	s8 =	simm.s32 @!p0 $0x1BF5;
	p2 =	por !p2, p0  }
0x20: {  	[sflag:s8] =	ssyncset.s32 @!p0 $0xFFFFF086;
	s6 =	sadd.s32 @!p0 s3, s7;
	s7 =	simm.s32 @!p0 $0x108  }
0x21: {  	s3 =	sadd.s32 s3, s9;
	s6 =	sadd.s32 @!p0 $0x88, s6;
	s7 =	simm.s32 @p2 $0x1082  }
0x22: {  	[simem:s7], [sflag:s8] =	dma.local @!p0 [hbm:s6], $0xF7A  }
0x23: {  	s9 =	sor.u32 $0xD0000000, s2;
	s6 =	simm.s32 $0x108;
	_ =	swait.ge @!p0 [sflag:s8], $0x0  }
0x24: {  	s3 =	sadd.s32 $0x88, s3;
	s6 =	simm.s32 @!p1 $0x1082;
	[sflag:s4] =	ssyncset.s32 $0xFFFFF086  }
0x25: {  	[simem:s6], [sflag:s4] =	dma.local [hbm:s3], $0xF7A  }
0x26: {  	[smem:$0x3F97] =	sst s1;
	(tag) =	ssettag s2;
	_ =	strace s9  }
0x27: {  	s1 =	sld [smem:$0x3FA7]  }
0x28: {  	s2 =	sld [smem:$0x3FA8]  }
0x29: {  	s4 =	sld [smem:$0x3FAA]  }
0x2a: {  	p0 =	seq.s32 s5, $0x0;
	s5 =	sld [smem:$0x3FAB]  }
0x2b: {  	s6 =	sld [smem:$0x3FAC]  }
0x2c: {  	s7 =	sld [smem:$0x3FAD]  }
0x2d: {  	s3 =	simm.s32 $0x108;
	s8 =	sld [smem:$0x3FAE]  }
0x2e: {  	s3 =	simm.s32 @!p0 $0x1082;
	s9 =	sld [smem:$0x3FAF]  }
0x2f: {  	lr =	sadd.s32 s0, s3;
	s0 =	sld [smem:$0x3FA6]  }
0x30: {  	s3 =	sld [smem:$0x3FA9]  }
0x31: {  	[smem:$0x3FB2] =	sst s10  }
0x32: {  	s10 =	sld [smem:$0x3FB0];
	_ =	sdelay $0x3  }
0x33: {  	p0 =	seq.s32 s10, $0x1;
	s10 =	sld [smem:$0x3FB2];
	_ =	sdelay $0x3  }
0x34: {  	[smem:$0x3FB2] =	sst s10  }
0x35: {  	s10 =	sld [smem:$0x3FB1];
	_ =	sdelay $0x3  }
0x36: {  	p1 =	seq.s32 s10, $0x1;
	s10 =	sld [smem:$0x3FB2];
	_ =	sdelay $0x3  }
0x37: {  	[smem:$0x3FB2] =	sst s10  }
0x38: {  	s10 =	sld [smem:$0x3FB3]  }
0x39: {  	_ = 	snop;
	(pc) =	sbr.ind lr, $3  }
0x3a: {  	_ = 	snop  }
0x3b: {  	_ = 	snop  }
0x3c: {  	p2 =	seq.s32 s10, $0x1;
	s10 =	sld [smem:$0x3FB2]  }
0x3d: {  	_ =	shalt  }
0x3e: {  	_ =	shalt  }
0x3f: {  	_ =	shalt  }
0x40: {  	_ =	shalt  }
0x41: {  	_ =	shalt  }
0x42: {  	_ =	shalt  }
0x43: {  	_ =	shalt  }
0x44: {  	_ =	shalt  }
0x45: {  	_ =	shalt  }
0x46: {  	_ =	shalt  }
0x47: {  	_ =	shalt  }
0x48: {  	_ =	shalt  }
0x49: {  	_ =	shalt  }
0x4a: {  	_ =	shalt  }
0x4b: {  	_ =	shalt  }
0x4c: {  	_ =	shalt  }
0x4d: {  	_ =	shalt  }
0x4e: {  	_ =	shalt  }
0x4f: {  	_ =	shalt  }
0x50: {  	_ =	shalt  }
0x51: {  	_ =	shalt  }
0x52: {  	_ =	shalt  }
0x53: {  	_ =	shalt  }
0x54: {  	_ =	shalt  }
0x55: {  	_ =	shalt  }
0x56: {  	_ =	shalt  }
0x57: {  	_ =	shalt  }
0x58: {  	_ =	shalt  }
0x59: {  	_ =	shalt  }
0x5a: {  	_ =	shalt  }
0x5b: {  	_ =	shalt  }
0x5c: {  	_ =	shalt  }
0x5d: {  	_ =	shalt  }
0x5e: {  	_ =	shalt  }
0x5f: {  	_ =	shalt  }
0x60: {  	_ =	shalt  }
0x61: {  	_ =	shalt  }
0x62: {  	_ =	shalt  }
0x63: {  	_ =	shalt  }
0x64: {  	_ =	shalt  }
0x65: {  	_ =	shalt  }
0x66: {  	_ =	shalt  }
0x67: {  	_ =	shalt  }
0x68: {  	_ =	shalt  }
0x69: {  	_ =	shalt  }
0x6a: {  	_ =	shalt  }
0x6b: {  	_ =	shalt  }
0x6c: {  	_ =	shalt  }
0x6d: {  	_ =	shalt  }
0x6e: {  	_ =	shalt  }
0x6f: {  	_ =	shalt  }
0x70: {  	_ =	shalt  }
0x71: {  	_ =	shalt  }
0x72: {  	_ =	shalt  }
0x73: {  	_ =	shalt  }
0x74: {  	_ =	shalt  }
0x75: {  	_ =	shalt  }
0x76: {  	_ =	shalt  }
0x77: {  	_ =	shalt  }
0x78: {  	_ =	shalt  }
0x79: {  	_ =	shalt  }
0x7a: {  	_ =	shalt  }
0x7b: {  	_ =	shalt  }
0x7c: {  	_ =	shalt  }
0x7d: {  	_ =	shalt  }
0x7e: {  	_ =	shalt  }
0x7f: {  	_ =	shalt  }
0x80: {  	_ =	shalt  }
0x81: {  	_ =	shalt  }
0x82: {  	_ =	shalt  }
0x83: {  	_ =	shalt  }
0x84: {  	_ =	shalt  }
0x85: {  	_ =	shalt  }
0x86: {  	_ =	shalt  }
0x87: {  	_ =	shalt  }
.Lfunc_end0:
.L_simem_size_0:
called_computation.1_lowered:
.L_overlay_start_0:
0x88: {  	s2 =	sld [smem:$0x3FD9]  }
0x89: {  	s3 =	sld [smem:$0x3FFE];
	_ =	sdelay $0x1  }
0x8a: {  	s1 =	srdreg.scid  }
0x8b: {  	s0 =	sand.u32 $0x1, s1  }
0x8c: {  	s17 =	sshll.u32 s0, $0xA;
	s2 =	sadd.s32 s3, s2  }
0x8d: {  	s2 =	sadd.s32 s2, s17  }
0x8e: {  	[smem:$0x3FBE] =	sst s2  }
0x8f: {  	_ = 	snop  }
0x90: {  	s2 =	sld [smem:$0x3FD0];
	(tm) =	ssettm $0x1  }
0x91: {  	s18 =	sld [smem:$0x3FFB];
	_ =	sdelay $0x3  }
0x92: {  	_ =	strace s18  }
0x93: {  	s3 =	sld [smem:$0x3FFC];
	_ =	sdelay $0x3  }
0x94: {  	_ =	strace s3  }
0x95: {  	s3 =	sld [smem:$0x3FFD];
	_ =	sdelay $0x3  }
0x96: {  	_ =	strace s3  }
0x97: {  	_ =	strace $0x8FFFFFFF  }
0x98: {  	s19 =	sld [smem:$0x3FDB];
	_ =	sdelay $0x1  }
0x99: {  	s4 =	simm.s32 $_scs_section_size  }
0x9a: {  	s5 =	simm.s32 $_size__tile_overlayer_lowered;
	s6 =	simm.s32 $_tile_overlayer_lowered  }
0x9b: {  	s22 =	simm.s32 $0x1BFF;
	s21 =	sshll.u32 s6, $0x1;
	s3 =	sadd.s32 s4, s19  }
0x9c: {  	s7 =	simm.s32 $0x0;
	s20 =	sshll.u32 s5, $0x1;
	s5 =	sadd.s32 s21, s3  }
0x9d: {  	[timem:s7], [sflag:s22] =	dma.local [hbm:s5], s20  }
0x9e: {  	_ =	swait.ge [sflag:s22], s20  }
0x9f: {  	s4 =	ssub.s32 $0x0, s20;
	[sflag:s22] =	ssyncset.done $0x0  }
0xa0: {  	[sflag:s22] =	ssyncadd.s32 s4;
	_ =	sdelay $0x1  }
0xa1: {  	s23 =	simm.s32 $0x1B8B  }
0xa2: {  	_ =	swait.ge [sflag:s23], $0x1  }
0xa3: {  	[sflag:s23] =	ssyncset.done $0x0  }
0xa4: {  	s25 =	simm.s32 $0x1B8E;
	s24 =	sld [smem:$0x3FFE];
	[sflag:s23] =	ssyncadd.s32 $0xFFFFFFFF  }
0xa5: {  	s26 =	simm.s32 $execute0_lowered;
	[smem:$0x3FD2] =	sst s25  }
0xa6: {  	s5 =	sshll.u32 s26, $0x1;
	_ =	strace $0x80000049;
	[dreg:$0x1] =	wrdreg $0xFFFFFFFF  }
0xa7: {  	s28 =	simm.s32 $_size_execute0_lowered;
	s3 =	sadd.s32 s3, s5;
	[dreg:$0x0] =	wrdreg $0x0  }
0xa8: {  	s5 =	sshll.u32 s28, $0x1;
	[dreg:$0x2] =	wrdreg s3  }
0xa9: {  	[dreg:$0x3] =	wrdreg s5  }
0xaa: {  	[dreg:$0x4] =	wrdreg $0xC0  }
0xab: {  	_ =	task [dreg:s7], $0x5FFFF  }
0xac: {  	[dreg:$0x1] =	wrdreg $0xFFFFFFFF  }
0xad: {  	[dreg:$0x0] =	wrdreg $0x60  }
0xae: {  	[dreg:$0x2] =	wrdreg s2  }
0xaf: {  	[dreg:$0x3] =	wrdreg s24  }
0xb0: {  	[dreg:$0x4] =	wrdreg $0xAB800  }
0xb1: {  	[dreg:$0x5] =	wrdreg $0x9  }
0xb2: {  	_ =	task.clear_ibuf [dreg:s7], $0x6FFFF;
	_ =	strace $0x90000049  }
0xb3: {  	s29 =	simm.s32 $0x9;
	_ =	strace $0x8000004B  }
0xb4: {  	_ =	swait.ge [sflag:s29], $0x1  }
0xb5: {  	[sflag:s29] =	ssyncadd.s32 $0xFFFFFFFF  }
0xb6: {  	_ =	strace $0x9000004B  }
0xb7: {  	_ =	sfence  }
0xb8: {  	s30 =	sld [smem:$0x0];
	_ =	sdelay $0x2  }
0xb9: {  	s31 =	sshll.u32 s1, $0xD;
	s1 =	sshrl.u32 s1, $0x2  }
0xba: {  	s3 =	sand.u32 $0x4000, s31;
	s1 =	sadd.s32 s1, s30  }
0xbb: {  	s0 =	sor.u32 s3, s0;
	s1 =	sshll.u32 s1, $0x11  }
0xbc: {  	s0 =	sor.u32 s1, s0  }
0xbd: {  	s0 =	sadd.s32 $0x8F2B, s0  }
0xbe: {  	[sflag:s0] =	ssyncadd.remote.s32 $0x1  }
0xbf: {  	_ =	sfence.sel $0xFFFF  }
0xc0: {  	[dreg:$0x0] =	wrdreg $0xFFFFFFFF;
	(pc) =	sbr.abs _section_cstart, $3  }
0xc1: {  	[dreg:$0x1] =	wrdreg $0xFFFFFFFF  }
0xc2: {  	_ =	task.clear_ibuf [dreg:s7], $0x2FFFF;
	_ =	strace $0x9FFFFFFF  }
0xc3: {  	(tm) =	ssettm $0x7FFFFFFF  }
tec
execute0_lowered:
.L_overlay_start_1:
0x0: {  	(tag) =	ssettag $0x1  }
0x1: {  	s1 =	rddreg [dreg:$0x0]  }
0x2: {  	s0 =	rddreg [dreg:$0x1]  }
0x3: {  	s2 =	rddreg [dreg:$0x2]  }
0x4: {  	s3 =	simm.s32 $0x0;
	s13 =	stileid.u32;
	s4 =	srdreg.scid  }
0x5: {  	s29 =	simm.s32 $0x50;
	s30 =	simm.s32 $0x3380;
	[smem:$0x7FF] =	sst s3  }
0x6: {  	s5 =	sadd.s32 $0x29800, s0;
	s6 =	sadd.s32 $0x1E400, s0;
	s8 =	smul.u32 $0x14000, s13  }
0x7: {  	s4 =	sand.u32 $0x1, s4;
	s9 =	sshll.u32 s13, $0x1;
	s7 =	sadd.s32 $0x3200, s0  }
0x8: {  	s11 =	sadd.s32 $0x28600, s0;
	s21 =	smul.u32 $0x50000, s13;
	s13 =	simm.s32 $0x5  }
0x9: {  	_ =	strace $0x8000004A;
	s10 =	smul.u32 $0x140000, s4;
	s9 =	sor.u32 s4, s9  }
0xa: {  	[dreg:$0x4] =	wrdreg s11;
	s4 =	ssub.s32 $0x2, s4;
	s12 =	sshrl.u32 s8, $0x3  }
0xb: {  	s9 =	smul.u32 $0x2850, s9;
	s14 =	sshrl.u32 s4, $0x1;
	s26 =	sshrl.u32 s21, $0x2  }
0xc: {  	s11 =	sadd.s32 s12, s0;
	s8 =	sadd.s32 s8, s10;
	s4 =	ssub.s32 s4, s14  }
0xd: {  	s10 =	simm.s32 $0x3300;
	s14 =	simm.s32 $0x7;
	s8 =	sshrl.u32 s8, $0x3  }
0xe: {  	s12 =	sshrl.u32 s9, $0x3;
	s28 =	sadd.s32 $0x33A00, s11;
	s31 =	smax.u32 s4, $0x1  }
0xf: {  	s4 =	simm.s32 $0x5B80;
	s11 =	simm.s32 $0x8380;
	[dreg:$0xf] =	wrdreg s28  }
0x10: {  	s0 =	sadd.s32 s8, s0;
	s15 =	sadd.s32 s5, s12;
	[dreg:$0x11] =	wrdreg s31  }
0x11: {  	s16 =	sadd.s32 s6, s12;
	s17 =	sadd.s32 s7, s12;
	[dreg:$0x5] =	wrdreg s15  }
0x12: {  	s18 =	sadd.s32 $0x1E, s12;
	s20 =	sadd.s32 $0x3C, s12;
	[dreg:$0x6] =	wrdreg s16  }
0x13: {  	s12 =	simm.s32 $0x3100;
	[dreg:$0x7] =	wrdreg s17;
	s19 =	sadd.s32 s5, s18  }
0x14: {  	s22 =	sadd.s32 s6, s18;
	s8 =	sadd.s32 s7, s18;
	[dreg:$0x8] =	wrdreg s19  }
0x15: {  	s23 =	sadd.s32 s5, s20;
	s24 =	sadd.s32 s6, s20;
	[dreg:$0x9] =	wrdreg s22  }
0x16: {  	s25 =	sadd.s32 s7, s20;
	s0 =	sadd.s32 $0x5BA00, s0;
	[dreg:$0xa] =	wrdreg s8  }
.Ltmp0:
0x17: {  	s15 =	simm.s32 $0x3180;
	[dreg:$0xb] =	wrdreg s23;
	(pc) =	sbr.rel .LBB2_1-.Ltmp0, $4  }
0x18: {  	s16 =	simm.s32 $0x6;
	s17 =	simm.s32 $0x8;
	[dreg:$0xc] =	wrdreg s24  }
0x19: {  	s18 =	simm.s32 $0x3200;
	s20 =	simm.s32 $0x0;
	[dreg:$0xd] =	wrdreg s25  }
0x1a: {  	s8 =	sadd.s32 s26, s2;
	[dreg:$0x10] =	wrdreg s0;
	s23 =	simm.s32 $0xA  }
0x1b: {  	s19 =	simm.s32 $0x9;
	[dreg:$0xe] =	wrdreg s8;
	s8 =	simm.s32 $0x4  }
.LBB2_16:
0x1c: {  	[spmem:s2] =	stream.indirect.scatter.add.f32 [tilespmem:s11], [sflag:$0x9], $0x80, s18, s29, $0xb8;
	[tilespmem:$0x1EB80] =	vst v63  }
.LBB2_18:
0x1d: {  	_ =	swait.ge [sflag:s19], $0x2800  }
0x1e: {  	[sflag:s19] =	ssyncset.done $0x0  }
0x1f: {  	[sflag:s19] =	ssyncadd.s32 $0xFFFFD800  }
0x20: {  	[bflag:$0x0] =	sbarrier.arrive $0xFFFF  }
0x21: {  	s0 =	rddreg [dreg:$0x10]  }
0x22: {  	s20 =	rddreg [dreg:$0x13]  }
0x23: {  	s21 =	rddreg [dreg:$0x14]  }
0x24: {  	[hbm:s0], [sflag:s20] =	dma.local [spmem:s21], $0x2800  }
0x25: {  	_ =	swait.ge [sflag:s23], $0x2800  }
0x26: {  	s28 =	rddreg [dreg:$0x12]  }
0x27: {  	s31 =	rddreg [dreg:$0x11];
	s20 =	sadd.s32 $0x1, s28  }
0x28: {  	p0 =	sne.s32 s20, s31  }
.Ltmp1:
0x29: {  	_ = 	snop;
	(pc) =	sbr.rel @!p0 .LBB2_19-.Ltmp1, $3  }
0x2a: {  	_ =	sdelay $0x1  }
0x2b: {  	[sflag:s23] =	ssyncset.done $0x0  }
0x2c: {  	[sflag:s23] =	ssyncadd.s32 $0xFFFFD800  }
.LBB2_1:
0x2d: {  	[dreg:$0x12] =	wrdreg s20  }
0x2e: {  	s0 =	rddreg [dreg:$0x4]  }
0x2f: {  	[tilespmem:s3], [sflag:$0xA] =	stream.linear.gather [hbm4b:s0+s3], $0x2800, $0x38;
	[tilespmem:$0x1EB80] =	vst v63  }
0x30: {  	_ =	swait.ge [sflag:s23], $0x2800  }
0x31: {  	[sflag:s23] =	ssyncset.done $0x0  }
0x32: {  	s20 =	simm.s32 $0x2800;
	s28 =	rddreg [dreg:$0x5];
	[sflag:s23] =	ssyncadd.s32 $0xFFFFD800  }
0x33: {  	[tilespmem:s20], [sflag:$0xA] =	stream.linear.gather [hbm4b:s28+s3], $0xF0, $0x38;
	[tilespmem:$0x1EB80] =	vst v63  }
0x34: {  	_ =	swait.ge [sflag:s23], $0xF0  }
0x35: {  	[sflag:s23] =	ssyncset.done $0x0  }
0x36: {  	s21 =	simm.s32 $0x2B00;
	s31 =	rddreg [dreg:$0x6];
	[sflag:s23] =	ssyncadd.s32 $0xFFFFFF10  }
0x37: {  	[tilespmem:s21], [sflag:$0xA] =	stream.linear.gather [hbm4b:s31+s3], $0xF0, $0x38;
	[tilespmem:$0x1EB80] =	vst v63  }
0x38: {  	_ =	swait.ge [sflag:s23], $0xF0  }
0x39: {  	[sflag:s23] =	ssyncset.done $0x0  }
0x3a: {  	s24 =	simm.s32 $0x2E00;
	s22 =	rddreg [dreg:$0x7];
	[sflag:s23] =	ssyncadd.s32 $0xFFFFFF10  }
0x3b: {  	[tilespmem:s24], [sflag:$0xA] =	stream.linear.gather [hbm4b:s22+s3], $0xF0, $0x38;
	[tilespmem:$0x1EB80] =	vst v63  }
0x3c: {  	_ =	swait.ge [sflag:s23], $0xF0  }
0x3d: {  	[sflag:s23] =	ssyncset.done $0x0;
	s25 =	rddreg [dreg:$0x8]  }
0x3e: {  	s26 =	simm.s32 $0x28F0;
	s28 =	rddreg [dreg:$0x9];
	[sflag:s23] =	ssyncadd.s32 $0xFFFFFF10  }
0x3f: {  	[tilespmem:s26], [sflag:$0x2] =	stream.linear.gather [hbm4b:s25+s3], $0xF0, $0x38;
	[tilespmem:$0x1EB80] =	vst v63  }
0x40: {  	s31 =	simm.s32 $0x2BF0;
	s22 =	rddreg [dreg:$0xa]  }
0x41: {  	[tilespmem:s31], [sflag:$0x2] =	stream.linear.gather [hbm4b:s28+s3], $0xF0, $0x38;
	[tilespmem:$0x1EB80] =	vst v63  }
0x42: {  	s24 =	simm.s32 $0x2EF0;
	s21 =	rddreg [dreg:$0xd]  }
0x43: {  	[tilespmem:s24], [sflag:$0x2] =	stream.linear.gather [hbm4b:s22+s3], $0xF0, $0x38;
	[tilespmem:$0x1EB80] =	vst v63  }
0x44: {  	s25 =	rddreg [dreg:$0xb];
	s24 =	stileid.u32  }
0x45: {  	s26 =	simm.s32 $0x29E0;
	s28 =	rddreg [dreg:$0xc];
	s0 =	sshll.u32 s24, $0x6  }
0x46: {  	[tilespmem:s26], [sflag:$0x3] =	stream.linear.gather [hbm4b:s25+s3], $0xF0, $0x38;
	[tilespmem:$0x1EB80] =	vst v63  }
0x47: {  	s31 =	simm.s32 $0x2CE0;
	s25 =	sor.u32 $0x1C0A, s0;
	s26 =	rddreg [dreg:$0xe]  }
0x48: {  	[tilespmem:s31], [sflag:$0x3] =	stream.linear.gather [hbm4b:s28+s3], $0xF0, $0x38;
	[tilespmem:$0x1EB80] =	vst v63  }
0x49: {  	s22 =	simm.s32 $0x2FE0;
	[dreg:$0x13] =	wrdreg s25  }
0x4a: {  	[tilespmem:s22], [sflag:$0x3] =	stream.linear.gather [hbm4b:s21+s3], $0xF0, $0x38;
	[tilespmem:$0x1EB80] =	vst v63  }
0x4b: {  	s28 =	rddreg [dreg:$0xf];
	s22 =	sshrl.u32 s26, $0x3  }
0x4c: {  	[dreg:$0x14] =	wrdreg s22  }
0x4d: {  	[spmem:s22], [sflag:s25] =	dma.local [hbm:s28], $0x2800  }
0x4e: {  	_ =	swait.ge [sflag:s23], $0x2800  }
0x4f: {  	[sflag:s23] =	ssyncset.done $0x0  }
0x50: {  	[sflag:s23] =	ssyncadd.s32 $0xFFFFD800  }
0x51: {  	[tilespmem:s30], [sflag:$0x4] =	stream.indirect.gather [hbm4b:s1+s29], $0x80, s20, s29, $0xb8;
	[tilespmem:$0x1EB80] =	vst v63  }
0x52: {  	s31 =	simm.s32 $0x2850  }
0x53: {  	[tilespmem:s4], [sflag:$0x5] =	stream.indirect.gather [hbm4b:s1+s29], $0x80, s31, s29, $0xb8;
	[tilespmem:$0x1EB80] =	vst v63  }
0x54: {  	s25 =	simm.s32 $0x0;
	[bflag:$0x0] =	sbarrier.arrive $0xFFFF  }
.LBB2_2:
0x55: {  	s0 =	smul.u32 $0xAB, s25;
	_ =	sdelay $0x1  }
0x56: {  	s0 =	sshrl.u32 s0, $0x9  }
0x57: {  	s0 =	sand.u32 $0x7F, s0  }
0x58: {  	s0 =	smul.u32 $0x3, s0;
	_ =	sdelay $0x1  }
0x59: {  	s24 =	ssub.s32 s25, s0  }
0x5a: {  	s21 =	sand.u32 $0xFF, s24  }
0x5b: {  	s26 =	smul.u32 $0xF0, s21;
	_ =	sdelay $0x1  }
0x5c: {  	s28 =	sor.u32 $0x2800, s26  }
0x5d: {  	v0 =	vld [tilespmem:s28+$0x0];
	_ =	sdelay $0x1  }
0x5e: {  	v1 =	vld [tilespmem:s26+$0x2B00];
	_ =	sdelay $0x4  }
0x5f: {  	s20 =	simm.s32 $0x0;
	v2 =	vld [tilespmem:s26+$0x2E00]  }
0x60: {  	v0 =	vld.idx.msk [tilespmem:v0+s20+$0x0], $0xffff;
	_ =	sdelay $0x1  }
0x61: {  	v1 =	vld.idx.msk [tilespmem:v1+s20+$0x0], $0xffff;
	_ =	sdelay $0x2  }
0x62: {  	v0 =	vmul.f32 v2, v0;
	_ =	sdelay $0x1  }
0x63: {  	v0 =	vmul.f32 v1, v0;
	_ =	sdelay $0x1  }
0x64: {  	[tilespmem:$0x3300] =	vst v0  }
0x65: {  	v0 =	vld [tilespmem:s26+$0x2810];
	_ =	sdelay $0x1  }
0x66: {  	v1 =	vld [tilespmem:s26+$0x2B10];
	_ =	sdelay $0x4  }
0x67: {  	v2 =	vld [tilespmem:s26+$0x2E10]  }
0x68: {  	v0 =	vld.idx.msk [tilespmem:v0+s20+$0x0], $0xffff;
	_ =	sdelay $0x1  }
0x69: {  	v1 =	vld.idx.msk [tilespmem:v1+s20+$0x0], $0xffff;
	_ =	sdelay $0x2  }
0x6a: {  	v0 =	vmul.f32 v2, v0;
	_ =	sdelay $0x1  }
0x6b: {  	v0 =	vmul.f32 v1, v0;
	_ =	sdelay $0x1  }
0x6c: {  	[tilespmem:$0x3310] =	vst v0  }
0x6d: {  	v0 =	vld [tilespmem:s26+$0x2820];
	_ =	sdelay $0x1  }
0x6e: {  	v1 =	vld [tilespmem:s26+$0x2B20];
	_ =	sdelay $0x4  }
0x6f: {  	v2 =	vld [tilespmem:s26+$0x2E20]  }
0x70: {  	v0 =	vld.idx.msk [tilespmem:v0+s20+$0x0], $0xffff;
	_ =	sdelay $0x1  }
0x71: {  	v1 =	vld.idx.msk [tilespmem:v1+s20+$0x0], $0xffff;
	_ =	sdelay $0x2  }
0x72: {  	v0 =	vmul.f32 v2, v0;
	_ =	sdelay $0x1  }
0x73: {  	v0 =	vmul.f32 v1, v0;
	_ =	sdelay $0x1  }
0x74: {  	[tilespmem:$0x3320] =	vst v0  }
0x75: {  	v0 =	vld [tilespmem:s26+$0x2830];
	_ =	sdelay $0x1  }
0x76: {  	v1 =	vld [tilespmem:s26+$0x2B30];
	_ =	sdelay $0x4  }
0x77: {  	v2 =	vld [tilespmem:s26+$0x2E30]  }
0x78: {  	v0 =	vld.idx.msk [tilespmem:v0+s20+$0x0], $0xffff;
	_ =	sdelay $0x1  }
0x79: {  	v1 =	vld.idx.msk [tilespmem:v1+s20+$0x0], $0xffff;
	_ =	sdelay $0x2  }
0x7a: {  	v0 =	vmul.f32 v2, v0;
	_ =	sdelay $0x1  }
0x7b: {  	v0 =	vmul.f32 v1, v0;
	_ =	sdelay $0x1  }
0x7c: {  	[tilespmem:$0x3330] =	vst v0  }
0x7d: {  	v0 =	vld [tilespmem:s26+$0x2840];
	_ =	sdelay $0x1  }
0x7e: {  	v1 =	vld [tilespmem:s26+$0x2B40];
	_ =	sdelay $0x4  }
0x7f: {  	v2 =	vld [tilespmem:s26+$0x2E40]  }
0x80: {  	v0 =	vld.idx.msk [tilespmem:v0+s20+$0x0], $0xffff;
	_ =	sdelay $0x1  }
0x81: {  	v1 =	vld.idx.msk [tilespmem:v1+s20+$0x0], $0xffff;
	_ =	sdelay $0x2  }
0x82: {  	v0 =	vmul.f32 v2, v0;
	_ =	sdelay $0x1  }
0x83: {  	v0 =	vmul.f32 v1, v0;
	_ =	sdelay $0x1  }
0x84: {  	[tilespmem:$0x3340] =	vst v0  }
0x85: {  	_ =	swait.ge [sflag:s8], $0x2800  }
0x86: {  	[sflag:s8] =	ssyncset.done $0x0  }
0x87: {  	[sflag:s8] =	ssyncadd.s32 $0xFFFFD800  }
0x88: {  	v0 =	vld [tilespmem:s26+$0x2B00];
	_ =	sdelay $0x4  }
0x89: {  	[tilespmem:$0x3100] =	vst v0  }
0x8a: {  	v0 =	vld [tilespmem:s26+$0x2B10];
	_ =	sdelay $0x4  }
0x8b: {  	[tilespmem:$0x3110] =	vst v0  }
0x8c: {  	v0 =	vld [tilespmem:s26+$0x2B20];
	_ =	sdelay $0x4  }
0x8d: {  	[tilespmem:$0x3120] =	vst v0  }
0x8e: {  	v0 =	vld [tilespmem:s26+$0x2B30];
	_ =	sdelay $0x3  }
0x8f: {  	v1 =	vmov s20  }
0x90: {  	[tilespmem:$0x3130] =	vst v0;
	v0 =	vand.u32 $0xFFFFFFF8, v1  }
0x91: {  	v2 =	vld [tilespmem:s26+$0x2B40];
	v0 =	vbroadcast v0, $0x0;
	_ =	sdelay $0x4  }
0x92: {  	s22 =	simm.s32 $0x6;
	[tilespmem:$0x3140] =	vst v2  }
0x93: {  	v1 =	vmov s22;
	s22 =	simm.s32 $0x3580;
	v0 =	vld.idx.msk [tilespmem:v0+s10+$0x0], $0xffff  }
0x94: {  	v3 =	vld [tilespmem:s22+$0x170]  }
0x95: {  	v4 =	vld [tilespmem:s22+$0xFFFFFE00]  }
0x96: {  	v5 =	vld [tilespmem:s22+$0xFFFFFE10]  }
0x97: {  	v1 =	vand.u32 $0xFFFFFFFE, v1;
	v6 =	vld [tilespmem:s22+$0xFFFFFE20]  }
0x98: {  	v1 =	vbroadcast v1, $0x0;
	v7 =	vld [tilespmem:s22+$0xFFFFFE30]  }
0x99: {  	s28 =	simm.s32 $0x1;
	v8 =	vld [tilespmem:s22+$0xFFFFFE40]  }
0x9a: {  	v2 =	vmov s28;
	v9 =	vld [tilespmem:s22+$0xFFFFFE50]  }
0x9b: {  	v2 =	vand.u32 $0xFFFFFFF9, v2;
	v10 =	vld [tilespmem:s22+$0xFFFFFE60]  }
0x9c: {  	v11 =	vld [tilespmem:s22+$0xFFFFFE70];
	v2 =	vbroadcast v2, $0x0  }
0x9d: {  	v12 =	vld [tilespmem:s22+$0xFFFFFE80]  }
0x9e: {  	v1 =	vld.idx.msk [tilespmem:v1+s10+$0x0], $0xffff  }
0x9f: {  	v13 =	vld [tilespmem:s22+$0xFFFFFE90]  }
0xa0: {  	v14 =	vld [tilespmem:s22+$0xFFFFFEA0];
	v4 =	vmul.f32 v4, v0  }
0xa1: {  	v15 =	vld [tilespmem:s22+$0xFFFFFEB0];
	v7 =	vmul.f32 v7, v0  }
0xa2: {  	v8 =	vmul.f32 v8, v0;
	v2 =	vld.idx.msk [tilespmem:v2+s10+$0x0], $0xffff;
	[tilespmem:s22+$0xFFFFFE00] =	vst v4  }
0xa3: {  	s20 =	simm.s32 $0x2;
	v3 =	vmul.f32 v3, v1;
	[tilespmem:s22+$0xFFFFFE30] =	vst v7;
	v7 =	vmul.f32 v9, v0;
	v9 =	vld [tilespmem:s22+$0xFFFFFEF0]  }
0xa4: {  	v5 =	vmul.f32 v5, v0;
	v4 =	vmov s20;
	[tilespmem:s22+$0xFFFFFE40] =	vst v8;
	v8 =	vmul.f32 v10, v0;
	v10 =	vld [tilespmem:s22+$0xFFFFFF00]  }
0xa5: {  	v4 =	vand.u32 $0xFFFFFFFA, v4;
	[tilespmem:s22+$0x170] =	vst v3;
	v3 =	vmul.f32 v6, v0;
	v6 =	vld [tilespmem:s22+$0xFFFFFEC0]  }
0xa6: {  	[tilespmem:s22+$0xFFFFFE10] =	vst v5;
	v0 =	vmul.f32 v11, v0;
	v11 =	vld [tilespmem:s22+$0xFFFFFF20];
	v4 =	vbroadcast v4, $0x0  }
0xa7: {  	[tilespmem:s22+$0xFFFFFE50] =	vst v7;
	v7 =	vld [tilespmem:s22+$0xFFFFFF10]  }
0xa8: {  	[tilespmem:s22+$0xFFFFFE20] =	vst v3;
	v3 =	vld [tilespmem:s22+$0xFFFFFEE0]  }
0xa9: {  	[tilespmem:s22+$0xFFFFFE60] =	vst v8;
	v5 =	vmul.f32 v12, v2;
	v12 =	vld [tilespmem:s22+$0xFFFFFED0]  }
0xaa: {  	[tilespmem:s22+$0xFFFFFE70] =	vst v0;
	v8 =	vmul.f32 v13, v2;
	v13 =	vld [tilespmem:s22+$0xFFFFFF30]  }
0xab: {  	s28 =	simm.s32 $0x3;
	v0 =	vmul.f32 v14, v2;
	v14 =	vld [tilespmem:s22+$0xFFFFFF40];
	v6 =	vmul.f32 v6, v2;
	[tilespmem:s22+$0xFFFFFE80] =	vst v5  }
0xac: {  	v5 =	vmov s28;
	[tilespmem:s22+$0xFFFFFE90] =	vst v8;
	v8 =	vmul.f32 v15, v2;
	v4 =	vld.idx.msk [tilespmem:v4+s10+$0x0], $0xffff  }
0xad: {  	v5 =	vand.u32 $0xFFFFFFFB, v5;
	[tilespmem:s22+$0xFFFFFEC0] =	vst v6;
	v6 =	vld [tilespmem:s22+$0xFFFFFF70]  }
0xae: {  	v5 =	vbroadcast v5, $0x0;
	[tilespmem:s22+$0xFFFFFEB0] =	vst v8;
	v8 =	vld [tilespmem:s22+$0xFFFFFF60];
	v12 =	vmul.f32 v12, v2  }
0xaf: {  	[tilespmem:s22+$0xFFFFFEA0] =	vst v0;
	v3 =	vmul.f32 v3, v2;
	v2 =	vmul.f32 v9, v2;
	v9 =	vld [tilespmem:s22+$0xFFFFFF80]  }
0xb0: {  	[tilespmem:s22+$0xFFFFFED0] =	vst v12;
	v12 =	vld [tilespmem:s22+$0xFFFFFFB0]  }
0xb1: {  	[tilespmem:s22+$0xFFFFFEE0] =	vst v3;
	v0 =	vmul.f32 v10, v4;
	v10 =	vld [tilespmem:s22+$0xFFFFFF50]  }
0xb2: {  	[tilespmem:s22+$0xFFFFFEF0] =	vst v2;
	v3 =	vmul.f32 v7, v4;
	v7 =	vld [tilespmem:s22+$0xFFFFFF90]  }
0xb3: {  	s20 =	simm.s32 $0x4;
	v2 =	vmul.f32 v11, v4;
	v11 =	vld [tilespmem:s22+$0xFFFFFFA0];
	[tilespmem:s22+$0xFFFFFF00] =	vst v0  }
0xb4: {  	v8 =	vmul.f32 v8, v4;
	v5 =	vld.idx.msk [tilespmem:v5+s10+$0x0], $0xffff;
	v0 =	vmov s20;
	[tilespmem:s22+$0xFFFFFF10] =	vst v3  }
0xb5: {  	v3 =	vmul.f32 v13, v4;
	[tilespmem:s22+$0xFFFFFF20] =	vst v2;
	v2 =	vmul.f32 v14, v4;
	v13 =	vld [tilespmem:s22+$0xFFFFFFC0];
	v0 =	vand.u32 $0xFFFFFFFC, v0  }
0xb6: {  	[tilespmem:s22+$0xFFFFFF60] =	vst v8;
	v8 =	vld [tilespmem:s22+$0x0];
	v0 =	vbroadcast v0, $0x0  }
0xb7: {  	[tilespmem:s22+$0xFFFFFF40] =	vst v2;
	v2 =	vld [tilespmem:s22+$0xFFFFFFE0];
	v10 =	vmul.f32 v10, v4  }
0xb8: {  	[tilespmem:s22+$0xFFFFFF30] =	vst v3;
	v4 =	vmul.f32 v6, v4;
	v6 =	vld [tilespmem:s22+$0xFFFFFFF0]  }
0xb9: {  	v3 =	vmul.f32 v9, v5;
	v9 =	vld [tilespmem:s22+$0xFFFFFFD0];
	[tilespmem:s22+$0xFFFFFF50] =	vst v10  }
0xba: {  	v7 =	vmul.f32 v7, v5;
	[tilespmem:s22+$0xFFFFFF70] =	vst v4;
	v10 =	vld [tilespmem:s22+$0x10]  }
0xbb: {  	s28 =	simm.s32 $0x5;
	v4 =	vmul.f32 v11, v5;
	v11 =	vld [tilespmem:s22+$0x20];
	[tilespmem:s22+$0xFFFFFF80] =	vst v3  }
0xbc: {  	v3 =	vmov s28;
	[tilespmem:s22+$0xFFFFFF90] =	vst v7;
	v7 =	vmul.f32 v12, v5;
	v0 =	vld.idx.msk [tilespmem:v0+s10+$0x0], $0xffff  }
0xbd: {  	[tilespmem:s22+$0xFFFFFFA0] =	vst v4;
	v4 =	vmul.f32 v13, v5;
	v12 =	vld [tilespmem:s22+$0x30];
	v3 =	vand.u32 $0xFFFFFFFD, v3  }
0xbe: {  	v3 =	vbroadcast v3, $0x0;
	[tilespmem:s22+$0xFFFFFFB0] =	vst v7;
	v7 =	vmul.f32 v9, v5;
	v9 =	vld [tilespmem:s22+$0x40]  }
0xbf: {  	v2 =	vmul.f32 v2, v5;
	[tilespmem:s22+$0xFFFFFFC0] =	vst v4;
	v5 =	vmul.f32 v6, v5;
	v6 =	vld [tilespmem:s22+$0x80]  }
0xc0: {  	[tilespmem:s22+$0xFFFFFFD0] =	vst v7;
	v7 =	vld [tilespmem:s22+$0x60]  }
0xc1: {  	[tilespmem:s22+$0xFFFFFFE0] =	vst v2;
	v4 =	vmul.f32 v8, v0;
	v8 =	vld [tilespmem:s22+$0x50]  }
0xc2: {  	[tilespmem:s22+$0xFFFFFFF0] =	vst v5;
	v2 =	vmul.f32 v10, v0;
	v5 =	vmul.f32 v11, v0;
	v10 =	vld [tilespmem:s22+$0x90]  }
0xc3: {  	[tilespmem:s22+$0x0] =	vst v4;
	v4 =	vld [tilespmem:s22+$0x70]  }
0xc4: {  	v3 =	vld.idx.msk [tilespmem:v3+s10+$0x0], $0xffff;
	[tilespmem:s22+$0x20] =	vst v5;
	v5 =	vmul.f32 v9, v0  }
0xc5: {  	[tilespmem:s22+$0x10] =	vst v2;
	v2 =	vmul.f32 v12, v0;
	v9 =	vld [tilespmem:s22+$0xA0]  }
0xc6: {  	[tilespmem:s22+$0x40] =	vst v5;
	v5 =	vmul.f32 v7, v0;
	v7 =	vld [tilespmem:s22+$0xC0]  }
0xc7: {  	[tilespmem:s22+$0x30] =	vst v2;
	v2 =	vmul.f32 v8, v0;
	v8 =	vld [tilespmem:s22+$0xB0]  }
0xc8: {  	s20 =	simm.s32 $0x7;
	[tilespmem:s22+$0x60] =	vst v5;
	v5 =	vld [tilespmem:s22+$0xE0];
	v4 =	vmul.f32 v4, v0  }
0xc9: {  	v11 =	vmov s20;
	[tilespmem:s22+$0x50] =	vst v2;
	v2 =	vmul.f32 v6, v3;
	v6 =	vld [tilespmem:s22+$0xD0]  }
0xca: {  	v10 =	vmul.f32 v10, v3;
	[tilespmem:s22+$0x70] =	vst v4;
	v4 =	vld [tilespmem:s22+$0xF0]  }
0xcb: {  	[tilespmem:s22+$0x80] =	vst v2;
	v2 =	vmul.f32 v9, v3;
	v9 =	vld [tilespmem:s22+$0x100]  }
0xcc: {  	[tilespmem:s22+$0x90] =	vst v10;
	v10 =	vld [tilespmem:s22+$0x150];
	v8 =	vmul.f32 v8, v3  }
0xcd: {  	[tilespmem:s22+$0xA0] =	vst v2;
	v2 =	vmul.f32 v7, v3;
	v7 =	vld [tilespmem:s22+$0x110]  }
0xce: {  	v0 =	vld.idx.msk [tilespmem:v11+s10+$0x0], $0xffff;
	[tilespmem:s22+$0xB0] =	vst v8;
	v6 =	vmul.f32 v6, v3  }
0xcf: {  	v8 =	vld [tilespmem:s22+$0x120];
	[tilespmem:s22+$0xC0] =	vst v2;
	v2 =	vmul.f32 v5, v3  }
0xd0: {  	s31 =	simm.s32 $0x9;
	v5 =	vld [tilespmem:s22+$0x130];
	[tilespmem:s22+$0xD0] =	vst v6;
	v3 =	vmul.f32 v4, v3  }
0xd1: {  	s28 =	simm.s32 $0x8;
	v11 =	vmov s31;
	v4 =	vld [tilespmem:s22+$0x140];
	v9 =	vmul.f32 v9, v1;
	[tilespmem:s22+$0xE0] =	vst v2  }
0xd2: {  	s20 =	simm.s32 $0xF;
	v6 =	vmov s28;
	s28 =	simm.s32 $0xA;
	v10 =	vmul.f32 v10, v1;
	[tilespmem:s22+$0xF0] =	vst v3;
	v3 =	vmul.f32 v7, v1;
	v7 =	vld [tilespmem:s22+$0x160]  }
0xd3: {  	s0 =	simm.s32 $0xB;
	v13 =	vld [tilespmem:s22+$0x180];
	v6 =	vand.u32 $0xFFFFFFF8, v6;
	v2 =	vmov s20;
	v12 =	vmov s28;
	s20 =	simm.s32 $0xC;
	[tilespmem:s22+$0x100] =	vst v9  }
0xd4: {  	v16 =	vld [tilespmem:s22+$0x190];
	s28 =	simm.s32 $0xD;
	v9 =	vmov s0;
	v14 =	vmov s20;
	[tilespmem:s22+$0x150] =	vst v10;
	v8 =	vmul.f32 v8, v1  }
0xd5: {  	v17 =	vmov s28;
	[tilespmem:s22+$0x110] =	vst v3;
	v15 =	vmul.f32 v5, v1;
	v3 =	vbroadcast v6, $0x0;
	v5 =	vld [tilespmem:s22+$0x1A0]  }
0xd6: {  	v6 =	vld [tilespmem:s22+$0x1B0];
	[tilespmem:s22+$0x120] =	vst v8;
	v8 =	vmul.f32 v4, v1;
	v4 =	vand.u32 $0xFFFFFFF9, v11;
	v11 =	vand.u32 $0xFFFFFFFA, v12  }
0xd7: {  	v12 =	vand.u32 $0xFFFFFFFB, v9;
	[tilespmem:s22+$0x130] =	vst v15;
	v4 =	vbroadcast v4, $0x0;
	v15 =	vmul.f32 v7, v1;
	v7 =	vld [tilespmem:s22+$0x1C0]  }
0xd8: {  	v9 =	vbroadcast v11, $0x0;
	[tilespmem:s22+$0x140] =	vst v8;
	v1 =	vand.u32 $0xFFFFFFFC, v14;
	v14 =	vmul.f32 v13, v0;
	v8 =	vld [tilespmem:s22+$0x1D0]  }
0xd9: {  	s31 =	simm.s32 $0x10;
	s0 =	simm.s32 $0xE;
	v10 =	vld [tilespmem:s22+$0x1E0];
	v11 =	vbroadcast v12, $0x0;
	v12 =	vmul.f32 v16, v0;
	v13 =	vand.u32 $0xFFFFFFFD, v17;
	[tilespmem:s22+$0x160] =	vst v15  }
.LBB2_3:
0xda: {  	p0 =	slt.u32 s31, $0x48;
	v1 =	vbroadcast v1, $0x0;
	v15 =	vmov s0;
	[tilespmem:s22+$0x180] =	vst v14;
	v5 =	vmul.f32 v5, v0;
	v14 =	vld [tilespmem:s22+$0x1F0]  }
0xdb: {  	v13 =	vbroadcast v13, $0x0;
	v15 =	vand.u32 $0xFFFFFFFE, v15;
	v16 =	vld.idx.msk [tilespmem:v2+s10+$0x0], $0xffff;
	[tilespmem:s22+$0x190] =	vst v12;
	v2 =	vmul.f32 v6, v0  }
0xdc: {  	v6 =	vld.idx.msk [tilespmem:v3+s10+$0x0], $0xffff;
	v12 =	vbroadcast v15, $0x0;
	[tilespmem:s22+$0x1A0] =	vst v5;
	v3 =	vmul.f32 v7, v0  }
0xdd: {  	v5 =	vld.idx.msk [tilespmem:v4+s10+$0x0], $0xffff;
	[tilespmem:s22+$0x1B0] =	vst v2;
	v2 =	vmul.f32 v8, v0  }
0xde: {  	v7 =	vld.idx.msk [tilespmem:v9+s10+$0x0], $0xffff;
	[tilespmem:s22+$0x1C0] =	vst v3;
	v8 =	vmul.f32 v10, v0  }
0xdf: {  	v4 =	vld.idx.msk [tilespmem:v11+s10+$0x0], $0xffff;
	[tilespmem:s22+$0x1D0] =	vst v2;
	v9 =	vmul.f32 v14, v0  }
0xe0: {  	v3 =	vld.idx.msk [tilespmem:v1+s10+$0x0], $0xffff;
	[tilespmem:s22+$0x1E0] =	vst v8  }
0xe1: {  	v0 =	vmov v16;
	v2 =	vld.idx.msk [tilespmem:v13+s10+$0x0], $0xffff;
	[tilespmem:s22+$0x1F0] =	vst v9  }
0xe2: {  	s22 =	sadd.s32 $0x400, s22;
	v1 =	vld.idx.msk [tilespmem:v12+s10+$0x0], $0xffff  }
0xe3: {  	v8 =	vld [tilespmem:s22+$0x170]  }
0xe4: {  	v9 =	vld [tilespmem:s22+$0xFFFFFE00]  }
0xe5: {  	v10 =	vld [tilespmem:s22+$0xFFFFFE10]  }
0xe6: {  	v11 =	vld [tilespmem:s22+$0xFFFFFE20]  }
0xe7: {  	v12 =	vld [tilespmem:s22+$0xFFFFFE30]  }
0xe8: {  	v13 =	vld [tilespmem:s22+$0xFFFFFE40];
	v8 =	vmul.f32 v8, v1  }
0xe9: {  	v9 =	vmul.f32 v9, v6;
	v14 =	vld [tilespmem:s22+$0xFFFFFE50]  }
0xea: {  	v10 =	vmul.f32 v10, v6;
	v15 =	vld [tilespmem:s22+$0xFFFFFE60];
	[tilespmem:s22+$0x170] =	vst v8  }
0xeb: {  	[tilespmem:s22+$0xFFFFFE00] =	vst v9;
	v8 =	vmul.f32 v11, v6;
	v9 =	vld [tilespmem:s22+$0xFFFFFE70]  }
0xec: {  	[tilespmem:s22+$0xFFFFFE10] =	vst v10;
	v10 =	vmul.f32 v12, v6;
	v11 =	vld [tilespmem:s22+$0xFFFFFE80]  }
0xed: {  	[tilespmem:s22+$0xFFFFFE20] =	vst v8;
	v8 =	vmul.f32 v13, v6;
	v12 =	vld [tilespmem:s22+$0xFFFFFE90]  }
0xee: {  	[tilespmem:s22+$0xFFFFFE30] =	vst v10;
	v10 =	vmul.f32 v14, v6;
	v13 =	vld [tilespmem:s22+$0xFFFFFEA0]  }
0xef: {  	[tilespmem:s22+$0xFFFFFE40] =	vst v8;
	v8 =	vmul.f32 v15, v6;
	v14 =	vld [tilespmem:s22+$0xFFFFFEB0]  }
0xf0: {  	[tilespmem:s22+$0xFFFFFE50] =	vst v10;
	v6 =	vmul.f32 v9, v6;
	v9 =	vld [tilespmem:s22+$0xFFFFFEC0]  }
0xf1: {  	[tilespmem:s22+$0xFFFFFE60] =	vst v8;
	v8 =	vmul.f32 v11, v5;
	v10 =	vld [tilespmem:s22+$0xFFFFFED0]  }
0xf2: {  	[tilespmem:s22+$0xFFFFFE70] =	vst v6;
	v6 =	vmul.f32 v12, v5;
	v11 =	vld [tilespmem:s22+$0xFFFFFEE0]  }
0xf3: {  	[tilespmem:s22+$0xFFFFFE80] =	vst v8;
	v8 =	vmul.f32 v13, v5;
	v12 =	vld [tilespmem:s22+$0xFFFFFEF0]  }
0xf4: {  	[tilespmem:s22+$0xFFFFFE90] =	vst v6;
	v6 =	vmul.f32 v14, v5;
	v13 =	vld [tilespmem:s22+$0xFFFFFF00]  }
0xf5: {  	[tilespmem:s22+$0xFFFFFEA0] =	vst v8;
	v8 =	vmul.f32 v9, v5;
	v9 =	vld [tilespmem:s22+$0xFFFFFF10]  }
0xf6: {  	[tilespmem:s22+$0xFFFFFEB0] =	vst v6;
	v6 =	vmul.f32 v10, v5;
	v10 =	vld [tilespmem:s22+$0xFFFFFF20]  }
0xf7: {  	[tilespmem:s22+$0xFFFFFEC0] =	vst v8;
	v8 =	vmul.f32 v11, v5;
	v11 =	vld [tilespmem:s22+$0xFFFFFF30]  }
0xf8: {  	[tilespmem:s22+$0xFFFFFED0] =	vst v6;
	v5 =	vmul.f32 v12, v5;
	v6 =	vld [tilespmem:s22+$0xFFFFFF40]  }
0xf9: {  	[tilespmem:s22+$0xFFFFFEE0] =	vst v8;
	v8 =	vmul.f32 v13, v7;
	v12 =	vld [tilespmem:s22+$0xFFFFFF50]  }
0xfa: {  	[tilespmem:s22+$0xFFFFFEF0] =	vst v5;
	v5 =	vmul.f32 v9, v7;
	v9 =	vld [tilespmem:s22+$0xFFFFFF60]  }
0xfb: {  	[tilespmem:s22+$0xFFFFFF00] =	vst v8;
	v8 =	vmul.f32 v10, v7;
	v10 =	vld [tilespmem:s22+$0xFFFFFF70]  }
0xfc: {  	[tilespmem:s22+$0xFFFFFF10] =	vst v5;
	v5 =	vmul.f32 v11, v7;
	v11 =	vld [tilespmem:s22+$0xFFFFFF80]  }
0xfd: {  	[tilespmem:s22+$0xFFFFFF20] =	vst v8;
	v6 =	vmul.f32 v6, v7;
	v8 =	vld [tilespmem:s22+$0xFFFFFF90]  }
0xfe: {  	[tilespmem:s22+$0xFFFFFF30] =	vst v5;
	v5 =	vmul.f32 v12, v7;
	v12 =	vld [tilespmem:s22+$0xFFFFFFA0]  }
0xff: {  	[tilespmem:s22+$0xFFFFFF40] =	vst v6;
	v6 =	vmul.f32 v9, v7;
	v9 =	vld [tilespmem:s22+$0xFFFFFFB0]  }
0x100: {  	[tilespmem:s22+$0xFFFFFF50] =	vst v5;
	v5 =	vmul.f32 v10, v7;
	v7 =	vld [tilespmem:s22+$0xFFFFFFC0]  }
0x101: {  	[tilespmem:s22+$0xFFFFFF60] =	vst v6;
	v6 =	vmul.f32 v11, v4;
	v10 =	vld [tilespmem:s22+$0xFFFFFFD0]  }
0x102: {  	[tilespmem:s22+$0xFFFFFF70] =	vst v5;
	v5 =	vmul.f32 v8, v4;
	v8 =	vld [tilespmem:s22+$0xFFFFFFE0]  }
0x103: {  	[tilespmem:s22+$0xFFFFFF80] =	vst v6;
	v6 =	vmul.f32 v12, v4;
	v11 =	vld [tilespmem:s22+$0xFFFFFFF0]  }
0x104: {  	[tilespmem:s22+$0xFFFFFF90] =	vst v5;
	v5 =	vmul.f32 v9, v4;
	v9 =	vld [tilespmem:s22+$0x0]  }
0x105: {  	[tilespmem:s22+$0xFFFFFFA0] =	vst v6;
	v6 =	vmul.f32 v7, v4;
	v7 =	vld [tilespmem:s22+$0x10]  }
0x106: {  	[tilespmem:s22+$0xFFFFFFB0] =	vst v5;
	v5 =	vmul.f32 v10, v4;
	v10 =	vld [tilespmem:s22+$0x20]  }
0x107: {  	[tilespmem:s22+$0xFFFFFFC0] =	vst v6;
	v6 =	vmul.f32 v8, v4;
	v8 =	vld [tilespmem:s22+$0x30]  }
0x108: {  	[tilespmem:s22+$0xFFFFFFD0] =	vst v5;
	v4 =	vmul.f32 v11, v4;
	v5 =	vld [tilespmem:s22+$0x40]  }
0x109: {  	[tilespmem:s22+$0xFFFFFFE0] =	vst v6;
	v6 =	vmul.f32 v9, v3;
	v9 =	vld [tilespmem:s22+$0x50]  }
0x10a: {  	[tilespmem:s22+$0xFFFFFFF0] =	vst v4;
	v4 =	vmul.f32 v7, v3;
	v7 =	vld [tilespmem:s22+$0x60]  }
0x10b: {  	[tilespmem:s22+$0x0] =	vst v6;
	v6 =	vmul.f32 v10, v3;
	v10 =	vld [tilespmem:s22+$0x70]  }
0x10c: {  	[tilespmem:s22+$0x10] =	vst v4;
	v4 =	vmul.f32 v8, v3;
	v8 =	vld [tilespmem:s22+$0x80]  }
0x10d: {  	[tilespmem:s22+$0x20] =	vst v6;
	v5 =	vmul.f32 v5, v3;
	v6 =	vld [tilespmem:s22+$0x90]  }
0x10e: {  	[tilespmem:s22+$0x30] =	vst v4;
	v4 =	vmul.f32 v9, v3;
	v9 =	vld [tilespmem:s22+$0xA0]  }
0x10f: {  	[tilespmem:s22+$0x40] =	vst v5;
	v5 =	vmul.f32 v7, v3;
	v7 =	vld [tilespmem:s22+$0xB0]  }
0x110: {  	[tilespmem:s22+$0x50] =	vst v4;
	v3 =	vmul.f32 v10, v3;
	v4 =	vld [tilespmem:s22+$0xC0]  }
0x111: {  	[tilespmem:s22+$0x60] =	vst v5;
	v5 =	vmul.f32 v8, v2;
	v8 =	vld [tilespmem:s22+$0xD0]  }
0x112: {  	[tilespmem:s22+$0x70] =	vst v3;
	v3 =	vmul.f32 v6, v2;
	v6 =	vld [tilespmem:s22+$0xE0]  }
0x113: {  	[tilespmem:s22+$0x80] =	vst v5;
	v5 =	vmul.f32 v9, v2;
	v9 =	vld [tilespmem:s22+$0xF0]  }
0x114: {  	[tilespmem:s22+$0x90] =	vst v3;
	v3 =	vmul.f32 v7, v2;
	v7 =	vld [tilespmem:s22+$0x100]  }
0x115: {  	[tilespmem:s22+$0xA0] =	vst v5;
	v4 =	vmul.f32 v4, v2;
	v5 =	vld [tilespmem:s22+$0x110]  }
0x116: {  	[tilespmem:s22+$0xB0] =	vst v3;
	v3 =	vmul.f32 v8, v2;
	v8 =	vld [tilespmem:s22+$0x120]  }
0x117: {  	[tilespmem:s22+$0xC0] =	vst v4;
	v4 =	vmul.f32 v6, v2;
	v6 =	vld [tilespmem:s22+$0x130]  }
0x118: {  	[tilespmem:s22+$0xD0] =	vst v3;
	v3 =	vmul.f32 v9, v2;
	v9 =	vld [tilespmem:s22+$0x140]  }
0x119: {  	s0 =	sadd.s32 $0x7, s31;
	v2 =	vmov s31;
	[tilespmem:s22+$0xE0] =	vst v4;
	v4 =	vmul.f32 v7, v1;
	v7 =	vld [tilespmem:s22+$0x150]  }
0x11a: {  	s28 =	sadd.s32 $0x1, s31;
	s20 =	sadd.s32 $0x2, s31;
	v10 =	vand.u32 $0xFFFFFFF8, v2;
	v2 =	vmov s0;
	[tilespmem:s22+$0xF0] =	vst v3;
	v3 =	vmul.f32 v5, v1;
	v11 =	vld [tilespmem:s22+$0x160]  }
0x11b: {  	v13 =	vmov s20;
	s20 =	sadd.s32 $0x4, s31;
	v12 =	vmov s28;
	s0 =	sadd.s32 $0x3, s31;
	[tilespmem:s22+$0x100] =	vst v4;
	v4 =	vmul.f32 v8, v1;
	v8 =	vld [tilespmem:s22+$0x180]  }
0x11c: {  	v15 =	vmov s20;
	v14 =	vmov s0;
	s0 =	sadd.s32 $0x5, s31;
	[tilespmem:s22+$0x110] =	vst v3;
	v6 =	vmul.f32 v6, v1;
	v16 =	vld [tilespmem:s22+$0x190]  }
.Ltmp2:
0x11d: {  	v3 =	vbroadcast v10, $0x0;
	v10 =	vmov s0;
	[tilespmem:s22+$0x120] =	vst v4;
	v9 =	vmul.f32 v9, v1;
	v5 =	vld [tilespmem:s22+$0x1A0];
	(pc) =	sbr.rel @p0 .LBB2_3-.Ltmp2, $4  }
0x11e: {  	v4 =	vand.u32 $0xFFFFFFF9, v12;
	v12 =	vand.u32 $0xFFFFFFFA, v13;
	[tilespmem:s22+$0x130] =	vst v6;
	v13 =	vmul.f32 v7, v1;
	v6 =	vld [tilespmem:s22+$0x1B0]  }
0x11f: {  	v17 =	vand.u32 $0xFFFFFFFB, v14;
	v4 =	vbroadcast v4, $0x0;
	[tilespmem:s22+$0x140] =	vst v9;
	v18 =	vmul.f32 v11, v1;
	v7 =	vld [tilespmem:s22+$0x1C0]  }
0x120: {  	v9 =	vbroadcast v12, $0x0;
	v1 =	vand.u32 $0xFFFFFFFC, v15;
	[tilespmem:s22+$0x150] =	vst v13;
	v14 =	vmul.f32 v8, v0;
	v8 =	vld [tilespmem:s22+$0x1D0]  }
0x121: {  	s0 =	sadd.s32 $0x6, s31;
	s31 =	sadd.s32 $0x8, s31;
	v11 =	vbroadcast v17, $0x0;
	v13 =	vand.u32 $0xFFFFFFFD, v10;
	[tilespmem:s22+$0x160] =	vst v18;
	v12 =	vmul.f32 v16, v0;
	v10 =	vld [tilespmem:s22+$0x1E0]  }
0x122: {  	_ =	sdelay $0x2  }
0x123: {  	v15 =	vld [tilespmem:s22+$0x1F0]  }
0x124: {  	v34 =	vbroadcast v1, $0x0;
	v1 =	vld.idx.msk [tilespmem:v2+s10+$0x0], $0xffff  }
0x125: {  	v17 =	vld.idx.msk [tilespmem:v3+s10+$0x0], $0xffff  }
0x126: {  	v37 =	vld.idx.msk [tilespmem:v4+s10+$0x0], $0xffff  }
0x127: {  	v9 =	vld.idx.msk [tilespmem:v9+s10+$0x0], $0xffff  }
0x128: {  	s31 =	sadd.s32 $0x400, s22;
	v11 =	vld.idx.msk [tilespmem:v11+s10+$0x0], $0xffff  }
0x129: {  	v40 =	vld [tilespmem:s31+$0xFFFFFE00]  }
0x12a: {  	v42 =	vld [tilespmem:s31+$0xFFFFFE10]  }
0x12b: {  	[tilespmem:s22+$0x180] =	vst v14;
	v5 =	vmul.f32 v5, v0;
	v44 =	vld [tilespmem:s31+$0xFFFFFE20]  }
0x12c: {  	[tilespmem:s22+$0x190] =	vst v12;
	v6 =	vmul.f32 v6, v0;
	v46 =	vld [tilespmem:s31+$0xFFFFFE30]  }
0x12d: {  	v47 =	vld [tilespmem:s31+$0xFFFFFE40];
	[tilespmem:s22+$0x1A0] =	vst v5;
	v39 =	vmul.f32 v7, v0  }
0x12e: {  	v49 =	vld [tilespmem:s31+$0xFFFFFE50];
	[tilespmem:s22+$0x1B0] =	vst v6;
	v41 =	vmul.f32 v8, v0  }
0x12f: {  	v50 =	vld [tilespmem:s31+$0xFFFFFE60];
	[tilespmem:s22+$0x1C0] =	vst v39;
	v43 =	vmul.f32 v10, v0  }
0x130: {  	v52 =	vld [tilespmem:s31+$0xFFFFFE70];
	[tilespmem:s22+$0x1D0] =	vst v41;
	v45 =	vmul.f32 v15, v0  }
0x131: {  	v53 =	vld [tilespmem:s31+$0xFFFFFE80];
	[tilespmem:s22+$0x1E0] =	vst v43;
	v48 =	vmul.f32 v40, v17  }
0x132: {  	v55 =	vld [tilespmem:s31+$0xFFFFFE90];
	v8 =	vmul.f32 v42, v17;
	[tilespmem:s22+$0x1F0] =	vst v45  }
0x133: {  	v57 =	vld [tilespmem:s31+$0xFFFFFEA0];
	v51 =	vmul.f32 v44, v17;
	[tilespmem:s31+$0xFFFFFE00] =	vst v48  }
0x134: {  	v59 =	vld [tilespmem:s31+$0xFFFFFEB0];
	v6 =	vmul.f32 v46, v17;
	[tilespmem:s31+$0xFFFFFE10] =	vst v8  }
0x135: {  	v61 =	vld [tilespmem:s31+$0xFFFFFEC0];
	v54 =	vmul.f32 v47, v17;
	[tilespmem:s31+$0xFFFFFE20] =	vst v51  }
0x136: {  	v63 =	vld [tilespmem:s31+$0xFFFFFED0];
	v56 =	vmul.f32 v49, v17;
	[tilespmem:s31+$0xFFFFFE30] =	vst v6  }
0x137: {  	v19 =	vld [tilespmem:s31+$0xFFFFFEF0];
	v58 =	vmul.f32 v50, v17;
	[tilespmem:s31+$0xFFFFFE40] =	vst v54  }
0x138: {  	v21 =	vld [tilespmem:s31+$0xFFFFFF00];
	v60 =	vmul.f32 v52, v17;
	[tilespmem:s31+$0xFFFFFE50] =	vst v56  }
0x139: {  	v23 =	vld [tilespmem:s31+$0xFFFFFF10];
	v62 =	vmul.f32 v53, v37;
	[tilespmem:s31+$0xFFFFFE60] =	vst v58  }
0x13a: {  	v25 =	vld [tilespmem:s31+$0xFFFFFF20];
	v5 =	vmul.f32 v55, v37;
	[tilespmem:s31+$0xFFFFFE70] =	vst v60  }
0x13b: {  	v27 =	vld [tilespmem:s31+$0xFFFFFF30];
	v18 =	vmul.f32 v57, v37;
	[tilespmem:s31+$0xFFFFFE80] =	vst v62  }
0x13c: {  	v13 =	vbroadcast v13, $0x0;
	v31 =	vld [tilespmem:s31+$0xFFFFFF50];
	v20 =	vmul.f32 v59, v37;
	[tilespmem:s31+$0xFFFFFE90] =	vst v5  }
0x13d: {  	v35 =	vmov s0;
	v33 =	vld [tilespmem:s31+$0xFFFFFF60];
	v22 =	vmul.f32 v61, v37;
	[tilespmem:s31+$0xFFFFFEA0] =	vst v18  }
0x13e: {  	v16 =	vand.u32 $0xFFFFFFFE, v35;
	v35 =	vld [tilespmem:s31+$0xFFFFFF70];
	v24 =	vmul.f32 v63, v37;
	[tilespmem:s31+$0xFFFFFEB0] =	vst v20  }
0x13f: {  	v39 =	vld [tilespmem:s31+$0xFFFFFF90];
	v28 =	vmul.f32 v19, v37;
	[tilespmem:s31+$0xFFFFFEC0] =	vst v22  }
0x140: {  	v36 =	vbroadcast v16, $0x0;
	v41 =	vld [tilespmem:s31+$0xFFFFFFA0];
	v30 =	vmul.f32 v21, v9;
	[tilespmem:s31+$0xFFFFFED0] =	vst v24  }
0x141: {  	v4 =	vld.idx.msk [tilespmem:v34+s10+$0x0], $0xffff;
	v32 =	vmul.f32 v23, v9;
	[tilespmem:s31+$0xFFFFFEF0] =	vst v28  }
0x142: {  	v3 =	vld.idx.msk [tilespmem:v13+s10+$0x0], $0xffff;
	v34 =	vmul.f32 v25, v9;
	[tilespmem:s31+$0xFFFFFF00] =	vst v30  }
0x143: {  	v17 =	vld [tilespmem:s31+$0xFFFFFEE0];
	v40 =	vmul.f32 v31, v9;
	[tilespmem:s31+$0xFFFFFF10] =	vst v32  }
0x144: {  	v42 =	vmul.f32 v33, v9;
	v43 =	vld [tilespmem:s31+$0xFFFFFFB0];
	[tilespmem:s31+$0xFFFFFF20] =	vst v34  }
0x145: {  	v44 =	vmul.f32 v35, v9;
	v47 =	vld [tilespmem:s31+$0xFFFFFFD0];
	[tilespmem:s31+$0xFFFFFF50] =	vst v40  }
0x146: {  	v2 =	vld.idx.msk [tilespmem:v36+s10+$0x0], $0xffff;
	v36 =	vmul.f32 v27, v9;
	[tilespmem:s31+$0xFFFFFF60] =	vst v42  }
0x147: {  	v49 =	vld [tilespmem:s31+$0xFFFFFFE0];
	[tilespmem:s31+$0xFFFFFF70] =	vst v44;
	v48 =	vmul.f32 v39, v11  }
0x148: {  	v53 =	vld [tilespmem:s31+$0x0];
	[tilespmem:s31+$0xFFFFFF30] =	vst v36;
	v50 =	vmul.f32 v41, v11  }
0x149: {  	v57 =	vld [tilespmem:s31+$0x20];
	v26 =	vmul.f32 v17, v37;
	[tilespmem:s31+$0xFFFFFF90] =	vst v48  }
0x14a: {  	v59 =	vld [tilespmem:s31+$0x30];
	v52 =	vmul.f32 v43, v11;
	[tilespmem:s31+$0xFFFFFFA0] =	vst v50  }
0x14b: {  	v61 =	vld [tilespmem:s31+$0x40];
	v56 =	vmul.f32 v47, v11;
	[tilespmem:s31+$0xFFFFFEE0] =	vst v26  }
0x14c: {  	v63 =	vld [tilespmem:s31+$0x50];
	v58 =	vmul.f32 v49, v11;
	[tilespmem:s31+$0xFFFFFFB0] =	vst v52  }
0x14d: {  	v13 =	vld [tilespmem:s31+$0x60];
	v62 =	vmul.f32 v53, v4;
	[tilespmem:s31+$0xFFFFFFD0] =	vst v56  }
0x14e: {  	v19 =	vld [tilespmem:s31+$0x90];
	v14 =	vmul.f32 v57, v4;
	[tilespmem:s31+$0xFFFFFFE0] =	vst v58  }
0x14f: {  	v23 =	vld [tilespmem:s31+$0xB0];
	v16 =	vmul.f32 v59, v4;
	[tilespmem:s31+$0x0] =	vst v62  }
0x150: {  	v45 =	vld [tilespmem:s31+$0xFFFFFFC0];
	v18 =	vmul.f32 v61, v4;
	[tilespmem:s31+$0x20] =	vst v14  }
0x151: {  	v38 =	vld [tilespmem:s31+$0x170];
	v20 =	vmul.f32 v63, v4;
	[tilespmem:s31+$0x30] =	vst v16  }
0x152: {  	v29 =	vld [tilespmem:s31+$0xFFFFFF40];
	v22 =	vmul.f32 v13, v4;
	[tilespmem:s31+$0x40] =	vst v18  }
0x153: {  	v51 =	vld [tilespmem:s31+$0xFFFFFFF0];
	v27 =	vmul.f32 v19, v3;
	[tilespmem:s31+$0x50] =	vst v20  }
0x154: {  	v21 =	vld [tilespmem:s31+$0xA0];
	v31 =	vmul.f32 v23, v3;
	[tilespmem:s31+$0x60] =	vst v22  }
0x155: {  	v24 =	vld [tilespmem:s31+$0xC0];
	v54 =	vmul.f32 v45, v11;
	[tilespmem:s31+$0x90] =	vst v27  }
0x156: {  	v32 =	vld [tilespmem:s31+$0x100];
	v12 =	vmul.f32 v38, v2;
	[tilespmem:s31+$0xB0] =	vst v31  }
0x157: {  	v34 =	vld [tilespmem:s31+$0x110];
	v38 =	vmul.f32 v29, v9;
	[tilespmem:s31+$0xFFFFFFC0] =	vst v54  }
0x158: {  	v39 =	vld [tilespmem:s31+$0x140];
	v60 =	vmul.f32 v51, v11;
	[tilespmem:s31+$0x170] =	vst v12  }
0x159: {  	v55 =	vld [tilespmem:s31+$0x10];
	v29 =	vmul.f32 v21, v3;
	[tilespmem:s31+$0xFFFFFF40] =	vst v38  }
0x15a: {  	v15 =	vld [tilespmem:s31+$0x70];
	v33 =	vmul.f32 v24, v3;
	[tilespmem:s31+$0xFFFFFFF0] =	vst v60  }
0x15b: {  	v36 =	vld [tilespmem:s31+$0x120];
	v40 =	vmul.f32 v32, v2;
	[tilespmem:s31+$0xA0] =	vst v29  }
0x15c: {  	v41 =	vld [tilespmem:s31+$0x150];
	v42 =	vmul.f32 v34, v2;
	[tilespmem:s31+$0xC0] =	vst v33  }
0x15d: {  	v37 =	vld [tilespmem:s31+$0xFFFFFF80];
	v48 =	vmul.f32 v39, v2;
	[tilespmem:s31+$0x100] =	vst v40  }
0x15e: {  	v17 =	vld [tilespmem:s31+$0x80];
	v12 =	vmul.f32 v55, v4;
	[tilespmem:s31+$0x110] =	vst v42  }
0x15f: {  	v28 =	vld [tilespmem:s31+$0xE0];
	v4 =	vmul.f32 v15, v4;
	[tilespmem:s31+$0x140] =	vst v48  }
0x160: {  	v43 =	vld [tilespmem:s31+$0x160];
	v44 =	vmul.f32 v36, v2;
	[tilespmem:s31+$0x10] =	vst v12  }
0x161: {  	v47 =	vld [tilespmem:s31+$0x190];
	v50 =	vmul.f32 v41, v2;
	[tilespmem:s31+$0x70] =	vst v4  }
0x162: {  	v49 =	vld [tilespmem:s31+$0x1A0];
	v46 =	vmul.f32 v37, v11;
	[tilespmem:s31+$0x120] =	vst v44  }
0x163: {  	v57 =	vld [tilespmem:s31+$0x1E0];
	v25 =	vmul.f32 v17, v3;
	[tilespmem:s31+$0x150] =	vst v50  }
0x164: {  	v59 =	vld [tilespmem:s31+$0x1F0];
	v37 =	vmul.f32 v28, v3;
	[tilespmem:s31+$0xFFFFFF80] =	vst v46  }
0x165: {  	v45 =	vld [tilespmem:s31+$0x180];
	v52 =	vmul.f32 v43, v2;
	[tilespmem:s31+$0x80] =	vst v25  }
0x166: {  	v26 =	vld [tilespmem:s31+$0xD0];
	v56 =	vmul.f32 v47, v1;
	[tilespmem:s31+$0xE0] =	vst v37  }
0x167: {  	v30 =	vld [tilespmem:s31+$0xF0];
	v58 =	vmul.f32 v49, v1;
	[tilespmem:s31+$0x160] =	vst v52  }
0x168: {  	v51 =	vld [tilespmem:s31+$0x1B0];
	v62 =	vmul.f32 v57, v1;
	[tilespmem:s31+$0x190] =	vst v56  }
0x169: {  	v38 =	vld [tilespmem:s31+$0x130];
	v63 =	vmul.f32 v59, v1;
	[tilespmem:s31+$0x1A0] =	vst v58  }
0x16a: {  	v53 =	vld [tilespmem:s31+$0x1C0];
	v54 =	vmul.f32 v45, v1;
	[tilespmem:s31+$0x1E0] =	vst v62  }
0x16b: {  	v55 =	vld [tilespmem:s31+$0x1D0];
	v35 =	vmul.f32 v26, v3;
	[tilespmem:s31+$0x1F0] =	vst v63  }
0x16c: {  	v3 =	vmul.f32 v30, v3;
	[tilespmem:s31+$0x180] =	vst v54  }
0x16d: {  	p0 =	seq.s32 s25, $0x0;
	v60 =	vmul.f32 v51, v1;
	[tilespmem:s31+$0xD0] =	vst v35  }
.Ltmp3:
0x16e: {  	[tilespmem:s31+$0xF0] =	vst v3;
	v46 =	vmul.f32 v38, v2;
	(pc) =	sbr.rel @p0 .LBB2_7-.Ltmp3, $4  }
0x16f: {  	v2 =	vmul.f32 v53, v1;
	[tilespmem:s31+$0x1B0] =	vst v60  }
0x170: {  	v61 =	vmul.f32 v55, v1;
	[tilespmem:s31+$0x130] =	vst v46  }
0x171: {  	[tilespmem:s31+$0x1C0] =	vst v2  }
0x172: {  	[tilespmem:s31+$0x1D0] =	vst v61  }
0x173: {  	p3 =	sgt.u32 s25, $0x28  }
0x174: {  	s0 =	sand.u32 @!p3 $0xFF, s24  }
0x175: {  	p0 =	sne.s32 @!p3 s0, $0x0  }
0x176: {  	p0 =	por p3, p0  }
.Ltmp4:
0x177: {  	_ = 	snop;
	(pc) =	sbr.rel @p0 .LBB2_8-.Ltmp4, $4  }
0x178: {  	_ = 	snop  }
0x179: {  	_ =	swait.ge [sflag:s19], $0x2800  }
0x17a: {  	[sflag:s19] =	ssyncset.done $0x0  }
0x17b: {  	s22 =	sadd.s32 $0x2, s25;
	[sflag:s19] =	ssyncadd.s32 $0xFFFFD800  }
0x17c: {  	s0 =	smul.u32 $0xF0, s22;
	_ =	sdelay $0x1  }
0x17d: {  	s0 =	sadd.s32 s9, s0  }
0x17e: {  	s0 =	sshrl.u32 s0, $0x3  }
0x17f: {  	s31 =	simm.s32 $0x29E0;
	s20 =	sadd.s32 s5, s0  }
0x180: {  	[tilespmem:s31], [sflag:$0x3] =	stream.linear.gather [hbm4b:s20+s3], $0xF0, $0x38;
	[tilespmem:$0x1EB80] =	vst v63  }
0x181: {  	s28 =	simm.s32 $0x2CE0;
	s24 =	sadd.s32 s6, s0  }
0x182: {  	[tilespmem:s28], [sflag:$0x3] =	stream.linear.gather [hbm4b:s24+s3], $0xF0, $0x38;
	[tilespmem:$0x1EB80] =	vst v63  }
0x183: {  	s0 =	sadd.s32 s7, s0;
	s31 =	simm.s32 $0x2FE0  }
0x184: {  	[tilespmem:s31], [sflag:$0x3] =	stream.linear.gather [hbm4b:s0+s3], $0xF0, $0x38;
	[tilespmem:$0x1EB80] =	vst v63  }
.LBB2_7:
0x185: {  	p1 =	seq.s32 s21, $0x1;
	p2 =	por $0x1, $0x1;
	p0 =	seq.s32 s21, $0x2  }
.LBB2_11:
0x186: {  	s0 =	sadd.s32 $0x28A0, s26  }
0x187: {  	[tilespmem:s11], [sflag:$0x6] =	stream.indirect.gather [hbm4b:s1+s29], $0x80, s0, s29, $0xb8;
	[tilespmem:$0x1EB80] =	vst v63  }
0x188: {  	_ = 	snop  }
0x189: {  	[spmem:s2] =	stream.indirect.scatter.add.f32 [tilespmem:s30], [sflag:$0x7], $0x80, s12, s29, $0xb8;
	[tilespmem:$0x1EB80] =	vst v63  }
0x18a: {  	v0 =	vld [tilespmem:s26+$0x2850];
	_ =	sdelay $0x1  }
0x18b: {  	v1 =	vld [tilespmem:s26+$0x2B50];
	_ =	sdelay $0x4  }
0x18c: {  	s28 =	simm.s32 $0x0;
	v2 =	vld [tilespmem:s26+$0x2E50]  }
0x18d: {  	v0 =	vld.idx.msk [tilespmem:v0+s28+$0x0], $0xffff;
	_ =	sdelay $0x1  }
0x18e: {  	v1 =	vld.idx.msk [tilespmem:v1+s28+$0x0], $0xffff;
	_ =	sdelay $0x2  }
0x18f: {  	v0 =	vmul.f32 v2, v0;
	_ =	sdelay $0x1  }
0x190: {  	v0 =	vmul.f32 v1, v0;
	_ =	sdelay $0x1  }
0x191: {  	[tilespmem:$0x3300] =	vst v0  }
0x192: {  	v0 =	vld [tilespmem:s26+$0x2860];
	_ =	sdelay $0x1  }
0x193: {  	v1 =	vld [tilespmem:s26+$0x2B60];
	_ =	sdelay $0x4  }
0x194: {  	v2 =	vld [tilespmem:s26+$0x2E60]  }
0x195: {  	v0 =	vld.idx.msk [tilespmem:v0+s28+$0x0], $0xffff;
	_ =	sdelay $0x1  }
0x196: {  	v1 =	vld.idx.msk [tilespmem:v1+s28+$0x0], $0xffff;
	_ =	sdelay $0x2  }
0x197: {  	v0 =	vmul.f32 v2, v0;
	_ =	sdelay $0x1  }
0x198: {  	v0 =	vmul.f32 v1, v0;
	_ =	sdelay $0x1  }
0x199: {  	[tilespmem:$0x3310] =	vst v0  }
0x19a: {  	v0 =	vld [tilespmem:s26+$0x2870];
	_ =	sdelay $0x1  }
0x19b: {  	v1 =	vld [tilespmem:s26+$0x2B70];
	_ =	sdelay $0x4  }
0x19c: {  	v2 =	vld [tilespmem:s26+$0x2E70]  }
0x19d: {  	v0 =	vld.idx.msk [tilespmem:v0+s28+$0x0], $0xffff;
	_ =	sdelay $0x1  }
0x19e: {  	v1 =	vld.idx.msk [tilespmem:v1+s28+$0x0], $0xffff;
	_ =	sdelay $0x2  }
0x19f: {  	v0 =	vmul.f32 v2, v0;
	_ =	sdelay $0x1  }
0x1a0: {  	v0 =	vmul.f32 v1, v0;
	_ =	sdelay $0x1  }
0x1a1: {  	s20 =	sand.u32 $0x3F0, s26;
	[tilespmem:$0x3320] =	vst v0  }
0x1a2: {  	v0 =	vld [tilespmem:s20+$0x2880];
	_ =	sdelay $0x1  }
0x1a3: {  	v1 =	vld [tilespmem:s20+$0x2B80];
	_ =	sdelay $0x4  }
0x1a4: {  	v2 =	vld [tilespmem:s20+$0x2E80]  }
0x1a5: {  	v0 =	vld.idx.msk [tilespmem:v0+s28+$0x0], $0xffff;
	_ =	sdelay $0x1  }
0x1a6: {  	v1 =	vld.idx.msk [tilespmem:v1+s28+$0x0], $0xffff;
	_ =	sdelay $0x2  }
0x1a7: {  	v0 =	vmul.f32 v2, v0;
	_ =	sdelay $0x1  }
0x1a8: {  	v0 =	vmul.f32 v1, v0;
	_ =	sdelay $0x1  }
0x1a9: {  	[tilespmem:$0x3330] =	vst v0  }
0x1aa: {  	v0 =	vld [tilespmem:s26+$0x2890];
	_ =	sdelay $0x1  }
0x1ab: {  	v1 =	vld [tilespmem:s26+$0x2B90];
	_ =	sdelay $0x4  }
0x1ac: {  	v2 =	vld [tilespmem:s26+$0x2E90]  }
0x1ad: {  	v0 =	vld.idx.msk [tilespmem:v0+s28+$0x0], $0xffff;
	_ =	sdelay $0x1  }
0x1ae: {  	v1 =	vld.idx.msk [tilespmem:v1+s28+$0x0], $0xffff;
	_ =	sdelay $0x2  }
0x1af: {  	v0 =	vmul.f32 v2, v0;
	_ =	sdelay $0x1  }
0x1b0: {  	v0 =	vmul.f32 v1, v0;
	_ =	sdelay $0x1  }
0x1b1: {  	[tilespmem:$0x3340] =	vst v0  }
0x1b2: {  	_ =	swait.ge [sflag:s13], $0x2800  }
0x1b3: {  	[sflag:s13] =	ssyncset.done $0x0  }
0x1b4: {  	[sflag:s13] =	ssyncadd.s32 $0xFFFFD800  }
0x1b5: {  	v0 =	vld [tilespmem:s26+$0x2B50];
	_ =	sdelay $0x4  }
0x1b6: {  	[tilespmem:$0x3180] =	vst v0  }
0x1b7: {  	v0 =	vld [tilespmem:s26+$0x2B60];
	_ =	sdelay $0x4  }
0x1b8: {  	[tilespmem:$0x3190] =	vst v0  }
0x1b9: {  	v0 =	vld [tilespmem:s26+$0x2B70];
	_ =	sdelay $0x4  }
0x1ba: {  	[tilespmem:$0x31A0] =	vst v0  }
0x1bb: {  	v0 =	vld [tilespmem:s20+$0x2B80];
	_ =	sdelay $0x3  }
0x1bc: {  	v1 =	vmov s28  }
0x1bd: {  	[tilespmem:$0x31B0] =	vst v0;
	v0 =	vand.u32 $0xFFFFFFF8, v1  }
0x1be: {  	v2 =	vld [tilespmem:s26+$0x2B90];
	v0 =	vbroadcast v0, $0x0;
	_ =	sdelay $0x4  }
0x1bf: {  	[tilespmem:$0x31C0] =	vst v2  }
0x1c0: {  	s22 =	simm.s32 $0x5F70;
	v0 =	vld.idx.msk [tilespmem:v0+s10+$0x0], $0xffff  }
0x1c1: {  	v3 =	vld [tilespmem:s22+$0xFFFFFF80]  }
0x1c2: {  	s20 =	simm.s32 $0x6;
	v4 =	vld [tilespmem:s22+$0xFFFFFC10]  }
0x1c3: {  	v1 =	vmov s20;
	v5 =	vld [tilespmem:s22+$0xFFFFFC20]  }
0x1c4: {  	v1 =	vand.u32 $0xFFFFFFFE, v1;
	v6 =	vld [tilespmem:s22+$0xFFFFFC30]  }
0x1c5: {  	v1 =	vbroadcast v1, $0x0;
	v7 =	vld [tilespmem:s22+$0xFFFFFC40]  }
0x1c6: {  	s21 =	simm.s32 $0x1;
	v8 =	vld [tilespmem:s22+$0xFFFFFC50]  }
0x1c7: {  	v2 =	vmov s21;
	v9 =	vld [tilespmem:s22+$0xFFFFFC60]  }
0x1c8: {  	v2 =	vand.u32 $0xFFFFFFF9, v2;
	v10 =	vld [tilespmem:s22+$0xFFFFFC70]  }
0x1c9: {  	v11 =	vld [tilespmem:s22+$0xFFFFFC80];
	v2 =	vbroadcast v2, $0x0  }
0x1ca: {  	v12 =	vld [tilespmem:s22+$0xFFFFFC90]  }
0x1cb: {  	v1 =	vld.idx.msk [tilespmem:v1+s10+$0x0], $0xffff  }
0x1cc: {  	v13 =	vld [tilespmem:s22+$0xFFFFFCA0]  }
0x1cd: {  	v14 =	vld [tilespmem:s22+$0xFFFFFCB0];
	v4 =	vmul.f32 v4, v0  }
0x1ce: {  	v15 =	vld [tilespmem:s22+$0xFFFFFCC0];
	v7 =	vmul.f32 v7, v0  }
0x1cf: {  	v8 =	vmul.f32 v8, v0;
	v2 =	vld.idx.msk [tilespmem:v2+s10+$0x0], $0xffff;
	[tilespmem:s22+$0xFFFFFC10] =	vst v4  }
0x1d0: {  	s24 =	simm.s32 $0x2;
	v3 =	vmul.f32 v3, v1;
	[tilespmem:s22+$0xFFFFFC40] =	vst v7;
	v7 =	vmul.f32 v9, v0;
	v9 =	vld [tilespmem:s22+$0xFFFFFD00]  }
0x1d1: {  	v5 =	vmul.f32 v5, v0;
	v4 =	vmov s24;
	[tilespmem:s22+$0xFFFFFC50] =	vst v8;
	v8 =	vmul.f32 v10, v0;
	v10 =	vld [tilespmem:s22+$0xFFFFFD10]  }
0x1d2: {  	v4 =	vand.u32 $0xFFFFFFFA, v4;
	[tilespmem:s22+$0xFFFFFF80] =	vst v3;
	v3 =	vmul.f32 v6, v0;
	v6 =	vld [tilespmem:s22+$0xFFFFFCD0]  }
0x1d3: {  	[tilespmem:s22+$0xFFFFFC20] =	vst v5;
	v0 =	vmul.f32 v11, v0;
	v11 =	vld [tilespmem:s22+$0xFFFFFD30];
	v4 =	vbroadcast v4, $0x0  }
0x1d4: {  	[tilespmem:s22+$0xFFFFFC60] =	vst v7;
	v7 =	vld [tilespmem:s22+$0xFFFFFD20]  }
0x1d5: {  	[tilespmem:s22+$0xFFFFFC30] =	vst v3;
	v3 =	vld [tilespmem:s22+$0xFFFFFCF0]  }
0x1d6: {  	[tilespmem:s22+$0xFFFFFC70] =	vst v8;
	v5 =	vmul.f32 v12, v2;
	v12 =	vld [tilespmem:s22+$0xFFFFFCE0]  }
0x1d7: {  	[tilespmem:s22+$0xFFFFFC80] =	vst v0;
	v8 =	vmul.f32 v13, v2;
	v13 =	vld [tilespmem:s22+$0xFFFFFD40]  }
0x1d8: {  	s28 =	simm.s32 $0x3;
	v0 =	vmul.f32 v14, v2;
	v14 =	vld [tilespmem:s22+$0xFFFFFD50];
	v6 =	vmul.f32 v6, v2;
	[tilespmem:s22+$0xFFFFFC90] =	vst v5  }
0x1d9: {  	v5 =	vmov s28;
	[tilespmem:s22+$0xFFFFFCA0] =	vst v8;
	v8 =	vmul.f32 v15, v2;
	v4 =	vld.idx.msk [tilespmem:v4+s10+$0x0], $0xffff  }
0x1da: {  	v5 =	vand.u32 $0xFFFFFFFB, v5;
	[tilespmem:s22+$0xFFFFFCD0] =	vst v6;
	v6 =	vld [tilespmem:s22+$0xFFFFFD80]  }
0x1db: {  	v5 =	vbroadcast v5, $0x0;
	[tilespmem:s22+$0xFFFFFCC0] =	vst v8;
	v8 =	vld [tilespmem:s22+$0xFFFFFD70];
	v12 =	vmul.f32 v12, v2  }
0x1dc: {  	[tilespmem:s22+$0xFFFFFCB0] =	vst v0;
	v3 =	vmul.f32 v3, v2;
	v2 =	vmul.f32 v9, v2;
	v9 =	vld [tilespmem:s22+$0xFFFFFD90]  }
0x1dd: {  	[tilespmem:s22+$0xFFFFFCE0] =	vst v12;
	v12 =	vld [tilespmem:s22+$0xFFFFFDC0]  }
0x1de: {  	[tilespmem:s22+$0xFFFFFCF0] =	vst v3;
	v0 =	vmul.f32 v10, v4;
	v10 =	vld [tilespmem:s22+$0xFFFFFD60]  }
0x1df: {  	[tilespmem:s22+$0xFFFFFD00] =	vst v2;
	v3 =	vmul.f32 v7, v4;
	v7 =	vld [tilespmem:s22+$0xFFFFFDA0]  }
0x1e0: {  	v2 =	vmul.f32 v11, v4;
	v11 =	vld [tilespmem:s22+$0xFFFFFDB0];
	[tilespmem:s22+$0xFFFFFD10] =	vst v0  }
0x1e1: {  	s20 =	simm.s32 $0x4;
	v8 =	vmul.f32 v8, v4;
	v5 =	vld.idx.msk [tilespmem:v5+s10+$0x0], $0xffff;
	[tilespmem:s22+$0xFFFFFD20] =	vst v3  }
0x1e2: {  	v0 =	vmov s20;
	v3 =	vmul.f32 v13, v4;
	[tilespmem:s22+$0xFFFFFD30] =	vst v2;
	v2 =	vmul.f32 v14, v4;
	v13 =	vld [tilespmem:s22+$0xFFFFFDD0]  }
0x1e3: {  	v0 =	vand.u32 $0xFFFFFFFC, v0;
	[tilespmem:s22+$0xFFFFFD70] =	vst v8;
	v8 =	vld [tilespmem:s22+$0xFFFFFE10]  }
0x1e4: {  	v0 =	vbroadcast v0, $0x0;
	[tilespmem:s22+$0xFFFFFD50] =	vst v2;
	v2 =	vld [tilespmem:s22+$0xFFFFFDF0]  }
0x1e5: {  	v10 =	vmul.f32 v10, v4;
	v4 =	vmul.f32 v6, v4;
	v6 =	vld [tilespmem:s22+$0xFFFFFE00]  }
0x1e6: {  	[tilespmem:s22+$0xFFFFFD40] =	vst v3;
	v3 =	vmul.f32 v9, v5;
	v9 =	vld [tilespmem:s22+$0xFFFFFDE0]  }
0x1e7: {  	[tilespmem:s22+$0xFFFFFD60] =	vst v10;
	v7 =	vmul.f32 v7, v5;
	v10 =	vld [tilespmem:s22+$0xFFFFFE20]  }
0x1e8: {  	[tilespmem:s22+$0xFFFFFD80] =	vst v4;
	v4 =	vmul.f32 v11, v5;
	v11 =	vld [tilespmem:s22+$0xFFFFFE30]  }
0x1e9: {  	s21 =	simm.s32 $0x5;
	[tilespmem:s22+$0xFFFFFDA0] =	vst v7;
	v7 =	vmul.f32 v12, v5;
	v12 =	vld [tilespmem:s22+$0xFFFFFE40]  }
0x1ea: {  	[tilespmem:s22+$0xFFFFFD90] =	vst v3;
	v3 =	vmov s21;
	v0 =	vld.idx.msk [tilespmem:v0+s10+$0x0], $0xffff  }
0x1eb: {  	[tilespmem:s22+$0xFFFFFDB0] =	vst v4;
	v4 =	vmul.f32 v13, v5;
	v13 =	vld [tilespmem:s22+$0xFFFFFF90];
	v3 =	vand.u32 $0xFFFFFFFD, v3  }
0x1ec: {  	v3 =	vbroadcast v3, $0x0;
	[tilespmem:s22+$0xFFFFFDC0] =	vst v7;
	v7 =	vmul.f32 v9, v5;
	v9 =	vld [tilespmem:s22+$0xFFFFFE50]  }
0x1ed: {  	v2 =	vmul.f32 v2, v5;
	[tilespmem:s22+$0xFFFFFDD0] =	vst v4;
	v5 =	vmul.f32 v6, v5;
	v6 =	vld [tilespmem:s22+$0xFFFFFE90]  }
0x1ee: {  	[tilespmem:s22+$0xFFFFFDE0] =	vst v7;
	v7 =	vld [tilespmem:s22+$0xFFFFFE70]  }
0x1ef: {  	[tilespmem:s22+$0xFFFFFDF0] =	vst v2;
	v4 =	vmul.f32 v8, v0;
	v8 =	vld [tilespmem:s22+$0xFFFFFE60]  }
0x1f0: {  	[tilespmem:s22+$0xFFFFFE00] =	vst v5;
	v2 =	vmul.f32 v10, v0;
	v5 =	vmul.f32 v11, v0;
	v10 =	vld [tilespmem:s22+$0xFFFFFEA0]  }
0x1f1: {  	[tilespmem:s22+$0xFFFFFE10] =	vst v4;
	v4 =	vld [tilespmem:s22+$0xFFFFFE80]  }
0x1f2: {  	v3 =	vld.idx.msk [tilespmem:v3+s10+$0x0], $0xffff;
	[tilespmem:s22+$0xFFFFFE30] =	vst v5;
	v5 =	vmul.f32 v9, v0  }
0x1f3: {  	[tilespmem:s22+$0xFFFFFE20] =	vst v2;
	v2 =	vmul.f32 v12, v0;
	v9 =	vld [tilespmem:s22+$0xFFFFFEB0]  }
0x1f4: {  	[tilespmem:s22+$0xFFFFFE50] =	vst v5;
	v5 =	vmul.f32 v7, v0;
	v7 =	vld [tilespmem:s22+$0xFFFFFED0]  }
0x1f5: {  	[tilespmem:s22+$0xFFFFFE40] =	vst v2;
	v2 =	vmul.f32 v8, v0;
	v8 =	vld [tilespmem:s22+$0xFFFFFEC0]  }
0x1f6: {  	s24 =	simm.s32 $0x7;
	[tilespmem:s22+$0xFFFFFE70] =	vst v5;
	v5 =	vld [tilespmem:s22+$0xFFFFFEF0];
	v4 =	vmul.f32 v4, v0  }
0x1f7: {  	v11 =	vmov s24;
	[tilespmem:s22+$0xFFFFFE60] =	vst v2;
	v2 =	vmul.f32 v6, v3;
	v6 =	vld [tilespmem:s22+$0xFFFFFEE0]  }
0x1f8: {  	v10 =	vmul.f32 v10, v3;
	[tilespmem:s22+$0xFFFFFE80] =	vst v4;
	v4 =	vld [tilespmem:s22+$0xFFFFFF00]  }
0x1f9: {  	[tilespmem:s22+$0xFFFFFE90] =	vst v2;
	v2 =	vmul.f32 v9, v3;
	v9 =	vld [tilespmem:s22+$0xFFFFFF10]  }
0x1fa: {  	[tilespmem:s22+$0xFFFFFEA0] =	vst v10;
	v10 =	vld [tilespmem:s22+$0xFFFFFF60];
	v8 =	vmul.f32 v8, v3  }
0x1fb: {  	[tilespmem:s22+$0xFFFFFEB0] =	vst v2;
	v2 =	vmul.f32 v7, v3;
	v7 =	vld [tilespmem:s22+$0xFFFFFF20]  }
0x1fc: {  	v0 =	vld.idx.msk [tilespmem:v11+s10+$0x0], $0xffff;
	[tilespmem:s22+$0xFFFFFEC0] =	vst v8;
	v6 =	vmul.f32 v6, v3  }
0x1fd: {  	v8 =	vld [tilespmem:s22+$0xFFFFFF30];
	[tilespmem:s22+$0xFFFFFED0] =	vst v2;
	v2 =	vmul.f32 v5, v3  }
0x1fe: {  	s21 =	simm.s32 $0x9;
	s24 =	sadd.s32 $0x1, s25;
	v5 =	vld [tilespmem:s22+$0xFFFFFF40];
	[tilespmem:s22+$0xFFFFFEE0] =	vst v6;
	v3 =	vmul.f32 v4, v3  }
0x1ff: {  	s28 =	simm.s32 $0x8;
	s20 =	smul.u32 $0xAB, s24;
	v11 =	vmov s21;
	v4 =	vld [tilespmem:s22+$0xFFFFFF50];
	v9 =	vmul.f32 v9, v1;
	[tilespmem:s22+$0xFFFFFEF0] =	vst v2  }
0x200: {  	s0 =	simm.s32 $0xF;
	v6 =	vmov s28;
	v10 =	vmul.f32 v10, v1;
	[tilespmem:s22+$0xFFFFFF00] =	vst v3;
	v3 =	vmul.f32 v7, v1;
	v7 =	vld [tilespmem:s22+$0xFFFFFF70]  }
0x201: {  	s20 =	sshrl.u32 s20, $0x9;
	s21 =	simm.s32 $0xB;
	v13 =	vmul.f32 v13, v0;
	s28 =	simm.s32 $0xA;
	v6 =	vand.u32 $0xFFFFFFF8, v6;
	v2 =	vmov s0;
	[tilespmem:s22+$0xFFFFFF10] =	vst v9  }
0x202: {  	v16 =	vld [tilespmem:s22+$0xFFFFFFA0];
	v12 =	vmov s28;
	s28 =	simm.s32 $0xC;
	s0 =	sand.u32 $0x7F, s20;
	v9 =	vmov s21;
	[tilespmem:s22+$0xFFFFFF60] =	vst v10;
	v8 =	vmul.f32 v8, v1  }
0x203: {  	v14 =	vmov s28;
	s0 =	smul.u32 $0x3, s0;
	[tilespmem:s22+$0xFFFFFF20] =	vst v3;
	v15 =	vmul.f32 v5, v1;
	v3 =	vbroadcast v6, $0x0;
	v5 =	vld [tilespmem:s22+$0xFFFFFFB0]  }
0x204: {  	v6 =	vld [tilespmem:s22+$0xFFFFFFC0];
	[tilespmem:s22+$0xFFFFFF30] =	vst v8;
	v8 =	vmul.f32 v4, v1;
	v4 =	vand.u32 $0xFFFFFFF9, v11;
	v11 =	vand.u32 $0xFFFFFFFA, v12  }
0x205: {  	s28 =	simm.s32 $0xD;
	s0 =	ssub.s32 s24, s0;
	v12 =	vand.u32 $0xFFFFFFFB, v9;
	[tilespmem:s22+$0xFFFFFF40] =	vst v15;
	v4 =	vbroadcast v4, $0x0;
	v15 =	vmul.f32 v7, v1;
	v7 =	vld [tilespmem:s22+$0xFFFFFFD0]  }
0x206: {  	v17 =	vmov s28;
	s0 =	sand.u32 $0xFF, s0;
	v9 =	vbroadcast v11, $0x0;
	v11 =	vbroadcast v12, $0x0;
	[tilespmem:s22+$0xFFFFFF50] =	vst v8;
	v8 =	vld [tilespmem:s22+$0xFFFFFFE0]  }
0x207: {  	s31 =	simm.s32 $0x10;
	v10 =	vld [tilespmem:s22+$0xFFFFFFF0];
	s21 =	smul.u32 $0xF0, s0;
	s0 =	simm.s32 $0xE;
	v12 =	vmul.f32 v16, v0;
	v1 =	vand.u32 $0xFFFFFFFC, v14;
	v14 =	vand.u32 $0xFFFFFFFD, v17;
	[tilespmem:s22+$0xFFFFFF70] =	vst v15  }
.LBB2_12:
0x208: {  	p3 =	slt.u32 s31, $0x48;
	v1 =	vbroadcast v1, $0x0;
	v15 =	vmov s0;
	[tilespmem:s22+$0xFFFFFF90] =	vst v13;
	v5 =	vmul.f32 v5, v0;
	v13 =	vld [tilespmem:s22+$0x0]  }
0x209: {  	v14 =	vbroadcast v14, $0x0;
	v15 =	vand.u32 $0xFFFFFFFE, v15;
	v16 =	vld.idx.msk [tilespmem:v2+s10+$0x0], $0xffff;
	[tilespmem:s22+$0xFFFFFFA0] =	vst v12;
	v2 =	vmul.f32 v6, v0  }
0x20a: {  	v6 =	vld.idx.msk [tilespmem:v3+s10+$0x0], $0xffff;
	v12 =	vbroadcast v15, $0x0;
	[tilespmem:s22+$0xFFFFFFB0] =	vst v5;
	v3 =	vmul.f32 v7, v0  }
0x20b: {  	v5 =	vld.idx.msk [tilespmem:v4+s10+$0x0], $0xffff;
	[tilespmem:s22+$0xFFFFFFC0] =	vst v2;
	v2 =	vmul.f32 v8, v0  }
0x20c: {  	v7 =	vld.idx.msk [tilespmem:v9+s10+$0x0], $0xffff;
	[tilespmem:s22+$0xFFFFFFD0] =	vst v3;
	v8 =	vmul.f32 v10, v0  }
0x20d: {  	v4 =	vld.idx.msk [tilespmem:v11+s10+$0x0], $0xffff;
	[tilespmem:s22+$0xFFFFFFE0] =	vst v2;
	v9 =	vmul.f32 v13, v0  }
0x20e: {  	v3 =	vld.idx.msk [tilespmem:v1+s10+$0x0], $0xffff;
	[tilespmem:s22+$0xFFFFFFF0] =	vst v8  }
0x20f: {  	v0 =	vmov v16;
	v2 =	vld.idx.msk [tilespmem:v14+s10+$0x0], $0xffff;
	[tilespmem:s22+$0x0] =	vst v9  }
0x210: {  	s22 =	sadd.s32 $0x400, s22;
	v1 =	vld.idx.msk [tilespmem:v12+s10+$0x0], $0xffff  }
0x211: {  	v8 =	vld [tilespmem:s22+$0xFFFFFF80]  }
0x212: {  	v9 =	vld [tilespmem:s22+$0xFFFFFC10]  }
0x213: {  	v10 =	vld [tilespmem:s22+$0xFFFFFC20]  }
0x214: {  	v11 =	vld [tilespmem:s22+$0xFFFFFC30]  }
0x215: {  	v12 =	vld [tilespmem:s22+$0xFFFFFC40]  }
0x216: {  	v13 =	vld [tilespmem:s22+$0xFFFFFC50];
	v8 =	vmul.f32 v8, v1  }
0x217: {  	v9 =	vmul.f32 v9, v6;
	v14 =	vld [tilespmem:s22+$0xFFFFFC60]  }
0x218: {  	v10 =	vmul.f32 v10, v6;
	v15 =	vld [tilespmem:s22+$0xFFFFFC70];
	[tilespmem:s22+$0xFFFFFF80] =	vst v8  }
0x219: {  	[tilespmem:s22+$0xFFFFFC10] =	vst v9;
	v8 =	vmul.f32 v11, v6;
	v9 =	vld [tilespmem:s22+$0xFFFFFC80]  }
0x21a: {  	[tilespmem:s22+$0xFFFFFC20] =	vst v10;
	v10 =	vmul.f32 v12, v6;
	v11 =	vld [tilespmem:s22+$0xFFFFFC90]  }
0x21b: {  	[tilespmem:s22+$0xFFFFFC30] =	vst v8;
	v8 =	vmul.f32 v13, v6;
	v12 =	vld [tilespmem:s22+$0xFFFFFCA0]  }
0x21c: {  	[tilespmem:s22+$0xFFFFFC40] =	vst v10;
	v10 =	vmul.f32 v14, v6;
	v13 =	vld [tilespmem:s22+$0xFFFFFCB0]  }
0x21d: {  	[tilespmem:s22+$0xFFFFFC50] =	vst v8;
	v8 =	vmul.f32 v15, v6;
	v14 =	vld [tilespmem:s22+$0xFFFFFCC0]  }
0x21e: {  	[tilespmem:s22+$0xFFFFFC60] =	vst v10;
	v6 =	vmul.f32 v9, v6;
	v9 =	vld [tilespmem:s22+$0xFFFFFCD0]  }
0x21f: {  	[tilespmem:s22+$0xFFFFFC70] =	vst v8;
	v8 =	vmul.f32 v11, v5;
	v10 =	vld [tilespmem:s22+$0xFFFFFCE0]  }
0x220: {  	[tilespmem:s22+$0xFFFFFC80] =	vst v6;
	v6 =	vmul.f32 v12, v5;
	v11 =	vld [tilespmem:s22+$0xFFFFFCF0]  }
0x221: {  	[tilespmem:s22+$0xFFFFFC90] =	vst v8;
	v8 =	vmul.f32 v13, v5;
	v12 =	vld [tilespmem:s22+$0xFFFFFD00]  }
0x222: {  	[tilespmem:s22+$0xFFFFFCA0] =	vst v6;
	v6 =	vmul.f32 v14, v5;
	v13 =	vld [tilespmem:s22+$0xFFFFFD10]  }
0x223: {  	[tilespmem:s22+$0xFFFFFCB0] =	vst v8;
	v8 =	vmul.f32 v9, v5;
	v9 =	vld [tilespmem:s22+$0xFFFFFD20]  }
0x224: {  	[tilespmem:s22+$0xFFFFFCC0] =	vst v6;
	v6 =	vmul.f32 v10, v5;
	v10 =	vld [tilespmem:s22+$0xFFFFFD30]  }
0x225: {  	[tilespmem:s22+$0xFFFFFCD0] =	vst v8;
	v8 =	vmul.f32 v11, v5;
	v11 =	vld [tilespmem:s22+$0xFFFFFD40]  }
0x226: {  	[tilespmem:s22+$0xFFFFFCE0] =	vst v6;
	v5 =	vmul.f32 v12, v5;
	v6 =	vld [tilespmem:s22+$0xFFFFFD50]  }
0x227: {  	[tilespmem:s22+$0xFFFFFCF0] =	vst v8;
	v8 =	vmul.f32 v13, v7;
	v12 =	vld [tilespmem:s22+$0xFFFFFD60]  }
0x228: {  	[tilespmem:s22+$0xFFFFFD00] =	vst v5;
	v5 =	vmul.f32 v9, v7;
	v9 =	vld [tilespmem:s22+$0xFFFFFD70]  }
0x229: {  	[tilespmem:s22+$0xFFFFFD10] =	vst v8;
	v8 =	vmul.f32 v10, v7;
	v10 =	vld [tilespmem:s22+$0xFFFFFD80]  }
0x22a: {  	[tilespmem:s22+$0xFFFFFD20] =	vst v5;
	v5 =	vmul.f32 v11, v7;
	v11 =	vld [tilespmem:s22+$0xFFFFFD90]  }
0x22b: {  	[tilespmem:s22+$0xFFFFFD30] =	vst v8;
	v6 =	vmul.f32 v6, v7;
	v8 =	vld [tilespmem:s22+$0xFFFFFDA0]  }
0x22c: {  	[tilespmem:s22+$0xFFFFFD40] =	vst v5;
	v5 =	vmul.f32 v12, v7;
	v12 =	vld [tilespmem:s22+$0xFFFFFDB0]  }
0x22d: {  	[tilespmem:s22+$0xFFFFFD50] =	vst v6;
	v6 =	vmul.f32 v9, v7;
	v9 =	vld [tilespmem:s22+$0xFFFFFDC0]  }
0x22e: {  	[tilespmem:s22+$0xFFFFFD60] =	vst v5;
	v5 =	vmul.f32 v10, v7;
	v7 =	vld [tilespmem:s22+$0xFFFFFDD0]  }
0x22f: {  	[tilespmem:s22+$0xFFFFFD70] =	vst v6;
	v6 =	vmul.f32 v11, v4;
	v10 =	vld [tilespmem:s22+$0xFFFFFDE0]  }
0x230: {  	[tilespmem:s22+$0xFFFFFD80] =	vst v5;
	v5 =	vmul.f32 v8, v4;
	v8 =	vld [tilespmem:s22+$0xFFFFFDF0]  }
0x231: {  	[tilespmem:s22+$0xFFFFFD90] =	vst v6;
	v6 =	vmul.f32 v12, v4;
	v11 =	vld [tilespmem:s22+$0xFFFFFE00]  }
0x232: {  	[tilespmem:s22+$0xFFFFFDA0] =	vst v5;
	v5 =	vmul.f32 v9, v4;
	v9 =	vld [tilespmem:s22+$0xFFFFFE10]  }
0x233: {  	[tilespmem:s22+$0xFFFFFDB0] =	vst v6;
	v6 =	vmul.f32 v7, v4;
	v7 =	vld [tilespmem:s22+$0xFFFFFE20]  }
0x234: {  	[tilespmem:s22+$0xFFFFFDC0] =	vst v5;
	v5 =	vmul.f32 v10, v4;
	v10 =	vld [tilespmem:s22+$0xFFFFFE30]  }
0x235: {  	[tilespmem:s22+$0xFFFFFDD0] =	vst v6;
	v6 =	vmul.f32 v8, v4;
	v8 =	vld [tilespmem:s22+$0xFFFFFE40]  }
0x236: {  	[tilespmem:s22+$0xFFFFFDE0] =	vst v5;
	v4 =	vmul.f32 v11, v4;
	v5 =	vld [tilespmem:s22+$0xFFFFFE50]  }
0x237: {  	[tilespmem:s22+$0xFFFFFDF0] =	vst v6;
	v6 =	vmul.f32 v9, v3;
	v9 =	vld [tilespmem:s22+$0xFFFFFE60]  }
0x238: {  	[tilespmem:s22+$0xFFFFFE00] =	vst v4;
	v4 =	vmul.f32 v7, v3;
	v7 =	vld [tilespmem:s22+$0xFFFFFE70]  }
0x239: {  	[tilespmem:s22+$0xFFFFFE10] =	vst v6;
	v6 =	vmul.f32 v10, v3;
	v10 =	vld [tilespmem:s22+$0xFFFFFE80]  }
0x23a: {  	[tilespmem:s22+$0xFFFFFE20] =	vst v4;
	v4 =	vmul.f32 v8, v3;
	v8 =	vld [tilespmem:s22+$0xFFFFFE90]  }
0x23b: {  	[tilespmem:s22+$0xFFFFFE30] =	vst v6;
	v5 =	vmul.f32 v5, v3;
	v6 =	vld [tilespmem:s22+$0xFFFFFEA0]  }
0x23c: {  	[tilespmem:s22+$0xFFFFFE40] =	vst v4;
	v4 =	vmul.f32 v9, v3;
	v9 =	vld [tilespmem:s22+$0xFFFFFEB0]  }
0x23d: {  	[tilespmem:s22+$0xFFFFFE50] =	vst v5;
	v5 =	vmul.f32 v7, v3;
	v7 =	vld [tilespmem:s22+$0xFFFFFEC0]  }
0x23e: {  	[tilespmem:s22+$0xFFFFFE60] =	vst v4;
	v3 =	vmul.f32 v10, v3;
	v4 =	vld [tilespmem:s22+$0xFFFFFED0]  }
0x23f: {  	[tilespmem:s22+$0xFFFFFE70] =	vst v5;
	v5 =	vmul.f32 v8, v2;
	v8 =	vld [tilespmem:s22+$0xFFFFFEE0]  }
0x240: {  	[tilespmem:s22+$0xFFFFFE80] =	vst v3;
	v3 =	vmul.f32 v6, v2;
	v6 =	vld [tilespmem:s22+$0xFFFFFEF0]  }
0x241: {  	[tilespmem:s22+$0xFFFFFE90] =	vst v5;
	v5 =	vmul.f32 v9, v2;
	v9 =	vld [tilespmem:s22+$0xFFFFFF00]  }
0x242: {  	[tilespmem:s22+$0xFFFFFEA0] =	vst v3;
	v3 =	vmul.f32 v7, v2;
	v7 =	vld [tilespmem:s22+$0xFFFFFF10]  }
0x243: {  	[tilespmem:s22+$0xFFFFFEB0] =	vst v5;
	v4 =	vmul.f32 v4, v2;
	v5 =	vld [tilespmem:s22+$0xFFFFFF20]  }
0x244: {  	[tilespmem:s22+$0xFFFFFEC0] =	vst v3;
	v3 =	vmul.f32 v8, v2;
	v8 =	vld [tilespmem:s22+$0xFFFFFF30]  }
0x245: {  	[tilespmem:s22+$0xFFFFFED0] =	vst v4;
	v4 =	vmul.f32 v6, v2;
	v6 =	vld [tilespmem:s22+$0xFFFFFF40]  }
0x246: {  	[tilespmem:s22+$0xFFFFFEE0] =	vst v3;
	v3 =	vmul.f32 v9, v2;
	v9 =	vld [tilespmem:s22+$0xFFFFFF50]  }
0x247: {  	s0 =	sadd.s32 $0x7, s31;
	v2 =	vmov s31;
	[tilespmem:s22+$0xFFFFFEF0] =	vst v4;
	v4 =	vmul.f32 v7, v1;
	v7 =	vld [tilespmem:s22+$0xFFFFFF60]  }
0x248: {  	s20 =	sadd.s32 $0x1, s31;
	s28 =	sadd.s32 $0x2, s31;
	v10 =	vand.u32 $0xFFFFFFF8, v2;
	v2 =	vmov s0;
	[tilespmem:s22+$0xFFFFFF00] =	vst v3;
	v3 =	vmul.f32 v5, v1;
	v11 =	vld [tilespmem:s22+$0xFFFFFF70]  }
0x249: {  	v13 =	vmov s28;
	v12 =	vmov s20;
	s20 =	sadd.s32 $0x4, s31;
	s0 =	sadd.s32 $0x3, s31;
	[tilespmem:s22+$0xFFFFFF10] =	vst v4;
	v4 =	vmul.f32 v8, v1;
	v8 =	vld [tilespmem:s22+$0xFFFFFF90]  }
0x24a: {  	v15 =	vmov s20;
	v14 =	vmov s0;
	s0 =	sadd.s32 $0x5, s31;
	[tilespmem:s22+$0xFFFFFF20] =	vst v3;
	v6 =	vmul.f32 v6, v1;
	v16 =	vld [tilespmem:s22+$0xFFFFFFA0]  }
.Ltmp5:
0x24b: {  	v3 =	vbroadcast v10, $0x0;
	v10 =	vmov s0;
	[tilespmem:s22+$0xFFFFFF30] =	vst v4;
	v9 =	vmul.f32 v9, v1;
	v5 =	vld [tilespmem:s22+$0xFFFFFFB0];
	(pc) =	sbr.rel @p3 .LBB2_12-.Ltmp5, $4  }
0x24c: {  	v4 =	vand.u32 $0xFFFFFFF9, v12;
	v12 =	vand.u32 $0xFFFFFFFA, v13;
	[tilespmem:s22+$0xFFFFFF40] =	vst v6;
	v13 =	vmul.f32 v7, v1;
	v6 =	vld [tilespmem:s22+$0xFFFFFFC0]  }
0x24d: {  	v14 =	vand.u32 $0xFFFFFFFB, v14;
	v4 =	vbroadcast v4, $0x0;
	[tilespmem:s22+$0xFFFFFF50] =	vst v9;
	v17 =	vmul.f32 v11, v1;
	v7 =	vld [tilespmem:s22+$0xFFFFFFD0]  }
0x24e: {  	v9 =	vbroadcast v12, $0x0;
	v1 =	vand.u32 $0xFFFFFFFC, v15;
	[tilespmem:s22+$0xFFFFFF60] =	vst v13;
	v13 =	vmul.f32 v8, v0;
	v8 =	vld [tilespmem:s22+$0xFFFFFFE0]  }
0x24f: {  	s0 =	sadd.s32 $0x6, s31;
	s31 =	sadd.s32 $0x8, s31;
	v11 =	vbroadcast v14, $0x0;
	v14 =	vand.u32 $0xFFFFFFFD, v10;
	[tilespmem:s22+$0xFFFFFF70] =	vst v17;
	v12 =	vmul.f32 v16, v0;
	v10 =	vld [tilespmem:s22+$0xFFFFFFF0]  }
0x250: {  	_ =	sdelay $0x2  }
0x251: {  	v15 =	vld [tilespmem:s22+$0x0]  }
0x252: {  	v17 =	vld.idx.msk [tilespmem:v3+s10+$0x0], $0xffff  }
0x253: {  	v61 =	vld.idx.msk [tilespmem:v4+s10+$0x0], $0xffff  }
0x254: {  	[tilespmem:s22+$0xFFFFFF90] =	vst v13;
	v13 =	vbroadcast v1, $0x0;
	v1 =	vmov s0;
	v9 =	vld.idx.msk [tilespmem:v9+s10+$0x0], $0xffff  }
0x255: {  	v16 =	vand.u32 $0xFFFFFFFE, v1;
	v1 =	vld.idx.msk [tilespmem:v2+s10+$0x0], $0xffff  }
0x256: {  	v5 =	vmul.f32 v5, v0;
	s31 =	sadd.s32 $0x400, s22;
	v11 =	vld.idx.msk [tilespmem:v11+s10+$0x0], $0xffff  }
0x257: {  	v14 =	vbroadcast v14, $0x0;
	[tilespmem:s22+$0xFFFFFFA0] =	vst v12;
	v6 =	vmul.f32 v6, v0;
	v12 =	vld [tilespmem:s31+$0xFFFFFF80]  }
0x258: {  	[tilespmem:s22+$0xFFFFFFB0] =	vst v5;
	v5 =	vmul.f32 v7, v0;
	v7 =	vld [tilespmem:s31+$0xFFFFFC10]  }
0x259: {  	v2 =	vbroadcast v16, $0x0;
	[tilespmem:s22+$0xFFFFFFC0] =	vst v6;
	v6 =	vmul.f32 v8, v0;
	v8 =	vld [tilespmem:s31+$0xFFFFFC20]  }
0x25a: {  	[tilespmem:s22+$0xFFFFFFD0] =	vst v5;
	v5 =	vmul.f32 v10, v0;
	v10 =	vld [tilespmem:s31+$0xFFFFFC30]  }
0x25b: {  	[tilespmem:s22+$0xFFFFFFE0] =	vst v6;
	v6 =	vld [tilespmem:s31+$0xFFFFFC40]  }
0x25c: {  	v4 =	vld.idx.msk [tilespmem:v13+s10+$0x0], $0xffff  }
0x25d: {  	v0 =	vmul.f32 v15, v0;
	v3 =	vld.idx.msk [tilespmem:v14+s10+$0x0], $0xffff  }
0x25e: {  	[tilespmem:s22+$0xFFFFFFF0] =	vst v5;
	v5 =	vld [tilespmem:s31+$0xFFFFFC50]  }
0x25f: {  	[tilespmem:s22+$0x0] =	vst v0;
	v0 =	vmul.f32 v7, v17;
	v2 =	vld.idx.msk [tilespmem:v2+s10+$0x0], $0xffff  }
0x260: {  	v7 =	vld [tilespmem:s31+$0xFFFFFC60];
	v8 =	vmul.f32 v8, v17  }
0x261: {  	v13 =	vld [tilespmem:s31+$0xFFFFFC70];
	[tilespmem:s31+$0xFFFFFC10] =	vst v0;
	v0 =	vmul.f32 v10, v17  }
0x262: {  	v10 =	vld [tilespmem:s31+$0xFFFFFC80];
	[tilespmem:s31+$0xFFFFFC20] =	vst v8;
	v6 =	vmul.f32 v6, v17  }
0x263: {  	v8 =	vld [tilespmem:s31+$0xFFFFFC90];
	[tilespmem:s31+$0xFFFFFC30] =	vst v0;
	v0 =	vmul.f32 v5, v17  }
0x264: {  	v5 =	vld [tilespmem:s31+$0xFFFFFCA0];
	[tilespmem:s31+$0xFFFFFC40] =	vst v6;
	v12 =	vmul.f32 v12, v2  }
0x265: {  	v6 =	vmul.f32 v7, v17;
	v7 =	vld [tilespmem:s31+$0xFFFFFCB0];
	[tilespmem:s31+$0xFFFFFC50] =	vst v0  }
0x266: {  	v0 =	vmul.f32 v13, v17;
	[tilespmem:s31+$0xFFFFFF80] =	vst v12;
	v12 =	vld [tilespmem:s31+$0xFFFFFCC0]  }
0x267: {  	[tilespmem:s31+$0xFFFFFC60] =	vst v6;
	v6 =	vmul.f32 v10, v17;
	v10 =	vld [tilespmem:s31+$0xFFFFFCD0]  }
0x268: {  	[tilespmem:s31+$0xFFFFFC70] =	vst v0;
	v0 =	vmul.f32 v8, v61;
	v8 =	vld [tilespmem:s31+$0xFFFFFCE0]  }
0x269: {  	[tilespmem:s31+$0xFFFFFC80] =	vst v6;
	v5 =	vmul.f32 v5, v61;
	v6 =	vld [tilespmem:s31+$0xFFFFFCF0]  }
0x26a: {  	[tilespmem:s31+$0xFFFFFC90] =	vst v0;
	v0 =	vmul.f32 v7, v61;
	v7 =	vld [tilespmem:s31+$0xFFFFFD00]  }
0x26b: {  	[tilespmem:s31+$0xFFFFFCA0] =	vst v5;
	v5 =	vmul.f32 v12, v61;
	v12 =	vld [tilespmem:s31+$0xFFFFFD10]  }
0x26c: {  	[tilespmem:s31+$0xFFFFFCB0] =	vst v0;
	v0 =	vmul.f32 v10, v61;
	v10 =	vld [tilespmem:s31+$0xFFFFFD20]  }
0x26d: {  	[tilespmem:s31+$0xFFFFFCC0] =	vst v5;
	v5 =	vmul.f32 v8, v61;
	v8 =	vld [tilespmem:s31+$0xFFFFFD30]  }
0x26e: {  	[tilespmem:s31+$0xFFFFFCD0] =	vst v0;
	v0 =	vmul.f32 v6, v61;
	v6 =	vld [tilespmem:s31+$0xFFFFFD40]  }
0x26f: {  	[tilespmem:s31+$0xFFFFFCE0] =	vst v5;
	v5 =	vmul.f32 v7, v61;
	v7 =	vld [tilespmem:s31+$0xFFFFFD50]  }
0x270: {  	[tilespmem:s31+$0xFFFFFCF0] =	vst v0;
	v0 =	vmul.f32 v12, v9;
	v12 =	vld [tilespmem:s31+$0xFFFFFD60]  }
0x271: {  	[tilespmem:s31+$0xFFFFFD00] =	vst v5;
	v5 =	vmul.f32 v10, v9;
	v10 =	vld [tilespmem:s31+$0xFFFFFD70]  }
0x272: {  	[tilespmem:s31+$0xFFFFFD10] =	vst v0;
	v0 =	vmul.f32 v8, v9;
	v8 =	vld [tilespmem:s31+$0xFFFFFD80]  }
0x273: {  	[tilespmem:s31+$0xFFFFFD20] =	vst v5;
	v5 =	vmul.f32 v6, v9;
	v6 =	vld [tilespmem:s31+$0xFFFFFD90]  }
0x274: {  	[tilespmem:s31+$0xFFFFFD30] =	vst v0;
	v0 =	vmul.f32 v7, v9;
	v7 =	vld [tilespmem:s31+$0xFFFFFDA0]  }
0x275: {  	[tilespmem:s31+$0xFFFFFD40] =	vst v5;
	v5 =	vmul.f32 v12, v9;
	v12 =	vld [tilespmem:s31+$0xFFFFFDB0]  }
0x276: {  	[tilespmem:s31+$0xFFFFFD50] =	vst v0;
	v0 =	vmul.f32 v10, v9;
	v10 =	vld [tilespmem:s31+$0xFFFFFDC0]  }
0x277: {  	[tilespmem:s31+$0xFFFFFD60] =	vst v5;
	v5 =	vmul.f32 v8, v9;
	v8 =	vld [tilespmem:s31+$0xFFFFFDD0]  }
0x278: {  	[tilespmem:s31+$0xFFFFFD70] =	vst v0;
	v0 =	vmul.f32 v6, v11;
	v6 =	vld [tilespmem:s31+$0xFFFFFDE0]  }
0x279: {  	[tilespmem:s31+$0xFFFFFD80] =	vst v5;
	v5 =	vmul.f32 v7, v11;
	v7 =	vld [tilespmem:s31+$0xFFFFFDF0]  }
0x27a: {  	v9 =	vld [tilespmem:s31+$0xFFFFFE00];
	[tilespmem:s31+$0xFFFFFD90] =	vst v0;
	v0 =	vmul.f32 v12, v11  }
0x27b: {  	[tilespmem:s31+$0xFFFFFDA0] =	vst v5;
	v5 =	vmul.f32 v10, v11;
	v10 =	vld [tilespmem:s31+$0xFFFFFE10]  }
0x27c: {  	[tilespmem:s31+$0xFFFFFDB0] =	vst v0;
	v0 =	vmul.f32 v8, v11;
	v8 =	vld [tilespmem:s31+$0xFFFFFE20]  }
0x27d: {  	[tilespmem:s31+$0xFFFFFDC0] =	vst v5;
	v5 =	vmul.f32 v6, v11;
	v6 =	vld [tilespmem:s31+$0xFFFFFE30]  }
0x27e: {  	[tilespmem:s31+$0xFFFFFDD0] =	vst v0;
	v0 =	vmul.f32 v7, v11;
	v7 =	vld [tilespmem:s31+$0xFFFFFE40]  }
0x27f: {  	[tilespmem:s31+$0xFFFFFDE0] =	vst v5;
	v5 =	vmul.f32 v9, v11;
	v9 =	vld [tilespmem:s31+$0xFFFFFE50]  }
0x280: {  	[tilespmem:s31+$0xFFFFFDF0] =	vst v0;
	v0 =	vmul.f32 v10, v4;
	v10 =	vld [tilespmem:s31+$0xFFFFFE60]  }
0x281: {  	[tilespmem:s31+$0xFFFFFE00] =	vst v5;
	v5 =	vmul.f32 v8, v4;
	v8 =	vld [tilespmem:s31+$0xFFFFFE70]  }
0x282: {  	[tilespmem:s31+$0xFFFFFE10] =	vst v0;
	v0 =	vmul.f32 v6, v4;
	v6 =	vld [tilespmem:s31+$0xFFFFFE80]  }
0x283: {  	[tilespmem:s31+$0xFFFFFE20] =	vst v5;
	v5 =	vmul.f32 v7, v4;
	v7 =	vld [tilespmem:s31+$0xFFFFFE90]  }
0x284: {  	[tilespmem:s31+$0xFFFFFE30] =	vst v0;
	v0 =	vmul.f32 v9, v4;
	v9 =	vld [tilespmem:s31+$0xFFFFFEA0]  }
0x285: {  	[tilespmem:s31+$0xFFFFFE40] =	vst v5;
	v5 =	vmul.f32 v10, v4;
	v10 =	vld [tilespmem:s31+$0xFFFFFEB0]  }
0x286: {  	[tilespmem:s31+$0xFFFFFE50] =	vst v0;
	v0 =	vmul.f32 v8, v4;
	v8 =	vld [tilespmem:s31+$0xFFFFFEC0]  }
0x287: {  	[tilespmem:s31+$0xFFFFFE60] =	vst v5;
	v4 =	vmul.f32 v6, v4;
	v5 =	vld [tilespmem:s31+$0xFFFFFED0]  }
0x288: {  	v6 =	vld [tilespmem:s31+$0xFFFFFEE0];
	[tilespmem:s31+$0xFFFFFE70] =	vst v0;
	v0 =	vmul.f32 v7, v3  }
0x289: {  	v7 =	vld [tilespmem:s31+$0xFFFFFEF0];
	[tilespmem:s31+$0xFFFFFE80] =	vst v4;
	v4 =	vmul.f32 v9, v3  }
0x28a: {  	v9 =	vld [tilespmem:s31+$0xFFFFFF00];
	[tilespmem:s31+$0xFFFFFE90] =	vst v0;
	v0 =	vmul.f32 v10, v3  }
0x28b: {  	[tilespmem:s31+$0xFFFFFEA0] =	vst v4;
	v4 =	vmul.f32 v8, v3;
	v8 =	vld [tilespmem:s31+$0xFFFFFF10]  }
0x28c: {  	[tilespmem:s31+$0xFFFFFEB0] =	vst v0;
	v0 =	vmul.f32 v5, v3;
	v5 =	vld [tilespmem:s31+$0xFFFFFF20]  }
0x28d: {  	[tilespmem:s31+$0xFFFFFEC0] =	vst v4;
	v4 =	vmul.f32 v6, v3;
	v6 =	vld [tilespmem:s31+$0xFFFFFF30]  }
0x28e: {  	[tilespmem:s31+$0xFFFFFED0] =	vst v0;
	v0 =	vmul.f32 v7, v3;
	v7 =	vld [tilespmem:s31+$0xFFFFFF40]  }
0x28f: {  	v3 =	vmul.f32 v9, v3;
	[tilespmem:s31+$0xFFFFFEE0] =	vst v4;
	v4 =	vld [tilespmem:s31+$0xFFFFFF50]  }
0x290: {  	[tilespmem:s31+$0xFFFFFEF0] =	vst v0;
	v0 =	vmul.f32 v8, v2;
	v8 =	vld [tilespmem:s31+$0xFFFFFF60]  }
0x291: {  	[tilespmem:s31+$0xFFFFFF00] =	vst v3;
	v3 =	vmul.f32 v5, v2;
	v5 =	vld [tilespmem:s31+$0xFFFFFF70]  }
0x292: {  	[tilespmem:s31+$0xFFFFFF10] =	vst v0;
	v0 =	vmul.f32 v6, v2;
	v6 =	vld [tilespmem:s31+$0xFFFFFF90]  }
0x293: {  	[tilespmem:s31+$0xFFFFFF20] =	vst v3;
	v3 =	vmul.f32 v7, v2;
	v7 =	vld [tilespmem:s31+$0xFFFFFFA0]  }
0x294: {  	[tilespmem:s31+$0xFFFFFF30] =	vst v0;
	v0 =	vmul.f32 v4, v2;
	v4 =	vld [tilespmem:s31+$0xFFFFFFB0]  }
0x295: {  	[tilespmem:s31+$0xFFFFFF40] =	vst v3;
	v3 =	vmul.f32 v8, v2;
	v8 =	vld [tilespmem:s31+$0xFFFFFFC0]  }
0x296: {  	[tilespmem:s31+$0xFFFFFF50] =	vst v0;
	v0 =	vmul.f32 v5, v2;
	v2 =	vld [tilespmem:s31+$0xFFFFFFD0]  }
0x297: {  	v5 =	vld [tilespmem:s31+$0xFFFFFFE0];
	[tilespmem:s31+$0xFFFFFF60] =	vst v3;
	v3 =	vmul.f32 v6, v1  }
0x298: {  	v6 =	vld [tilespmem:s31+$0xFFFFFFF0];
	[tilespmem:s31+$0xFFFFFF70] =	vst v0;
	v0 =	vmul.f32 v7, v1  }
0x299: {  	[tilespmem:s31+$0xFFFFFF90] =	vst v3;
	v3 =	vmul.f32 v4, v1;
	v4 =	vld [tilespmem:s31+$0x0]  }
0x29a: {  	[tilespmem:s31+$0xFFFFFFA0] =	vst v0;
	v0 =	vmul.f32 v8, v1  }
0x29b: {  	[tilespmem:s31+$0xFFFFFFB0] =	vst v3;
	v2 =	vmul.f32 v2, v1  }
0x29c: {  	[tilespmem:s31+$0xFFFFFFC0] =	vst v0;
	v0 =	vmul.f32 v5, v1  }
0x29d: {  	[tilespmem:s31+$0xFFFFFFD0] =	vst v2;
	v2 =	vmul.f32 v6, v1  }
0x29e: {  	[tilespmem:s31+$0xFFFFFFE0] =	vst v0;
	v0 =	vmul.f32 v4, v1  }
0x29f: {  	[tilespmem:s31+$0xFFFFFFF0] =	vst v2  }
0x2a0: {  	[tilespmem:s31+$0x0] =	vst v0  }
0x2a1: {  	p3 =	seq.s32 s25, $0x2A;
	p2 =	por !p2, !p2;
	_ =	swait.ge [sflag:s14], $0x2800  }
0x2a2: {  	p2 =	por p3, p2;
	[sflag:s14] =	ssyncset.done $0x0  }
0x2a3: {  	s0 =	simm.s32 @!p2 $0x2;
	[sflag:s14] =	ssyncadd.s32 $0xFFFFD800  }
0x2a4: {  	_ =	swait.ge @!p2 [sflag:s0], $0xF0  }
0x2a5: {  	[sflag:s0] =	ssyncset.done @!p2 $0x0  }
0x2a6: {  	[sflag:s0] =	ssyncadd.s32 @!p2 $0xFFFFFF10  }
0x2a7: {  	_ =	swait.ge @!p2 [sflag:s0], $0xF0  }
0x2a8: {  	[sflag:s0] =	ssyncset.done @!p2 $0x0  }
0x2a9: {  	[sflag:s0] =	ssyncadd.s32 @!p2 $0xFFFFFF10  }
0x2aa: {  	_ =	swait.ge @!p2 [sflag:s0], $0xF0  }
0x2ab: {  	[sflag:s0] =	ssyncset.done @!p2 $0x0  }
0x2ac: {  	[sflag:s0] =	ssyncadd.s32 @!p2 $0xFFFFFF10;
	s0 =	simm.s32 @p1 $0x3  }
0x2ad: {  	_ =	swait.ge @p1 [sflag:s0], $0xF0  }
0x2ae: {  	[sflag:s0] =	ssyncset.done @p1 $0x0  }
0x2af: {  	[sflag:s0] =	ssyncadd.s32 @p1 $0xFFFFFF10  }
0x2b0: {  	_ =	swait.ge @p1 [sflag:s0], $0xF0  }
0x2b1: {  	[sflag:s0] =	ssyncset.done @p1 $0x0  }
0x2b2: {  	[sflag:s0] =	ssyncadd.s32 @p1 $0xFFFFFF10  }
0x2b3: {  	_ =	swait.ge @p1 [sflag:s0], $0xF0  }
0x2b4: {  	[sflag:s0] =	ssyncset.done @p1 $0x0  }
0x2b5: {  	[sflag:s0] =	ssyncadd.s32 @p1 $0xFFFFFF10;
	s0 =	simm.s32 @p0 $0x1  }
0x2b6: {  	_ =	swait.ge @p0 [sflag:s0], $0xF0  }
0x2b7: {  	[sflag:s0] =	ssyncset.done @p0 $0x0  }
0x2b8: {  	[sflag:s0] =	ssyncadd.s32 @p0 $0xFFFFFF10  }
0x2b9: {  	_ =	swait.ge @p0 [sflag:s0], $0xF0  }
0x2ba: {  	[sflag:s0] =	ssyncset.done @p0 $0x0  }
0x2bb: {  	[sflag:s0] =	ssyncadd.s32 @p0 $0xFFFFFF10  }
0x2bc: {  	_ =	swait.ge @p0 [sflag:s0], $0xF0  }
0x2bd: {  	s20 =	simm.s32 @!p3 $0x50;
	[sflag:s0] =	ssyncset.done @p0 $0x0  }
0x2be: {  	s22 =	simm.s32 @!p3 $0x3380;
	[sflag:s0] =	ssyncadd.s32 @p0 $0xFFFFFF10;
	s0 =	sadd.s32 @!p3 $0x2800, s21  }
0x2bf: {  	[tilespmem:s22], [sflag:$0x4] =	stream.indirect.gather @!p3 [hbm4b:s1+s20], $0x80, s0, s20, $0xb8;
	[tilespmem:$0x1EB80] =	vst v63  }
0x2c0: {  	_ = 	snop  }
0x2c1: {  	[spmem:s2] =	stream.indirect.scatter.add.f32 [tilespmem:s4], [sflag:$0x8], $0x80, s15, s29, $0xb8;
	[tilespmem:$0x1EB80] =	vst v63  }
0x2c2: {  	v0 =	vld [tilespmem:s26+$0x28A0];
	_ =	sdelay $0x1  }
0x2c3: {  	v1 =	vld [tilespmem:s26+$0x2BA0];
	_ =	sdelay $0x4  }
0x2c4: {  	s20 =	simm.s32 $0x0;
	v2 =	vld [tilespmem:s26+$0x2EA0]  }
0x2c5: {  	v0 =	vld.idx.msk [tilespmem:v0+s20+$0x0], $0xffff;
	_ =	sdelay $0x1  }
0x2c6: {  	v1 =	vld.idx.msk [tilespmem:v1+s20+$0x0], $0xffff;
	_ =	sdelay $0x2  }
0x2c7: {  	v0 =	vmul.f32 v2, v0;
	_ =	sdelay $0x1  }
0x2c8: {  	v0 =	vmul.f32 v1, v0;
	_ =	sdelay $0x1  }
0x2c9: {  	[tilespmem:$0x3300] =	vst v0  }
0x2ca: {  	v0 =	vld [tilespmem:s26+$0x28B0];
	_ =	sdelay $0x1  }
0x2cb: {  	v1 =	vld [tilespmem:s26+$0x2BB0];
	_ =	sdelay $0x4  }
0x2cc: {  	v2 =	vld [tilespmem:s26+$0x2EB0]  }
0x2cd: {  	v0 =	vld.idx.msk [tilespmem:v0+s20+$0x0], $0xffff;
	_ =	sdelay $0x1  }
0x2ce: {  	v1 =	vld.idx.msk [tilespmem:v1+s20+$0x0], $0xffff;
	_ =	sdelay $0x2  }
0x2cf: {  	v0 =	vmul.f32 v2, v0;
	_ =	sdelay $0x1  }
0x2d0: {  	v0 =	vmul.f32 v1, v0;
	_ =	sdelay $0x1  }
0x2d1: {  	[tilespmem:$0x3310] =	vst v0  }
0x2d2: {  	v0 =	vld [tilespmem:s26+$0x28C0];
	_ =	sdelay $0x1  }
0x2d3: {  	v1 =	vld [tilespmem:s26+$0x2BC0];
	_ =	sdelay $0x4  }
0x2d4: {  	v2 =	vld [tilespmem:s26+$0x2EC0]  }
0x2d5: {  	v0 =	vld.idx.msk [tilespmem:v0+s20+$0x0], $0xffff;
	_ =	sdelay $0x1  }
0x2d6: {  	v1 =	vld.idx.msk [tilespmem:v1+s20+$0x0], $0xffff;
	_ =	sdelay $0x2  }
0x2d7: {  	v0 =	vmul.f32 v2, v0;
	_ =	sdelay $0x1  }
0x2d8: {  	v0 =	vmul.f32 v1, v0;
	_ =	sdelay $0x1  }
0x2d9: {  	[tilespmem:$0x3320] =	vst v0  }
0x2da: {  	v0 =	vld [tilespmem:s26+$0x28D0];
	_ =	sdelay $0x1  }
0x2db: {  	v1 =	vld [tilespmem:s26+$0x2BD0];
	_ =	sdelay $0x4  }
0x2dc: {  	v2 =	vld [tilespmem:s26+$0x2ED0]  }
0x2dd: {  	v0 =	vld.idx.msk [tilespmem:v0+s20+$0x0], $0xffff;
	_ =	sdelay $0x1  }
0x2de: {  	v1 =	vld.idx.msk [tilespmem:v1+s20+$0x0], $0xffff;
	_ =	sdelay $0x2  }
0x2df: {  	v0 =	vmul.f32 v2, v0;
	_ =	sdelay $0x1  }
0x2e0: {  	v0 =	vmul.f32 v1, v0;
	_ =	sdelay $0x1  }
0x2e1: {  	[tilespmem:$0x3330] =	vst v0  }
0x2e2: {  	v0 =	vld [tilespmem:s26+$0x28E0];
	_ =	sdelay $0x1  }
0x2e3: {  	v1 =	vld [tilespmem:s26+$0x2BE0];
	_ =	sdelay $0x4  }
0x2e4: {  	v2 =	vld [tilespmem:s26+$0x2EE0]  }
0x2e5: {  	v0 =	vld.idx.msk [tilespmem:v0+s20+$0x0], $0xffff;
	_ =	sdelay $0x1  }
0x2e6: {  	v1 =	vld.idx.msk [tilespmem:v1+s20+$0x0], $0xffff;
	_ =	sdelay $0x2  }
0x2e7: {  	v0 =	vmul.f32 v2, v0;
	_ =	sdelay $0x1  }
0x2e8: {  	v0 =	vmul.f32 v1, v0;
	_ =	sdelay $0x1  }
0x2e9: {  	[tilespmem:$0x3340] =	vst v0  }
0x2ea: {  	_ =	swait.ge [sflag:s16], $0x2800  }
0x2eb: {  	[sflag:s16] =	ssyncset.done $0x0  }
0x2ec: {  	[sflag:s16] =	ssyncadd.s32 $0xFFFFD800  }
0x2ed: {  	v0 =	vld [tilespmem:s26+$0x2BA0];
	_ =	sdelay $0x4  }
0x2ee: {  	[tilespmem:$0x3200] =	vst v0  }
0x2ef: {  	v0 =	vld [tilespmem:s26+$0x2BB0];
	_ =	sdelay $0x4  }
0x2f0: {  	[tilespmem:$0x3210] =	vst v0  }
0x2f1: {  	v0 =	vld [tilespmem:s26+$0x2BC0];
	_ =	sdelay $0x4  }
0x2f2: {  	[tilespmem:$0x3220] =	vst v0  }
0x2f3: {  	v0 =	vld [tilespmem:s26+$0x2BD0];
	_ =	sdelay $0x3  }
0x2f4: {  	v1 =	vmov s20  }
0x2f5: {  	[tilespmem:$0x3230] =	vst v0;
	v0 =	vand.u32 $0xFFFFFFF8, v1  }
0x2f6: {  	v2 =	vld [tilespmem:s26+$0x2BE0];
	v0 =	vbroadcast v0, $0x0;
	_ =	sdelay $0x4  }
0x2f7: {  	s22 =	simm.s32 $0x6;
	[tilespmem:$0x3240] =	vst v2  }
0x2f8: {  	v1 =	vmov s22;
	s22 =	simm.s32 $0x8770;
	v0 =	vld.idx.msk [tilespmem:v0+s10+$0x0], $0xffff  }
0x2f9: {  	v3 =	vld [tilespmem:s22+$0xFFFFFF80]  }
0x2fa: {  	v4 =	vld [tilespmem:s22+$0xFFFFFC10]  }
0x2fb: {  	v5 =	vld [tilespmem:s22+$0xFFFFFC20]  }
0x2fc: {  	v1 =	vand.u32 $0xFFFFFFFE, v1;
	v6 =	vld [tilespmem:s22+$0xFFFFFC30]  }
0x2fd: {  	v1 =	vbroadcast v1, $0x0;
	v7 =	vld [tilespmem:s22+$0xFFFFFC40]  }
0x2fe: {  	s28 =	simm.s32 $0x1;
	v8 =	vld [tilespmem:s22+$0xFFFFFC50]  }
0x2ff: {  	v2 =	vmov s28;
	v9 =	vld [tilespmem:s22+$0xFFFFFC60]  }
0x300: {  	v2 =	vand.u32 $0xFFFFFFF9, v2;
	v10 =	vld [tilespmem:s22+$0xFFFFFC70]  }
0x301: {  	v11 =	vld [tilespmem:s22+$0xFFFFFC80];
	v2 =	vbroadcast v2, $0x0  }
0x302: {  	v12 =	vld [tilespmem:s22+$0xFFFFFC90]  }
0x303: {  	v1 =	vld.idx.msk [tilespmem:v1+s10+$0x0], $0xffff  }
0x304: {  	v13 =	vld [tilespmem:s22+$0xFFFFFCA0]  }
0x305: {  	v14 =	vld [tilespmem:s22+$0xFFFFFCB0];
	v4 =	vmul.f32 v4, v0  }
0x306: {  	v15 =	vld [tilespmem:s22+$0xFFFFFCC0];
	v7 =	vmul.f32 v7, v0  }
0x307: {  	v8 =	vmul.f32 v8, v0;
	v2 =	vld.idx.msk [tilespmem:v2+s10+$0x0], $0xffff;
	[tilespmem:s22+$0xFFFFFC10] =	vst v4  }
0x308: {  	s31 =	simm.s32 $0x2;
	v3 =	vmul.f32 v3, v1;
	[tilespmem:s22+$0xFFFFFC40] =	vst v7;
	v7 =	vmul.f32 v9, v0;
	v9 =	vld [tilespmem:s22+$0xFFFFFD00]  }
0x309: {  	v5 =	vmul.f32 v5, v0;
	v4 =	vmov s31;
	[tilespmem:s22+$0xFFFFFC50] =	vst v8;
	v8 =	vmul.f32 v10, v0;
	v10 =	vld [tilespmem:s22+$0xFFFFFD10]  }
0x30a: {  	v4 =	vand.u32 $0xFFFFFFFA, v4;
	[tilespmem:s22+$0xFFFFFF80] =	vst v3;
	v3 =	vmul.f32 v6, v0;
	v6 =	vld [tilespmem:s22+$0xFFFFFCD0]  }
0x30b: {  	[tilespmem:s22+$0xFFFFFC20] =	vst v5;
	v0 =	vmul.f32 v11, v0;
	v11 =	vld [tilespmem:s22+$0xFFFFFD30];
	v4 =	vbroadcast v4, $0x0  }
0x30c: {  	[tilespmem:s22+$0xFFFFFC60] =	vst v7;
	v7 =	vld [tilespmem:s22+$0xFFFFFD20]  }
0x30d: {  	[tilespmem:s22+$0xFFFFFC30] =	vst v3;
	v3 =	vld [tilespmem:s22+$0xFFFFFCF0]  }
0x30e: {  	[tilespmem:s22+$0xFFFFFC70] =	vst v8;
	v5 =	vmul.f32 v12, v2;
	v12 =	vld [tilespmem:s22+$0xFFFFFCE0]  }
0x30f: {  	[tilespmem:s22+$0xFFFFFC80] =	vst v0;
	v8 =	vmul.f32 v13, v2;
	v13 =	vld [tilespmem:s22+$0xFFFFFD40]  }
0x310: {  	s20 =	simm.s32 $0x3;
	v0 =	vmul.f32 v14, v2;
	v14 =	vld [tilespmem:s22+$0xFFFFFD50];
	v6 =	vmul.f32 v6, v2;
	[tilespmem:s22+$0xFFFFFC90] =	vst v5  }
0x311: {  	v5 =	vmov s20;
	[tilespmem:s22+$0xFFFFFCA0] =	vst v8;
	v8 =	vmul.f32 v15, v2;
	v4 =	vld.idx.msk [tilespmem:v4+s10+$0x0], $0xffff  }
0x312: {  	v5 =	vand.u32 $0xFFFFFFFB, v5;
	[tilespmem:s22+$0xFFFFFCD0] =	vst v6;
	v6 =	vld [tilespmem:s22+$0xFFFFFD80]  }
0x313: {  	v5 =	vbroadcast v5, $0x0;
	[tilespmem:s22+$0xFFFFFCC0] =	vst v8;
	v8 =	vld [tilespmem:s22+$0xFFFFFD70];
	v12 =	vmul.f32 v12, v2  }
0x314: {  	[tilespmem:s22+$0xFFFFFCB0] =	vst v0;
	v3 =	vmul.f32 v3, v2;
	v2 =	vmul.f32 v9, v2;
	v9 =	vld [tilespmem:s22+$0xFFFFFD90]  }
0x315: {  	[tilespmem:s22+$0xFFFFFCE0] =	vst v12;
	v12 =	vld [tilespmem:s22+$0xFFFFFDC0]  }
0x316: {  	[tilespmem:s22+$0xFFFFFCF0] =	vst v3;
	v0 =	vmul.f32 v10, v4;
	v10 =	vld [tilespmem:s22+$0xFFFFFD60]  }
0x317: {  	[tilespmem:s22+$0xFFFFFD00] =	vst v2;
	v3 =	vmul.f32 v7, v4;
	v7 =	vld [tilespmem:s22+$0xFFFFFDA0]  }
0x318: {  	s26 =	simm.s32 $0x4;
	v2 =	vmul.f32 v11, v4;
	v11 =	vld [tilespmem:s22+$0xFFFFFDB0];
	[tilespmem:s22+$0xFFFFFD10] =	vst v0  }
0x319: {  	v8 =	vmul.f32 v8, v4;
	v5 =	vld.idx.msk [tilespmem:v5+s10+$0x0], $0xffff;
	v0 =	vmov s26;
	[tilespmem:s22+$0xFFFFFD20] =	vst v3  }
0x31a: {  	v3 =	vmul.f32 v13, v4;
	[tilespmem:s22+$0xFFFFFD30] =	vst v2;
	v2 =	vmul.f32 v14, v4;
	v13 =	vld [tilespmem:s22+$0xFFFFFDD0];
	v0 =	vand.u32 $0xFFFFFFFC, v0  }
0x31b: {  	[tilespmem:s22+$0xFFFFFD70] =	vst v8;
	v8 =	vld [tilespmem:s22+$0xFFFFFE10];
	v0 =	vbroadcast v0, $0x0  }
0x31c: {  	[tilespmem:s22+$0xFFFFFD50] =	vst v2;
	v2 =	vld [tilespmem:s22+$0xFFFFFDF0];
	v10 =	vmul.f32 v10, v4  }
0x31d: {  	[tilespmem:s22+$0xFFFFFD40] =	vst v3;
	v4 =	vmul.f32 v6, v4;
	v6 =	vld [tilespmem:s22+$0xFFFFFE00]  }
0x31e: {  	v3 =	vmul.f32 v9, v5;
	v9 =	vld [tilespmem:s22+$0xFFFFFDE0];
	[tilespmem:s22+$0xFFFFFD60] =	vst v10  }
0x31f: {  	v7 =	vmul.f32 v7, v5;
	[tilespmem:s22+$0xFFFFFD80] =	vst v4;
	v10 =	vld [tilespmem:s22+$0xFFFFFE20]  }
0x320: {  	s28 =	simm.s32 $0x5;
	v4 =	vmul.f32 v11, v5;
	v11 =	vld [tilespmem:s22+$0xFFFFFE30];
	[tilespmem:s22+$0xFFFFFD90] =	vst v3  }
0x321: {  	v3 =	vmov s28;
	[tilespmem:s22+$0xFFFFFDA0] =	vst v7;
	v7 =	vmul.f32 v12, v5;
	v0 =	vld.idx.msk [tilespmem:v0+s10+$0x0], $0xffff  }
0x322: {  	[tilespmem:s22+$0xFFFFFDB0] =	vst v4;
	v4 =	vmul.f32 v13, v5;
	v12 =	vld [tilespmem:s22+$0xFFFFFE40];
	v3 =	vand.u32 $0xFFFFFFFD, v3  }
0x323: {  	v3 =	vbroadcast v3, $0x0;
	[tilespmem:s22+$0xFFFFFDC0] =	vst v7;
	v7 =	vmul.f32 v9, v5;
	v9 =	vld [tilespmem:s22+$0xFFFFFE50]  }
0x324: {  	v2 =	vmul.f32 v2, v5;
	[tilespmem:s22+$0xFFFFFDD0] =	vst v4;
	v5 =	vmul.f32 v6, v5;
	v6 =	vld [tilespmem:s22+$0xFFFFFE90]  }
0x325: {  	[tilespmem:s22+$0xFFFFFDE0] =	vst v7;
	v7 =	vld [tilespmem:s22+$0xFFFFFE70]  }
0x326: {  	[tilespmem:s22+$0xFFFFFDF0] =	vst v2;
	v4 =	vmul.f32 v8, v0;
	v8 =	vld [tilespmem:s22+$0xFFFFFE60]  }
0x327: {  	[tilespmem:s22+$0xFFFFFE00] =	vst v5;
	v2 =	vmul.f32 v10, v0;
	v5 =	vmul.f32 v11, v0;
	v10 =	vld [tilespmem:s22+$0xFFFFFEA0]  }
0x328: {  	[tilespmem:s22+$0xFFFFFE10] =	vst v4;
	v4 =	vld [tilespmem:s22+$0xFFFFFE80]  }
0x329: {  	v3 =	vld.idx.msk [tilespmem:v3+s10+$0x0], $0xffff;
	[tilespmem:s22+$0xFFFFFE30] =	vst v5;
	v5 =	vmul.f32 v9, v0  }
0x32a: {  	[tilespmem:s22+$0xFFFFFE20] =	vst v2;
	v2 =	vmul.f32 v12, v0;
	v9 =	vld [tilespmem:s22+$0xFFFFFEB0]  }
0x32b: {  	[tilespmem:s22+$0xFFFFFE50] =	vst v5;
	v5 =	vmul.f32 v7, v0;
	v7 =	vld [tilespmem:s22+$0xFFFFFED0]  }
0x32c: {  	[tilespmem:s22+$0xFFFFFE40] =	vst v2;
	v2 =	vmul.f32 v8, v0;
	v8 =	vld [tilespmem:s22+$0xFFFFFEC0]  }
0x32d: {  	s31 =	simm.s32 $0x7;
	[tilespmem:s22+$0xFFFFFE70] =	vst v5;
	v5 =	vld [tilespmem:s22+$0xFFFFFEF0];
	v4 =	vmul.f32 v4, v0  }
0x32e: {  	v11 =	vmov s31;
	[tilespmem:s22+$0xFFFFFE60] =	vst v2;
	v2 =	vmul.f32 v6, v3;
	v6 =	vld [tilespmem:s22+$0xFFFFFEE0]  }
0x32f: {  	v10 =	vmul.f32 v10, v3;
	[tilespmem:s22+$0xFFFFFE80] =	vst v4;
	v4 =	vld [tilespmem:s22+$0xFFFFFF00]  }
0x330: {  	[tilespmem:s22+$0xFFFFFE90] =	vst v2;
	v2 =	vmul.f32 v9, v3;
	v9 =	vld [tilespmem:s22+$0xFFFFFF10]  }
0x331: {  	[tilespmem:s22+$0xFFFFFEA0] =	vst v10;
	v10 =	vld [tilespmem:s22+$0xFFFFFF60];
	v8 =	vmul.f32 v8, v3  }
0x332: {  	[tilespmem:s22+$0xFFFFFEB0] =	vst v2;
	v2 =	vmul.f32 v7, v3;
	v7 =	vld [tilespmem:s22+$0xFFFFFF20]  }
0x333: {  	v0 =	vld.idx.msk [tilespmem:v11+s10+$0x0], $0xffff;
	[tilespmem:s22+$0xFFFFFEC0] =	vst v8;
	v6 =	vmul.f32 v6, v3  }
0x334: {  	v8 =	vld [tilespmem:s22+$0xFFFFFF30];
	[tilespmem:s22+$0xFFFFFED0] =	vst v2;
	v2 =	vmul.f32 v5, v3  }
0x335: {  	s31 =	simm.s32 $0xA;
	v5 =	vld [tilespmem:s22+$0xFFFFFF40];
	[tilespmem:s22+$0xFFFFFEE0] =	vst v6;
	v3 =	vmul.f32 v4, v3  }
0x336: {  	s28 =	simm.s32 $0x9;
	v12 =	vmov s31;
	v4 =	vld [tilespmem:s22+$0xFFFFFF50];
	v9 =	vmul.f32 v9, v1;
	[tilespmem:s22+$0xFFFFFEF0] =	vst v2  }
0x337: {  	s20 =	simm.s32 $0x8;
	s31 =	simm.s32 $0xD;
	v11 =	vmov s28;
	s28 =	simm.s32 $0xC;
	v10 =	vmul.f32 v10, v1;
	[tilespmem:s22+$0xFFFFFF00] =	vst v3;
	v3 =	vmul.f32 v7, v1;
	v7 =	vld [tilespmem:s22+$0xFFFFFF70]  }
0x338: {  	s26 =	simm.s32 $0xF;
	v13 =	vld [tilespmem:s22+$0xFFFFFF90];
	v63 =	vmov s31;
	v14 =	vmov s28;
	v6 =	vmov s20;
	[tilespmem:s22+$0xFFFFFF10] =	vst v9  }
0x339: {  	v62 =	vld [tilespmem:s22+$0xFFFFFFA0];
	v6 =	vand.u32 $0xFFFFFFF8, v6;
	v2 =	vmov s26;
	s26 =	simm.s32 $0xB;
	[tilespmem:s22+$0xFFFFFF60] =	vst v10;
	v8 =	vmul.f32 v8, v1  }
0x33a: {  	v9 =	vmov s26;
	[tilespmem:s22+$0xFFFFFF20] =	vst v3;
	v15 =	vmul.f32 v5, v1;
	v3 =	vbroadcast v6, $0x0;
	v5 =	vld [tilespmem:s22+$0xFFFFFFB0]  }
0x33b: {  	v6 =	vld [tilespmem:s22+$0xFFFFFFC0];
	[tilespmem:s22+$0xFFFFFF30] =	vst v8;
	v8 =	vmul.f32 v4, v1;
	v4 =	vand.u32 $0xFFFFFFF9, v11;
	v11 =	vand.u32 $0xFFFFFFFA, v12  }
0x33c: {  	v12 =	vand.u32 $0xFFFFFFFB, v9;
	[tilespmem:s22+$0xFFFFFF40] =	vst v15;
	v4 =	vbroadcast v4, $0x0;
	v15 =	vmul.f32 v7, v1;
	v7 =	vld [tilespmem:s22+$0xFFFFFFD0]  }
0x33d: {  	v9 =	vbroadcast v11, $0x0;
	[tilespmem:s22+$0xFFFFFF50] =	vst v8;
	v1 =	vand.u32 $0xFFFFFFFC, v14;
	v14 =	vmul.f32 v13, v0;
	v8 =	vld [tilespmem:s22+$0xFFFFFFE0]  }
0x33e: {  	s0 =	simm.s32 $0xE;
	s26 =	simm.s32 $0x10;
	v10 =	vld [tilespmem:s22+$0xFFFFFFF0];
	v11 =	vbroadcast v12, $0x0;
	v12 =	vmul.f32 v62, v0;
	v13 =	vand.u32 $0xFFFFFFFD, v63;
	[tilespmem:s22+$0xFFFFFF70] =	vst v15  }
.LBB2_14:
0x33f: {  	p0 =	slt.u32 s26, $0x48;
	v1 =	vbroadcast v1, $0x0;
	v15 =	vmov s0;
	[tilespmem:s22+$0xFFFFFF90] =	vst v14;
	v5 =	vmul.f32 v5, v0;
	v14 =	vld [tilespmem:s22+$0x0]  }
0x340: {  	v13 =	vbroadcast v13, $0x0;
	v15 =	vand.u32 $0xFFFFFFFE, v15;
	v16 =	vld.idx.msk [tilespmem:v2+s10+$0x0], $0xffff;
	[tilespmem:s22+$0xFFFFFFA0] =	vst v12;
	v2 =	vmul.f32 v6, v0  }
0x341: {  	v6 =	vld.idx.msk [tilespmem:v3+s10+$0x0], $0xffff;
	v12 =	vbroadcast v15, $0x0;
	[tilespmem:s22+$0xFFFFFFB0] =	vst v5;
	v3 =	vmul.f32 v7, v0  }
0x342: {  	v5 =	vld.idx.msk [tilespmem:v4+s10+$0x0], $0xffff;
	[tilespmem:s22+$0xFFFFFFC0] =	vst v2;
	v2 =	vmul.f32 v8, v0  }
0x343: {  	v7 =	vld.idx.msk [tilespmem:v9+s10+$0x0], $0xffff;
	[tilespmem:s22+$0xFFFFFFD0] =	vst v3;
	v8 =	vmul.f32 v10, v0  }
0x344: {  	v4 =	vld.idx.msk [tilespmem:v11+s10+$0x0], $0xffff;
	[tilespmem:s22+$0xFFFFFFE0] =	vst v2;
	v9 =	vmul.f32 v14, v0  }
0x345: {  	v3 =	vld.idx.msk [tilespmem:v1+s10+$0x0], $0xffff;
	[tilespmem:s22+$0xFFFFFFF0] =	vst v8  }
0x346: {  	v0 =	vmov v16;
	v2 =	vld.idx.msk [tilespmem:v13+s10+$0x0], $0xffff;
	[tilespmem:s22+$0x0] =	vst v9  }
0x347: {  	s22 =	sadd.s32 $0x400, s22;
	v1 =	vld.idx.msk [tilespmem:v12+s10+$0x0], $0xffff  }
0x348: {  	v8 =	vld [tilespmem:s22+$0xFFFFFF80]  }
0x349: {  	v9 =	vld [tilespmem:s22+$0xFFFFFC10]  }
0x34a: {  	v10 =	vld [tilespmem:s22+$0xFFFFFC20]  }
0x34b: {  	v11 =	vld [tilespmem:s22+$0xFFFFFC30]  }
0x34c: {  	v12 =	vld [tilespmem:s22+$0xFFFFFC40]  }
0x34d: {  	v13 =	vld [tilespmem:s22+$0xFFFFFC50];
	v8 =	vmul.f32 v8, v1  }
0x34e: {  	v9 =	vmul.f32 v9, v6;
	v14 =	vld [tilespmem:s22+$0xFFFFFC60]  }
0x34f: {  	v10 =	vmul.f32 v10, v6;
	v15 =	vld [tilespmem:s22+$0xFFFFFC70];
	[tilespmem:s22+$0xFFFFFF80] =	vst v8  }
0x350: {  	[tilespmem:s22+$0xFFFFFC10] =	vst v9;
	v8 =	vmul.f32 v11, v6;
	v9 =	vld [tilespmem:s22+$0xFFFFFC80]  }
0x351: {  	[tilespmem:s22+$0xFFFFFC20] =	vst v10;
	v10 =	vmul.f32 v12, v6;
	v11 =	vld [tilespmem:s22+$0xFFFFFC90]  }
0x352: {  	[tilespmem:s22+$0xFFFFFC30] =	vst v8;
	v8 =	vmul.f32 v13, v6;
	v12 =	vld [tilespmem:s22+$0xFFFFFCA0]  }
0x353: {  	[tilespmem:s22+$0xFFFFFC40] =	vst v10;
	v10 =	vmul.f32 v14, v6;
	v13 =	vld [tilespmem:s22+$0xFFFFFCB0]  }
0x354: {  	[tilespmem:s22+$0xFFFFFC50] =	vst v8;
	v8 =	vmul.f32 v15, v6;
	v14 =	vld [tilespmem:s22+$0xFFFFFCC0]  }
0x355: {  	[tilespmem:s22+$0xFFFFFC60] =	vst v10;
	v6 =	vmul.f32 v9, v6;
	v9 =	vld [tilespmem:s22+$0xFFFFFCD0]  }
0x356: {  	[tilespmem:s22+$0xFFFFFC70] =	vst v8;
	v8 =	vmul.f32 v11, v5;
	v10 =	vld [tilespmem:s22+$0xFFFFFCE0]  }
0x357: {  	[tilespmem:s22+$0xFFFFFC80] =	vst v6;
	v6 =	vmul.f32 v12, v5;
	v11 =	vld [tilespmem:s22+$0xFFFFFCF0]  }
0x358: {  	[tilespmem:s22+$0xFFFFFC90] =	vst v8;
	v8 =	vmul.f32 v13, v5;
	v12 =	vld [tilespmem:s22+$0xFFFFFD00]  }
0x359: {  	[tilespmem:s22+$0xFFFFFCA0] =	vst v6;
	v6 =	vmul.f32 v14, v5;
	v13 =	vld [tilespmem:s22+$0xFFFFFD10]  }
0x35a: {  	[tilespmem:s22+$0xFFFFFCB0] =	vst v8;
	v8 =	vmul.f32 v9, v5;
	v9 =	vld [tilespmem:s22+$0xFFFFFD20]  }
0x35b: {  	[tilespmem:s22+$0xFFFFFCC0] =	vst v6;
	v6 =	vmul.f32 v10, v5;
	v10 =	vld [tilespmem:s22+$0xFFFFFD30]  }
0x35c: {  	[tilespmem:s22+$0xFFFFFCD0] =	vst v8;
	v8 =	vmul.f32 v11, v5;
	v11 =	vld [tilespmem:s22+$0xFFFFFD40]  }
0x35d: {  	[tilespmem:s22+$0xFFFFFCE0] =	vst v6;
	v5 =	vmul.f32 v12, v5;
	v6 =	vld [tilespmem:s22+$0xFFFFFD50]  }
0x35e: {  	[tilespmem:s22+$0xFFFFFCF0] =	vst v8;
	v8 =	vmul.f32 v13, v7;
	v12 =	vld [tilespmem:s22+$0xFFFFFD60]  }
0x35f: {  	[tilespmem:s22+$0xFFFFFD00] =	vst v5;
	v5 =	vmul.f32 v9, v7;
	v9 =	vld [tilespmem:s22+$0xFFFFFD70]  }
0x360: {  	[tilespmem:s22+$0xFFFFFD10] =	vst v8;
	v8 =	vmul.f32 v10, v7;
	v10 =	vld [tilespmem:s22+$0xFFFFFD80]  }
0x361: {  	[tilespmem:s22+$0xFFFFFD20] =	vst v5;
	v5 =	vmul.f32 v11, v7;
	v11 =	vld [tilespmem:s22+$0xFFFFFD90]  }
0x362: {  	[tilespmem:s22+$0xFFFFFD30] =	vst v8;
	v6 =	vmul.f32 v6, v7;
	v8 =	vld [tilespmem:s22+$0xFFFFFDA0]  }
0x363: {  	[tilespmem:s22+$0xFFFFFD40] =	vst v5;
	v5 =	vmul.f32 v12, v7;
	v12 =	vld [tilespmem:s22+$0xFFFFFDB0]  }
0x364: {  	[tilespmem:s22+$0xFFFFFD50] =	vst v6;
	v6 =	vmul.f32 v9, v7;
	v9 =	vld [tilespmem:s22+$0xFFFFFDC0]  }
0x365: {  	[tilespmem:s22+$0xFFFFFD60] =	vst v5;
	v5 =	vmul.f32 v10, v7;
	v7 =	vld [tilespmem:s22+$0xFFFFFDD0]  }
0x366: {  	[tilespmem:s22+$0xFFFFFD70] =	vst v6;
	v6 =	vmul.f32 v11, v4;
	v10 =	vld [tilespmem:s22+$0xFFFFFDE0]  }
0x367: {  	[tilespmem:s22+$0xFFFFFD80] =	vst v5;
	v5 =	vmul.f32 v8, v4;
	v8 =	vld [tilespmem:s22+$0xFFFFFDF0]  }
0x368: {  	[tilespmem:s22+$0xFFFFFD90] =	vst v6;
	v6 =	vmul.f32 v12, v4;
	v11 =	vld [tilespmem:s22+$0xFFFFFE00]  }
0x369: {  	[tilespmem:s22+$0xFFFFFDA0] =	vst v5;
	v5 =	vmul.f32 v9, v4;
	v9 =	vld [tilespmem:s22+$0xFFFFFE10]  }
0x36a: {  	[tilespmem:s22+$0xFFFFFDB0] =	vst v6;
	v6 =	vmul.f32 v7, v4;
	v7 =	vld [tilespmem:s22+$0xFFFFFE20]  }
0x36b: {  	[tilespmem:s22+$0xFFFFFDC0] =	vst v5;
	v5 =	vmul.f32 v10, v4;
	v10 =	vld [tilespmem:s22+$0xFFFFFE30]  }
0x36c: {  	[tilespmem:s22+$0xFFFFFDD0] =	vst v6;
	v6 =	vmul.f32 v8, v4;
	v8 =	vld [tilespmem:s22+$0xFFFFFE40]  }
0x36d: {  	[tilespmem:s22+$0xFFFFFDE0] =	vst v5;
	v4 =	vmul.f32 v11, v4;
	v5 =	vld [tilespmem:s22+$0xFFFFFE50]  }
0x36e: {  	[tilespmem:s22+$0xFFFFFDF0] =	vst v6;
	v6 =	vmul.f32 v9, v3;
	v9 =	vld [tilespmem:s22+$0xFFFFFE60]  }
0x36f: {  	[tilespmem:s22+$0xFFFFFE00] =	vst v4;
	v4 =	vmul.f32 v7, v3;
	v7 =	vld [tilespmem:s22+$0xFFFFFE70]  }
0x370: {  	[tilespmem:s22+$0xFFFFFE10] =	vst v6;
	v6 =	vmul.f32 v10, v3;
	v10 =	vld [tilespmem:s22+$0xFFFFFE80]  }
0x371: {  	[tilespmem:s22+$0xFFFFFE20] =	vst v4;
	v4 =	vmul.f32 v8, v3;
	v8 =	vld [tilespmem:s22+$0xFFFFFE90]  }
0x372: {  	[tilespmem:s22+$0xFFFFFE30] =	vst v6;
	v5 =	vmul.f32 v5, v3;
	v6 =	vld [tilespmem:s22+$0xFFFFFEA0]  }
0x373: {  	[tilespmem:s22+$0xFFFFFE40] =	vst v4;
	v4 =	vmul.f32 v9, v3;
	v9 =	vld [tilespmem:s22+$0xFFFFFEB0]  }
0x374: {  	[tilespmem:s22+$0xFFFFFE50] =	vst v5;
	v5 =	vmul.f32 v7, v3;
	v7 =	vld [tilespmem:s22+$0xFFFFFEC0]  }
0x375: {  	[tilespmem:s22+$0xFFFFFE60] =	vst v4;
	v3 =	vmul.f32 v10, v3;
	v4 =	vld [tilespmem:s22+$0xFFFFFED0]  }
0x376: {  	[tilespmem:s22+$0xFFFFFE70] =	vst v5;
	v5 =	vmul.f32 v8, v2;
	v8 =	vld [tilespmem:s22+$0xFFFFFEE0]  }
0x377: {  	[tilespmem:s22+$0xFFFFFE80] =	vst v3;
	v3 =	vmul.f32 v6, v2;
	v6 =	vld [tilespmem:s22+$0xFFFFFEF0]  }
0x378: {  	[tilespmem:s22+$0xFFFFFE90] =	vst v5;
	v5 =	vmul.f32 v9, v2;
	v9 =	vld [tilespmem:s22+$0xFFFFFF00]  }
0x379: {  	[tilespmem:s22+$0xFFFFFEA0] =	vst v3;
	v3 =	vmul.f32 v7, v2;
	v7 =	vld [tilespmem:s22+$0xFFFFFF10]  }
0x37a: {  	[tilespmem:s22+$0xFFFFFEB0] =	vst v5;
	v4 =	vmul.f32 v4, v2;
	v5 =	vld [tilespmem:s22+$0xFFFFFF20]  }
0x37b: {  	[tilespmem:s22+$0xFFFFFEC0] =	vst v3;
	v3 =	vmul.f32 v8, v2;
	v8 =	vld [tilespmem:s22+$0xFFFFFF30]  }
0x37c: {  	[tilespmem:s22+$0xFFFFFED0] =	vst v4;
	v4 =	vmul.f32 v6, v2;
	v6 =	vld [tilespmem:s22+$0xFFFFFF40]  }
0x37d: {  	[tilespmem:s22+$0xFFFFFEE0] =	vst v3;
	v3 =	vmul.f32 v9, v2;
	v9 =	vld [tilespmem:s22+$0xFFFFFF50]  }
0x37e: {  	s0 =	sadd.s32 $0x7, s26;
	v2 =	vmov s26;
	[tilespmem:s22+$0xFFFFFEF0] =	vst v4;
	v4 =	vmul.f32 v7, v1;
	v7 =	vld [tilespmem:s22+$0xFFFFFF60]  }
0x37f: {  	s20 =	sadd.s32 $0x1, s26;
	s28 =	sadd.s32 $0x2, s26;
	v10 =	vand.u32 $0xFFFFFFF8, v2;
	v2 =	vmov s0;
	[tilespmem:s22+$0xFFFFFF00] =	vst v3;
	v3 =	vmul.f32 v5, v1;
	v11 =	vld [tilespmem:s22+$0xFFFFFF70]  }
0x380: {  	v13 =	vmov s28;
	v12 =	vmov s20;
	s20 =	sadd.s32 $0x4, s26;
	s0 =	sadd.s32 $0x3, s26;
	[tilespmem:s22+$0xFFFFFF10] =	vst v4;
	v4 =	vmul.f32 v8, v1;
	v8 =	vld [tilespmem:s22+$0xFFFFFF90]  }
0x381: {  	v15 =	vmov s20;
	v14 =	vmov s0;
	s0 =	sadd.s32 $0x5, s26;
	[tilespmem:s22+$0xFFFFFF20] =	vst v3;
	v6 =	vmul.f32 v6, v1;
	v16 =	vld [tilespmem:s22+$0xFFFFFFA0]  }
.Ltmp6:
0x382: {  	v3 =	vbroadcast v10, $0x0;
	v10 =	vmov s0;
	[tilespmem:s22+$0xFFFFFF30] =	vst v4;
	v9 =	vmul.f32 v9, v1;
	v5 =	vld [tilespmem:s22+$0xFFFFFFB0];
	(pc) =	sbr.rel @p0 .LBB2_14-.Ltmp6, $4  }
0x383: {  	v4 =	vand.u32 $0xFFFFFFF9, v12;
	v12 =	vand.u32 $0xFFFFFFFA, v13;
	[tilespmem:s22+$0xFFFFFF40] =	vst v6;
	v13 =	vmul.f32 v7, v1;
	v6 =	vld [tilespmem:s22+$0xFFFFFFC0]  }
0x384: {  	v17 =	vand.u32 $0xFFFFFFFB, v14;
	v4 =	vbroadcast v4, $0x0;
	[tilespmem:s22+$0xFFFFFF50] =	vst v9;
	v18 =	vmul.f32 v11, v1;
	v7 =	vld [tilespmem:s22+$0xFFFFFFD0]  }
0x385: {  	v9 =	vbroadcast v12, $0x0;
	v1 =	vand.u32 $0xFFFFFFFC, v15;
	[tilespmem:s22+$0xFFFFFF60] =	vst v13;
	v14 =	vmul.f32 v8, v0;
	v8 =	vld [tilespmem:s22+$0xFFFFFFE0]  }
0x386: {  	s0 =	sadd.s32 $0x6, s26;
	s26 =	sadd.s32 $0x8, s26;
	v11 =	vbroadcast v17, $0x0;
	v13 =	vand.u32 $0xFFFFFFFD, v10;
	[tilespmem:s22+$0xFFFFFF70] =	vst v18;
	v12 =	vmul.f32 v16, v0;
	v10 =	vld [tilespmem:s22+$0xFFFFFFF0]  }
0x387: {  	_ =	sdelay $0x2  }
0x388: {  	v15 =	vld [tilespmem:s22+$0x0]  }
0x389: {  	v34 =	vbroadcast v1, $0x0;
	v1 =	vld.idx.msk [tilespmem:v2+s10+$0x0], $0xffff  }
0x38a: {  	v17 =	vld.idx.msk [tilespmem:v3+s10+$0x0], $0xffff  }
0x38b: {  	v37 =	vld.idx.msk [tilespmem:v4+s10+$0x0], $0xffff  }
0x38c: {  	v9 =	vld.idx.msk [tilespmem:v9+s10+$0x0], $0xffff  }
0x38d: {  	s26 =	sadd.s32 $0x400, s22;
	v11 =	vld.idx.msk [tilespmem:v11+s10+$0x0], $0xffff  }
0x38e: {  	v40 =	vld [tilespmem:s26+$0xFFFFFC10]  }
0x38f: {  	v42 =	vld [tilespmem:s26+$0xFFFFFC20]  }
0x390: {  	[tilespmem:s22+$0xFFFFFF90] =	vst v14;
	v5 =	vmul.f32 v5, v0;
	v44 =	vld [tilespmem:s26+$0xFFFFFC30]  }
0x391: {  	[tilespmem:s22+$0xFFFFFFA0] =	vst v12;
	v6 =	vmul.f32 v6, v0;
	v46 =	vld [tilespmem:s26+$0xFFFFFC40]  }
0x392: {  	v47 =	vld [tilespmem:s26+$0xFFFFFC50];
	[tilespmem:s22+$0xFFFFFFB0] =	vst v5;
	v39 =	vmul.f32 v7, v0  }
0x393: {  	v49 =	vld [tilespmem:s26+$0xFFFFFC60];
	[tilespmem:s22+$0xFFFFFFC0] =	vst v6;
	v41 =	vmul.f32 v8, v0  }
0x394: {  	v50 =	vld [tilespmem:s26+$0xFFFFFC70];
	[tilespmem:s22+$0xFFFFFFD0] =	vst v39;
	v43 =	vmul.f32 v10, v0  }
0x395: {  	v52 =	vld [tilespmem:s26+$0xFFFFFC80];
	[tilespmem:s22+$0xFFFFFFE0] =	vst v41;
	v45 =	vmul.f32 v15, v0  }
0x396: {  	v53 =	vld [tilespmem:s26+$0xFFFFFC90];
	[tilespmem:s22+$0xFFFFFFF0] =	vst v43;
	v48 =	vmul.f32 v40, v17  }
0x397: {  	v55 =	vld [tilespmem:s26+$0xFFFFFCA0];
	v8 =	vmul.f32 v42, v17;
	[tilespmem:s22+$0x0] =	vst v45  }
0x398: {  	v57 =	vld [tilespmem:s26+$0xFFFFFCB0];
	v51 =	vmul.f32 v44, v17;
	[tilespmem:s26+$0xFFFFFC10] =	vst v48  }
0x399: {  	v59 =	vld [tilespmem:s26+$0xFFFFFCC0];
	v6 =	vmul.f32 v46, v17;
	[tilespmem:s26+$0xFFFFFC20] =	vst v8  }
0x39a: {  	v61 =	vld [tilespmem:s26+$0xFFFFFCD0];
	v54 =	vmul.f32 v47, v17;
	[tilespmem:s26+$0xFFFFFC30] =	vst v51  }
0x39b: {  	v63 =	vld [tilespmem:s26+$0xFFFFFCE0];
	v56 =	vmul.f32 v49, v17;
	[tilespmem:s26+$0xFFFFFC40] =	vst v6  }
0x39c: {  	v19 =	vld [tilespmem:s26+$0xFFFFFD00];
	v58 =	vmul.f32 v50, v17;
	[tilespmem:s26+$0xFFFFFC50] =	vst v54  }
0x39d: {  	v21 =	vld [tilespmem:s26+$0xFFFFFD10];
	v60 =	vmul.f32 v52, v17;
	[tilespmem:s26+$0xFFFFFC60] =	vst v56  }
0x39e: {  	v23 =	vld [tilespmem:s26+$0xFFFFFD20];
	v62 =	vmul.f32 v53, v37;
	[tilespmem:s26+$0xFFFFFC70] =	vst v58  }
0x39f: {  	v25 =	vld [tilespmem:s26+$0xFFFFFD30];
	v5 =	vmul.f32 v55, v37;
	[tilespmem:s26+$0xFFFFFC80] =	vst v60  }
0x3a0: {  	v27 =	vld [tilespmem:s26+$0xFFFFFD40];
	v18 =	vmul.f32 v57, v37;
	[tilespmem:s26+$0xFFFFFC90] =	vst v62  }
0x3a1: {  	v13 =	vbroadcast v13, $0x0;
	v31 =	vld [tilespmem:s26+$0xFFFFFD60];
	v20 =	vmul.f32 v59, v37;
	[tilespmem:s26+$0xFFFFFCA0] =	vst v5  }
0x3a2: {  	v35 =	vmov s0;
	v33 =	vld [tilespmem:s26+$0xFFFFFD70];
	v22 =	vmul.f32 v61, v37;
	[tilespmem:s26+$0xFFFFFCB0] =	vst v18  }
0x3a3: {  	v16 =	vand.u32 $0xFFFFFFFE, v35;
	v35 =	vld [tilespmem:s26+$0xFFFFFD80];
	v24 =	vmul.f32 v63, v37;
	[tilespmem:s26+$0xFFFFFCC0] =	vst v20  }
0x3a4: {  	v39 =	vld [tilespmem:s26+$0xFFFFFDA0];
	v28 =	vmul.f32 v19, v37;
	[tilespmem:s26+$0xFFFFFCD0] =	vst v22  }
0x3a5: {  	v36 =	vbroadcast v16, $0x0;
	v41 =	vld [tilespmem:s26+$0xFFFFFDB0];
	v30 =	vmul.f32 v21, v9;
	[tilespmem:s26+$0xFFFFFCE0] =	vst v24  }
0x3a6: {  	v4 =	vld.idx.msk [tilespmem:v34+s10+$0x0], $0xffff;
	v32 =	vmul.f32 v23, v9;
	[tilespmem:s26+$0xFFFFFD00] =	vst v28  }
0x3a7: {  	v3 =	vld.idx.msk [tilespmem:v13+s10+$0x0], $0xffff;
	v34 =	vmul.f32 v25, v9;
	[tilespmem:s26+$0xFFFFFD10] =	vst v30  }
0x3a8: {  	v17 =	vld [tilespmem:s26+$0xFFFFFCF0];
	v40 =	vmul.f32 v31, v9;
	[tilespmem:s26+$0xFFFFFD20] =	vst v32  }
0x3a9: {  	v42 =	vmul.f32 v33, v9;
	v43 =	vld [tilespmem:s26+$0xFFFFFDC0];
	[tilespmem:s26+$0xFFFFFD30] =	vst v34  }
0x3aa: {  	v44 =	vmul.f32 v35, v9;
	v47 =	vld [tilespmem:s26+$0xFFFFFDE0];
	[tilespmem:s26+$0xFFFFFD60] =	vst v40  }
0x3ab: {  	v2 =	vld.idx.msk [tilespmem:v36+s10+$0x0], $0xffff;
	v36 =	vmul.f32 v27, v9;
	[tilespmem:s26+$0xFFFFFD70] =	vst v42  }
0x3ac: {  	v49 =	vld [tilespmem:s26+$0xFFFFFDF0];
	[tilespmem:s26+$0xFFFFFD80] =	vst v44;
	v48 =	vmul.f32 v39, v11  }
0x3ad: {  	v53 =	vld [tilespmem:s26+$0xFFFFFE10];
	[tilespmem:s26+$0xFFFFFD40] =	vst v36;
	v50 =	vmul.f32 v41, v11  }
0x3ae: {  	v57 =	vld [tilespmem:s26+$0xFFFFFE30];
	v26 =	vmul.f32 v17, v37;
	[tilespmem:s26+$0xFFFFFDA0] =	vst v48  }
0x3af: {  	v59 =	vld [tilespmem:s26+$0xFFFFFE40];
	v52 =	vmul.f32 v43, v11;
	[tilespmem:s26+$0xFFFFFDB0] =	vst v50  }
0x3b0: {  	v61 =	vld [tilespmem:s26+$0xFFFFFE50];
	v56 =	vmul.f32 v47, v11;
	[tilespmem:s26+$0xFFFFFCF0] =	vst v26  }
0x3b1: {  	v63 =	vld [tilespmem:s26+$0xFFFFFE60];
	v58 =	vmul.f32 v49, v11;
	[tilespmem:s26+$0xFFFFFDC0] =	vst v52  }
0x3b2: {  	v13 =	vld [tilespmem:s26+$0xFFFFFE70];
	v62 =	vmul.f32 v53, v4;
	[tilespmem:s26+$0xFFFFFDE0] =	vst v56  }
0x3b3: {  	v19 =	vld [tilespmem:s26+$0xFFFFFEA0];
	v14 =	vmul.f32 v57, v4;
	[tilespmem:s26+$0xFFFFFDF0] =	vst v58  }
0x3b4: {  	v23 =	vld [tilespmem:s26+$0xFFFFFEC0];
	v16 =	vmul.f32 v59, v4;
	[tilespmem:s26+$0xFFFFFE10] =	vst v62  }
0x3b5: {  	v45 =	vld [tilespmem:s26+$0xFFFFFDD0];
	v18 =	vmul.f32 v61, v4;
	[tilespmem:s26+$0xFFFFFE30] =	vst v14  }
0x3b6: {  	v38 =	vld [tilespmem:s26+$0xFFFFFF80];
	v20 =	vmul.f32 v63, v4;
	[tilespmem:s26+$0xFFFFFE40] =	vst v16  }
0x3b7: {  	v29 =	vld [tilespmem:s26+$0xFFFFFD50];
	v22 =	vmul.f32 v13, v4;
	[tilespmem:s26+$0xFFFFFE50] =	vst v18  }
0x3b8: {  	v51 =	vld [tilespmem:s26+$0xFFFFFE00];
	v27 =	vmul.f32 v19, v3;
	[tilespmem:s26+$0xFFFFFE60] =	vst v20  }
0x3b9: {  	v21 =	vld [tilespmem:s26+$0xFFFFFEB0];
	v31 =	vmul.f32 v23, v3;
	[tilespmem:s26+$0xFFFFFE70] =	vst v22  }
0x3ba: {  	v24 =	vld [tilespmem:s26+$0xFFFFFED0];
	v54 =	vmul.f32 v45, v11;
	[tilespmem:s26+$0xFFFFFEA0] =	vst v27  }
0x3bb: {  	v32 =	vld [tilespmem:s26+$0xFFFFFF10];
	v12 =	vmul.f32 v38, v2;
	[tilespmem:s26+$0xFFFFFEC0] =	vst v31  }
0x3bc: {  	v34 =	vld [tilespmem:s26+$0xFFFFFF20];
	v38 =	vmul.f32 v29, v9;
	[tilespmem:s26+$0xFFFFFDD0] =	vst v54  }
0x3bd: {  	v39 =	vld [tilespmem:s26+$0xFFFFFF50];
	v60 =	vmul.f32 v51, v11;
	[tilespmem:s26+$0xFFFFFF80] =	vst v12  }
0x3be: {  	v55 =	vld [tilespmem:s26+$0xFFFFFE20];
	v29 =	vmul.f32 v21, v3;
	[tilespmem:s26+$0xFFFFFD50] =	vst v38  }
0x3bf: {  	v15 =	vld [tilespmem:s26+$0xFFFFFE80];
	v33 =	vmul.f32 v24, v3;
	[tilespmem:s26+$0xFFFFFE00] =	vst v60  }
0x3c0: {  	v36 =	vld [tilespmem:s26+$0xFFFFFF30];
	v40 =	vmul.f32 v32, v2;
	[tilespmem:s26+$0xFFFFFEB0] =	vst v29  }
0x3c1: {  	v41 =	vld [tilespmem:s26+$0xFFFFFF60];
	v42 =	vmul.f32 v34, v2;
	[tilespmem:s26+$0xFFFFFED0] =	vst v33  }
0x3c2: {  	v37 =	vld [tilespmem:s26+$0xFFFFFD90];
	v48 =	vmul.f32 v39, v2;
	[tilespmem:s26+$0xFFFFFF10] =	vst v40  }
0x3c3: {  	v17 =	vld [tilespmem:s26+$0xFFFFFE90];
	v12 =	vmul.f32 v55, v4;
	[tilespmem:s26+$0xFFFFFF20] =	vst v42  }
0x3c4: {  	v28 =	vld [tilespmem:s26+$0xFFFFFEF0];
	v4 =	vmul.f32 v15, v4;
	[tilespmem:s26+$0xFFFFFF50] =	vst v48  }
0x3c5: {  	v43 =	vld [tilespmem:s26+$0xFFFFFF70];
	v44 =	vmul.f32 v36, v2;
	[tilespmem:s26+$0xFFFFFE20] =	vst v12  }
0x3c6: {  	v47 =	vld [tilespmem:s26+$0xFFFFFFA0];
	v50 =	vmul.f32 v41, v2;
	[tilespmem:s26+$0xFFFFFE80] =	vst v4  }
0x3c7: {  	v49 =	vld [tilespmem:s26+$0xFFFFFFB0];
	v46 =	vmul.f32 v37, v11;
	[tilespmem:s26+$0xFFFFFF30] =	vst v44  }
0x3c8: {  	v57 =	vld [tilespmem:s26+$0xFFFFFFF0];
	v25 =	vmul.f32 v17, v3;
	[tilespmem:s26+$0xFFFFFF60] =	vst v50  }
0x3c9: {  	v59 =	vld [tilespmem:s26+$0x0];
	v37 =	vmul.f32 v28, v3;
	[tilespmem:s26+$0xFFFFFD90] =	vst v46  }
0x3ca: {  	v45 =	vld [tilespmem:s26+$0xFFFFFF90];
	v52 =	vmul.f32 v43, v2;
	[tilespmem:s26+$0xFFFFFE90] =	vst v25  }
0x3cb: {  	v26 =	vld [tilespmem:s26+$0xFFFFFEE0];
	v56 =	vmul.f32 v47, v1;
	[tilespmem:s26+$0xFFFFFEF0] =	vst v37  }
0x3cc: {  	v30 =	vld [tilespmem:s26+$0xFFFFFF00];
	v58 =	vmul.f32 v49, v1;
	[tilespmem:s26+$0xFFFFFF70] =	vst v52  }
0x3cd: {  	v51 =	vld [tilespmem:s26+$0xFFFFFFC0];
	v62 =	vmul.f32 v57, v1;
	[tilespmem:s26+$0xFFFFFFA0] =	vst v56  }
0x3ce: {  	v38 =	vld [tilespmem:s26+$0xFFFFFF40];
	v63 =	vmul.f32 v59, v1;
	[tilespmem:s26+$0xFFFFFFB0] =	vst v58  }
0x3cf: {  	v53 =	vld [tilespmem:s26+$0xFFFFFFD0];
	v54 =	vmul.f32 v45, v1;
	[tilespmem:s26+$0xFFFFFFF0] =	vst v62  }
0x3d0: {  	v55 =	vld [tilespmem:s26+$0xFFFFFFE0];
	v35 =	vmul.f32 v26, v3;
	[tilespmem:s26+$0x0] =	vst v63  }
0x3d1: {  	v3 =	vmul.f32 v30, v3;
	[tilespmem:s26+$0xFFFFFF90] =	vst v54  }
0x3d2: {  	v60 =	vmul.f32 v51, v1;
	[tilespmem:s26+$0xFFFFFEE0] =	vst v35  }
0x3d3: {  	[tilespmem:s26+$0xFFFFFF00] =	vst v3;
	v46 =	vmul.f32 v38, v2  }
0x3d4: {  	v2 =	vmul.f32 v53, v1;
	[tilespmem:s26+$0xFFFFFFC0] =	vst v60  }
0x3d5: {  	p0 =	sne.s32 s25, $0x2A;
	v61 =	vmul.f32 v55, v1;
	[tilespmem:s26+$0xFFFFFF40] =	vst v46  }
.Ltmp7:
0x3d6: {  	[tilespmem:s26+$0xFFFFFFD0] =	vst v2;
	(pc) =	sbr.rel @!p0 .LBB2_16-.Ltmp7, $4  }
0x3d7: {  	[tilespmem:s26+$0xFFFFFFE0] =	vst v61  }
0x3d8: {  	_ =	swait.ge [sflag:s17], $0x2800  }
0x3d9: {  	[sflag:s17] =	ssyncset.done $0x0  }
0x3da: {  	[sflag:s17] =	ssyncadd.s32 $0xFFFFD800  }
0x3db: {  	p0 =	sne.s32 s24, $0x2B  }
.Ltmp8:
0x3dc: {  	_ = 	snop;
	(pc) =	sbr.rel @p0 .LBB2_2-.Ltmp8, $4  }
.Ltmp9:
0x3dd: {  	s0 =	sadd.s32 $0x2850, s21;
	(pc) =	sbr.rel @!p0 .LBB2_18-.Ltmp9, $4  }
0x3de: {  	[tilespmem:s4], [sflag:$0x5] =	stream.indirect.gather [hbm4b:s1+s29], $0x80, s0, s29, $0xb8;
	[tilespmem:$0x1EB80] =	vst v63  }
0x3df: {  	s25 =	smov.u32 s24  }
0x3e0: {  	[spmem:s2] =	stream.indirect.scatter.add.f32 [tilespmem:s11], [sflag:$0x9], $0x80, s18, s29, $0xb8;
	[tilespmem:$0x1EB80] =	vst v63  }
0x3e1: {  	_ = 	snop  }
.LBB2_8:
0x3e2: {  	p0 =	sne.s32 @!p3 s0, $0x1  }
0x3e3: {  	p0 =	por p3, p0  }
.Ltmp10:
0x3e4: {  	_ = 	snop;
	(pc) =	sbr.rel @p0 .LBB2_10-.Ltmp10, $1  }
0x3e5: {  	_ =	sdelay $0x3  }
0x3e6: {  	s0 =	smul.u32 $0xF0, s22;
	_ =	sdelay $0x1  }
0x3e7: {  	s0 =	sadd.s32 s9, s0  }
0x3e8: {  	s0 =	sshrl.u32 s0, $0x3  }
0x3e9: {  	s31 =	simm.s32 $0x2800;
	s20 =	sadd.s32 s5, s0  }
0x3ea: {  	[tilespmem:s31], [sflag:$0x1] =	stream.linear.gather [hbm4b:s20+s3], $0xF0, $0x38;
	[tilespmem:$0x1EB80] =	vst v63  }
.Ltmp11:
0x3eb: {  	s28 =	simm.s32 $0x2B00;
	(pc) =	sbr.rel .LBB2_11-.Ltmp11, $4  }
0x3ec: {  	p2 =	por $0x0, $0x0;
	p1 =	por $0x1, $0x1;
	s24 =	sadd.s32 s6, s0  }
0x3ed: {  	[tilespmem:s28], [sflag:$0x1] =	stream.linear.gather [hbm4b:s24+s3], $0xF0, $0x38;
	[tilespmem:$0x1EB80] =	vst v63  }
0x3ee: {  	p0 =	seq.s32 s21, $0x2;
	s0 =	sadd.s32 s7, s0;
	s31 =	simm.s32 $0x2E00  }
0x3ef: {  	[tilespmem:s31], [sflag:$0x1] =	stream.linear.gather [hbm4b:s0+s3], $0xF0, $0x38;
	[tilespmem:$0x1EB80] =	vst v63  }
.LBB2_10:
0x3f0: {  	p6 =	sne.s32 @!p3 s0, $0x2  }
0x3f1: {  	p4 =	por p6, p3  }
0x3f2: {  	s0 =	smul.u32 @!p4 $0xF0, s22;
	_ =	sdelay $0x1  }
0x3f3: {  	s0 =	sadd.s32 @!p4 s9, s0  }
0x3f4: {  	p0 =	seq.s32 s21, $0x2;
	p6 =	por !p6, p3;
	s0 =	sshrl.u32 @!p4 s0, $0x3  }
0x3f5: {  	s22 =	simm.s32 @!p4 $0x0;
	s24 =	simm.s32 @!p4 $0x28F0;
	s20 =	sadd.s32 @!p4 s5, s0  }
0x3f6: {  	[tilespmem:s24], [sflag:$0x2] =	stream.linear.gather @!p4 [hbm4b:s20+s22], $0xF0, $0x38;
	[tilespmem:$0x1EB80] =	vst v63  }
0x3f7: {  	p1 =	por @!p4 $0x1, $0x1;
	s20 =	sadd.s32 @!p4 s6, s0;
	s24 =	simm.s32 @!p4 $0x2BF0  }
0x3f8: {  	[tilespmem:s24], [sflag:$0x2] =	stream.linear.gather @!p4 [hbm4b:s20+s22], $0xF0, $0x38;
	[tilespmem:$0x1EB80] =	vst v63  }
0x3f9: {  	p1 =	por @!p6 p0, p0;
	s0 =	sadd.s32 @!p4 s7, s0;
	s20 =	simm.s32 @!p4 $0x2EF0  }
0x3fa: {  	[tilespmem:s20], [sflag:$0x2] =	stream.linear.gather @!p4 [hbm4b:s0+s22], $0xF0, $0x38;
	[tilespmem:$0x1EB80] =	vst v63  }
0x3fb: {  	s0 =	simm.s32 @!p1 $0x0  }
0x3fc: {  	s0 =	simm.s32 @p1 $0x1  }
0x3fd: {  	[smem:$0x7FD] =	sst s0  }
.Ltmp12:
0x3fe: {  	s0 =	sld [smem:$0x7FD];
	(pc) =	sbr.rel .LBB2_11-.Ltmp12, $4  }
0x3ff: {  	p5 =	por @!p4 $0x0, $0x0  }
0x400: {  	p2 =	seq.s32 s21, $0x0;
	p4 =	por p5, p5;
	p1 =	seq.s32 s21, $0x1  }
0x401: {  	p4 =	por @!p6 p2, p2;
	p5 =	por @!p6 p1, p1;
	p6 =	seq.s32 s0, $0x1  }
0x402: {  	p2 =	por @!p3 p4, p4;
	p1 =	por @!p3 p5, p5;
	p0 =	por @!p3 p6, p6  }
.LBB2_19:
0x403: {  	_ =	sfence.sel $0x180000  }
0x404: {  	[bflag:$0x0] =	sbarrier.arrive $0xFFFF  }
0x405: {  	_ =	strace $0x9000004A  }
0x406: {  	s0 =	stileid.u32;
	[bflag:$0x2] =	sbarrier.arrive $0xFFFF  }
0x407: {  	p0 =	sne.s32 s0, $0x0;
	s0 =	rddreg [dreg:$0x3]  }
0x408: {  	s0 =	sadd.s32 @!p0 $0x100000, s0  }
0x409: {  	[sflag:s0] =	ssyncadd.tile.s32 @!p0 $0x1;
	_ =	shalt  }
.Lfunc_end2:
_tile_overlayer_lowered:
.L_overlay_start_2:
0x40a: {  	(tag) =	ssettag $0x2  }
0x40b: {  	s0 =	rddreg [dreg:$0x0];
	s2 =	stileid.u32  }
0x40c: {  	s1 =	rddreg [dreg:$0x1];
	p0 =	sne.s32 s2, $0x0  }
0x40d: {  	s3 =	rddreg [dreg:$0x2];
	[bflag:$0x3] =	sbarrier.arrive $0xFFFF;
	s2 =	simm.s32 @!p0 $0x1C0A  }
0x40e: {  	[timem:s3], [sflag:s2] =	dma.local @!p0 [hbm:s0], s1  }
0x40f: {  	s0 =	simm.s32 @!p0 $0xA  }
0x410: {  	_ =	swait.ge @!p0 [sflag:s0], s1  }
0x411: {  	s1 =	ssub.s32 @!p0 $0x0, s1;
	[sflag:s0] =	ssyncset.done @!p0 $0x0  }
0x412: {  	[sflag:s0] =	ssyncadd.s32 @!p0 s1  }
0x413: {  	[bflag:$0x3] =	sbarrier.arrive $0xFFFF  }
0x414: {  	_ =	shalt  }

</sc_bundles>
